<compile_context>
chip_gen: v7x
topology: tpu7x:2x2x1
jax: 0.10.2.dev20260603
libtpu: 0.0.44.dev20260713+nightly
codegen_flags: <defaults>
</compile_context>

<pallas_src>
import functools

import jax
import jax.numpy as jnp
from jax import lax
from jax.experimental import pallas as pl
from jax.experimental.pallas import tpu as pltpu
from jax.experimental.pallas import tpu_sc as plsc

B, N, F = 8, 2048, 256
T = 8192
NW = 32
TPB = NW // B
CH = 64
NCH = T // (TPB * CH)
FPT = T // TPB

_mesh = plsc.VectorSubcoreMesh(core_axis_name="c", subcore_axis_name="s")


@functools.partial(
    pl.kernel,
    out_type=[
        jax.ShapeDtypeStruct((B * T, F), jnp.float32),
        jax.ShapeDtypeStruct((B * T,), jnp.int32),
    ],
    mesh=_mesh,
    compiler_params=pltpu.CompilerParams(needs_layout_passes=False),
    scratch_types=[
        pltpu.VMEM((N,), jnp.int32),
        pltpu.VMEM((N,), jnp.int32),
        pltpu.VMEM((FPT,), jnp.int32),
        pltpu.VMEM((FPT,), jnp.float32),
        pltpu.VMEM((FPT,), jnp.float32),
        pltpu.VMEM((FPT,), jnp.float32),
        pltpu.VMEM((FPT,), jnp.int32),
        pltpu.VMEM((16,), jnp.int32),
        pltpu.VMEM((CH, F), jnp.float32),
        pltpu.VMEM((CH, F), jnp.float32),
        pltpu.VMEM((CH, F), jnp.float32),
        pltpu.VMEM((CH, F), jnp.float32),
        pltpu.VMEM((CH, F), jnp.float32),
        pltpu.VMEM((CH, F), jnp.float32),
        pltpu.VMEM((CH, F), jnp.float32),
        pltpu.VMEM((CH,), jnp.int32),
        pltpu.SemaphoreType.DMA,
        pltpu.SemaphoreType.DMA,
        pltpu.SemaphoreType.DMA,
        pltpu.SemaphoreType.DMA,
    ],
)
def _sc_interp(st, mi, en, dur, mf, frames_o, mask_o,
               dur_v, csum_v, idxg_v, a_v, b_v, c_v, msk_v, mf_v,
               sbufA, mbufA, ebufA, sbufB, mbufB, ebufB, zbuf, zmask_v,
               isem, osem, zsem, msem):
    cid = lax.axis_index("c")
    sid = lax.axis_index("s")
    wid = cid * 16 + sid
    b = wid // TPB
    sub = wid % TPB

    pltpu.sync_copy(dur.at[b], dur_v)
    pltpu.sync_copy(mf, mf_v)

    def cs_step(i, carry):
        v = dur_v[pl.ds(i * 16, 16)]
        csum_v[pl.ds(i * 16, 16)] = jnp.cumsum(v) + carry
        return carry + jnp.sum(v)

    total = lax.fori_loop(0, N // 16, cs_step, jnp.int32(0))
    vt_vec = jnp.minimum(jnp.full((16,), total, jnp.int32), mf_v[...])
    vt_s = jnp.max(vt_vec)

    def z_step(i, _):
        for k in range(F // 16):
            zbuf[i, pl.ds(k * 16, 16)] = jnp.zeros((16,), jnp.float32)
        return 0

    lax.fori_loop(0, CH, z_step, 0)
    for k in range(CH // 16):
        zmask_v[pl.ds(k * 16, 16)] = jnp.zeros((16,), jnp.int32)

    def pre_step(i, _):
        l = i * 16
        j = l // CH
        w = l - j * CH
        g = sub + TPB * j
        tvec = g * CH + w + lax.iota(jnp.int32, 16)
        lo = jnp.zeros((16,), jnp.int32)
        hi = jnp.full((16,), N, jnp.int32)
        for _step in range(12):
            m = jnp.minimum((lo + hi) >> 1, N - 1)
            vals = plsc.load_gather(csum_v, [m])
            pred = vals <= tvec
            lo = jnp.where(pred, m + 1, lo)
            hi = jnp.where(pred, hi, m)
        idx_c = jnp.minimum(lo, N - 1)
        d = plsc.load_gather(dur_v, [idx_c])
        cs = plsc.load_gather(csum_v, [idx_c])
        p = tvec - (cs - d)
        half = d >> 1
        rem = d - half
        pf = p.astype(jnp.float32)
        halff = half.astype(jnp.float32)
        den1 = jnp.maximum(half - 1, 1).astype(jnp.float32)
        den2 = jnp.maximum(rem - 1, 1).astype(jnp.float32)
        t1 = jnp.where(half > 1, pf / den1, 0.0)
        t2 = jnp.where(rem > 1, (pf - halff) / den2, 0.0)
        s1 = p < half
        a3 = jnp.where(s1, 1.0 - t1, 0.0)
        b3 = jnp.where(s1, t1, 1.0 - t2)
        c3 = jnp.where(s1, 0.0, t2)
        a2 = jnp.where(p == 0, 1.0, 0.0)
        is1 = d == 1
        is2 = d == 2
        a = jnp.where(is1, 0.0, jnp.where(is2, a2, a3))
        bb = jnp.where(is1, 1.0, jnp.where(is2, 0.0, b3))
        c = jnp.where(is1, 0.0, jnp.where(is2, 1.0 - a2, c3))
        valid = tvec < vt_vec
        vf = jnp.where(valid, 1.0, 0.0)
        sl = pl.ds(l, 16)
        a_v[sl] = a * vf
        b_v[sl] = bb * vf
        c_v[sl] = c * vf
        msk_v[sl] = jnp.where(valid, 1, 0)
        idxg_v[sl] = b * N + idx_c
        return 0

    def precompute_chunk(c):
        lax.fori_loop(c * (CH // 16), (c + 1) * (CH // 16), pre_step, 0)

    num = jnp.maximum(vt_s - sub * CH, 0)
    nv = jnp.minimum(jnp.int32(NCH), (num + CH * TPB - 1) // (CH * TPB))

    def row0_of(j):
        return b * T + (sub + TPB * j) * CH

    def fire_mask(j):
        pltpu.async_copy(msk_v.at[pl.ds(j * CH, CH)],
                         mask_o.at[pl.ds(row0_of(j), CH)], msem)

    def pre_out(j, _):
        r0 = row0_of(j)

        @pl.when(j >= nv)
        def _zero_chunk():
            pltpu.async_copy(zbuf, frames_o.at[pl.ds(r0, CH)], zsem)
            pltpu.async_copy(zmask_v, mask_o.at[pl.ds(r0, CH)], msem)

        return 0

    lax.fori_loop(0, NCH, pre_out, 0)

    bufs = ((sbufA, mbufA, ebufA), (sbufB, mbufB, ebufB))

    def fire_in(j, trio):
        idx_sl = idxg_v.at[pl.ds(j * CH, CH)]
        pltpu.async_copy(st.at[idx_sl], trio[0], isem)
        pltpu.async_copy(mi.at[idx_sl], trio[1], isem)
        pltpu.async_copy(en.at[idx_sl], trio[2], isem)

    def drain_in(trio):
        pltpu.make_async_copy(st.at[pl.ds(0, CH)], trio[0], isem).wait()
        pltpu.make_async_copy(mi.at[pl.ds(0, CH)], trio[1], isem).wait()
        pltpu.make_async_copy(en.at[pl.ds(0, CH)], trio[2], isem).wait()

    def drain_out_one():
        pltpu.make_async_copy(frames_o.at[pl.ds(0, CH)], sbufA, osem).wait()

    def process(i, trio):
        sb, mb, eb = trio
        loc = i * CH

        def f_step(fr, _c):
            iv = jnp.full((16,), loc + fr, jnp.int32)
            asp = plsc.load_gather(a_v, [iv])
            bsp = plsc.load_gather(b_v, [iv])
            csp = plsc.load_gather(c_v, [iv])
            for k in range(F // 16):
                fsl = pl.ds(k * 16, 16)
                sb[fr, fsl] = (sb[fr, fsl] * asp + mb[fr, fsl] * bsp
                               + eb[fr, fsl] * csp)
            return 0

        lax.fori_loop(0, CH, f_step, 0)
        pltpu.async_copy(sb, frames_o.at[pl.ds(row0_of(i), CH)], osem)

    @pl.when(nv > 0)
    def _prologue():
        precompute_chunk(jnp.int32(0))
        fire_mask(jnp.int32(0))
        fire_in(0, bufs[0])

    def ring_step(i, _):
        @pl.when(i >= 1)
        def _free_other():
            drain_out_one()

        @pl.when(i + 1 < nv)
        def _pre_next():
            precompute_chunk(i + 1)
            fire_mask(i + 1)

        for par in (0, 1):
            @pl.when(i % 2 == par)
            def _sub(par=par):
                @pl.when(i + 1 < nv)
                def _prefetch():
                    fire_in(i + 1, bufs[1 - par])

                drain_in(bufs[par])
                process(i, bufs[par])

        return 0

    lax.fori_loop(0, nv, ring_step, 0)

    @pl.when(nv > 0)
    def _last_out():
        drain_out_one()

    def drain_z(i, _):
        pltpu.make_async_copy(frames_o.at[pl.ds(0, CH)], zbuf, zsem).wait()
        return 0

    lax.fori_loop(0, jnp.int32(NCH) - nv, drain_z, 0)

    def drain_m(i, _):
        pltpu.make_async_copy(mask_o.at[pl.ds(0, CH)],
                              msk_v.at[pl.ds(0, CH)], msem).wait()
        return 0

    lax.fori_loop(0, NCH, drain_m, 0)


def kernel(start, mid, end, durations, max_frames):
    st = start.reshape(B * N, F)
    mi = mid.reshape(B * N, F)
    en = end.reshape(B * N, F)
    dur = durations.astype(jnp.int32)
    mf = jnp.full((16,), jnp.asarray(max_frames, jnp.int32))
    frames_flat, mask_i = _sc_interp(st, mi, en, dur, mf)
    frames = frames_flat.reshape(B, T, F)
    mask = mask_i.reshape(B, T) != 0
    return frames, mask

# --- scband reference (transcript-rebuilt; emitter-appended) ---
"""Pipeline reference for scband-linear-interpolator-16587163697614 (READ-ONLY COPY).

The authoritative reference and input builder live on the scoring server;
editing this copy changes nothing except your own understanding.
"""

import jax, jax.numpy as jnp
import numpy as np


def setup_inputs(seed: int = 0) -> dict:
    key = jax.random.key(seed)
    k1, k2, k3, k4 = jax.random.split(key, 4)
    B, N, F = 8, 2048, 256
    start = jax.random.normal(k1, (B, N, F), dtype=jnp.float32)
    mid = jax.random.normal(k2, (B, N, F), dtype=jnp.float32)
    end = jax.random.normal(k3, (B, N, F), dtype=jnp.float32)
    durations = jax.random.randint(k4, (B, N), 0, 5)
    return {"start": start, "mid": mid, "end": end, "durations": durations, "max_frames": 8192}


def _interp_one(start_b, mid_b, end_b, dur_b, max_frames):
    # Vectorized, frame-centric equivalent of the torch per-phoneme loop.
    N = dur_b.shape[0]
    csum = jnp.cumsum(dur_b)                      # (N,) end offset of each phoneme
    t = jnp.arange(8192)                          # (T,) global frame indices
    idx = jnp.searchsorted(csum, t, side='right')  # phoneme owning frame t (skips d==0)
    valid = t < jnp.minimum(csum[-1], max_frames)
    idx_c = jnp.minimum(idx, N - 1)
    d = dur_b[idx_c]                              # (T,) duration of owning phoneme
    p = t - (csum[idx_c] - d)                     # (T,) local position within phoneme
    s = start_b[idx_c]                            # (T, F) gathers
    m = mid_b[idx_c]
    e = end_b[idx_c]
    half = d // 2
    rem = d - half
    pf = p.astype(start_b.dtype)
    halff = half.astype(start_b.dtype)
    # torch.linspace(0,1,n): step 1/(n-1); linspace(0,1,1) == [0.0]
    den1 = jnp.maximum(half - 1, 1).astype(start_b.dtype)
    den2 = jnp.maximum(rem - 1, 1).astype(start_b.dtype)
    t1 = jnp.where(half > 1, pf / den1, 0.0)[:, None]
    t2 = jnp.where(rem > 1, (pf - halff) / den2, 0.0)[:, None]
    seg1 = s * (1.0 - t1) + m * t1                # start -> mid
    seg2 = m * (1.0 - t2) + e * t2                # mid -> end
    val3 = jnp.where((p < half)[:, None], seg1, seg2)   # d >= 3
    val2 = jnp.where((p == 0)[:, None], s, e)            # d == 2
    val = jnp.where((d == 1)[:, None], m,
                    jnp.where((d == 2)[:, None], val2, val3))
    val = jnp.where(valid[:, None], val, jnp.zeros_like(val))
    return val, valid


def reference(start, mid, end, durations, max_frames=None):
    if max_frames is None:
        max_frames = int(jnp.max(jnp.sum(durations, axis=1)))
    frames, mask = jax.vmap(lambda s, m, e, d: _interp_one(s, m, e, d, max_frames))(
        start, mid, end, durations)
    return frames, mask

if __name__ == "__main__":
    import jax
    _d = setup_inputs()
    print(jax.jit(kernel)(*tuple(_d.values())))

</pallas_src>

<mosaic_0001>
#map = affine_map<(d0, d1) -> (0, 0)>
#map1 = affine_map<(d0, d1) -> (0)>
module attributes {stable_mosaic.version = 14 : i64} {
  func.func @_sc_interp(%arg0: i32, %arg1: i32, %arg2: memref<16384x256xf32, #tpu.memory_space<hbm>>, %arg3: memref<16384x256xf32, #tpu.memory_space<hbm>>, %arg4: memref<16384x256xf32, #tpu.memory_space<hbm>>, %arg5: memref<8x2048xi32, #tpu.memory_space<hbm>>, %arg6: memref<16xi32, #tpu.memory_space<hbm>>, %arg7: memref<65536x256xf32, #tpu.memory_space<hbm>>, %arg8: memref<65536xi32, #tpu.memory_space<hbm>>, %arg9: memref<2048xi32, #tpu.memory_space<vmem>>, %arg10: memref<2048xi32, #tpu.memory_space<vmem>>, %arg11: memref<2048xi32, #tpu.memory_space<vmem>>, %arg12: memref<2048xf32, #tpu.memory_space<vmem>>, %arg13: memref<2048xf32, #tpu.memory_space<vmem>>, %arg14: memref<2048xf32, #tpu.memory_space<vmem>>, %arg15: memref<2048xi32, #tpu.memory_space<vmem>>, %arg16: memref<16xi32, #tpu.memory_space<vmem>>, %arg17: memref<64x256xf32, #tpu.memory_space<vmem>>, %arg18: memref<64x256xf32, #tpu.memory_space<vmem>>, %arg19: memref<64x256xf32, #tpu.memory_space<vmem>>, %arg20: memref<64x256xf32, #tpu.memory_space<vmem>>, %arg21: memref<64x256xf32, #tpu.memory_space<vmem>>, %arg22: memref<64x256xf32, #tpu.memory_space<vmem>>, %arg23: memref<64x256xf32, #tpu.memory_space<vmem>>, %arg24: memref<64xi32, #tpu.memory_space<vmem>>, %arg25: memref<!tpu.dma_semaphore, #tpu.memory_space<semaphore_mem>>, %arg26: memref<!tpu.dma_semaphore, #tpu.memory_space<semaphore_mem>>, %arg27: memref<!tpu.dma_semaphore, #tpu.memory_space<semaphore_mem>>, %arg28: memref<!tpu.dma_semaphore, #tpu.memory_space<semaphore_mem>>) attributes {dimension_semantics = [#tpu.dimension_semantics<core_parallel>, #tpu.dimension_semantics<subcore_parallel>], iteration_bounds = array<i64: 2, 16>, scalar_prefetch = 0 : i64, scratch_operands = 20 : i64, tpu.core_type = #tpu.core_type<sc_vector_subcore>, window_params = [{transform_indices = #map}, {transform_indices = #map}, {transform_indices = #map}, {transform_indices = #map}, {transform_indices = #map1}, {transform_indices = #map}, {transform_indices = #map1}]} {
    %mul3A = arith.constant 16 : i32
    %mul3A_0 = arith.muli %arg0, %mul3A : i32
    %add3A = arith.addi %mul3A_0, %arg1 : i32
    %jit3A = arith.constant 4 : i32
    %div3A = arith.divsi %add3A, %jit3A : i32
    %sign3A = arith.constant 0 : i32
    %sign3A_1 = arith.cmpi sgt, %add3A, %sign3A : i32
    %sign3A_2 = arith.extui %sign3A_1 : i1 to i32
    %sign3A_3 = arith.constant 0 : i32
    %sign3A_4 = arith.cmpi slt, %add3A, %sign3A_3 : i32
    %sign3A_5 = arith.extui %sign3A_4 : i1 to i32
    %sign3A_6 = arith.subi %sign3A_2, %sign3A_5 : i32
    %sign3A_7 = arith.constant 0 : i32
    %sign3A_8 = arith.cmpi sgt, %jit3A, %sign3A_7 : i32
    %sign3A_9 = arith.extui %sign3A_8 : i1 to i32
    %sign3A_10 = arith.constant 0 : i32
    %sign3A_11 = arith.cmpi slt, %jit3A, %sign3A_10 : i32
    %sign3A_12 = arith.extui %sign3A_11 : i1 to i32
    %sign3A_13 = arith.subi %sign3A_9, %sign3A_12 : i32
    %ne3A = arith.cmpi ne, %sign3A_6, %sign3A_13 : i32
    %rem3A = arith.remsi %add3A, %jit3A : i32
    %ne3A_14 = arith.constant 0 : i32
    %ne3A_15 = arith.cmpi ne, %rem3A, %ne3A_14 : i32
    %and3A = arith.andi %ne3A, %ne3A_15 : i1
    %sub3A = arith.constant 1 : i32
    %sub3A_16 = arith.subi %div3A, %sub3A : i32
    %select_n3A = arith.select %and3A, %sub3A_16, %div3A : i32
    %jit3A_17 = arith.constant 4 : i32
    %eq3A = arith.constant 0 : i32
    %eq3A_18 = arith.cmpi eq, %jit3A_17, %eq3A : i32
    %jit3A_19 = arith.constant 1 : i32
    %select_n3A_20 = arith.select %eq3A_18, %jit3A_19, %jit3A_17 : i32
    %rem3A_21 = arith.remsi %add3A, %select_n3A_20 : i32
    %ne3A_22 = arith.constant 0 : i32
    %ne3A_23 = arith.cmpi ne, %rem3A_21, %ne3A_22 : i32
    %lt3A = arith.constant 0 : i32
    %lt3A_24 = arith.cmpi slt, %rem3A_21, %lt3A : i32
    %lt3A_25 = arith.constant 0 : i32
    %lt3A_26 = arith.cmpi slt, %select_n3A_20, %lt3A_25 : i32
    %ne3A_27 = arith.xori %lt3A_24, %lt3A_26 : i1
    %and3A_28 = arith.andi %ne3A_27, %ne3A_23 : i1
    %add3A_29 = arith.addi %rem3A_21, %select_n3A_20 : i32
    %select_n3A_30 = arith.select %and3A_28, %add3A_29, %rem3A_21 : i32
    "tpu.region"() ({
      %run_scoped3A = tpu.sem_alloc : memref<!tpu.dma_semaphore, #tpu.memory_space<semaphore_mem>>
      %dma_start3A = arith.constant 0 : i32
      %dma_start3A_147 = tpu.memref_slice %arg5[%select_n3A, %dma_start3A] : memref<8x2048xi32, #tpu.memory_space<hbm>> -> memref<1x2048xi32, #tpu.memory_space<hbm>>
      %dma_start3A_148 = tpu.memref_squeeze %dma_start3A_147 : memref<1x2048xi32, #tpu.memory_space<hbm>> -> memref<2048xi32, #tpu.memory_space<hbm>>
      %dma_start3A_149 = arith.constant 0 : i32
      %dma_start3A_150 = tpu.memref_slice %arg5[%select_n3A, %dma_start3A_149] : memref<8x2048xi32, #tpu.memory_space<hbm>> -> memref<1x2048xi32, #tpu.memory_space<hbm>>
      %dma_start3A_151 = tpu.memref_squeeze %dma_start3A_150 : memref<1x2048xi32, #tpu.memory_space<hbm>> -> memref<2048xi32, #tpu.memory_space<hbm>>
      tpu.enqueue_dma source(%dma_start3A_151 : memref<2048xi32, #tpu.memory_space<hbm>>) target(%arg9 : memref<2048xi32, #tpu.memory_space<vmem>>) target_semaphore(%run_scoped3A : memref<!tpu.dma_semaphore, #tpu.memory_space<semaphore_mem>>)
      %dma_wait3A = arith.constant 0 : i32
      %dma_wait3A_152 = tpu.memref_slice %arg5[%select_n3A, %dma_wait3A] : memref<8x2048xi32, #tpu.memory_space<hbm>> -> memref<1x2048xi32, #tpu.memory_space<hbm>>
      %dma_wait3A_153 = tpu.memref_squeeze %dma_wait3A_152 : memref<1x2048xi32, #tpu.memory_space<hbm>> -> memref<2048xi32, #tpu.memory_space<hbm>>
      %dma_wait3A_154 = arith.constant 0 : i32
      %dma_wait3A_155 = tpu.memref_slice %arg5[%select_n3A, %dma_wait3A_154] : memref<8x2048xi32, #tpu.memory_space<hbm>> -> memref<1x2048xi32, #tpu.memory_space<hbm>>
      %dma_wait3A_156 = tpu.memref_squeeze %dma_wait3A_155 : memref<1x2048xi32, #tpu.memory_space<hbm>> -> memref<2048xi32, #tpu.memory_space<hbm>>
      tpu.wait_dma2 semaphore(%run_scoped3A : memref<!tpu.dma_semaphore, #tpu.memory_space<semaphore_mem>>) src(%dma_wait3A_156 : memref<2048xi32, #tpu.memory_space<hbm>>) dst(%arg9 : memref<2048xi32, #tpu.memory_space<vmem>>)
      tpu.yield
    }) : () -> ()
    "tpu.region"() ({
      %run_scoped3A = tpu.sem_alloc : memref<!tpu.dma_semaphore, #tpu.memory_space<semaphore_mem>>
      tpu.enqueue_dma source(%arg6 : memref<16xi32, #tpu.memory_space<hbm>>) target(%arg16 : memref<16xi32, #tpu.memory_space<vmem>>) target_semaphore(%run_scoped3A : memref<!tpu.dma_semaphore, #tpu.memory_space<semaphore_mem>>)
      tpu.wait_dma2 semaphore(%run_scoped3A : memref<!tpu.dma_semaphore, #tpu.memory_space<semaphore_mem>>) src(%arg6 : memref<16xi32, #tpu.memory_space<hbm>>) dst(%arg16 : memref<16xi32, #tpu.memory_space<vmem>>)
      tpu.yield
    }) : () -> ()
    %scan3A = arith.constant 0 : i32
    %scan3A_31 = arith.constant 0 : i32
    %scan3A_32 = arith.constant 128 : i32
    %scan3A_33 = arith.addi %scan3A_31, %scan3A_32 : i32
    %scan3A_34 = arith.constant 1 : i32
    %scan3A_35 = scf.for %scan3A_147 = %scan3A_31 to %scan3A_33 step %scan3A_34 iter_args(%scan3A_148 = %scan3A) -> (i32)  : i32 {
      %mul3A_149 = arith.constant 16 : i32
      %mul3A_150 = arith.muli %scan3A_147, %mul3A_149 : i32
      %get3A_151 = arith.index_cast %mul3A_150 : i32 to index
      %get3A_152 = tpu.vector_load %arg9[%get3A_151] {strides = array<i32>} : memref<2048xi32, #tpu.memory_space<vmem>>, vector<16xi32>,
      %cumsum3A = arith.constant true
      %cumsum3A_153 = vector.broadcast %cumsum3A : i1 to vector<16xi1>
      %cumsum3A_154 = tpu.scan <sum>, %get3A_152 masked %cumsum3A_153 : vector<16xi32>, vector<16xi1> -> vector<16xi32>
      %add3A_155 = vector.broadcast %scan3A_148 : i32 to vector<16xi32>
      %add3A_156 = arith.addi %cumsum3A_154, %add3A_155 : vector<16xi32>
      %mul3A_157 = arith.constant 16 : i32
      %mul3A_158 = arith.muli %scan3A_147, %mul3A_157 : i32
      %swap3A_159 = arith.index_cast %mul3A_158 : i32 to index
      %swap3A_160 = tpu.vector_load %arg10[%swap3A_159] {strides = array<i32>} : memref<2048xi32, #tpu.memory_space<vmem>>, vector<16xi32>,
      tpu.vector_store %arg10[%swap3A_159], %add3A_156 {strides = array<i32>} : memref<2048xi32, #tpu.memory_space<vmem>>, vector<16xi32>,
      %reduce_sum3A = arith.constant true
      %reduce_sum3A_161 = vector.broadcast %reduce_sum3A : i1 to vector<16xi1>
      %reduce_sum3A_162 = tpu.scan <sum>, %get3A_152 masked %reduce_sum3A_161 : vector<16xi32>, vector<16xi1> -> vector<16xi32>
      %reduce_sum3A_163 = vector.extract %reduce_sum3A_162[15] : i32 from vector<16xi32>
      %add3A_164 = arith.addi %scan3A_148, %reduce_sum3A_163 : i32
      scf.yield %add3A_164 : i32
    }
    %scan3A_36 = arith.constant 128 : i32
    %broadcast_in_dim3A = vector.broadcast %scan3A_35 : i32 to vector<16xi32>
    %get3A = arith.constant 0 : index
    %get3A_37 = tpu.vector_load %arg16[%get3A] {strides = array<i32>} : memref<16xi32, #tpu.memory_space<vmem>>, vector<16xi32>,
    %min3A = arith.minsi %broadcast_in_dim3A, %get3A_37 : vector<16xi32>
    %reduce_max3A = arith.constant true
    %reduce_max3A_38 = vector.broadcast %reduce_max3A : i1 to vector<16xi1>
    %reduce_max3A_39 = arith.constant -2147483648 : i32
    %reduce_max3A_40 = vector.broadcast %reduce_max3A_39 : i32 to vector<16xi32>
    %reduce_max3A_41 = arith.xori %min3A, %reduce_max3A_40 : vector<16xi32>
    %reduce_max3A_42 = tpu.scan <max>, %reduce_max3A_41 masked %reduce_max3A_38 : vector<16xi32>, vector<16xi1> -> vector<16xi32>
    %reduce_max3A_43 = arith.xori %reduce_max3A_42, %reduce_max3A_40 : vector<16xi32>
    %reduce_max3A_44 = vector.extract %reduce_max3A_43[15] : i32 from vector<16xi32>
    %scan3A_45 = arith.constant 0 : i32
    %scan3A_46 = arith.constant 0 : i32
    %scan3A_47 = arith.constant 64 : i32
    %scan3A_48 = arith.addi %scan3A_46, %scan3A_47 : i32
    %scan3A_49 = arith.constant 1 : i32
    %scan3A_50 = scf.for %scan3A_147 = %scan3A_46 to %scan3A_48 step %scan3A_49 iter_args(%scan3A_148 = %scan3A_45) -> (i32)  : i32 {
      %broadcast_in_dim3A_149 = arith.constant 0.000000e+00 : f32
      %broadcast_in_dim3A_150 = vector.broadcast %broadcast_in_dim3A_149 : f32 to vector<16xf32>
      %swap3A_151 = arith.index_cast %scan3A_147 : i32 to index
      %swap3A_152 = arith.constant 0 : index
      %swap3A_153 = tpu.vector_load %arg23[%swap3A_151, %swap3A_152] {strides = array<i32>} : memref<64x256xf32, #tpu.memory_space<vmem>>, vector<16xf32>,
      tpu.vector_store %arg23[%swap3A_151, %swap3A_152], %broadcast_in_dim3A_150 {strides = array<i32>} : memref<64x256xf32, #tpu.memory_space<vmem>>, vector<16xf32>,
      %broadcast_in_dim3A_154 = arith.constant 0.000000e+00 : f32
      %broadcast_in_dim3A_155 = vector.broadcast %broadcast_in_dim3A_154 : f32 to vector<16xf32>
      %swap3A_156 = arith.index_cast %scan3A_147 : i32 to index
      %swap3A_157 = arith.constant 16 : index
      %swap3A_158 = tpu.vector_load %arg23[%swap3A_156, %swap3A_157] {strides = array<i32>} : memref<64x256xf32, #tpu.memory_space<vmem>>, vector<16xf32>,
      tpu.vector_store %arg23[%swap3A_156, %swap3A_157], %broadcast_in_dim3A_155 {strides = array<i32>} : memref<64x256xf32, #tpu.memory_space<vmem>>, vector<16xf32>,
      %broadcast_in_dim3A_159 = arith.constant 0.000000e+00 : f32
      %broadcast_in_dim3A_160 = vector.broadcast %broadcast_in_dim3A_159 : f32 to vector<16xf32>
      %swap3A_161 = arith.index_cast %scan3A_147 : i32 to index
      %swap3A_162 = arith.constant 32 : index
      %swap3A_163 = tpu.vector_load %arg23[%swap3A_161, %swap3A_162] {strides = array<i32>} : memref<64x256xf32, #tpu.memory_space<vmem>>, vector<16xf32>,
      tpu.vector_store %arg23[%swap3A_161, %swap3A_162], %broadcast_in_dim3A_160 {strides = array<i32>} : memref<64x256xf32, #tpu.memory_space<vmem>>, vector<16xf32>,
      %broadcast_in_dim3A_164 = arith.constant 0.000000e+00 : f32
      %broadcast_in_dim3A_165 = vector.broadcast %broadcast_in_dim3A_164 : f32 to vector<16xf32>
      %swap3A_166 = arith.index_cast %scan3A_147 : i32 to index
      %swap3A_167 = arith.constant 48 : index
      %swap3A_168 = tpu.vector_load %arg23[%swap3A_166, %swap3A_167] {strides = array<i32>} : memref<64x256xf32, #tpu.memory_space<vmem>>, vector<16xf32>,
      tpu.vector_store %arg23[%swap3A_166, %swap3A_167], %broadcast_in_dim3A_165 {strides = array<i32>} : memref<64x256xf32, #tpu.memory_space<vmem>>, vector<16xf32>,
      %broadcast_in_dim3A_169 = arith.constant 0.000000e+00 : f32
      %broadcast_in_dim3A_170 = vector.broadcast %broadcast_in_dim3A_169 : f32 to vector<16xf32>
      %swap3A_171 = arith.index_cast %scan3A_147 : i32 to index
      %swap3A_172 = arith.constant 64 : index
      %swap3A_173 = tpu.vector_load %arg23[%swap3A_171, %swap3A_172] {strides = array<i32>} : memref<64x256xf32, #tpu.memory_space<vmem>>, vector<16xf32>,
      tpu.vector_store %arg23[%swap3A_171, %swap3A_172], %broadcast_in_dim3A_170 {strides = array<i32>} : memref<64x256xf32, #tpu.memory_space<vmem>>, vector<16xf32>,
      %broadcast_in_dim3A_174 = arith.constant 0.000000e+00 : f32
      %broadcast_in_dim3A_175 = vector.broadcast %broadcast_in_dim3A_174 : f32 to vector<16xf32>
      %swap3A_176 = arith.index_cast %scan3A_147 : i32 to index
      %swap3A_177 = arith.constant 80 : index
      %swap3A_178 = tpu.vector_load %arg23[%swap3A_176, %swap3A_177] {strides = array<i32>} : memref<64x256xf32, #tpu.memory_space<vmem>>, vector<16xf32>,
      tpu.vector_store %arg23[%swap3A_176, %swap3A_177], %broadcast_in_dim3A_175 {strides = array<i32>} : memref<64x256xf32, #tpu.memory_space<vmem>>, vector<16xf32>,
      %broadcast_in_dim3A_179 = arith.constant 0.000000e+00 : f32
      %broadcast_in_dim3A_180 = vector.broadcast %broadcast_in_dim3A_179 : f32 to vector<16xf32>
      %swap3A_181 = arith.index_cast %scan3A_147 : i32 to index
      %swap3A_182 = arith.constant 96 : index
      %swap3A_183 = tpu.vector_load %arg23[%swap3A_181, %swap3A_182] {strides = array<i32>} : memref<64x256xf32, #tpu.memory_space<vmem>>, vector<16xf32>,
      tpu.vector_store %arg23[%swap3A_181, %swap3A_182], %broadcast_in_dim3A_180 {strides = array<i32>} : memref<64x256xf32, #tpu.memory_space<vmem>>, vector<16xf32>,
      %broadcast_in_dim3A_184 = arith.constant 0.000000e+00 : f32
      %broadcast_in_dim3A_185 = vector.broadcast %broadcast_in_dim3A_184 : f32 to vector<16xf32>
      %swap3A_186 = arith.index_cast %scan3A_147 : i32 to index
      %swap3A_187 = arith.constant 112 : index
      %swap3A_188 = tpu.vector_load %arg23[%swap3A_186, %swap3A_187] {strides = array<i32>} : memref<64x256xf32, #tpu.memory_space<vmem>>, vector<16xf32>,
      tpu.vector_store %arg23[%swap3A_186, %swap3A_187], %broadcast_in_dim3A_185 {strides = array<i32>} : memref<64x256xf32, #tpu.memory_space<vmem>>, vector<16xf32>,
      %broadcast_in_dim3A_189 = arith.constant 0.000000e+00 : f32
      %broadcast_in_dim3A_190 = vector.broadcast %broadcast_in_dim3A_189 : f32 to vector<16xf32>
      %swap3A_191 = arith.index_cast %scan3A_147 : i32 to index
      %swap3A_192 = arith.constant 128 : index
      %swap3A_193 = tpu.vector_load %arg23[%swap3A_191, %swap3A_192] {strides = array<i32>} : memref<64x256xf32, #tpu.memory_space<vmem>>, vector<16xf32>,
      tpu.vector_store %arg23[%swap3A_191, %swap3A_192], %broadcast_in_dim3A_190 {strides = array<i32>} : memref<64x256xf32, #tpu.memory_space<vmem>>, vector<16xf32>,
      %broadcast_in_dim3A_194 = arith.constant 0.000000e+00 : f32
      %broadcast_in_dim3A_195 = vector.broadcast %broadcast_in_dim3A_194 : f32 to vector<16xf32>
      %swap3A_196 = arith.index_cast %scan3A_147 : i32 to index
      %swap3A_197 = arith.constant 144 : index
      %swap3A_198 = tpu.vector_load %arg23[%swap3A_196, %swap3A_197] {strides = array<i32>} : memref<64x256xf32, #tpu.memory_space<vmem>>, vector<16xf32>,
      tpu.vector_store %arg23[%swap3A_196, %swap3A_197], %broadcast_in_dim3A_195 {strides = array<i32>} : memref<64x256xf32, #tpu.memory_space<vmem>>, vector<16xf32>,
      %broadcast_in_dim3A_199 = arith.constant 0.000000e+00 : f32
      %broadcast_in_dim3A_200 = vector.broadcast %broadcast_in_dim3A_199 : f32 to vector<16xf32>
      %swap3A_201 = arith.index_cast %scan3A_147 : i32 to index
      %swap3A_202 = arith.constant 160 : index
      %swap3A_203 = tpu.vector_load %arg23[%swap3A_201, %swap3A_202] {strides = array<i32>} : memref<64x256xf32, #tpu.memory_space<vmem>>, vector<16xf32>,
      tpu.vector_store %arg23[%swap3A_201, %swap3A_202], %broadcast_in_dim3A_200 {strides = array<i32>} : memref<64x256xf32, #tpu.memory_space<vmem>>, vector<16xf32>,
      %broadcast_in_dim3A_204 = arith.constant 0.000000e+00 : f32
      %broadcast_in_dim3A_205 = vector.broadcast %broadcast_in_dim3A_204 : f32 to vector<16xf32>
      %swap3A_206 = arith.index_cast %scan3A_147 : i32 to index
      %swap3A_207 = arith.constant 176 : index
      %swap3A_208 = tpu.vector_load %arg23[%swap3A_206, %swap3A_207] {strides = array<i32>} : memref<64x256xf32, #tpu.memory_space<vmem>>, vector<16xf32>,
      tpu.vector_store %arg23[%swap3A_206, %swap3A_207], %broadcast_in_dim3A_205 {strides = array<i32>} : memref<64x256xf32, #tpu.memory_space<vmem>>, vector<16xf32>,
      %broadcast_in_dim3A_209 = arith.constant 0.000000e+00 : f32
      %broadcast_in_dim3A_210 = vector.broadcast %broadcast_in_dim3A_209 : f32 to vector<16xf32>
      %swap3A_211 = arith.index_cast %scan3A_147 : i32 to index
      %swap3A_212 = arith.constant 192 : index
      %swap3A_213 = tpu.vector_load %arg23[%swap3A_211, %swap3A_212] {strides = array<i32>} : memref<64x256xf32, #tpu.memory_space<vmem>>, vector<16xf32>,
      tpu.vector_store %arg23[%swap3A_211, %swap3A_212], %broadcast_in_dim3A_210 {strides = array<i32>} : memref<64x256xf32, #tpu.memory_space<vmem>>, vector<16xf32>,
      %broadcast_in_dim3A_214 = arith.constant 0.000000e+00 : f32
      %broadcast_in_dim3A_215 = vector.broadcast %broadcast_in_dim3A_214 : f32 to vector<16xf32>
      %swap3A_216 = arith.index_cast %scan3A_147 : i32 to index
      %swap3A_217 = arith.constant 208 : index
      %swap3A_218 = tpu.vector_load %arg23[%swap3A_216, %swap3A_217] {strides = array<i32>} : memref<64x256xf32, #tpu.memory_space<vmem>>, vector<16xf32>,
      tpu.vector_store %arg23[%swap3A_216, %swap3A_217], %broadcast_in_dim3A_215 {strides = array<i32>} : memref<64x256xf32, #tpu.memory_space<vmem>>, vector<16xf32>,
      %broadcast_in_dim3A_219 = arith.constant 0.000000e+00 : f32
      %broadcast_in_dim3A_220 = vector.broadcast %broadcast_in_dim3A_219 : f32 to vector<16xf32>
      %swap3A_221 = arith.index_cast %scan3A_147 : i32 to index
      %swap3A_222 = arith.constant 224 : index
      %swap3A_223 = tpu.vector_load %arg23[%swap3A_221, %swap3A_222] {strides = array<i32>} : memref<64x256xf32, #tpu.memory_space<vmem>>, vector<16xf32>,
      tpu.vector_store %arg23[%swap3A_221, %swap3A_222], %broadcast_in_dim3A_220 {strides = array<i32>} : memref<64x256xf32, #tpu.memory_space<vmem>>, vector<16xf32>,
      %broadcast_in_dim3A_224 = arith.constant 0.000000e+00 : f32
      %broadcast_in_dim3A_225 = vector.broadcast %broadcast_in_dim3A_224 : f32 to vector<16xf32>
      %swap3A_226 = arith.index_cast %scan3A_147 : i32 to index
      %swap3A_227 = arith.constant 240 : index
      %swap3A_228 = tpu.vector_load %arg23[%swap3A_226, %swap3A_227] {strides = array<i32>} : memref<64x256xf32, #tpu.memory_space<vmem>>, vector<16xf32>,
      tpu.vector_store %arg23[%swap3A_226, %swap3A_227], %broadcast_in_dim3A_225 {strides = array<i32>} : memref<64x256xf32, #tpu.memory_space<vmem>>, vector<16xf32>,
      %scan3A_229 = arith.constant 0 : i32
      scf.yield %scan3A_229 : i32
    }
    %scan3A_51 = arith.constant 64 : i32
    %broadcast_in_dim3A_52 = arith.constant 0 : i32
    %broadcast_in_dim3A_53 = vector.broadcast %broadcast_in_dim3A_52 : i32 to vector<16xi32>
    %swap3A = arith.constant 0 : index
    %swap3A_54 = tpu.vector_load %arg24[%swap3A] {strides = array<i32>} : memref<64xi32, #tpu.memory_space<vmem>>, vector<16xi32>,
    tpu.vector_store %arg24[%swap3A], %broadcast_in_dim3A_53 {strides = array<i32>} : memref<64xi32, #tpu.memory_space<vmem>>, vector<16xi32>,
    %broadcast_in_dim3A_55 = arith.constant 0 : i32
    %broadcast_in_dim3A_56 = vector.broadcast %broadcast_in_dim3A_55 : i32 to vector<16xi32>
    %swap3A_57 = arith.constant 16 : index
    %swap3A_58 = tpu.vector_load %arg24[%swap3A_57] {strides = array<i32>} : memref<64xi32, #tpu.memory_space<vmem>>, vector<16xi32>,
    tpu.vector_store %arg24[%swap3A_57], %broadcast_in_dim3A_56 {strides = array<i32>} : memref<64xi32, #tpu.memory_space<vmem>>, vector<16xi32>,
    %broadcast_in_dim3A_59 = arith.constant 0 : i32
    %broadcast_in_dim3A_60 = vector.broadcast %broadcast_in_dim3A_59 : i32 to vector<16xi32>
    %swap3A_61 = arith.constant 32 : index
    %swap3A_62 = tpu.vector_load %arg24[%swap3A_61] {strides = array<i32>} : memref<64xi32, #tpu.memory_space<vmem>>, vector<16xi32>,
    tpu.vector_store %arg24[%swap3A_61], %broadcast_in_dim3A_60 {strides = array<i32>} : memref<64xi32, #tpu.memory_space<vmem>>, vector<16xi32>,
    %broadcast_in_dim3A_63 = arith.constant 0 : i32
    %broadcast_in_dim3A_64 = vector.broadcast %broadcast_in_dim3A_63 : i32 to vector<16xi32>
    %swap3A_65 = arith.constant 48 : index
    %swap3A_66 = tpu.vector_load %arg24[%swap3A_65] {strides = array<i32>} : memref<64xi32, #tpu.memory_space<vmem>>, vector<16xi32>,
    tpu.vector_store %arg24[%swap3A_65], %broadcast_in_dim3A_64 {strides = array<i32>} : memref<64xi32, #tpu.memory_space<vmem>>, vector<16xi32>,
    %mul3A_67 = arith.constant 64 : i32
    %mul3A_68 = arith.muli %select_n3A_30, %mul3A_67 : i32
    %sub3A_69 = arith.subi %reduce_max3A_44, %mul3A_68 : i32
    %max3A = arith.constant 0 : i32
    %max3A_70 = arith.maxsi %sub3A_69, %max3A : i32
    %add3A_71 = arith.constant 256 : i32
    %add3A_72 = arith.addi %max3A_70, %add3A_71 : i32
    %sub3A_73 = arith.constant 1 : i32
    %sub3A_74 = arith.subi %add3A_72, %sub3A_73 : i32
    %jit3A_75 = arith.constant 256 : i32
    %div3A_76 = arith.divsi %sub3A_74, %jit3A_75 : i32
    %sign3A_77 = arith.constant 0 : i32
    %sign3A_78 = arith.cmpi sgt, %sub3A_74, %sign3A_77 : i32
    %sign3A_79 = arith.extui %sign3A_78 : i1 to i32
    %sign3A_80 = arith.constant 0 : i32
    %sign3A_81 = arith.cmpi slt, %sub3A_74, %sign3A_80 : i32
    %sign3A_82 = arith.extui %sign3A_81 : i1 to i32
    %sign3A_83 = arith.subi %sign3A_79, %sign3A_82 : i32
    %sign3A_84 = arith.constant 0 : i32
    %sign3A_85 = arith.cmpi sgt, %jit3A_75, %sign3A_84 : i32
    %sign3A_86 = arith.extui %sign3A_85 : i1 to i32
    %sign3A_87 = arith.constant 0 : i32
    %sign3A_88 = arith.cmpi slt, %jit3A_75, %sign3A_87 : i32
    %sign3A_89 = arith.extui %sign3A_88 : i1 to i32
    %sign3A_90 = arith.subi %sign3A_86, %sign3A_89 : i32
    %ne3A_91 = arith.cmpi ne, %sign3A_83, %sign3A_90 : i32
    %rem3A_92 = arith.remsi %sub3A_74, %jit3A_75 : i32
    %ne3A_93 = arith.constant 0 : i32
    %ne3A_94 = arith.cmpi ne, %rem3A_92, %ne3A_93 : i32
    %and3A_95 = arith.andi %ne3A_91, %ne3A_94 : i1
    %sub3A_96 = arith.constant 1 : i32
    %sub3A_97 = arith.subi %div3A_76, %sub3A_96 : i32
    %select_n3A_98 = arith.select %and3A_95, %sub3A_97, %div3A_76 : i32
    %min3A_99 = arith.constant 32 : i32
    %min3A_100 = arith.minsi %min3A_99, %select_n3A_98 : i32
    %scan3A_101 = arith.constant 0 : i32
    %scan3A_102 = arith.constant 0 : i32
    %scan3A_103 = arith.constant 32 : i32
    %scan3A_104 = arith.addi %scan3A_102, %scan3A_103 : i32
    %scan3A_105 = arith.constant 1 : i32
    %scan3A_106 = scf.for %scan3A_147 = %scan3A_102 to %scan3A_104 step %scan3A_105 iter_args(%scan3A_148 = %scan3A_101) -> (i32)  : i32 {
      %mul3A_149 = arith.constant 8192 : i32
      %mul3A_150 = arith.muli %select_n3A, %mul3A_149 : i32
      %mul3A_151 = arith.constant 4 : i32
      %mul3A_152 = arith.muli %mul3A_151, %scan3A_147 : i32
      %add3A_153 = arith.addi %select_n3A_30, %mul3A_152 : i32
      %mul3A_154 = arith.constant 64 : i32
      %mul3A_155 = arith.muli %add3A_153, %mul3A_154 : i32
      %add3A_156 = arith.addi %mul3A_150, %mul3A_155 : i32
      %ge3A = arith.cmpi sge, %scan3A_147, %min3A_100 : i32
      %convert_element_type3A_157 = arith.extui %ge3A : i1 to i32
      %cond3A_158 = arith.constant 0 : i32
      %cond3A_159 = arith.cmpi ne, %convert_element_type3A_157, %cond3A_158 : i32
      scf.if %cond3A_159 {
        %dma_start3A = arith.constant 0 : i32
        %dma_start3A_161 = tpu.memref_slice %arg7[%add3A_156, %dma_start3A] : memref<65536x256xf32, #tpu.memory_space<hbm>> -> memref<64x256xf32, #tpu.memory_space<hbm>>
        %dma_start3A_162 = arith.constant 0 : i32
        %dma_start3A_163 = tpu.memref_slice %arg7[%add3A_156, %dma_start3A_162] : memref<65536x256xf32, #tpu.memory_space<hbm>> -> memref<64x256xf32, #tpu.memory_space<hbm>>
        tpu.enqueue_dma source(%arg23 : memref<64x256xf32, #tpu.memory_space<vmem>>) target(%dma_start3A_163 : memref<64x256xf32, #tpu.memory_space<hbm>>) target_semaphore(%arg27 : memref<!tpu.dma_semaphore, #tpu.memory_space<semaphore_mem>>)
        %dma_start3A_164 = tpu.memref_slice %arg8[%add3A_156] : memref<65536xi32, #tpu.memory_space<hbm>> -> memref<64xi32, #tpu.memory_space<hbm>>
        %dma_start3A_165 = tpu.memref_slice %arg8[%add3A_156] : memref<65536xi32, #tpu.memory_space<hbm>> -> memref<64xi32, #tpu.memory_space<hbm>>
        tpu.enqueue_dma source(%arg24 : memref<64xi32, #tpu.memory_space<vmem>>) target(%dma_start3A_165 : memref<64xi32, #tpu.memory_space<hbm>>) target_semaphore(%arg28 : memref<!tpu.dma_semaphore, #tpu.memory_space<semaphore_mem>>)
      } else {
      }
      %scan3A_160 = arith.constant 0 : i32
      scf.yield %scan3A_160 : i32
    }
    %scan3A_107 = arith.constant 32 : i32
    %gt3A = arith.constant 0 : i32
    %gt3A_108 = arith.cmpi sgt, %min3A_100, %gt3A : i32
    %convert_element_type3A = arith.extui %gt3A_108 : i1 to i32
    %cond3A = arith.constant 0 : i32
    %cond3A_109 = arith.cmpi ne, %convert_element_type3A, %cond3A : i32
    scf.if %cond3A_109 {
      %mul3A_147 = arith.constant 0 : i32
      %mul3A_148 = arith.constant 4 : i32
      %mul3A_149 = arith.muli %mul3A_147, %mul3A_148 : i32
      %add3A_150 = arith.constant 0 : i32
      %add3A_151 = arith.constant 1 : i32
      %add3A_152 = arith.addi %add3A_150, %add3A_151 : i32
      %mul3A_153 = arith.constant 4 : i32
      %mul3A_154 = arith.muli %add3A_152, %mul3A_153 : i32
      %while3A_155 = arith.constant 0 : i32
      %while3A_156 = arith.subi %mul3A_154, %mul3A_149 : i32
      %while3A_157 = arith.addi %mul3A_149, %while3A_156 : i32
      %while3A_158 = arith.constant 1 : i32
      %while3A_159 = arith.divsi %while3A_156, %while3A_158 : i32
      %while3A_160 = arith.muli %while3A_159, %while3A_158 : i32
      %while3A_161 = arith.addi %mul3A_149, %while3A_160 : i32
      %while3A_162 = arith.constant 1 : i32
      %while3A_163 = scf.for %while3A_196 = %mul3A_149 to %while3A_161 step %while3A_162 iter_args(%while3A_197 = %while3A_155) -> (i32)  : i32 {
        %mul3A_198 = arith.constant 16 : i32
        %mul3A_199 = arith.muli %while3A_196, %mul3A_198 : i32
        %jit3A_200 = arith.constant 64 : i32
        %div3A_201 = arith.divsi %mul3A_199, %jit3A_200 : i32
        %sign3A_202 = arith.constant 0 : i32
        %sign3A_203 = arith.cmpi sgt, %mul3A_199, %sign3A_202 : i32
        %sign3A_204 = arith.extui %sign3A_203 : i1 to i32
        %sign3A_205 = arith.constant 0 : i32
        %sign3A_206 = arith.cmpi slt, %mul3A_199, %sign3A_205 : i32
        %sign3A_207 = arith.extui %sign3A_206 : i1 to i32
        %sign3A_208 = arith.subi %sign3A_204, %sign3A_207 : i32
        %sign3A_209 = arith.constant 0 : i32
        %sign3A_210 = arith.cmpi sgt, %jit3A_200, %sign3A_209 : i32
        %sign3A_211 = arith.extui %sign3A_210 : i1 to i32
        %sign3A_212 = arith.constant 0 : i32
        %sign3A_213 = arith.cmpi slt, %jit3A_200, %sign3A_212 : i32
        %sign3A_214 = arith.extui %sign3A_213 : i1 to i32
        %sign3A_215 = arith.subi %sign3A_211, %sign3A_214 : i32
        %ne3A_216 = arith.cmpi ne, %sign3A_208, %sign3A_215 : i32
        %rem3A_217 = arith.remsi %mul3A_199, %jit3A_200 : i32
        %ne3A_218 = arith.constant 0 : i32
        %ne3A_219 = arith.cmpi ne, %rem3A_217, %ne3A_218 : i32
        %and3A_220 = arith.andi %ne3A_216, %ne3A_219 : i1
        %sub3A_221 = arith.constant 1 : i32
        %sub3A_222 = arith.subi %div3A_201, %sub3A_221 : i32
        %select_n3A_223 = arith.select %and3A_220, %sub3A_222, %div3A_201 : i32
        %mul3A_224 = arith.constant 64 : i32
        %mul3A_225 = arith.muli %select_n3A_223, %mul3A_224 : i32
        %sub3A_226 = arith.subi %mul3A_199, %mul3A_225 : i32
        %mul3A_227 = arith.constant 4 : i32
        %mul3A_228 = arith.muli %mul3A_227, %select_n3A_223 : i32
        %add3A_229 = arith.addi %select_n3A_30, %mul3A_228 : i32
        %mul3A_230 = arith.constant 64 : i32
        %mul3A_231 = arith.muli %add3A_229, %mul3A_230 : i32
        %add3A_232 = arith.addi %mul3A_231, %sub3A_226 : i32
        %iota3A = tpu.iota {dimensions = array<i32: 0>} : vector<16xi32>
        %add3A_233 = vector.broadcast %add3A_232 : i32 to vector<16xi32>
        %add3A_234 = arith.addi %add3A_233, %iota3A : vector<16xi32>
        %broadcast_in_dim3A_235 = arith.constant 0 : i32
        %broadcast_in_dim3A_236 = vector.broadcast %broadcast_in_dim3A_235 : i32 to vector<16xi32>
        %broadcast_in_dim3A_237 = arith.constant 2048 : i32
        %broadcast_in_dim3A_238 = vector.broadcast %broadcast_in_dim3A_237 : i32 to vector<16xi32>
        %add3A_239 = arith.addi %broadcast_in_dim3A_236, %broadcast_in_dim3A_238 : vector<16xi32>
        %shift_right_arithmetic3A = arith.constant 1 : i32
        %shift_right_arithmetic3A_240 = vector.broadcast %shift_right_arithmetic3A : i32 to vector<16xi32>
        %shift_right_arithmetic3A_241 = arith.shrsi %add3A_239, %shift_right_arithmetic3A_240 : vector<16xi32>
        %min3A_242 = arith.constant 2047 : i32
        %min3A_243 = vector.broadcast %min3A_242 : i32 to vector<16xi32>
        %min3A_244 = arith.minsi %shift_right_arithmetic3A_241, %min3A_243 : vector<16xi32>
        %gather3A = tpu.vector_load_idx %arg10[%min3A_244] : memref<2048xi32, #tpu.memory_space<vmem>>[vector<16xi32>], vector<16xi32>,
        %le3A = arith.cmpi sle, %gather3A, %add3A_234 : vector<16xi32>
        %add3A_245 = arith.constant 1 : i32
        %add3A_246 = vector.broadcast %add3A_245 : i32 to vector<16xi32>
        %add3A_247 = arith.addi %min3A_244, %add3A_246 : vector<16xi32>
        %select_n3A_248 = arith.select %le3A, %add3A_247, %broadcast_in_dim3A_236 : vector<16xi1>, vector<16xi32>
        %select_n3A_249 = arith.select %le3A, %broadcast_in_dim3A_238, %min3A_244 : vector<16xi1>, vector<16xi32>
        %add3A_250 = arith.addi %select_n3A_248, %select_n3A_249 : vector<16xi32>
        %shift_right_arithmetic3A_251 = arith.constant 1 : i32
        %shift_right_arithmetic3A_252 = vector.broadcast %shift_right_arithmetic3A_251 : i32 to vector<16xi32>
        %shift_right_arithmetic3A_253 = arith.shrsi %add3A_250, %shift_right_arithmetic3A_252 : vector<16xi32>
        %min3A_254 = arith.constant 2047 : i32
        %min3A_255 = vector.broadcast %min3A_254 : i32 to vector<16xi32>
        %min3A_256 = arith.minsi %shift_right_arithmetic3A_253, %min3A_255 : vector<16xi32>
        %gather3A_257 = tpu.vector_load_idx %arg10[%min3A_256] : memref<2048xi32, #tpu.memory_space<vmem>>[vector<16xi32>], vector<16xi32>,
        %le3A_258 = arith.cmpi sle, %gather3A_257, %add3A_234 : vector<16xi32>
        %add3A_259 = arith.constant 1 : i32
        %add3A_260 = vector.broadcast %add3A_259 : i32 to vector<16xi32>
        %add3A_261 = arith.addi %min3A_256, %add3A_260 : vector<16xi32>
        %select_n3A_262 = arith.select %le3A_258, %add3A_261, %select_n3A_248 : vector<16xi1>, vector<16xi32>
        %select_n3A_263 = arith.select %le3A_258, %select_n3A_249, %min3A_256 : vector<16xi1>, vector<16xi32>
        %add3A_264 = arith.addi %select_n3A_262, %select_n3A_263 : vector<16xi32>
        %shift_right_arithmetic3A_265 = arith.constant 1 : i32
        %shift_right_arithmetic3A_266 = vector.broadcast %shift_right_arithmetic3A_265 : i32 to vector<16xi32>
        %shift_right_arithmetic3A_267 = arith.shrsi %add3A_264, %shift_right_arithmetic3A_266 : vector<16xi32>
        %min3A_268 = arith.constant 2047 : i32
        %min3A_269 = vector.broadcast %min3A_268 : i32 to vector<16xi32>
        %min3A_270 = arith.minsi %shift_right_arithmetic3A_267, %min3A_269 : vector<16xi32>
        %gather3A_271 = tpu.vector_load_idx %arg10[%min3A_270] : memref<2048xi32, #tpu.memory_space<vmem>>[vector<16xi32>], vector<16xi32>,
        %le3A_272 = arith.cmpi sle, %gather3A_271, %add3A_234 : vector<16xi32>
        %add3A_273 = arith.constant 1 : i32
        %add3A_274 = vector.broadcast %add3A_273 : i32 to vector<16xi32>
        %add3A_275 = arith.addi %min3A_270, %add3A_274 : vector<16xi32>
        %select_n3A_276 = arith.select %le3A_272, %add3A_275, %select_n3A_262 : vector<16xi1>, vector<16xi32>
        %select_n3A_277 = arith.select %le3A_272, %select_n3A_263, %min3A_270 : vector<16xi1>, vector<16xi32>
        %add3A_278 = arith.addi %select_n3A_276, %select_n3A_277 : vector<16xi32>
        %shift_right_arithmetic3A_279 = arith.constant 1 : i32
        %shift_right_arithmetic3A_280 = vector.broadcast %shift_right_arithmetic3A_279 : i32 to vector<16xi32>
        %shift_right_arithmetic3A_281 = arith.shrsi %add3A_278, %shift_right_arithmetic3A_280 : vector<16xi32>
        %min3A_282 = arith.constant 2047 : i32
        %min3A_283 = vector.broadcast %min3A_282 : i32 to vector<16xi32>
        %min3A_284 = arith.minsi %shift_right_arithmetic3A_281, %min3A_283 : vector<16xi32>
        %gather3A_285 = tpu.vector_load_idx %arg10[%min3A_284] : memref<2048xi32, #tpu.memory_space<vmem>>[vector<16xi32>], vector<16xi32>,
        %le3A_286 = arith.cmpi sle, %gather3A_285, %add3A_234 : vector<16xi32>
        %add3A_287 = arith.constant 1 : i32
        %add3A_288 = vector.broadcast %add3A_287 : i32 to vector<16xi32>
        %add3A_289 = arith.addi %min3A_284, %add3A_288 : vector<16xi32>
        %select_n3A_290 = arith.select %le3A_286, %add3A_289, %select_n3A_276 : vector<16xi1>, vector<16xi32>
        %select_n3A_291 = arith.select %le3A_286, %select_n3A_277, %min3A_284 : vector<16xi1>, vector<16xi32>
        %add3A_292 = arith.addi %select_n3A_290, %select_n3A_291 : vector<16xi32>
        %shift_right_arithmetic3A_293 = arith.constant 1 : i32
        %shift_right_arithmetic3A_294 = vector.broadcast %shift_right_arithmetic3A_293 : i32 to vector<16xi32>
        %shift_right_arithmetic3A_295 = arith.shrsi %add3A_292, %shift_right_arithmetic3A_294 : vector<16xi32>
        %min3A_296 = arith.constant 2047 : i32
        %min3A_297 = vector.broadcast %min3A_296 : i32 to vector<16xi32>
        %min3A_298 = arith.minsi %shift_right_arithmetic3A_295, %min3A_297 : vector<16xi32>
        %gather3A_299 = tpu.vector_load_idx %arg10[%min3A_298] : memref<2048xi32, #tpu.memory_space<vmem>>[vector<16xi32>], vector<16xi32>,
        %le3A_300 = arith.cmpi sle, %gather3A_299, %add3A_234 : vector<16xi32>
        %add3A_301 = arith.constant 1 : i32
        %add3A_302 = vector.broadcast %add3A_301 : i32 to vector<16xi32>
        %add3A_303 = arith.addi %min3A_298, %add3A_302 : vector<16xi32>
        %select_n3A_304 = arith.select %le3A_300, %add3A_303, %select_n3A_290 : vector<16xi1>, vector<16xi32>
        %select_n3A_305 = arith.select %le3A_300, %select_n3A_291, %min3A_298 : vector<16xi1>, vector<16xi32>
        %add3A_306 = arith.addi %select_n3A_304, %select_n3A_305 : vector<16xi32>
        %shift_right_arithmetic3A_307 = arith.constant 1 : i32
        %shift_right_arithmetic3A_308 = vector.broadcast %shift_right_arithmetic3A_307 : i32 to vector<16xi32>
        %shift_right_arithmetic3A_309 = arith.shrsi %add3A_306, %shift_right_arithmetic3A_308 : vector<16xi32>
        %min3A_310 = arith.constant 2047 : i32
        %min3A_311 = vector.broadcast %min3A_310 : i32 to vector<16xi32>
        %min3A_312 = arith.minsi %shift_right_arithmetic3A_309, %min3A_311 : vector<16xi32>
        %gather3A_313 = tpu.vector_load_idx %arg10[%min3A_312] : memref<2048xi32, #tpu.memory_space<vmem>>[vector<16xi32>], vector<16xi32>,
        %le3A_314 = arith.cmpi sle, %gather3A_313, %add3A_234 : vector<16xi32>
        %add3A_315 = arith.constant 1 : i32
        %add3A_316 = vector.broadcast %add3A_315 : i32 to vector<16xi32>
        %add3A_317 = arith.addi %min3A_312, %add3A_316 : vector<16xi32>
        %select_n3A_318 = arith.select %le3A_314, %add3A_317, %select_n3A_304 : vector<16xi1>, vector<16xi32>
        %select_n3A_319 = arith.select %le3A_314, %select_n3A_305, %min3A_312 : vector<16xi1>, vector<16xi32>
        %add3A_320 = arith.addi %select_n3A_318, %select_n3A_319 : vector<16xi32>
        %shift_right_arithmetic3A_321 = arith.constant 1 : i32
        %shift_right_arithmetic3A_322 = vector.broadcast %shift_right_arithmetic3A_321 : i32 to vector<16xi32>
        %shift_right_arithmetic3A_323 = arith.shrsi %add3A_320, %shift_right_arithmetic3A_322 : vector<16xi32>
        %min3A_324 = arith.constant 2047 : i32
        %min3A_325 = vector.broadcast %min3A_324 : i32 to vector<16xi32>
        %min3A_326 = arith.minsi %shift_right_arithmetic3A_323, %min3A_325 : vector<16xi32>
        %gather3A_327 = tpu.vector_load_idx %arg10[%min3A_326] : memref<2048xi32, #tpu.memory_space<vmem>>[vector<16xi32>], vector<16xi32>,
        %le3A_328 = arith.cmpi sle, %gather3A_327, %add3A_234 : vector<16xi32>
        %add3A_329 = arith.constant 1 : i32
        %add3A_330 = vector.broadcast %add3A_329 : i32 to vector<16xi32>
        %add3A_331 = arith.addi %min3A_326, %add3A_330 : vector<16xi32>
        %select_n3A_332 = arith.select %le3A_328, %add3A_331, %select_n3A_318 : vector<16xi1>, vector<16xi32>
        %select_n3A_333 = arith.select %le3A_328, %select_n3A_319, %min3A_326 : vector<16xi1>, vector<16xi32>
        %add3A_334 = arith.addi %select_n3A_332, %select_n3A_333 : vector<16xi32>
        %shift_right_arithmetic3A_335 = arith.constant 1 : i32
        %shift_right_arithmetic3A_336 = vector.broadcast %shift_right_arithmetic3A_335 : i32 to vector<16xi32>
        %shift_right_arithmetic3A_337 = arith.shrsi %add3A_334, %shift_right_arithmetic3A_336 : vector<16xi32>
        %min3A_338 = arith.constant 2047 : i32
        %min3A_339 = vector.broadcast %min3A_338 : i32 to vector<16xi32>
        %min3A_340 = arith.minsi %shift_right_arithmetic3A_337, %min3A_339 : vector<16xi32>
        %gather3A_341 = tpu.vector_load_idx %arg10[%min3A_340] : memref<2048xi32, #tpu.memory_space<vmem>>[vector<16xi32>], vector<16xi32>,
        %le3A_342 = arith.cmpi sle, %gather3A_341, %add3A_234 : vector<16xi32>
        %add3A_343 = arith.constant 1 : i32
        %add3A_344 = vector.broadcast %add3A_343 : i32 to vector<16xi32>
        %add3A_345 = arith.addi %min3A_340, %add3A_344 : vector<16xi32>
        %select_n3A_346 = arith.select %le3A_342, %add3A_345, %select_n3A_332 : vector<16xi1>, vector<16xi32>
        %select_n3A_347 = arith.select %le3A_342, %select_n3A_333, %min3A_340 : vector<16xi1>, vector<16xi32>
        %add3A_348 = arith.addi %select_n3A_346, %select_n3A_347 : vector<16xi32>
        %shift_right_arithmetic3A_349 = arith.constant 1 : i32
        %shift_right_arithmetic3A_350 = vector.broadcast %shift_right_arithmetic3A_349 : i32 to vector<16xi32>
        %shift_right_arithmetic3A_351 = arith.shrsi %add3A_348, %shift_right_arithmetic3A_350 : vector<16xi32>
        %min3A_352 = arith.constant 2047 : i32
        %min3A_353 = vector.broadcast %min3A_352 : i32 to vector<16xi32>
        %min3A_354 = arith.minsi %shift_right_arithmetic3A_351, %min3A_353 : vector<16xi32>
        %gather3A_355 = tpu.vector_load_idx %arg10[%min3A_354] : memref<2048xi32, #tpu.memory_space<vmem>>[vector<16xi32>], vector<16xi32>,
        %le3A_356 = arith.cmpi sle, %gather3A_355, %add3A_234 : vector<16xi32>
        %add3A_357 = arith.constant 1 : i32
        %add3A_358 = vector.broadcast %add3A_357 : i32 to vector<16xi32>
        %add3A_359 = arith.addi %min3A_354, %add3A_358 : vector<16xi32>
        %select_n3A_360 = arith.select %le3A_356, %add3A_359, %select_n3A_346 : vector<16xi1>, vector<16xi32>
        %select_n3A_361 = arith.select %le3A_356, %select_n3A_347, %min3A_354 : vector<16xi1>, vector<16xi32>
        %add3A_362 = arith.addi %select_n3A_360, %select_n3A_361 : vector<16xi32>
        %shift_right_arithmetic3A_363 = arith.constant 1 : i32
        %shift_right_arithmetic3A_364 = vector.broadcast %shift_right_arithmetic3A_363 : i32 to vector<16xi32>
        %shift_right_arithmetic3A_365 = arith.shrsi %add3A_362, %shift_right_arithmetic3A_364 : vector<16xi32>
        %min3A_366 = arith.constant 2047 : i32
        %min3A_367 = vector.broadcast %min3A_366 : i32 to vector<16xi32>
        %min3A_368 = arith.minsi %shift_right_arithmetic3A_365, %min3A_367 : vector<16xi32>
        %gather3A_369 = tpu.vector_load_idx %arg10[%min3A_368] : memref<2048xi32, #tpu.memory_space<vmem>>[vector<16xi32>], vector<16xi32>,
        %le3A_370 = arith.cmpi sle, %gather3A_369, %add3A_234 : vector<16xi32>
        %add3A_371 = arith.constant 1 : i32
        %add3A_372 = vector.broadcast %add3A_371 : i32 to vector<16xi32>
        %add3A_373 = arith.addi %min3A_368, %add3A_372 : vector<16xi32>
        %select_n3A_374 = arith.select %le3A_370, %add3A_373, %select_n3A_360 : vector<16xi1>, vector<16xi32>
        %select_n3A_375 = arith.select %le3A_370, %select_n3A_361, %min3A_368 : vector<16xi1>, vector<16xi32>
        %add3A_376 = arith.addi %select_n3A_374, %select_n3A_375 : vector<16xi32>
        %shift_right_arithmetic3A_377 = arith.constant 1 : i32
        %shift_right_arithmetic3A_378 = vector.broadcast %shift_right_arithmetic3A_377 : i32 to vector<16xi32>
        %shift_right_arithmetic3A_379 = arith.shrsi %add3A_376, %shift_right_arithmetic3A_378 : vector<16xi32>
        %min3A_380 = arith.constant 2047 : i32
        %min3A_381 = vector.broadcast %min3A_380 : i32 to vector<16xi32>
        %min3A_382 = arith.minsi %shift_right_arithmetic3A_379, %min3A_381 : vector<16xi32>
        %gather3A_383 = tpu.vector_load_idx %arg10[%min3A_382] : memref<2048xi32, #tpu.memory_space<vmem>>[vector<16xi32>], vector<16xi32>,
        %le3A_384 = arith.cmpi sle, %gather3A_383, %add3A_234 : vector<16xi32>
        %add3A_385 = arith.constant 1 : i32
        %add3A_386 = vector.broadcast %add3A_385 : i32 to vector<16xi32>
        %add3A_387 = arith.addi %min3A_382, %add3A_386 : vector<16xi32>
        %select_n3A_388 = arith.select %le3A_384, %add3A_387, %select_n3A_374 : vector<16xi1>, vector<16xi32>
        %select_n3A_389 = arith.select %le3A_384, %select_n3A_375, %min3A_382 : vector<16xi1>, vector<16xi32>
        %add3A_390 = arith.addi %select_n3A_388, %select_n3A_389 : vector<16xi32>
        %shift_right_arithmetic3A_391 = arith.constant 1 : i32
        %shift_right_arithmetic3A_392 = vector.broadcast %shift_right_arithmetic3A_391 : i32 to vector<16xi32>
        %shift_right_arithmetic3A_393 = arith.shrsi %add3A_390, %shift_right_arithmetic3A_392 : vector<16xi32>
        %min3A_394 = arith.constant 2047 : i32
        %min3A_395 = vector.broadcast %min3A_394 : i32 to vector<16xi32>
        %min3A_396 = arith.minsi %shift_right_arithmetic3A_393, %min3A_395 : vector<16xi32>
        %gather3A_397 = tpu.vector_load_idx %arg10[%min3A_396] : memref<2048xi32, #tpu.memory_space<vmem>>[vector<16xi32>], vector<16xi32>,
        %le3A_398 = arith.cmpi sle, %gather3A_397, %add3A_234 : vector<16xi32>
        %add3A_399 = arith.constant 1 : i32
        %add3A_400 = vector.broadcast %add3A_399 : i32 to vector<16xi32>
        %add3A_401 = arith.addi %min3A_396, %add3A_400 : vector<16xi32>
        %select_n3A_402 = arith.select %le3A_398, %add3A_401, %select_n3A_388 : vector<16xi1>, vector<16xi32>
        %select_n3A_403 = arith.select %le3A_398, %select_n3A_389, %min3A_396 : vector<16xi1>, vector<16xi32>
        %min3A_404 = arith.constant 2047 : i32
        %min3A_405 = vector.broadcast %min3A_404 : i32 to vector<16xi32>
        %min3A_406 = arith.minsi %select_n3A_402, %min3A_405 : vector<16xi32>
        %gather3A_407 = tpu.vector_load_idx %arg9[%min3A_406] : memref<2048xi32, #tpu.memory_space<vmem>>[vector<16xi32>], vector<16xi32>,
        %gather3A_408 = tpu.vector_load_idx %arg10[%min3A_406] : memref<2048xi32, #tpu.memory_space<vmem>>[vector<16xi32>], vector<16xi32>,
        %sub3A_409 = arith.subi %gather3A_408, %gather3A_407 : vector<16xi32>
        %sub3A_410 = arith.subi %add3A_234, %sub3A_409 : vector<16xi32>
        %shift_right_arithmetic3A_411 = arith.constant 1 : i32
        %shift_right_arithmetic3A_412 = vector.broadcast %shift_right_arithmetic3A_411 : i32 to vector<16xi32>
        %shift_right_arithmetic3A_413 = arith.shrsi %gather3A_407, %shift_right_arithmetic3A_412 : vector<16xi32>
        %sub3A_414 = arith.subi %gather3A_407, %shift_right_arithmetic3A_413 : vector<16xi32>
        %convert_element_type3A_415 = arith.sitofp %sub3A_410 : vector<16xi32> to vector<16xf32>
        %convert_element_type3A_416 = arith.sitofp %shift_right_arithmetic3A_413 : vector<16xi32> to vector<16xf32>
        %sub3A_417 = arith.constant 1 : i32
        %sub3A_418 = vector.broadcast %sub3A_417 : i32 to vector<16xi32>
        %sub3A_419 = arith.subi %shift_right_arithmetic3A_413, %sub3A_418 : vector<16xi32>
        %max3A_420 = arith.constant 1 : i32
        %max3A_421 = vector.broadcast %max3A_420 : i32 to vector<16xi32>
        %max3A_422 = arith.maxsi %sub3A_419, %max3A_421 : vector<16xi32>
        %convert_element_type3A_423 = arith.sitofp %max3A_422 : vector<16xi32> to vector<16xf32>
        %sub3A_424 = arith.constant 1 : i32
        %sub3A_425 = vector.broadcast %sub3A_424 : i32 to vector<16xi32>
        %sub3A_426 = arith.subi %sub3A_414, %sub3A_425 : vector<16xi32>
        %max3A_427 = arith.constant 1 : i32
        %max3A_428 = vector.broadcast %max3A_427 : i32 to vector<16xi32>
        %max3A_429 = arith.maxsi %sub3A_426, %max3A_428 : vector<16xi32>
        %convert_element_type3A_430 = arith.sitofp %max3A_429 : vector<16xi32> to vector<16xf32>
        %gt3A_431 = arith.constant 1 : i32
        %gt3A_432 = vector.broadcast %gt3A_431 : i32 to vector<16xi32>
        %gt3A_433 = arith.cmpi sgt, %shift_right_arithmetic3A_413, %gt3A_432 : vector<16xi32>
        %div3A_434 = arith.divf %convert_element_type3A_415, %convert_element_type3A_423 : vector<16xf32>
        %jit3A_435 = arith.constant 0.000000e+00 : f32
        %broadcast_in_dim3A_436 = vector.broadcast %jit3A_435 : f32 to vector<16xf32>
        %select_n3A_437 = arith.select %gt3A_433, %div3A_434, %broadcast_in_dim3A_436 : vector<16xi1>, vector<16xf32>
        %gt3A_438 = arith.constant 1 : i32
        %gt3A_439 = vector.broadcast %gt3A_438 : i32 to vector<16xi32>
        %gt3A_440 = arith.cmpi sgt, %sub3A_414, %gt3A_439 : vector<16xi32>
        %sub3A_441 = arith.subf %convert_element_type3A_415, %convert_element_type3A_416 : vector<16xf32>
        %div3A_442 = arith.divf %sub3A_441, %convert_element_type3A_430 : vector<16xf32>
        %jit3A_443 = arith.constant 0.000000e+00 : f32
        %broadcast_in_dim3A_444 = vector.broadcast %jit3A_443 : f32 to vector<16xf32>
        %select_n3A_445 = arith.select %gt3A_440, %div3A_442, %broadcast_in_dim3A_444 : vector<16xi1>, vector<16xf32>
        %lt3A_446 = arith.cmpi slt, %sub3A_410, %shift_right_arithmetic3A_413 : vector<16xi32>
        %sub3A_447 = arith.constant 1.000000e+00 : f32
        %sub3A_448 = vector.broadcast %sub3A_447 : f32 to vector<16xf32>
        %sub3A_449 = arith.subf %sub3A_448, %select_n3A_437 : vector<16xf32>
        %jit3A_450 = arith.constant 0.000000e+00 : f32
        %broadcast_in_dim3A_451 = vector.broadcast %jit3A_450 : f32 to vector<16xf32>
        %select_n3A_452 = arith.select %lt3A_446, %sub3A_449, %broadcast_in_dim3A_451 : vector<16xi1>, vector<16xf32>
        %sub3A_453 = arith.constant 1.000000e+00 : f32
        %sub3A_454 = vector.broadcast %sub3A_453 : f32 to vector<16xf32>
        %sub3A_455 = arith.subf %sub3A_454, %select_n3A_445 : vector<16xf32>
        %select_n3A_456 = arith.select %lt3A_446, %select_n3A_437, %sub3A_455 : vector<16xi1>, vector<16xf32>
        %jit3A_457 = arith.constant 0.000000e+00 : f32
        %broadcast_in_dim3A_458 = vector.broadcast %jit3A_457 : f32 to vector<16xf32>
        %select_n3A_459 = arith.select %lt3A_446, %broadcast_in_dim3A_458, %select_n3A_445 : vector<16xi1>, vector<16xf32>
        %eq3A_460 = arith.constant 0 : i32
        %eq3A_461 = vector.broadcast %eq3A_460 : i32 to vector<16xi32>
        %eq3A_462 = arith.cmpi eq, %sub3A_410, %eq3A_461 : vector<16xi32>
        %jit3A_463 = arith.constant 1.000000e+00 : f32
        %jit3A_464 = arith.constant 0.000000e+00 : f32
        %broadcast_in_dim3A_465 = vector.broadcast %jit3A_463 : f32 to vector<16xf32>
        %broadcast_in_dim3A_466 = vector.broadcast %jit3A_464 : f32 to vector<16xf32>
        %select_n3A_467 = arith.select %eq3A_462, %broadcast_in_dim3A_465, %broadcast_in_dim3A_466 : vector<16xi1>, vector<16xf32>
        %eq3A_468 = arith.constant 1 : i32
        %eq3A_469 = vector.broadcast %eq3A_468 : i32 to vector<16xi32>
        %eq3A_470 = arith.cmpi eq, %gather3A_407, %eq3A_469 : vector<16xi32>
        %eq3A_471 = arith.constant 2 : i32
        %eq3A_472 = vector.broadcast %eq3A_471 : i32 to vector<16xi32>
        %eq3A_473 = arith.cmpi eq, %gather3A_407, %eq3A_472 : vector<16xi32>
        %select_n3A_474 = arith.select %eq3A_473, %select_n3A_467, %select_n3A_452 : vector<16xi1>, vector<16xf32>
        %jit3A_475 = arith.constant 0.000000e+00 : f32
        %broadcast_in_dim3A_476 = vector.broadcast %jit3A_475 : f32 to vector<16xf32>
        %select_n3A_477 = arith.select %eq3A_470, %broadcast_in_dim3A_476, %select_n3A_474 : vector<16xi1>, vector<16xf32>
        %jit3A_478 = arith.constant 0.000000e+00 : f32
        %broadcast_in_dim3A_479 = vector.broadcast %jit3A_478 : f32 to vector<16xf32>
        %select_n3A_480 = arith.select %eq3A_473, %broadcast_in_dim3A_479, %select_n3A_456 : vector<16xi1>, vector<16xf32>
        %jit3A_481 = arith.constant 1.000000e+00 : f32
        %broadcast_in_dim3A_482 = vector.broadcast %jit3A_481 : f32 to vector<16xf32>
        %select_n3A_483 = arith.select %eq3A_470, %broadcast_in_dim3A_482, %select_n3A_480 : vector<16xi1>, vector<16xf32>
        %sub3A_484 = arith.constant 1.000000e+00 : f32
        %sub3A_485 = vector.broadcast %sub3A_484 : f32 to vector<16xf32>
        %sub3A_486 = arith.subf %sub3A_485, %select_n3A_467 : vector<16xf32>
        %select_n3A_487 = arith.select %eq3A_473, %sub3A_486, %select_n3A_459 : vector<16xi1>, vector<16xf32>
        %jit3A_488 = arith.constant 0.000000e+00 : f32
        %broadcast_in_dim3A_489 = vector.broadcast %jit3A_488 : f32 to vector<16xf32>
        %select_n3A_490 = arith.select %eq3A_470, %broadcast_in_dim3A_489, %select_n3A_487 : vector<16xi1>, vector<16xf32>
        %lt3A_491 = arith.cmpi slt, %add3A_234, %min3A : vector<16xi32>
        %jit3A_492 = arith.constant 1.000000e+00 : f32
        %jit3A_493 = arith.constant 0.000000e+00 : f32
        %broadcast_in_dim3A_494 = vector.broadcast %jit3A_492 : f32 to vector<16xf32>
        %broadcast_in_dim3A_495 = vector.broadcast %jit3A_493 : f32 to vector<16xf32>
        %select_n3A_496 = arith.select %lt3A_491, %broadcast_in_dim3A_494, %broadcast_in_dim3A_495 : vector<16xi1>, vector<16xf32>
        %mul3A_497 = arith.mulf %select_n3A_477, %select_n3A_496 : vector<16xf32>
        %swap3A_498 = arith.index_cast %mul3A_199 : i32 to index
        %swap3A_499 = tpu.vector_load %arg12[%swap3A_498] {strides = array<i32>} : memref<2048xf32, #tpu.memory_space<vmem>>, vector<16xf32>,
        tpu.vector_store %arg12[%swap3A_498], %mul3A_497 {strides = array<i32>} : memref<2048xf32, #tpu.memory_space<vmem>>, vector<16xf32>,
        %mul3A_500 = arith.mulf %select_n3A_483, %select_n3A_496 : vector<16xf32>
        %swap3A_501 = arith.index_cast %mul3A_199 : i32 to index
        %swap3A_502 = tpu.vector_load %arg13[%swap3A_501] {strides = array<i32>} : memref<2048xf32, #tpu.memory_space<vmem>>, vector<16xf32>,
        tpu.vector_store %arg13[%swap3A_501], %mul3A_500 {strides = array<i32>} : memref<2048xf32, #tpu.memory_space<vmem>>, vector<16xf32>,
        %mul3A_503 = arith.mulf %select_n3A_490, %select_n3A_496 : vector<16xf32>
        %swap3A_504 = arith.index_cast %mul3A_199 : i32 to index
        %swap3A_505 = tpu.vector_load %arg14[%swap3A_504] {strides = array<i32>} : memref<2048xf32, #tpu.memory_space<vmem>>, vector<16xf32>,
        tpu.vector_store %arg14[%swap3A_504], %mul3A_503 {strides = array<i32>} : memref<2048xf32, #tpu.memory_space<vmem>>, vector<16xf32>,
        %jit3A_506 = arith.constant 1 : i32
        %jit3A_507 = arith.constant 0 : i32
        %broadcast_in_dim3A_508 = vector.broadcast %jit3A_506 : i32 to vector<16xi32>
        %broadcast_in_dim3A_509 = vector.broadcast %jit3A_507 : i32 to vector<16xi32>
        %select_n3A_510 = arith.select %lt3A_491, %broadcast_in_dim3A_508, %broadcast_in_dim3A_509 : vector<16xi1>, vector<16xi32>
        %swap3A_511 = arith.index_cast %mul3A_199 : i32 to index
        %swap3A_512 = tpu.vector_load %arg15[%swap3A_511] {strides = array<i32>} : memref<2048xi32, #tpu.memory_space<vmem>>, vector<16xi32>,
        tpu.vector_store %arg15[%swap3A_511], %select_n3A_510 {strides = array<i32>} : memref<2048xi32, #tpu.memory_space<vmem>>, vector<16xi32>,
        %mul3A_513 = arith.constant 2048 : i32
        %mul3A_514 = arith.muli %select_n3A, %mul3A_513 : i32
        %add3A_515 = vector.broadcast %mul3A_514 : i32 to vector<16xi32>
        %add3A_516 = arith.addi %add3A_515, %min3A_406 : vector<16xi32>
        %swap3A_517 = arith.index_cast %mul3A_199 : i32 to index
        %swap3A_518 = tpu.vector_load %arg11[%swap3A_517] {strides = array<i32>} : memref<2048xi32, #tpu.memory_space<vmem>>, vector<16xi32>,
        tpu.vector_store %arg11[%swap3A_517], %add3A_516 {strides = array<i32>} : memref<2048xi32, #tpu.memory_space<vmem>>, vector<16xi32>,
        %while3A_519 = arith.constant 0 : i32
        scf.yield %while3A_519 : i32
      }
      %while3A_164 = arith.constant 1 : i32
      %while3A_165 = scf.for %while3A_196 = %while3A_161 to %while3A_157 step %while3A_164 iter_args(%while3A_197 = %while3A_163) -> (i32)  : i32 {
        %mul3A_198 = arith.constant 16 : i32
        %mul3A_199 = arith.muli %while3A_196, %mul3A_198 : i32
        %jit3A_200 = arith.constant 64 : i32
        %div3A_201 = arith.divsi %mul3A_199, %jit3A_200 : i32
        %sign3A_202 = arith.constant 0 : i32
        %sign3A_203 = arith.cmpi sgt, %mul3A_199, %sign3A_202 : i32
        %sign3A_204 = arith.extui %sign3A_203 : i1 to i32
        %sign3A_205 = arith.constant 0 : i32
        %sign3A_206 = arith.cmpi slt, %mul3A_199, %sign3A_205 : i32
        %sign3A_207 = arith.extui %sign3A_206 : i1 to i32
        %sign3A_208 = arith.subi %sign3A_204, %sign3A_207 : i32
        %sign3A_209 = arith.constant 0 : i32
        %sign3A_210 = arith.cmpi sgt, %jit3A_200, %sign3A_209 : i32
        %sign3A_211 = arith.extui %sign3A_210 : i1 to i32
        %sign3A_212 = arith.constant 0 : i32
        %sign3A_213 = arith.cmpi slt, %jit3A_200, %sign3A_212 : i32
        %sign3A_214 = arith.extui %sign3A_213 : i1 to i32
        %sign3A_215 = arith.subi %sign3A_211, %sign3A_214 : i32
        %ne3A_216 = arith.cmpi ne, %sign3A_208, %sign3A_215 : i32
        %rem3A_217 = arith.remsi %mul3A_199, %jit3A_200 : i32
        %ne3A_218 = arith.constant 0 : i32
        %ne3A_219 = arith.cmpi ne, %rem3A_217, %ne3A_218 : i32
        %and3A_220 = arith.andi %ne3A_216, %ne3A_219 : i1
        %sub3A_221 = arith.constant 1 : i32
        %sub3A_222 = arith.subi %div3A_201, %sub3A_221 : i32
        %select_n3A_223 = arith.select %and3A_220, %sub3A_222, %div3A_201 : i32
        %mul3A_224 = arith.constant 64 : i32
        %mul3A_225 = arith.muli %select_n3A_223, %mul3A_224 : i32
        %sub3A_226 = arith.subi %mul3A_199, %mul3A_225 : i32
        %mul3A_227 = arith.constant 4 : i32
        %mul3A_228 = arith.muli %mul3A_227, %select_n3A_223 : i32
        %add3A_229 = arith.addi %select_n3A_30, %mul3A_228 : i32
        %mul3A_230 = arith.constant 64 : i32
        %mul3A_231 = arith.muli %add3A_229, %mul3A_230 : i32
        %add3A_232 = arith.addi %mul3A_231, %sub3A_226 : i32
        %iota3A = tpu.iota {dimensions = array<i32: 0>} : vector<16xi32>
        %add3A_233 = vector.broadcast %add3A_232 : i32 to vector<16xi32>
        %add3A_234 = arith.addi %add3A_233, %iota3A : vector<16xi32>
        %broadcast_in_dim3A_235 = arith.constant 0 : i32
        %broadcast_in_dim3A_236 = vector.broadcast %broadcast_in_dim3A_235 : i32 to vector<16xi32>
        %broadcast_in_dim3A_237 = arith.constant 2048 : i32
        %broadcast_in_dim3A_238 = vector.broadcast %broadcast_in_dim3A_237 : i32 to vector<16xi32>
        %add3A_239 = arith.addi %broadcast_in_dim3A_236, %broadcast_in_dim3A_238 : vector<16xi32>
        %shift_right_arithmetic3A = arith.constant 1 : i32
        %shift_right_arithmetic3A_240 = vector.broadcast %shift_right_arithmetic3A : i32 to vector<16xi32>
        %shift_right_arithmetic3A_241 = arith.shrsi %add3A_239, %shift_right_arithmetic3A_240 : vector<16xi32>
        %min3A_242 = arith.constant 2047 : i32
        %min3A_243 = vector.broadcast %min3A_242 : i32 to vector<16xi32>
        %min3A_244 = arith.minsi %shift_right_arithmetic3A_241, %min3A_243 : vector<16xi32>
        %gather3A = tpu.vector_load_idx %arg10[%min3A_244] : memref<2048xi32, #tpu.memory_space<vmem>>[vector<16xi32>], vector<16xi32>,
        %le3A = arith.cmpi sle, %gather3A, %add3A_234 : vector<16xi32>
        %add3A_245 = arith.constant 1 : i32
        %add3A_246 = vector.broadcast %add3A_245 : i32 to vector<16xi32>
        %add3A_247 = arith.addi %min3A_244, %add3A_246 : vector<16xi32>
        %select_n3A_248 = arith.select %le3A, %add3A_247, %broadcast_in_dim3A_236 : vector<16xi1>, vector<16xi32>
        %select_n3A_249 = arith.select %le3A, %broadcast_in_dim3A_238, %min3A_244 : vector<16xi1>, vector<16xi32>
        %add3A_250 = arith.addi %select_n3A_248, %select_n3A_249 : vector<16xi32>
        %shift_right_arithmetic3A_251 = arith.constant 1 : i32
        %shift_right_arithmetic3A_252 = vector.broadcast %shift_right_arithmetic3A_251 : i32 to vector<16xi32>
        %shift_right_arithmetic3A_253 = arith.shrsi %add3A_250, %shift_right_arithmetic3A_252 : vector<16xi32>
        %min3A_254 = arith.constant 2047 : i32
        %min3A_255 = vector.broadcast %min3A_254 : i32 to vector<16xi32>
        %min3A_256 = arith.minsi %shift_right_arithmetic3A_253, %min3A_255 : vector<16xi32>
        %gather3A_257 = tpu.vector_load_idx %arg10[%min3A_256] : memref<2048xi32, #tpu.memory_space<vmem>>[vector<16xi32>], vector<16xi32>,
        %le3A_258 = arith.cmpi sle, %gather3A_257, %add3A_234 : vector<16xi32>
        %add3A_259 = arith.constant 1 : i32
        %add3A_260 = vector.broadcast %add3A_259 : i32 to vector<16xi32>
        %add3A_261 = arith.addi %min3A_256, %add3A_260 : vector<16xi32>
        %select_n3A_262 = arith.select %le3A_258, %add3A_261, %select_n3A_248 : vector<16xi1>, vector<16xi32>
        %select_n3A_263 = arith.select %le3A_258, %select_n3A_249, %min3A_256 : vector<16xi1>, vector<16xi32>
        %add3A_264 = arith.addi %select_n3A_262, %select_n3A_263 : vector<16xi32>
        %shift_right_arithmetic3A_265 = arith.constant 1 : i32
        %shift_right_arithmetic3A_266 = vector.broadcast %shift_right_arithmetic3A_265 : i32 to vector<16xi32>
        %shift_right_arithmetic3A_267 = arith.shrsi %add3A_264, %shift_right_arithmetic3A_266 : vector<16xi32>
        %min3A_268 = arith.constant 2047 : i32
        %min3A_269 = vector.broadcast %min3A_268 : i32 to vector<16xi32>
        %min3A_270 = arith.minsi %shift_right_arithmetic3A_267, %min3A_269 : vector<16xi32>
        %gather3A_271 = tpu.vector_load_idx %arg10[%min3A_270] : memref<2048xi32, #tpu.memory_space<vmem>>[vector<16xi32>], vector<16xi32>,
        %le3A_272 = arith.cmpi sle, %gather3A_271, %add3A_234 : vector<16xi32>
        %add3A_273 = arith.constant 1 : i32
        %add3A_274 = vector.broadcast %add3A_273 : i32 to vector<16xi32>
        %add3A_275 = arith.addi %min3A_270, %add3A_274 : vector<16xi32>
        %select_n3A_276 = arith.select %le3A_272, %add3A_275, %select_n3A_262 : vector<16xi1>, vector<16xi32>
        %select_n3A_277 = arith.select %le3A_272, %select_n3A_263, %min3A_270 : vector<16xi1>, vector<16xi32>
        %add3A_278 = arith.addi %select_n3A_276, %select_n3A_277 : vector<16xi32>
        %shift_right_arithmetic3A_279 = arith.constant 1 : i32
        %shift_right_arithmetic3A_280 = vector.broadcast %shift_right_arithmetic3A_279 : i32 to vector<16xi32>
        %shift_right_arithmetic3A_281 = arith.shrsi %add3A_278, %shift_right_arithmetic3A_280 : vector<16xi32>
        %min3A_282 = arith.constant 2047 : i32
        %min3A_283 = vector.broadcast %min3A_282 : i32 to vector<16xi32>
        %min3A_284 = arith.minsi %shift_right_arithmetic3A_281, %min3A_283 : vector<16xi32>
        %gather3A_285 = tpu.vector_load_idx %arg10[%min3A_284] : memref<2048xi32, #tpu.memory_space<vmem>>[vector<16xi32>], vector<16xi32>,
        %le3A_286 = arith.cmpi sle, %gather3A_285, %add3A_234 : vector<16xi32>
        %add3A_287 = arith.constant 1 : i32
        %add3A_288 = vector.broadcast %add3A_287 : i32 to vector<16xi32>
        %add3A_289 = arith.addi %min3A_284, %add3A_288 : vector<16xi32>
        %select_n3A_290 = arith.select %le3A_286, %add3A_289, %select_n3A_276 : vector<16xi1>, vector<16xi32>
        %select_n3A_291 = arith.select %le3A_286, %select_n3A_277, %min3A_284 : vector<16xi1>, vector<16xi32>
        %add3A_292 = arith.addi %select_n3A_290, %select_n3A_291 : vector<16xi32>
        %shift_right_arithmetic3A_293 = arith.constant 1 : i32
        %shift_right_arithmetic3A_294 = vector.broadcast %shift_right_arithmetic3A_293 : i32 to vector<16xi32>
        %shift_right_arithmetic3A_295 = arith.shrsi %add3A_292, %shift_right_arithmetic3A_294 : vector<16xi32>
        %min3A_296 = arith.constant 2047 : i32
        %min3A_297 = vector.broadcast %min3A_296 : i32 to vector<16xi32>
        %min3A_298 = arith.minsi %shift_right_arithmetic3A_295, %min3A_297 : vector<16xi32>
        %gather3A_299 = tpu.vector_load_idx %arg10[%min3A_298] : memref<2048xi32, #tpu.memory_space<vmem>>[vector<16xi32>], vector<16xi32>,
        %le3A_300 = arith.cmpi sle, %gather3A_299, %add3A_234 : vector<16xi32>
        %add3A_301 = arith.constant 1 : i32
        %add3A_302 = vector.broadcast %add3A_301 : i32 to vector<16xi32>
        %add3A_303 = arith.addi %min3A_298, %add3A_302 : vector<16xi32>
        %select_n3A_304 = arith.select %le3A_300, %add3A_303, %select_n3A_290 : vector<16xi1>, vector<16xi32>
        %select_n3A_305 = arith.select %le3A_300, %select_n3A_291, %min3A_298 : vector<16xi1>, vector<16xi32>
        %add3A_306 = arith.addi %select_n3A_304, %select_n3A_305 : vector<16xi32>
        %shift_right_arithmetic3A_307 = arith.constant 1 : i32
        %shift_right_arithmetic3A_308 = vector.broadcast %shift_right_arithmetic3A_307 : i32 to vector<16xi32>
        %shift_right_arithmetic3A_309 = arith.shrsi %add3A_306, %shift_right_arithmetic3A_308 : vector<16xi32>
        %min3A_310 = arith.constant 2047 : i32
        %min3A_311 = vector.broadcast %min3A_310 : i32 to vector<16xi32>
        %min3A_312 = arith.minsi %shift_right_arithmetic3A_309, %min3A_311 : vector<16xi32>
        %gather3A_313 = tpu.vector_load_idx %arg10[%min3A_312] : memref<2048xi32, #tpu.memory_space<vmem>>[vector<16xi32>], vector<16xi32>,
        %le3A_314 = arith.cmpi sle, %gather3A_313, %add3A_234 : vector<16xi32>
        %add3A_315 = arith.constant 1 : i32
        %add3A_316 = vector.broadcast %add3A_315 : i32 to vector<16xi32>
        %add3A_317 = arith.addi %min3A_312, %add3A_316 : vector<16xi32>
        %select_n3A_318 = arith.select %le3A_314, %add3A_317, %select_n3A_304 : vector<16xi1>, vector<16xi32>
        %select_n3A_319 = arith.select %le3A_314, %select_n3A_305, %min3A_312 : vector<16xi1>, vector<16xi32>
        %add3A_320 = arith.addi %select_n3A_318, %select_n3A_319 : vector<16xi32>
        %shift_right_arithmetic3A_321 = arith.constant 1 : i32
        %shift_right_arithmetic3A_322 = vector.broadcast %shift_right_arithmetic3A_321 : i32 to vector<16xi32>
        %shift_right_arithmetic3A_323 = arith.shrsi %add3A_320, %shift_right_arithmetic3A_322 : vector<16xi32>
        %min3A_324 = arith.constant 2047 : i32
        %min3A_325 = vector.broadcast %min3A_324 : i32 to vector<16xi32>
        %min3A_326 = arith.minsi %shift_right_arithmetic3A_323, %min3A_325 : vector<16xi32>
        %gather3A_327 = tpu.vector_load_idx %arg10[%min3A_326] : memref<2048xi32, #tpu.memory_space<vmem>>[vector<16xi32>], vector<16xi32>,
        %le3A_328 = arith.cmpi sle, %gather3A_327, %add3A_234 : vector<16xi32>
        %add3A_329 = arith.constant 1 : i32
        %add3A_330 = vector.broadcast %add3A_329 : i32 to vector<16xi32>
        %add3A_331 = arith.addi %min3A_326, %add3A_330 : vector<16xi32>
        %select_n3A_332 = arith.select %le3A_328, %add3A_331, %select_n3A_318 : vector<16xi1>, vector<16xi32>
        %select_n3A_333 = arith.select %le3A_328, %select_n3A_319, %min3A_326 : vector<16xi1>, vector<16xi32>
        %add3A_334 = arith.addi %select_n3A_332, %select_n3A_333 : vector<16xi32>
        %shift_right_arithmetic3A_335 = arith.constant 1 : i32
        %shift_right_arithmetic3A_336 = vector.broadcast %shift_right_arithmetic3A_335 : i32 to vector<16xi32>
        %shift_right_arithmetic3A_337 = arith.shrsi %add3A_334, %shift_right_arithmetic3A_336 : vector<16xi32>
        %min3A_338 = arith.constant 2047 : i32
        %min3A_339 = vector.broadcast %min3A_338 : i32 to vector<16xi32>
        %min3A_340 = arith.minsi %shift_right_arithmetic3A_337, %min3A_339 : vector<16xi32>
        %gather3A_341 = tpu.vector_load_idx %arg10[%min3A_340] : memref<2048xi32, #tpu.memory_space<vmem>>[vector<16xi32>], vector<16xi32>,
        %le3A_342 = arith.cmpi sle, %gather3A_341, %add3A_234 : vector<16xi32>
        %add3A_343 = arith.constant 1 : i32
        %add3A_344 = vector.broadcast %add3A_343 : i32 to vector<16xi32>
        %add3A_345 = arith.addi %min3A_340, %add3A_344 : vector<16xi32>
        %select_n3A_346 = arith.select %le3A_342, %add3A_345, %select_n3A_332 : vector<16xi1>, vector<16xi32>
        %select_n3A_347 = arith.select %le3A_342, %select_n3A_333, %min3A_340 : vector<16xi1>, vector<16xi32>
        %add3A_348 = arith.addi %select_n3A_346, %select_n3A_347 : vector<16xi32>
        %shift_right_arithmetic3A_349 = arith.constant 1 : i32
        %shift_right_arithmetic3A_350 = vector.broadcast %shift_right_arithmetic3A_349 : i32 to vector<16xi32>
        %shift_right_arithmetic3A_351 = arith.shrsi %add3A_348, %shift_right_arithmetic3A_350 : vector<16xi32>
        %min3A_352 = arith.constant 2047 : i32
        %min3A_353 = vector.broadcast %min3A_352 : i32 to vector<16xi32>
        %min3A_354 = arith.minsi %shift_right_arithmetic3A_351, %min3A_353 : vector<16xi32>
        %gather3A_355 = tpu.vector_load_idx %arg10[%min3A_354] : memref<2048xi32, #tpu.memory_space<vmem>>[vector<16xi32>], vector<16xi32>,
        %le3A_356 = arith.cmpi sle, %gather3A_355, %add3A_234 : vector<16xi32>
        %add3A_357 = arith.constant 1 : i32
        %add3A_358 = vector.broadcast %add3A_357 : i32 to vector<16xi32>
        %add3A_359 = arith.addi %min3A_354, %add3A_358 : vector<16xi32>
        %select_n3A_360 = arith.select %le3A_356, %add3A_359, %select_n3A_346 : vector<16xi1>, vector<16xi32>
        %select_n3A_361 = arith.select %le3A_356, %select_n3A_347, %min3A_354 : vector<16xi1>, vector<16xi32>
        %add3A_362 = arith.addi %select_n3A_360, %select_n3A_361 : vector<16xi32>
        %shift_right_arithmetic3A_363 = arith.constant 1 : i32
        %shift_right_arithmetic3A_364 = vector.broadcast %shift_right_arithmetic3A_363 : i32 to vector<16xi32>
        %shift_right_arithmetic3A_365 = arith.shrsi %add3A_362, %shift_right_arithmetic3A_364 : vector<16xi32>
        %min3A_366 = arith.constant 2047 : i32
        %min3A_367 = vector.broadcast %min3A_366 : i32 to vector<16xi32>
        %min3A_368 = arith.minsi %shift_right_arithmetic3A_365, %min3A_367 : vector<16xi32>
        %gather3A_369 = tpu.vector_load_idx %arg10[%min3A_368] : memref<2048xi32, #tpu.memory_space<vmem>>[vector<16xi32>], vector<16xi32>,
        %le3A_370 = arith.cmpi sle, %gather3A_369, %add3A_234 : vector<16xi32>
        %add3A_371 = arith.constant 1 : i32
        %add3A_372 = vector.broadcast %add3A_371 : i32 to vector<16xi32>
        %add3A_373 = arith.addi %min3A_368, %add3A_372 : vector<16xi32>
        %select_n3A_374 = arith.select %le3A_370, %add3A_373, %select_n3A_360 : vector<16xi1>, vector<16xi32>
        %select_n3A_375 = arith.select %le3A_370, %select_n3A_361, %min3A_368 : vector<16xi1>, vector<16xi32>
        %add3A_376 = arith.addi %select_n3A_374, %select_n3A_375 : vector<16xi32>
        %shift_right_arithmetic3A_377 = arith.constant 1 : i32
        %shift_right_arithmetic3A_378 = vector.broadcast %shift_right_arithmetic3A_377 : i32 to vector<16xi32>
        %shift_right_arithmetic3A_379 = arith.shrsi %add3A_376, %shift_right_arithmetic3A_378 : vector<16xi32>
        %min3A_380 = arith.constant 2047 : i32
        %min3A_381 = vector.broadcast %min3A_380 : i32 to vector<16xi32>
        %min3A_382 = arith.minsi %shift_right_arithmetic3A_379, %min3A_381 : vector<16xi32>
        %gather3A_383 = tpu.vector_load_idx %arg10[%min3A_382] : memref<2048xi32, #tpu.memory_space<vmem>>[vector<16xi32>], vector<16xi32>,
        %le3A_384 = arith.cmpi sle, %gather3A_383, %add3A_234 : vector<16xi32>
        %add3A_385 = arith.constant 1 : i32
        %add3A_386 = vector.broadcast %add3A_385 : i32 to vector<16xi32>
        %add3A_387 = arith.addi %min3A_382, %add3A_386 : vector<16xi32>
        %select_n3A_388 = arith.select %le3A_384, %add3A_387, %select_n3A_374 : vector<16xi1>, vector<16xi32>
        %select_n3A_389 = arith.select %le3A_384, %select_n3A_375, %min3A_382 : vector<16xi1>, vector<16xi32>
        %add3A_390 = arith.addi %select_n3A_388, %select_n3A_389 : vector<16xi32>
        %shift_right_arithmetic3A_391 = arith.constant 1 : i32
        %shift_right_arithmetic3A_392 = vector.broadcast %shift_right_arithmetic3A_391 : i32 to vector<16xi32>
        %shift_right_arithmetic3A_393 = arith.shrsi %add3A_390, %shift_right_arithmetic3A_392 : vector<16xi32>
        %min3A_394 = arith.constant 2047 : i32
        %min3A_395 = vector.broadcast %min3A_394 : i32 to vector<16xi32>
        %min3A_396 = arith.minsi %shift_right_arithmetic3A_393, %min3A_395 : vector<16xi32>
        %gather3A_397 = tpu.vector_load_idx %arg10[%min3A_396] : memref<2048xi32, #tpu.memory_space<vmem>>[vector<16xi32>], vector<16xi32>,
        %le3A_398 = arith.cmpi sle, %gather3A_397, %add3A_234 : vector<16xi32>
        %add3A_399 = arith.constant 1 : i32
        %add3A_400 = vector.broadcast %add3A_399 : i32 to vector<16xi32>
        %add3A_401 = arith.addi %min3A_396, %add3A_400 : vector<16xi32>
        %select_n3A_402 = arith.select %le3A_398, %add3A_401, %select_n3A_388 : vector<16xi1>, vector<16xi32>
        %select_n3A_403 = arith.select %le3A_398, %select_n3A_389, %min3A_396 : vector<16xi1>, vector<16xi32>
        %min3A_404 = arith.constant 2047 : i32
        %min3A_405 = vector.broadcast %min3A_404 : i32 to vector<16xi32>
        %min3A_406 = arith.minsi %select_n3A_402, %min3A_405 : vector<16xi32>
        %gather3A_407 = tpu.vector_load_idx %arg9[%min3A_406] : memref<2048xi32, #tpu.memory_space<vmem>>[vector<16xi32>], vector<16xi32>,
        %gather3A_408 = tpu.vector_load_idx %arg10[%min3A_406] : memref<2048xi32, #tpu.memory_space<vmem>>[vector<16xi32>], vector<16xi32>,
        %sub3A_409 = arith.subi %gather3A_408, %gather3A_407 : vector<16xi32>
        %sub3A_410 = arith.subi %add3A_234, %sub3A_409 : vector<16xi32>
        %shift_right_arithmetic3A_411 = arith.constant 1 : i32
        %shift_right_arithmetic3A_412 = vector.broadcast %shift_right_arithmetic3A_411 : i32 to vector<16xi32>
        %shift_right_arithmetic3A_413 = arith.shrsi %gather3A_407, %shift_right_arithmetic3A_412 : vector<16xi32>
        %sub3A_414 = arith.subi %gather3A_407, %shift_right_arithmetic3A_413 : vector<16xi32>
        %convert_element_type3A_415 = arith.sitofp %sub3A_410 : vector<16xi32> to vector<16xf32>
        %convert_element_type3A_416 = arith.sitofp %shift_right_arithmetic3A_413 : vector<16xi32> to vector<16xf32>
        %sub3A_417 = arith.constant 1 : i32
        %sub3A_418 = vector.broadcast %sub3A_417 : i32 to vector<16xi32>
        %sub3A_419 = arith.subi %shift_right_arithmetic3A_413, %sub3A_418 : vector<16xi32>
        %max3A_420 = arith.constant 1 : i32
        %max3A_421 = vector.broadcast %max3A_420 : i32 to vector<16xi32>
        %max3A_422 = arith.maxsi %sub3A_419, %max3A_421 : vector<16xi32>
        %convert_element_type3A_423 = arith.sitofp %max3A_422 : vector<16xi32> to vector<16xf32>
        %sub3A_424 = arith.constant 1 : i32
        %sub3A_425 = vector.broadcast %sub3A_424 : i32 to vector<16xi32>
        %sub3A_426 = arith.subi %sub3A_414, %sub3A_425 : vector<16xi32>
        %max3A_427 = arith.constant 1 : i32
        %max3A_428 = vector.broadcast %max3A_427 : i32 to vector<16xi32>
        %max3A_429 = arith.maxsi %sub3A_426, %max3A_428 : vector<16xi32>
        %convert_element_type3A_430 = arith.sitofp %max3A_429 : vector<16xi32> to vector<16xf32>
        %gt3A_431 = arith.constant 1 : i32
        %gt3A_432 = vector.broadcast %gt3A_431 : i32 to vector<16xi32>
        %gt3A_433 = arith.cmpi sgt, %shift_right_arithmetic3A_413, %gt3A_432 : vector<16xi32>
        %div3A_434 = arith.divf %convert_element_type3A_415, %convert_element_type3A_423 : vector<16xf32>
        %jit3A_435 = arith.constant 0.000000e+00 : f32
        %broadcast_in_dim3A_436 = vector.broadcast %jit3A_435 : f32 to vector<16xf32>
        %select_n3A_437 = arith.select %gt3A_433, %div3A_434, %broadcast_in_dim3A_436 : vector<16xi1>, vector<16xf32>
        %gt3A_438 = arith.constant 1 : i32
        %gt3A_439 = vector.broadcast %gt3A_438 : i32 to vector<16xi32>
        %gt3A_440 = arith.cmpi sgt, %sub3A_414, %gt3A_439 : vector<16xi32>
        %sub3A_441 = arith.subf %convert_element_type3A_415, %convert_element_type3A_416 : vector<16xf32>
        %div3A_442 = arith.divf %sub3A_441, %convert_element_type3A_430 : vector<16xf32>
        %jit3A_443 = arith.constant 0.000000e+00 : f32
        %broadcast_in_dim3A_444 = vector.broadcast %jit3A_443 : f32 to vector<16xf32>
        %select_n3A_445 = arith.select %gt3A_440, %div3A_442, %broadcast_in_dim3A_444 : vector<16xi1>, vector<16xf32>
        %lt3A_446 = arith.cmpi slt, %sub3A_410, %shift_right_arithmetic3A_413 : vector<16xi32>
        %sub3A_447 = arith.constant 1.000000e+00 : f32
        %sub3A_448 = vector.broadcast %sub3A_447 : f32 to vector<16xf32>
        %sub3A_449 = arith.subf %sub3A_448, %select_n3A_437 : vector<16xf32>
        %jit3A_450 = arith.constant 0.000000e+00 : f32
        %broadcast_in_dim3A_451 = vector.broadcast %jit3A_450 : f32 to vector<16xf32>
        %select_n3A_452 = arith.select %lt3A_446, %sub3A_449, %broadcast_in_dim3A_451 : vector<16xi1>, vector<16xf32>
        %sub3A_453 = arith.constant 1.000000e+00 : f32
        %sub3A_454 = vector.broadcast %sub3A_453 : f32 to vector<16xf32>
        %sub3A_455 = arith.subf %sub3A_454, %select_n3A_445 : vector<16xf32>
        %select_n3A_456 = arith.select %lt3A_446, %select_n3A_437, %sub3A_455 : vector<16xi1>, vector<16xf32>
        %jit3A_457 = arith.constant 0.000000e+00 : f32
        %broadcast_in_dim3A_458 = vector.broadcast %jit3A_457 : f32 to vector<16xf32>
        %select_n3A_459 = arith.select %lt3A_446, %broadcast_in_dim3A_458, %select_n3A_445 : vector<16xi1>, vector<16xf32>
        %eq3A_460 = arith.constant 0 : i32
        %eq3A_461 = vector.broadcast %eq3A_460 : i32 to vector<16xi32>
        %eq3A_462 = arith.cmpi eq, %sub3A_410, %eq3A_461 : vector<16xi32>
        %jit3A_463 = arith.constant 1.000000e+00 : f32
        %jit3A_464 = arith.constant 0.000000e+00 : f32
        %broadcast_in_dim3A_465 = vector.broadcast %jit3A_463 : f32 to vector<16xf32>
        %broadcast_in_dim3A_466 = vector.broadcast %jit3A_464 : f32 to vector<16xf32>
        %select_n3A_467 = arith.select %eq3A_462, %broadcast_in_dim3A_465, %broadcast_in_dim3A_466 : vector<16xi1>, vector<16xf32>
        %eq3A_468 = arith.constant 1 : i32
        %eq3A_469 = vector.broadcast %eq3A_468 : i32 to vector<16xi32>
        %eq3A_470 = arith.cmpi eq, %gather3A_407, %eq3A_469 : vector<16xi32>
        %eq3A_471 = arith.constant 2 : i32
        %eq3A_472 = vector.broadcast %eq3A_471 : i32 to vector<16xi32>
        %eq3A_473 = arith.cmpi eq, %gather3A_407, %eq3A_472 : vector<16xi32>
        %select_n3A_474 = arith.select %eq3A_473, %select_n3A_467, %select_n3A_452 : vector<16xi1>, vector<16xf32>
        %jit3A_475 = arith.constant 0.000000e+00 : f32
        %broadcast_in_dim3A_476 = vector.broadcast %jit3A_475 : f32 to vector<16xf32>
        %select_n3A_477 = arith.select %eq3A_470, %broadcast_in_dim3A_476, %select_n3A_474 : vector<16xi1>, vector<16xf32>
        %jit3A_478 = arith.constant 0.000000e+00 : f32
        %broadcast_in_dim3A_479 = vector.broadcast %jit3A_478 : f32 to vector<16xf32>
        %select_n3A_480 = arith.select %eq3A_473, %broadcast_in_dim3A_479, %select_n3A_456 : vector<16xi1>, vector<16xf32>
        %jit3A_481 = arith.constant 1.000000e+00 : f32
        %broadcast_in_dim3A_482 = vector.broadcast %jit3A_481 : f32 to vector<16xf32>
        %select_n3A_483 = arith.select %eq3A_470, %broadcast_in_dim3A_482, %select_n3A_480 : vector<16xi1>, vector<16xf32>
        %sub3A_484 = arith.constant 1.000000e+00 : f32
        %sub3A_485 = vector.broadcast %sub3A_484 : f32 to vector<16xf32>
        %sub3A_486 = arith.subf %sub3A_485, %select_n3A_467 : vector<16xf32>
        %select_n3A_487 = arith.select %eq3A_473, %sub3A_486, %select_n3A_459 : vector<16xi1>, vector<16xf32>
        %jit3A_488 = arith.constant 0.000000e+00 : f32
        %broadcast_in_dim3A_489 = vector.broadcast %jit3A_488 : f32 to vector<16xf32>
        %select_n3A_490 = arith.select %eq3A_470, %broadcast_in_dim3A_489, %select_n3A_487 : vector<16xi1>, vector<16xf32>
        %lt3A_491 = arith.cmpi slt, %add3A_234, %min3A : vector<16xi32>
        %jit3A_492 = arith.constant 1.000000e+00 : f32
        %jit3A_493 = arith.constant 0.000000e+00 : f32
        %broadcast_in_dim3A_494 = vector.broadcast %jit3A_492 : f32 to vector<16xf32>
        %broadcast_in_dim3A_495 = vector.broadcast %jit3A_493 : f32 to vector<16xf32>
        %select_n3A_496 = arith.select %lt3A_491, %broadcast_in_dim3A_494, %broadcast_in_dim3A_495 : vector<16xi1>, vector<16xf32>
        %mul3A_497 = arith.mulf %select_n3A_477, %select_n3A_496 : vector<16xf32>
        %swap3A_498 = arith.index_cast %mul3A_199 : i32 to index
        %swap3A_499 = tpu.vector_load %arg12[%swap3A_498] {strides = array<i32>} : memref<2048xf32, #tpu.memory_space<vmem>>, vector<16xf32>,
        tpu.vector_store %arg12[%swap3A_498], %mul3A_497 {strides = array<i32>} : memref<2048xf32, #tpu.memory_space<vmem>>, vector<16xf32>,
        %mul3A_500 = arith.mulf %select_n3A_483, %select_n3A_496 : vector<16xf32>
        %swap3A_501 = arith.index_cast %mul3A_199 : i32 to index
        %swap3A_502 = tpu.vector_load %arg13[%swap3A_501] {strides = array<i32>} : memref<2048xf32, #tpu.memory_space<vmem>>, vector<16xf32>,
        tpu.vector_store %arg13[%swap3A_501], %mul3A_500 {strides = array<i32>} : memref<2048xf32, #tpu.memory_space<vmem>>, vector<16xf32>,
        %mul3A_503 = arith.mulf %select_n3A_490, %select_n3A_496 : vector<16xf32>
        %swap3A_504 = arith.index_cast %mul3A_199 : i32 to index
        %swap3A_505 = tpu.vector_load %arg14[%swap3A_504] {strides = array<i32>} : memref<2048xf32, #tpu.memory_space<vmem>>, vector<16xf32>,
        tpu.vector_store %arg14[%swap3A_504], %mul3A_503 {strides = array<i32>} : memref<2048xf32, #tpu.memory_space<vmem>>, vector<16xf32>,
        %jit3A_506 = arith.constant 1 : i32
        %jit3A_507 = arith.constant 0 : i32
        %broadcast_in_dim3A_508 = vector.broadcast %jit3A_506 : i32 to vector<16xi32>
        %broadcast_in_dim3A_509 = vector.broadcast %jit3A_507 : i32 to vector<16xi32>
        %select_n3A_510 = arith.select %lt3A_491, %broadcast_in_dim3A_508, %broadcast_in_dim3A_509 : vector<16xi1>, vector<16xi32>
        %swap3A_511 = arith.index_cast %mul3A_199 : i32 to index
        %swap3A_512 = tpu.vector_load %arg15[%swap3A_511] {strides = array<i32>} : memref<2048xi32, #tpu.memory_space<vmem>>, vector<16xi32>,
        tpu.vector_store %arg15[%swap3A_511], %select_n3A_510 {strides = array<i32>} : memref<2048xi32, #tpu.memory_space<vmem>>, vector<16xi32>,
        %mul3A_513 = arith.constant 2048 : i32
        %mul3A_514 = arith.muli %select_n3A, %mul3A_513 : i32
        %add3A_515 = vector.broadcast %mul3A_514 : i32 to vector<16xi32>
        %add3A_516 = arith.addi %add3A_515, %min3A_406 : vector<16xi32>
        %swap3A_517 = arith.index_cast %mul3A_199 : i32 to index
        %swap3A_518 = tpu.vector_load %arg11[%swap3A_517] {strides = array<i32>} : memref<2048xi32, #tpu.memory_space<vmem>>, vector<16xi32>,
        tpu.vector_store %arg11[%swap3A_517], %add3A_516 {strides = array<i32>} : memref<2048xi32, #tpu.memory_space<vmem>>, vector<16xi32>,
        %while3A_519 = arith.constant 0 : i32
        scf.yield %while3A_519 : i32
      }
      %mul3A_166 = arith.constant 0 : i32
      %mul3A_167 = arith.constant 64 : i32
      %mul3A_168 = arith.muli %mul3A_166, %mul3A_167 : i32
      %mul3A_169 = arith.constant 8192 : i32
      %mul3A_170 = arith.muli %select_n3A, %mul3A_169 : i32
      %mul3A_171 = arith.constant 4 : i32
      %mul3A_172 = arith.constant 0 : i32
      %mul3A_173 = arith.muli %mul3A_171, %mul3A_172 : i32
      %add3A_174 = arith.addi %select_n3A_30, %mul3A_173 : i32
      %mul3A_175 = arith.constant 64 : i32
      %mul3A_176 = arith.muli %add3A_174, %mul3A_175 : i32
      %add3A_177 = arith.addi %mul3A_170, %mul3A_176 : i32
      %dma_start3A = tpu.memref_slice %arg15[%mul3A_168] : memref<2048xi32, #tpu.memory_space<vmem>> -> memref<64xi32, #tpu.memory_space<vmem>>
      %dma_start3A_178 = tpu.memref_slice %arg8[%add3A_177] : memref<65536xi32, #tpu.memory_space<hbm>> -> memref<64xi32, #tpu.memory_space<hbm>>
      %dma_start3A_179 = tpu.memref_slice %arg8[%add3A_177] : memref<65536xi32, #tpu.memory_space<hbm>> -> memref<64xi32, #tpu.memory_space<hbm>>
      %dma_start3A_180 = tpu.memref_slice %arg15[%mul3A_168] : memref<2048xi32, #tpu.memory_space<vmem>> -> memref<64xi32, #tpu.memory_space<vmem>>
      tpu.enqueue_dma source(%dma_start3A_180 : memref<64xi32, #tpu.memory_space<vmem>>) target(%dma_start3A_179 : memref<64xi32, #tpu.memory_space<hbm>>) target_semaphore(%arg28 : memref<!tpu.dma_semaphore, #tpu.memory_space<semaphore_mem>>)
      %dma_start3A_181 = arith.constant 0 : i32
      %dma_start3A_182 = tpu.memref_slice %arg11[%dma_start3A_181] : memref<2048xi32, #tpu.memory_space<vmem>> -> memref<64xi32, #tpu.memory_space<vmem>>
      %dma_start3A_183 = arith.constant 0 : i32
      %dma_start3A_184 = arith.constant 0 : i32
      %dma_start3A_185 = tpu.memref_slice %arg2[%dma_start3A_183, %dma_start3A_184] : memref<16384x256xf32, #tpu.memory_space<hbm>> -> memref<16384x256xf32, #tpu.memory_space<hbm>>
      tpu.enqueue_indirect_dma source(%dma_start3A_185 : memref<16384x256xf32, #tpu.memory_space<hbm>>) target(%arg17 : memref<64x256xf32, #tpu.memory_space<vmem>>) offsets(%dma_start3A_182 : memref<64xi32, #tpu.memory_space<vmem>>) semaphore(%arg25 : memref<!tpu.dma_semaphore, #tpu.memory_space<semaphore_mem>>)
      %dma_start3A_186 = arith.constant 0 : i32
      %dma_start3A_187 = tpu.memref_slice %arg11[%dma_start3A_186] : memref<2048xi32, #tpu.memory_space<vmem>> -> memref<64xi32, #tpu.memory_space<vmem>>
      %dma_start3A_188 = arith.constant 0 : i32
      %dma_start3A_189 = arith.constant 0 : i32
      %dma_start3A_190 = tpu.memref_slice %arg3[%dma_start3A_188, %dma_start3A_189] : memref<16384x256xf32, #tpu.memory_space<hbm>> -> memref<16384x256xf32, #tpu.memory_space<hbm>>
      tpu.enqueue_indirect_dma source(%dma_start3A_190 : memref<16384x256xf32, #tpu.memory_space<hbm>>) target(%arg18 : memref<64x256xf32, #tpu.memory_space<vmem>>) offsets(%dma_start3A_187 : memref<64xi32, #tpu.memory_space<vmem>>) semaphore(%arg25 : memref<!tpu.dma_semaphore, #tpu.memory_space<semaphore_mem>>)
      %dma_start3A_191 = arith.constant 0 : i32
      %dma_start3A_192 = tpu.memref_slice %arg11[%dma_start3A_191] : memref<2048xi32, #tpu.memory_space<vmem>> -> memref<64xi32, #tpu.memory_space<vmem>>
      %dma_start3A_193 = arith.constant 0 : i32
      %dma_start3A_194 = arith.constant 0 : i32
      %dma_start3A_195 = tpu.memref_slice %arg4[%dma_start3A_193, %dma_start3A_194] : memref<16384x256xf32, #tpu.memory_space<hbm>> -> memref<16384x256xf32, #tpu.memory_space<hbm>>
      tpu.enqueue_indirect_dma source(%dma_start3A_195 : memref<16384x256xf32, #tpu.memory_space<hbm>>) target(%arg19 : memref<64x256xf32, #tpu.memory_space<vmem>>) offsets(%dma_start3A_192 : memref<64xi32, #tpu.memory_space<vmem>>) semaphore(%arg25 : memref<!tpu.dma_semaphore, #tpu.memory_space<semaphore_mem>>)
    } else {
    }
    %while3A = arith.constant 0 : i32
    %while3A_110 = arith.constant 0 : i32
    %while3A_111 = arith.subi %min3A_100, %while3A : i32
    %while3A_112 = arith.addi %while3A, %while3A_111 : i32
    %while3A_113 = arith.constant 1 : i32
    %while3A_114 = arith.divsi %while3A_111, %while3A_113 : i32
    %while3A_115 = arith.muli %while3A_114, %while3A_113 : i32
    %while3A_116 = arith.addi %while3A, %while3A_115 : i32
    %while3A_117 = arith.constant 1 : i32
    %while3A_118 = scf.for %while3A_147 = %while3A to %while3A_116 step %while3A_117 iter_args(%while3A_148 = %while3A_110) -> (i32)  : i32 {
      %ge3A = arith.constant 1 : i32
      %ge3A_149 = arith.cmpi sge, %while3A_147, %ge3A : i32
      %convert_element_type3A_150 = arith.extui %ge3A_149 : i1 to i32
      %cond3A_151 = arith.constant 0 : i32
      %cond3A_152 = arith.cmpi ne, %convert_element_type3A_150, %cond3A_151 : i32
      scf.if %cond3A_152 {
        %dma_wait3A = arith.constant 0 : i32
        %dma_wait3A_202 = arith.constant 0 : i32
        %dma_wait3A_203 = tpu.memref_slice %arg7[%dma_wait3A, %dma_wait3A_202] : memref<65536x256xf32, #tpu.memory_space<hbm>> -> memref<64x256xf32, #tpu.memory_space<hbm>>
        %dma_wait3A_204 = arith.constant 0 : i32
        %dma_wait3A_205 = arith.constant 0 : i32
        %dma_wait3A_206 = tpu.memref_slice %arg7[%dma_wait3A_204, %dma_wait3A_205] : memref<65536x256xf32, #tpu.memory_space<hbm>> -> memref<64x256xf32, #tpu.memory_space<hbm>>
        tpu.wait_dma2 semaphore(%arg26 : memref<!tpu.dma_semaphore, #tpu.memory_space<semaphore_mem>>) src(%dma_wait3A_206 : memref<64x256xf32, #tpu.memory_space<hbm>>) dst(%arg17 : memref<64x256xf32, #tpu.memory_space<vmem>>)
      } else {
      }
      %add3A_153 = arith.constant 1 : i32
      %add3A_154 = arith.addi %while3A_147, %add3A_153 : i32
      %lt3A_155 = arith.cmpi slt, %add3A_154, %min3A_100 : i32
      %convert_element_type3A_156 = arith.extui %lt3A_155 : i1 to i32
      %cond3A_157 = arith.constant 0 : i32
      %cond3A_158 = arith.cmpi ne, %convert_element_type3A_156, %cond3A_157 : i32
      scf.if %cond3A_158 {
        %add3A_202 = arith.constant 1 : i32
        %add3A_203 = arith.addi %while3A_147, %add3A_202 : i32
        %mul3A_204 = arith.constant 4 : i32
        %mul3A_205 = arith.muli %add3A_203, %mul3A_204 : i32
        %add3A_206 = arith.constant 1 : i32
        %add3A_207 = arith.addi %add3A_203, %add3A_206 : i32
        %mul3A_208 = arith.constant 4 : i32
        %mul3A_209 = arith.muli %add3A_207, %mul3A_208 : i32
        %while3A_210 = arith.constant 0 : i32
        %while3A_211 = arith.subi %mul3A_209, %mul3A_205 : i32
        %while3A_212 = arith.addi %mul3A_205, %while3A_211 : i32
        %while3A_213 = arith.constant 1 : i32
        %while3A_214 = arith.divsi %while3A_211, %while3A_213 : i32
        %while3A_215 = arith.muli %while3A_214, %while3A_213 : i32
        %while3A_216 = arith.addi %mul3A_205, %while3A_215 : i32
        %while3A_217 = arith.constant 1 : i32
        %while3A_218 = scf.for %while3A_236 = %mul3A_205 to %while3A_216 step %while3A_217 iter_args(%while3A_237 = %while3A_210) -> (i32)  : i32 {
          %mul3A_238 = arith.constant 16 : i32
          %mul3A_239 = arith.muli %while3A_236, %mul3A_238 : i32
          %jit3A_240 = arith.constant 64 : i32
          %div3A_241 = arith.divsi %mul3A_239, %jit3A_240 : i32
          %sign3A_242 = arith.constant 0 : i32
          %sign3A_243 = arith.cmpi sgt, %mul3A_239, %sign3A_242 : i32
          %sign3A_244 = arith.extui %sign3A_243 : i1 to i32
          %sign3A_245 = arith.constant 0 : i32
          %sign3A_246 = arith.cmpi slt, %mul3A_239, %sign3A_245 : i32
          %sign3A_247 = arith.extui %sign3A_246 : i1 to i32
          %sign3A_248 = arith.subi %sign3A_244, %sign3A_247 : i32
          %sign3A_249 = arith.constant 0 : i32
          %sign3A_250 = arith.cmpi sgt, %jit3A_240, %sign3A_249 : i32
          %sign3A_251 = arith.extui %sign3A_250 : i1 to i32
          %sign3A_252 = arith.constant 0 : i32
          %sign3A_253 = arith.cmpi slt, %jit3A_240, %sign3A_252 : i32
          %sign3A_254 = arith.extui %sign3A_253 : i1 to i32
          %sign3A_255 = arith.subi %sign3A_251, %sign3A_254 : i32
          %ne3A_256 = arith.cmpi ne, %sign3A_248, %sign3A_255 : i32
          %rem3A_257 = arith.remsi %mul3A_239, %jit3A_240 : i32
          %ne3A_258 = arith.constant 0 : i32
          %ne3A_259 = arith.cmpi ne, %rem3A_257, %ne3A_258 : i32
          %and3A_260 = arith.andi %ne3A_256, %ne3A_259 : i1
          %sub3A_261 = arith.constant 1 : i32
          %sub3A_262 = arith.subi %div3A_241, %sub3A_261 : i32
          %select_n3A_263 = arith.select %and3A_260, %sub3A_262, %div3A_241 : i32
          %mul3A_264 = arith.constant 64 : i32
          %mul3A_265 = arith.muli %select_n3A_263, %mul3A_264 : i32
          %sub3A_266 = arith.subi %mul3A_239, %mul3A_265 : i32
          %mul3A_267 = arith.constant 4 : i32
          %mul3A_268 = arith.muli %mul3A_267, %select_n3A_263 : i32
          %add3A_269 = arith.addi %select_n3A_30, %mul3A_268 : i32
          %mul3A_270 = arith.constant 64 : i32
          %mul3A_271 = arith.muli %add3A_269, %mul3A_270 : i32
          %add3A_272 = arith.addi %mul3A_271, %sub3A_266 : i32
          %iota3A = tpu.iota {dimensions = array<i32: 0>} : vector<16xi32>
          %add3A_273 = vector.broadcast %add3A_272 : i32 to vector<16xi32>
          %add3A_274 = arith.addi %add3A_273, %iota3A : vector<16xi32>
          %broadcast_in_dim3A_275 = arith.constant 0 : i32
          %broadcast_in_dim3A_276 = vector.broadcast %broadcast_in_dim3A_275 : i32 to vector<16xi32>
          %broadcast_in_dim3A_277 = arith.constant 2048 : i32
          %broadcast_in_dim3A_278 = vector.broadcast %broadcast_in_dim3A_277 : i32 to vector<16xi32>
          %add3A_279 = arith.addi %broadcast_in_dim3A_276, %broadcast_in_dim3A_278 : vector<16xi32>
          %shift_right_arithmetic3A = arith.constant 1 : i32
          %shift_right_arithmetic3A_280 = vector.broadcast %shift_right_arithmetic3A : i32 to vector<16xi32>
          %shift_right_arithmetic3A_281 = arith.shrsi %add3A_279, %shift_right_arithmetic3A_280 : vector<16xi32>
          %min3A_282 = arith.constant 2047 : i32
          %min3A_283 = vector.broadcast %min3A_282 : i32 to vector<16xi32>
          %min3A_284 = arith.minsi %shift_right_arithmetic3A_281, %min3A_283 : vector<16xi32>
          %gather3A = tpu.vector_load_idx %arg10[%min3A_284] : memref<2048xi32, #tpu.memory_space<vmem>>[vector<16xi32>], vector<16xi32>,
          %le3A = arith.cmpi sle, %gather3A, %add3A_274 : vector<16xi32>
          %add3A_285 = arith.constant 1 : i32
          %add3A_286 = vector.broadcast %add3A_285 : i32 to vector<16xi32>
          %add3A_287 = arith.addi %min3A_284, %add3A_286 : vector<16xi32>
          %select_n3A_288 = arith.select %le3A, %add3A_287, %broadcast_in_dim3A_276 : vector<16xi1>, vector<16xi32>
          %select_n3A_289 = arith.select %le3A, %broadcast_in_dim3A_278, %min3A_284 : vector<16xi1>, vector<16xi32>
          %add3A_290 = arith.addi %select_n3A_288, %select_n3A_289 : vector<16xi32>
          %shift_right_arithmetic3A_291 = arith.constant 1 : i32
          %shift_right_arithmetic3A_292 = vector.broadcast %shift_right_arithmetic3A_291 : i32 to vector<16xi32>
          %shift_right_arithmetic3A_293 = arith.shrsi %add3A_290, %shift_right_arithmetic3A_292 : vector<16xi32>
          %min3A_294 = arith.constant 2047 : i32
          %min3A_295 = vector.broadcast %min3A_294 : i32 to vector<16xi32>
          %min3A_296 = arith.minsi %shift_right_arithmetic3A_293, %min3A_295 : vector<16xi32>
          %gather3A_297 = tpu.vector_load_idx %arg10[%min3A_296] : memref<2048xi32, #tpu.memory_space<vmem>>[vector<16xi32>], vector<16xi32>,
          %le3A_298 = arith.cmpi sle, %gather3A_297, %add3A_274 : vector<16xi32>
          %add3A_299 = arith.constant 1 : i32
          %add3A_300 = vector.broadcast %add3A_299 : i32 to vector<16xi32>
          %add3A_301 = arith.addi %min3A_296, %add3A_300 : vector<16xi32>
          %select_n3A_302 = arith.select %le3A_298, %add3A_301, %select_n3A_288 : vector<16xi1>, vector<16xi32>
          %select_n3A_303 = arith.select %le3A_298, %select_n3A_289, %min3A_296 : vector<16xi1>, vector<16xi32>
          %add3A_304 = arith.addi %select_n3A_302, %select_n3A_303 : vector<16xi32>
          %shift_right_arithmetic3A_305 = arith.constant 1 : i32
          %shift_right_arithmetic3A_306 = vector.broadcast %shift_right_arithmetic3A_305 : i32 to vector<16xi32>
          %shift_right_arithmetic3A_307 = arith.shrsi %add3A_304, %shift_right_arithmetic3A_306 : vector<16xi32>
          %min3A_308 = arith.constant 2047 : i32
          %min3A_309 = vector.broadcast %min3A_308 : i32 to vector<16xi32>
          %min3A_310 = arith.minsi %shift_right_arithmetic3A_307, %min3A_309 : vector<16xi32>
          %gather3A_311 = tpu.vector_load_idx %arg10[%min3A_310] : memref<2048xi32, #tpu.memory_space<vmem>>[vector<16xi32>], vector<16xi32>,
          %le3A_312 = arith.cmpi sle, %gather3A_311, %add3A_274 : vector<16xi32>
          %add3A_313 = arith.constant 1 : i32
          %add3A_314 = vector.broadcast %add3A_313 : i32 to vector<16xi32>
          %add3A_315 = arith.addi %min3A_310, %add3A_314 : vector<16xi32>
          %select_n3A_316 = arith.select %le3A_312, %add3A_315, %select_n3A_302 : vector<16xi1>, vector<16xi32>
          %select_n3A_317 = arith.select %le3A_312, %select_n3A_303, %min3A_310 : vector<16xi1>, vector<16xi32>
          %add3A_318 = arith.addi %select_n3A_316, %select_n3A_317 : vector<16xi32>
          %shift_right_arithmetic3A_319 = arith.constant 1 : i32
          %shift_right_arithmetic3A_320 = vector.broadcast %shift_right_arithmetic3A_319 : i32 to vector<16xi32>
          %shift_right_arithmetic3A_321 = arith.shrsi %add3A_318, %shift_right_arithmetic3A_320 : vector<16xi32>
          %min3A_322 = arith.constant 2047 : i32
          %min3A_323 = vector.broadcast %min3A_322 : i32 to vector<16xi32>
          %min3A_324 = arith.minsi %shift_right_arithmetic3A_321, %min3A_323 : vector<16xi32>
          %gather3A_325 = tpu.vector_load_idx %arg10[%min3A_324] : memref<2048xi32, #tpu.memory_space<vmem>>[vector<16xi32>], vector<16xi32>,
          %le3A_326 = arith.cmpi sle, %gather3A_325, %add3A_274 : vector<16xi32>
          %add3A_327 = arith.constant 1 : i32
          %add3A_328 = vector.broadcast %add3A_327 : i32 to vector<16xi32>
          %add3A_329 = arith.addi %min3A_324, %add3A_328 : vector<16xi32>
          %select_n3A_330 = arith.select %le3A_326, %add3A_329, %select_n3A_316 : vector<16xi1>, vector<16xi32>
          %select_n3A_331 = arith.select %le3A_326, %select_n3A_317, %min3A_324 : vector<16xi1>, vector<16xi32>
          %add3A_332 = arith.addi %select_n3A_330, %select_n3A_331 : vector<16xi32>
          %shift_right_arithmetic3A_333 = arith.constant 1 : i32
          %shift_right_arithmetic3A_334 = vector.broadcast %shift_right_arithmetic3A_333 : i32 to vector<16xi32>
          %shift_right_arithmetic3A_335 = arith.shrsi %add3A_332, %shift_right_arithmetic3A_334 : vector<16xi32>
          %min3A_336 = arith.constant 2047 : i32
          %min3A_337 = vector.broadcast %min3A_336 : i32 to vector<16xi32>
          %min3A_338 = arith.minsi %shift_right_arithmetic3A_335, %min3A_337 : vector<16xi32>
          %gather3A_339 = tpu.vector_load_idx %arg10[%min3A_338] : memref<2048xi32, #tpu.memory_space<vmem>>[vector<16xi32>], vector<16xi32>,
          %le3A_340 = arith.cmpi sle, %gather3A_339, %add3A_274 : vector<16xi32>
          %add3A_341 = arith.constant 1 : i32
          %add3A_342 = vector.broadcast %add3A_341 : i32 to vector<16xi32>
          %add3A_343 = arith.addi %min3A_338, %add3A_342 : vector<16xi32>
          %select_n3A_344 = arith.select %le3A_340, %add3A_343, %select_n3A_330 : vector<16xi1>, vector<16xi32>
          %select_n3A_345 = arith.select %le3A_340, %select_n3A_331, %min3A_338 : vector<16xi1>, vector<16xi32>
          %add3A_346 = arith.addi %select_n3A_344, %select_n3A_345 : vector<16xi32>
          %shift_right_arithmetic3A_347 = arith.constant 1 : i32
          %shift_right_arithmetic3A_348 = vector.broadcast %shift_right_arithmetic3A_347 : i32 to vector<16xi32>
          %shift_right_arithmetic3A_349 = arith.shrsi %add3A_346, %shift_right_arithmetic3A_348 : vector<16xi32>
          %min3A_350 = arith.constant 2047 : i32
          %min3A_351 = vector.broadcast %min3A_350 : i32 to vector<16xi32>
          %min3A_352 = arith.minsi %shift_right_arithmetic3A_349, %min3A_351 : vector<16xi32>
          %gather3A_353 = tpu.vector_load_idx %arg10[%min3A_352] : memref<2048xi32, #tpu.memory_space<vmem>>[vector<16xi32>], vector<16xi32>,
          %le3A_354 = arith.cmpi sle, %gather3A_353, %add3A_274 : vector<16xi32>
          %add3A_355 = arith.constant 1 : i32
          %add3A_356 = vector.broadcast %add3A_355 : i32 to vector<16xi32>
          %add3A_357 = arith.addi %min3A_352, %add3A_356 : vector<16xi32>
          %select_n3A_358 = arith.select %le3A_354, %add3A_357, %select_n3A_344 : vector<16xi1>, vector<16xi32>
          %select_n3A_359 = arith.select %le3A_354, %select_n3A_345, %min3A_352 : vector<16xi1>, vector<16xi32>
          %add3A_360 = arith.addi %select_n3A_358, %select_n3A_359 : vector<16xi32>
          %shift_right_arithmetic3A_361 = arith.constant 1 : i32
          %shift_right_arithmetic3A_362 = vector.broadcast %shift_right_arithmetic3A_361 : i32 to vector<16xi32>
          %shift_right_arithmetic3A_363 = arith.shrsi %add3A_360, %shift_right_arithmetic3A_362 : vector<16xi32>
          %min3A_364 = arith.constant 2047 : i32
          %min3A_365 = vector.broadcast %min3A_364 : i32 to vector<16xi32>
          %min3A_366 = arith.minsi %shift_right_arithmetic3A_363, %min3A_365 : vector<16xi32>
          %gather3A_367 = tpu.vector_load_idx %arg10[%min3A_366] : memref<2048xi32, #tpu.memory_space<vmem>>[vector<16xi32>], vector<16xi32>,
          %le3A_368 = arith.cmpi sle, %gather3A_367, %add3A_274 : vector<16xi32>
          %add3A_369 = arith.constant 1 : i32
          %add3A_370 = vector.broadcast %add3A_369 : i32 to vector<16xi32>
          %add3A_371 = arith.addi %min3A_366, %add3A_370 : vector<16xi32>
          %select_n3A_372 = arith.select %le3A_368, %add3A_371, %select_n3A_358 : vector<16xi1>, vector<16xi32>
          %select_n3A_373 = arith.select %le3A_368, %select_n3A_359, %min3A_366 : vector<16xi1>, vector<16xi32>
          %add3A_374 = arith.addi %select_n3A_372, %select_n3A_373 : vector<16xi32>
          %shift_right_arithmetic3A_375 = arith.constant 1 : i32
          %shift_right_arithmetic3A_376 = vector.broadcast %shift_right_arithmetic3A_375 : i32 to vector<16xi32>
          %shift_right_arithmetic3A_377 = arith.shrsi %add3A_374, %shift_right_arithmetic3A_376 : vector<16xi32>
          %min3A_378 = arith.constant 2047 : i32
          %min3A_379 = vector.broadcast %min3A_378 : i32 to vector<16xi32>
          %min3A_380 = arith.minsi %shift_right_arithmetic3A_377, %min3A_379 : vector<16xi32>
          %gather3A_381 = tpu.vector_load_idx %arg10[%min3A_380] : memref<2048xi32, #tpu.memory_space<vmem>>[vector<16xi32>], vector<16xi32>,
          %le3A_382 = arith.cmpi sle, %gather3A_381, %add3A_274 : vector<16xi32>
          %add3A_383 = arith.constant 1 : i32
          %add3A_384 = vector.broadcast %add3A_383 : i32 to vector<16xi32>
          %add3A_385 = arith.addi %min3A_380, %add3A_384 : vector<16xi32>
          %select_n3A_386 = arith.select %le3A_382, %add3A_385, %select_n3A_372 : vector<16xi1>, vector<16xi32>
          %select_n3A_387 = arith.select %le3A_382, %select_n3A_373, %min3A_380 : vector<16xi1>, vector<16xi32>
          %add3A_388 = arith.addi %select_n3A_386, %select_n3A_387 : vector<16xi32>
          %shift_right_arithmetic3A_389 = arith.constant 1 : i32
          %shift_right_arithmetic3A_390 = vector.broadcast %shift_right_arithmetic3A_389 : i32 to vector<16xi32>
          %shift_right_arithmetic3A_391 = arith.shrsi %add3A_388, %shift_right_arithmetic3A_390 : vector<16xi32>
          %min3A_392 = arith.constant 2047 : i32
          %min3A_393 = vector.broadcast %min3A_392 : i32 to vector<16xi32>
          %min3A_394 = arith.minsi %shift_right_arithmetic3A_391, %min3A_393 : vector<16xi32>
          %gather3A_395 = tpu.vector_load_idx %arg10[%min3A_394] : memref<2048xi32, #tpu.memory_space<vmem>>[vector<16xi32>], vector<16xi32>,
          %le3A_396 = arith.cmpi sle, %gather3A_395, %add3A_274 : vector<16xi32>
          %add3A_397 = arith.constant 1 : i32
          %add3A_398 = vector.broadcast %add3A_397 : i32 to vector<16xi32>
          %add3A_399 = arith.addi %min3A_394, %add3A_398 : vector<16xi32>
          %select_n3A_400 = arith.select %le3A_396, %add3A_399, %select_n3A_386 : vector<16xi1>, vector<16xi32>
          %select_n3A_401 = arith.select %le3A_396, %select_n3A_387, %min3A_394 : vector<16xi1>, vector<16xi32>
          %add3A_402 = arith.addi %select_n3A_400, %select_n3A_401 : vector<16xi32>
          %shift_right_arithmetic3A_403 = arith.constant 1 : i32
          %shift_right_arithmetic3A_404 = vector.broadcast %shift_right_arithmetic3A_403 : i32 to vector<16xi32>
          %shift_right_arithmetic3A_405 = arith.shrsi %add3A_402, %shift_right_arithmetic3A_404 : vector<16xi32>
          %min3A_406 = arith.constant 2047 : i32
          %min3A_407 = vector.broadcast %min3A_406 : i32 to vector<16xi32>
          %min3A_408 = arith.minsi %shift_right_arithmetic3A_405, %min3A_407 : vector<16xi32>
          %gather3A_409 = tpu.vector_load_idx %arg10[%min3A_408] : memref<2048xi32, #tpu.memory_space<vmem>>[vector<16xi32>], vector<16xi32>,
          %le3A_410 = arith.cmpi sle, %gather3A_409, %add3A_274 : vector<16xi32>
          %add3A_411 = arith.constant 1 : i32
          %add3A_412 = vector.broadcast %add3A_411 : i32 to vector<16xi32>
          %add3A_413 = arith.addi %min3A_408, %add3A_412 : vector<16xi32>
          %select_n3A_414 = arith.select %le3A_410, %add3A_413, %select_n3A_400 : vector<16xi1>, vector<16xi32>
          %select_n3A_415 = arith.select %le3A_410, %select_n3A_401, %min3A_408 : vector<16xi1>, vector<16xi32>
          %add3A_416 = arith.addi %select_n3A_414, %select_n3A_415 : vector<16xi32>
          %shift_right_arithmetic3A_417 = arith.constant 1 : i32
          %shift_right_arithmetic3A_418 = vector.broadcast %shift_right_arithmetic3A_417 : i32 to vector<16xi32>
          %shift_right_arithmetic3A_419 = arith.shrsi %add3A_416, %shift_right_arithmetic3A_418 : vector<16xi32>
          %min3A_420 = arith.constant 2047 : i32
          %min3A_421 = vector.broadcast %min3A_420 : i32 to vector<16xi32>
          %min3A_422 = arith.minsi %shift_right_arithmetic3A_419, %min3A_421 : vector<16xi32>
          %gather3A_423 = tpu.vector_load_idx %arg10[%min3A_422] : memref<2048xi32, #tpu.memory_space<vmem>>[vector<16xi32>], vector<16xi32>,
          %le3A_424 = arith.cmpi sle, %gather3A_423, %add3A_274 : vector<16xi32>
          %add3A_425 = arith.constant 1 : i32
          %add3A_426 = vector.broadcast %add3A_425 : i32 to vector<16xi32>
          %add3A_427 = arith.addi %min3A_422, %add3A_426 : vector<16xi32>
          %select_n3A_428 = arith.select %le3A_424, %add3A_427, %select_n3A_414 : vector<16xi1>, vector<16xi32>
          %select_n3A_429 = arith.select %le3A_424, %select_n3A_415, %min3A_422 : vector<16xi1>, vector<16xi32>
          %add3A_430 = arith.addi %select_n3A_428, %select_n3A_429 : vector<16xi32>
          %shift_right_arithmetic3A_431 = arith.constant 1 : i32
          %shift_right_arithmetic3A_432 = vector.broadcast %shift_right_arithmetic3A_431 : i32 to vector<16xi32>
          %shift_right_arithmetic3A_433 = arith.shrsi %add3A_430, %shift_right_arithmetic3A_432 : vector<16xi32>
          %min3A_434 = arith.constant 2047 : i32
          %min3A_435 = vector.broadcast %min3A_434 : i32 to vector<16xi32>
          %min3A_436 = arith.minsi %shift_right_arithmetic3A_433, %min3A_435 : vector<16xi32>
          %gather3A_437 = tpu.vector_load_idx %arg10[%min3A_436] : memref<2048xi32, #tpu.memory_space<vmem>>[vector<16xi32>], vector<16xi32>,
          %le3A_438 = arith.cmpi sle, %gather3A_437, %add3A_274 : vector<16xi32>
          %add3A_439 = arith.constant 1 : i32
          %add3A_440 = vector.broadcast %add3A_439 : i32 to vector<16xi32>
          %add3A_441 = arith.addi %min3A_436, %add3A_440 : vector<16xi32>
          %select_n3A_442 = arith.select %le3A_438, %add3A_441, %select_n3A_428 : vector<16xi1>, vector<16xi32>
          %select_n3A_443 = arith.select %le3A_438, %select_n3A_429, %min3A_436 : vector<16xi1>, vector<16xi32>
          %min3A_444 = arith.constant 2047 : i32
          %min3A_445 = vector.broadcast %min3A_444 : i32 to vector<16xi32>
          %min3A_446 = arith.minsi %select_n3A_442, %min3A_445 : vector<16xi32>
          %gather3A_447 = tpu.vector_load_idx %arg9[%min3A_446] : memref<2048xi32, #tpu.memory_space<vmem>>[vector<16xi32>], vector<16xi32>,
          %gather3A_448 = tpu.vector_load_idx %arg10[%min3A_446] : memref<2048xi32, #tpu.memory_space<vmem>>[vector<16xi32>], vector<16xi32>,
          %sub3A_449 = arith.subi %gather3A_448, %gather3A_447 : vector<16xi32>
          %sub3A_450 = arith.subi %add3A_274, %sub3A_449 : vector<16xi32>
          %shift_right_arithmetic3A_451 = arith.constant 1 : i32
          %shift_right_arithmetic3A_452 = vector.broadcast %shift_right_arithmetic3A_451 : i32 to vector<16xi32>
          %shift_right_arithmetic3A_453 = arith.shrsi %gather3A_447, %shift_right_arithmetic3A_452 : vector<16xi32>
          %sub3A_454 = arith.subi %gather3A_447, %shift_right_arithmetic3A_453 : vector<16xi32>
          %convert_element_type3A_455 = arith.sitofp %sub3A_450 : vector<16xi32> to vector<16xf32>
          %convert_element_type3A_456 = arith.sitofp %shift_right_arithmetic3A_453 : vector<16xi32> to vector<16xf32>
          %sub3A_457 = arith.constant 1 : i32
          %sub3A_458 = vector.broadcast %sub3A_457 : i32 to vector<16xi32>
          %sub3A_459 = arith.subi %shift_right_arithmetic3A_453, %sub3A_458 : vector<16xi32>
          %max3A_460 = arith.constant 1 : i32
          %max3A_461 = vector.broadcast %max3A_460 : i32 to vector<16xi32>
          %max3A_462 = arith.maxsi %sub3A_459, %max3A_461 : vector<16xi32>
          %convert_element_type3A_463 = arith.sitofp %max3A_462 : vector<16xi32> to vector<16xf32>
          %sub3A_464 = arith.constant 1 : i32
          %sub3A_465 = vector.broadcast %sub3A_464 : i32 to vector<16xi32>
          %sub3A_466 = arith.subi %sub3A_454, %sub3A_465 : vector<16xi32>
          %max3A_467 = arith.constant 1 : i32
          %max3A_468 = vector.broadcast %max3A_467 : i32 to vector<16xi32>
          %max3A_469 = arith.maxsi %sub3A_466, %max3A_468 : vector<16xi32>
          %convert_element_type3A_470 = arith.sitofp %max3A_469 : vector<16xi32> to vector<16xf32>
          %gt3A_471 = arith.constant 1 : i32
          %gt3A_472 = vector.broadcast %gt3A_471 : i32 to vector<16xi32>
          %gt3A_473 = arith.cmpi sgt, %shift_right_arithmetic3A_453, %gt3A_472 : vector<16xi32>
          %div3A_474 = arith.divf %convert_element_type3A_455, %convert_element_type3A_463 : vector<16xf32>
          %jit3A_475 = arith.constant 0.000000e+00 : f32
          %broadcast_in_dim3A_476 = vector.broadcast %jit3A_475 : f32 to vector<16xf32>
          %select_n3A_477 = arith.select %gt3A_473, %div3A_474, %broadcast_in_dim3A_476 : vector<16xi1>, vector<16xf32>
          %gt3A_478 = arith.constant 1 : i32
          %gt3A_479 = vector.broadcast %gt3A_478 : i32 to vector<16xi32>
          %gt3A_480 = arith.cmpi sgt, %sub3A_454, %gt3A_479 : vector<16xi32>
          %sub3A_481 = arith.subf %convert_element_type3A_455, %convert_element_type3A_456 : vector<16xf32>
          %div3A_482 = arith.divf %sub3A_481, %convert_element_type3A_470 : vector<16xf32>
          %jit3A_483 = arith.constant 0.000000e+00 : f32
          %broadcast_in_dim3A_484 = vector.broadcast %jit3A_483 : f32 to vector<16xf32>
          %select_n3A_485 = arith.select %gt3A_480, %div3A_482, %broadcast_in_dim3A_484 : vector<16xi1>, vector<16xf32>
          %lt3A_486 = arith.cmpi slt, %sub3A_450, %shift_right_arithmetic3A_453 : vector<16xi32>
          %sub3A_487 = arith.constant 1.000000e+00 : f32
          %sub3A_488 = vector.broadcast %sub3A_487 : f32 to vector<16xf32>
          %sub3A_489 = arith.subf %sub3A_488, %select_n3A_477 : vector<16xf32>
          %jit3A_490 = arith.constant 0.000000e+00 : f32
          %broadcast_in_dim3A_491 = vector.broadcast %jit3A_490 : f32 to vector<16xf32>
          %select_n3A_492 = arith.select %lt3A_486, %sub3A_489, %broadcast_in_dim3A_491 : vector<16xi1>, vector<16xf32>
          %sub3A_493 = arith.constant 1.000000e+00 : f32
          %sub3A_494 = vector.broadcast %sub3A_493 : f32 to vector<16xf32>
          %sub3A_495 = arith.subf %sub3A_494, %select_n3A_485 : vector<16xf32>
          %select_n3A_496 = arith.select %lt3A_486, %select_n3A_477, %sub3A_495 : vector<16xi1>, vector<16xf32>
          %jit3A_497 = arith.constant 0.000000e+00 : f32
          %broadcast_in_dim3A_498 = vector.broadcast %jit3A_497 : f32 to vector<16xf32>
          %select_n3A_499 = arith.select %lt3A_486, %broadcast_in_dim3A_498, %select_n3A_485 : vector<16xi1>, vector<16xf32>
          %eq3A_500 = arith.constant 0 : i32
          %eq3A_501 = vector.broadcast %eq3A_500 : i32 to vector<16xi32>
          %eq3A_502 = arith.cmpi eq, %sub3A_450, %eq3A_501 : vector<16xi32>
          %jit3A_503 = arith.constant 1.000000e+00 : f32
          %jit3A_504 = arith.constant 0.000000e+00 : f32
          %broadcast_in_dim3A_505 = vector.broadcast %jit3A_503 : f32 to vector<16xf32>
          %broadcast_in_dim3A_506 = vector.broadcast %jit3A_504 : f32 to vector<16xf32>
          %select_n3A_507 = arith.select %eq3A_502, %broadcast_in_dim3A_505, %broadcast_in_dim3A_506 : vector<16xi1>, vector<16xf32>
          %eq3A_508 = arith.constant 1 : i32
          %eq3A_509 = vector.broadcast %eq3A_508 : i32 to vector<16xi32>
          %eq3A_510 = arith.cmpi eq, %gather3A_447, %eq3A_509 : vector<16xi32>
          %eq3A_511 = arith.constant 2 : i32
          %eq3A_512 = vector.broadcast %eq3A_511 : i32 to vector<16xi32>
          %eq3A_513 = arith.cmpi eq, %gather3A_447, %eq3A_512 : vector<16xi32>
          %select_n3A_514 = arith.select %eq3A_513, %select_n3A_507, %select_n3A_492 : vector<16xi1>, vector<16xf32>
          %jit3A_515 = arith.constant 0.000000e+00 : f32
          %broadcast_in_dim3A_516 = vector.broadcast %jit3A_515 : f32 to vector<16xf32>
          %select_n3A_517 = arith.select %eq3A_510, %broadcast_in_dim3A_516, %select_n3A_514 : vector<16xi1>, vector<16xf32>
          %jit3A_518 = arith.constant 0.000000e+00 : f32
          %broadcast_in_dim3A_519 = vector.broadcast %jit3A_518 : f32 to vector<16xf32>
          %select_n3A_520 = arith.select %eq3A_513, %broadcast_in_dim3A_519, %select_n3A_496 : vector<16xi1>, vector<16xf32>
          %jit3A_521 = arith.constant 1.000000e+00 : f32
          %broadcast_in_dim3A_522 = vector.broadcast %jit3A_521 : f32 to vector<16xf32>
          %select_n3A_523 = arith.select %eq3A_510, %broadcast_in_dim3A_522, %select_n3A_520 : vector<16xi1>, vector<16xf32>
          %sub3A_524 = arith.constant 1.000000e+00 : f32
          %sub3A_525 = vector.broadcast %sub3A_524 : f32 to vector<16xf32>
          %sub3A_526 = arith.subf %sub3A_525, %select_n3A_507 : vector<16xf32>
          %select_n3A_527 = arith.select %eq3A_513, %sub3A_526, %select_n3A_499 : vector<16xi1>, vector<16xf32>
          %jit3A_528 = arith.constant 0.000000e+00 : f32
          %broadcast_in_dim3A_529 = vector.broadcast %jit3A_528 : f32 to vector<16xf32>
          %select_n3A_530 = arith.select %eq3A_510, %broadcast_in_dim3A_529, %select_n3A_527 : vector<16xi1>, vector<16xf32>
          %lt3A_531 = arith.cmpi slt, %add3A_274, %min3A : vector<16xi32>
          %jit3A_532 = arith.constant 1.000000e+00 : f32
          %jit3A_533 = arith.constant 0.000000e+00 : f32
          %broadcast_in_dim3A_534 = vector.broadcast %jit3A_532 : f32 to vector<16xf32>
          %broadcast_in_dim3A_535 = vector.broadcast %jit3A_533 : f32 to vector<16xf32>
          %select_n3A_536 = arith.select %lt3A_531, %broadcast_in_dim3A_534, %broadcast_in_dim3A_535 : vector<16xi1>, vector<16xf32>
          %mul3A_537 = arith.mulf %select_n3A_517, %select_n3A_536 : vector<16xf32>
          %swap3A_538 = arith.index_cast %mul3A_239 : i32 to index
          %swap3A_539 = tpu.vector_load %arg12[%swap3A_538] {strides = array<i32>} : memref<2048xf32, #tpu.memory_space<vmem>>, vector<16xf32>,
          tpu.vector_store %arg12[%swap3A_538], %mul3A_537 {strides = array<i32>} : memref<2048xf32, #tpu.memory_space<vmem>>, vector<16xf32>,
          %mul3A_540 = arith.mulf %select_n3A_523, %select_n3A_536 : vector<16xf32>
          %swap3A_541 = arith.index_cast %mul3A_239 : i32 to index
          %swap3A_542 = tpu.vector_load %arg13[%swap3A_541] {strides = array<i32>} : memref<2048xf32, #tpu.memory_space<vmem>>, vector<16xf32>,
          tpu.vector_store %arg13[%swap3A_541], %mul3A_540 {strides = array<i32>} : memref<2048xf32, #tpu.memory_space<vmem>>, vector<16xf32>,
          %mul3A_543 = arith.mulf %select_n3A_530, %select_n3A_536 : vector<16xf32>
          %swap3A_544 = arith.index_cast %mul3A_239 : i32 to index
          %swap3A_545 = tpu.vector_load %arg14[%swap3A_544] {strides = array<i32>} : memref<2048xf32, #tpu.memory_space<vmem>>, vector<16xf32>,
          tpu.vector_store %arg14[%swap3A_544], %mul3A_543 {strides = array<i32>} : memref<2048xf32, #tpu.memory_space<vmem>>, vector<16xf32>,
          %jit3A_546 = arith.constant 1 : i32
          %jit3A_547 = arith.constant 0 : i32
          %broadcast_in_dim3A_548 = vector.broadcast %jit3A_546 : i32 to vector<16xi32>
          %broadcast_in_dim3A_549 = vector.broadcast %jit3A_547 : i32 to vector<16xi32>
          %select_n3A_550 = arith.select %lt3A_531, %broadcast_in_dim3A_548, %broadcast_in_dim3A_549 : vector<16xi1>, vector<16xi32>
          %swap3A_551 = arith.index_cast %mul3A_239 : i32 to index
          %swap3A_552 = tpu.vector_load %arg15[%swap3A_551] {strides = array<i32>} : memref<2048xi32, #tpu.memory_space<vmem>>, vector<16xi32>,
          tpu.vector_store %arg15[%swap3A_551], %select_n3A_550 {strides = array<i32>} : memref<2048xi32, #tpu.memory_space<vmem>>, vector<16xi32>,
          %mul3A_553 = arith.constant 2048 : i32
          %mul3A_554 = arith.muli %select_n3A, %mul3A_553 : i32
          %add3A_555 = vector.broadcast %mul3A_554 : i32 to vector<16xi32>
          %add3A_556 = arith.addi %add3A_555, %min3A_446 : vector<16xi32>
          %swap3A_557 = arith.index_cast %mul3A_239 : i32 to index
          %swap3A_558 = tpu.vector_load %arg11[%swap3A_557] {strides = array<i32>} : memref<2048xi32, #tpu.memory_space<vmem>>, vector<16xi32>,
          tpu.vector_store %arg11[%swap3A_557], %add3A_556 {strides = array<i32>} : memref<2048xi32, #tpu.memory_space<vmem>>, vector<16xi32>,
          %while3A_559 = arith.constant 0 : i32
          scf.yield %while3A_559 : i32
        }
        %while3A_219 = arith.constant 1 : i32
        %while3A_220 = scf.for %while3A_236 = %while3A_216 to %while3A_212 step %while3A_219 iter_args(%while3A_237 = %while3A_218) -> (i32)  : i32 {
          %mul3A_238 = arith.constant 16 : i32
          %mul3A_239 = arith.muli %while3A_236, %mul3A_238 : i32
          %jit3A_240 = arith.constant 64 : i32
          %div3A_241 = arith.divsi %mul3A_239, %jit3A_240 : i32
          %sign3A_242 = arith.constant 0 : i32
          %sign3A_243 = arith.cmpi sgt, %mul3A_239, %sign3A_242 : i32
          %sign3A_244 = arith.extui %sign3A_243 : i1 to i32
          %sign3A_245 = arith.constant 0 : i32
          %sign3A_246 = arith.cmpi slt, %mul3A_239, %sign3A_245 : i32
          %sign3A_247 = arith.extui %sign3A_246 : i1 to i32
          %sign3A_248 = arith.subi %sign3A_244, %sign3A_247 : i32
          %sign3A_249 = arith.constant 0 : i32
          %sign3A_250 = arith.cmpi sgt, %jit3A_240, %sign3A_249 : i32
          %sign3A_251 = arith.extui %sign3A_250 : i1 to i32
          %sign3A_252 = arith.constant 0 : i32
          %sign3A_253 = arith.cmpi slt, %jit3A_240, %sign3A_252 : i32
          %sign3A_254 = arith.extui %sign3A_253 : i1 to i32
          %sign3A_255 = arith.subi %sign3A_251, %sign3A_254 : i32
          %ne3A_256 = arith.cmpi ne, %sign3A_248, %sign3A_255 : i32
          %rem3A_257 = arith.remsi %mul3A_239, %jit3A_240 : i32
          %ne3A_258 = arith.constant 0 : i32
          %ne3A_259 = arith.cmpi ne, %rem3A_257, %ne3A_258 : i32
          %and3A_260 = arith.andi %ne3A_256, %ne3A_259 : i1
          %sub3A_261 = arith.constant 1 : i32
          %sub3A_262 = arith.subi %div3A_241, %sub3A_261 : i32
          %select_n3A_263 = arith.select %and3A_260, %sub3A_262, %div3A_241 : i32
          %mul3A_264 = arith.constant 64 : i32
          %mul3A_265 = arith.muli %select_n3A_263, %mul3A_264 : i32
          %sub3A_266 = arith.subi %mul3A_239, %mul3A_265 : i32
          %mul3A_267 = arith.constant 4 : i32
          %mul3A_268 = arith.muli %mul3A_267, %select_n3A_263 : i32
          %add3A_269 = arith.addi %select_n3A_30, %mul3A_268 : i32
          %mul3A_270 = arith.constant 64 : i32
          %mul3A_271 = arith.muli %add3A_269, %mul3A_270 : i32
          %add3A_272 = arith.addi %mul3A_271, %sub3A_266 : i32
          %iota3A = tpu.iota {dimensions = array<i32: 0>} : vector<16xi32>
          %add3A_273 = vector.broadcast %add3A_272 : i32 to vector<16xi32>
          %add3A_274 = arith.addi %add3A_273, %iota3A : vector<16xi32>
          %broadcast_in_dim3A_275 = arith.constant 0 : i32
          %broadcast_in_dim3A_276 = vector.broadcast %broadcast_in_dim3A_275 : i32 to vector<16xi32>
          %broadcast_in_dim3A_277 = arith.constant 2048 : i32
          %broadcast_in_dim3A_278 = vector.broadcast %broadcast_in_dim3A_277 : i32 to vector<16xi32>
          %add3A_279 = arith.addi %broadcast_in_dim3A_276, %broadcast_in_dim3A_278 : vector<16xi32>
          %shift_right_arithmetic3A = arith.constant 1 : i32
          %shift_right_arithmetic3A_280 = vector.broadcast %shift_right_arithmetic3A : i32 to vector<16xi32>
          %shift_right_arithmetic3A_281 = arith.shrsi %add3A_279, %shift_right_arithmetic3A_280 : vector<16xi32>
          %min3A_282 = arith.constant 2047 : i32
          %min3A_283 = vector.broadcast %min3A_282 : i32 to vector<16xi32>
          %min3A_284 = arith.minsi %shift_right_arithmetic3A_281, %min3A_283 : vector<16xi32>
          %gather3A = tpu.vector_load_idx %arg10[%min3A_284] : memref<2048xi32, #tpu.memory_space<vmem>>[vector<16xi32>], vector<16xi32>,
          %le3A = arith.cmpi sle, %gather3A, %add3A_274 : vector<16xi32>
          %add3A_285 = arith.constant 1 : i32
          %add3A_286 = vector.broadcast %add3A_285 : i32 to vector<16xi32>
          %add3A_287 = arith.addi %min3A_284, %add3A_286 : vector<16xi32>
          %select_n3A_288 = arith.select %le3A, %add3A_287, %broadcast_in_dim3A_276 : vector<16xi1>, vector<16xi32>
          %select_n3A_289 = arith.select %le3A, %broadcast_in_dim3A_278, %min3A_284 : vector<16xi1>, vector<16xi32>
          %add3A_290 = arith.addi %select_n3A_288, %select_n3A_289 : vector<16xi32>
          %shift_right_arithmetic3A_291 = arith.constant 1 : i32
          %shift_right_arithmetic3A_292 = vector.broadcast %shift_right_arithmetic3A_291 : i32 to vector<16xi32>
          %shift_right_arithmetic3A_293 = arith.shrsi %add3A_290, %shift_right_arithmetic3A_292 : vector<16xi32>
          %min3A_294 = arith.constant 2047 : i32
          %min3A_295 = vector.broadcast %min3A_294 : i32 to vector<16xi32>
          %min3A_296 = arith.minsi %shift_right_arithmetic3A_293, %min3A_295 : vector<16xi32>
          %gather3A_297 = tpu.vector_load_idx %arg10[%min3A_296] : memref<2048xi32, #tpu.memory_space<vmem>>[vector<16xi32>], vector<16xi32>,
          %le3A_298 = arith.cmpi sle, %gather3A_297, %add3A_274 : vector<16xi32>
          %add3A_299 = arith.constant 1 : i32
          %add3A_300 = vector.broadcast %add3A_299 : i32 to vector<16xi32>
          %add3A_301 = arith.addi %min3A_296, %add3A_300 : vector<16xi32>
          %select_n3A_302 = arith.select %le3A_298, %add3A_301, %select_n3A_288 : vector<16xi1>, vector<16xi32>
          %select_n3A_303 = arith.select %le3A_298, %select_n3A_289, %min3A_296 : vector<16xi1>, vector<16xi32>
          %add3A_304 = arith.addi %select_n3A_302, %select_n3A_303 : vector<16xi32>
          %shift_right_arithmetic3A_305 = arith.constant 1 : i32
          %shift_right_arithmetic3A_306 = vector.broadcast %shift_right_arithmetic3A_305 : i32 to vector<16xi32>
          %shift_right_arithmetic3A_307 = arith.shrsi %add3A_304, %shift_right_arithmetic3A_306 : vector<16xi32>
          %min3A_308 = arith.constant 2047 : i32
          %min3A_309 = vector.broadcast %min3A_308 : i32 to vector<16xi32>
          %min3A_310 = arith.minsi %shift_right_arithmetic3A_307, %min3A_309 : vector<16xi32>
          %gather3A_311 = tpu.vector_load_idx %arg10[%min3A_310] : memref<2048xi32, #tpu.memory_space<vmem>>[vector<16xi32>], vector<16xi32>,
          %le3A_312 = arith.cmpi sle, %gather3A_311, %add3A_274 : vector<16xi32>
          %add3A_313 = arith.constant 1 : i32
          %add3A_314 = vector.broadcast %add3A_313 : i32 to vector<16xi32>
          %add3A_315 = arith.addi %min3A_310, %add3A_314 : vector<16xi32>
          %select_n3A_316 = arith.select %le3A_312, %add3A_315, %select_n3A_302 : vector<16xi1>, vector<16xi32>
          %select_n3A_317 = arith.select %le3A_312, %select_n3A_303, %min3A_310 : vector<16xi1>, vector<16xi32>
          %add3A_318 = arith.addi %select_n3A_316, %select_n3A_317 : vector<16xi32>
          %shift_right_arithmetic3A_319 = arith.constant 1 : i32
          %shift_right_arithmetic3A_320 = vector.broadcast %shift_right_arithmetic3A_319 : i32 to vector<16xi32>
          %shift_right_arithmetic3A_321 = arith.shrsi %add3A_318, %shift_right_arithmetic3A_320 : vector<16xi32>
          %min3A_322 = arith.constant 2047 : i32
          %min3A_323 = vector.broadcast %min3A_322 : i32 to vector<16xi32>
          %min3A_324 = arith.minsi %shift_right_arithmetic3A_321, %min3A_323 : vector<16xi32>
          %gather3A_325 = tpu.vector_load_idx %arg10[%min3A_324] : memref<2048xi32, #tpu.memory_space<vmem>>[vector<16xi32>], vector<16xi32>,
          %le3A_326 = arith.cmpi sle, %gather3A_325, %add3A_274 : vector<16xi32>
          %add3A_327 = arith.constant 1 : i32
          %add3A_328 = vector.broadcast %add3A_327 : i32 to vector<16xi32>
          %add3A_329 = arith.addi %min3A_324, %add3A_328 : vector<16xi32>
          %select_n3A_330 = arith.select %le3A_326, %add3A_329, %select_n3A_316 : vector<16xi1>, vector<16xi32>
          %select_n3A_331 = arith.select %le3A_326, %select_n3A_317, %min3A_324 : vector<16xi1>, vector<16xi32>
          %add3A_332 = arith.addi %select_n3A_330, %select_n3A_331 : vector<16xi32>
          %shift_right_arithmetic3A_333 = arith.constant 1 : i32
          %shift_right_arithmetic3A_334 = vector.broadcast %shift_right_arithmetic3A_333 : i32 to vector<16xi32>
          %shift_right_arithmetic3A_335 = arith.shrsi %add3A_332, %shift_right_arithmetic3A_334 : vector<16xi32>
          %min3A_336 = arith.constant 2047 : i32
          %min3A_337 = vector.broadcast %min3A_336 : i32 to vector<16xi32>
          %min3A_338 = arith.minsi %shift_right_arithmetic3A_335, %min3A_337 : vector<16xi32>
          %gather3A_339 = tpu.vector_load_idx %arg10[%min3A_338] : memref<2048xi32, #tpu.memory_space<vmem>>[vector<16xi32>], vector<16xi32>,
          %le3A_340 = arith.cmpi sle, %gather3A_339, %add3A_274 : vector<16xi32>
          %add3A_341 = arith.constant 1 : i32
          %add3A_342 = vector.broadcast %add3A_341 : i32 to vector<16xi32>
          %add3A_343 = arith.addi %min3A_338, %add3A_342 : vector<16xi32>
          %select_n3A_344 = arith.select %le3A_340, %add3A_343, %select_n3A_330 : vector<16xi1>, vector<16xi32>
          %select_n3A_345 = arith.select %le3A_340, %select_n3A_331, %min3A_338 : vector<16xi1>, vector<16xi32>
          %add3A_346 = arith.addi %select_n3A_344, %select_n3A_345 : vector<16xi32>
          %shift_right_arithmetic3A_347 = arith.constant 1 : i32
          %shift_right_arithmetic3A_348 = vector.broadcast %shift_right_arithmetic3A_347 : i32 to vector<16xi32>
          %shift_right_arithmetic3A_349 = arith.shrsi %add3A_346, %shift_right_arithmetic3A_348 : vector<16xi32>
          %min3A_350 = arith.constant 2047 : i32
          %min3A_351 = vector.broadcast %min3A_350 : i32 to vector<16xi32>
          %min3A_352 = arith.minsi %shift_right_arithmetic3A_349, %min3A_351 : vector<16xi32>
          %gather3A_353 = tpu.vector_load_idx %arg10[%min3A_352] : memref<2048xi32, #tpu.memory_space<vmem>>[vector<16xi32>], vector<16xi32>,
          %le3A_354 = arith.cmpi sle, %gather3A_353, %add3A_274 : vector<16xi32>
          %add3A_355 = arith.constant 1 : i32
          %add3A_356 = vector.broadcast %add3A_355 : i32 to vector<16xi32>
          %add3A_357 = arith.addi %min3A_352, %add3A_356 : vector<16xi32>
          %select_n3A_358 = arith.select %le3A_354, %add3A_357, %select_n3A_344 : vector<16xi1>, vector<16xi32>
          %select_n3A_359 = arith.select %le3A_354, %select_n3A_345, %min3A_352 : vector<16xi1>, vector<16xi32>
          %add3A_360 = arith.addi %select_n3A_358, %select_n3A_359 : vector<16xi32>
          %shift_right_arithmetic3A_361 = arith.constant 1 : i32
          %shift_right_arithmetic3A_362 = vector.broadcast %shift_right_arithmetic3A_361 : i32 to vector<16xi32>
          %shift_right_arithmetic3A_363 = arith.shrsi %add3A_360, %shift_right_arithmetic3A_362 : vector<16xi32>
          %min3A_364 = arith.constant 2047 : i32
          %min3A_365 = vector.broadcast %min3A_364 : i32 to vector<16xi32>
          %min3A_366 = arith.minsi %shift_right_arithmetic3A_363, %min3A_365 : vector<16xi32>
          %gather3A_367 = tpu.vector_load_idx %arg10[%min3A_366] : memref<2048xi32, #tpu.memory_space<vmem>>[vector<16xi32>], vector<16xi32>,
          %le3A_368 = arith.cmpi sle, %gather3A_367, %add3A_274 : vector<16xi32>
          %add3A_369 = arith.constant 1 : i32
          %add3A_370 = vector.broadcast %add3A_369 : i32 to vector<16xi32>
          %add3A_371 = arith.addi %min3A_366, %add3A_370 : vector<16xi32>
          %select_n3A_372 = arith.select %le3A_368, %add3A_371, %select_n3A_358 : vector<16xi1>, vector<16xi32>
          %select_n3A_373 = arith.select %le3A_368, %select_n3A_359, %min3A_366 : vector<16xi1>, vector<16xi32>
          %add3A_374 = arith.addi %select_n3A_372, %select_n3A_373 : vector<16xi32>
          %shift_right_arithmetic3A_375 = arith.constant 1 : i32
          %shift_right_arithmetic3A_376 = vector.broadcast %shift_right_arithmetic3A_375 : i32 to vector<16xi32>
          %shift_right_arithmetic3A_377 = arith.shrsi %add3A_374, %shift_right_arithmetic3A_376 : vector<16xi32>
          %min3A_378 = arith.constant 2047 : i32
          %min3A_379 = vector.broadcast %min3A_378 : i32 to vector<16xi32>
          %min3A_380 = arith.minsi %shift_right_arithmetic3A_377, %min3A_379 : vector<16xi32>
          %gather3A_381 = tpu.vector_load_idx %arg10[%min3A_380] : memref<2048xi32, #tpu.memory_space<vmem>>[vector<16xi32>], vector<16xi32>,
          %le3A_382 = arith.cmpi sle, %gather3A_381, %add3A_274 : vector<16xi32>
          %add3A_383 = arith.constant 1 : i32
          %add3A_384 = vector.broadcast %add3A_383 : i32 to vector<16xi32>
          %add3A_385 = arith.addi %min3A_380, %add3A_384 : vector<16xi32>
          %select_n3A_386 = arith.select %le3A_382, %add3A_385, %select_n3A_372 : vector<16xi1>, vector<16xi32>
          %select_n3A_387 = arith.select %le3A_382, %select_n3A_373, %min3A_380 : vector<16xi1>, vector<16xi32>
          %add3A_388 = arith.addi %select_n3A_386, %select_n3A_387 : vector<16xi32>
          %shift_right_arithmetic3A_389 = arith.constant 1 : i32
          %shift_right_arithmetic3A_390 = vector.broadcast %shift_right_arithmetic3A_389 : i32 to vector<16xi32>
          %shift_right_arithmetic3A_391 = arith.shrsi %add3A_388, %shift_right_arithmetic3A_390 : vector<16xi32>
          %min3A_392 = arith.constant 2047 : i32
          %min3A_393 = vector.broadcast %min3A_392 : i32 to vector<16xi32>
          %min3A_394 = arith.minsi %shift_right_arithmetic3A_391, %min3A_393 : vector<16xi32>
          %gather3A_395 = tpu.vector_load_idx %arg10[%min3A_394] : memref<2048xi32, #tpu.memory_space<vmem>>[vector<16xi32>], vector<16xi32>,
          %le3A_396 = arith.cmpi sle, %gather3A_395, %add3A_274 : vector<16xi32>
          %add3A_397 = arith.constant 1 : i32
          %add3A_398 = vector.broadcast %add3A_397 : i32 to vector<16xi32>
          %add3A_399 = arith.addi %min3A_394, %add3A_398 : vector<16xi32>
          %select_n3A_400 = arith.select %le3A_396, %add3A_399, %select_n3A_386 : vector<16xi1>, vector<16xi32>
          %select_n3A_401 = arith.select %le3A_396, %select_n3A_387, %min3A_394 : vector<16xi1>, vector<16xi32>
          %add3A_402 = arith.addi %select_n3A_400, %select_n3A_401 : vector<16xi32>
          %shift_right_arithmetic3A_403 = arith.constant 1 : i32
          %shift_right_arithmetic3A_404 = vector.broadcast %shift_right_arithmetic3A_403 : i32 to vector<16xi32>
          %shift_right_arithmetic3A_405 = arith.shrsi %add3A_402, %shift_right_arithmetic3A_404 : vector<16xi32>
          %min3A_406 = arith.constant 2047 : i32
          %min3A_407 = vector.broadcast %min3A_406 : i32 to vector<16xi32>
          %min3A_408 = arith.minsi %shift_right_arithmetic3A_405, %min3A_407 : vector<16xi32>
          %gather3A_409 = tpu.vector_load_idx %arg10[%min3A_408] : memref<2048xi32, #tpu.memory_space<vmem>>[vector<16xi32>], vector<16xi32>,
          %le3A_410 = arith.cmpi sle, %gather3A_409, %add3A_274 : vector<16xi32>
          %add3A_411 = arith.constant 1 : i32
          %add3A_412 = vector.broadcast %add3A_411 : i32 to vector<16xi32>
          %add3A_413 = arith.addi %min3A_408, %add3A_412 : vector<16xi32>
          %select_n3A_414 = arith.select %le3A_410, %add3A_413, %select_n3A_400 : vector<16xi1>, vector<16xi32>
          %select_n3A_415 = arith.select %le3A_410, %select_n3A_401, %min3A_408 : vector<16xi1>, vector<16xi32>
          %add3A_416 = arith.addi %select_n3A_414, %select_n3A_415 : vector<16xi32>
          %shift_right_arithmetic3A_417 = arith.constant 1 : i32
          %shift_right_arithmetic3A_418 = vector.broadcast %shift_right_arithmetic3A_417 : i32 to vector<16xi32>
          %shift_right_arithmetic3A_419 = arith.shrsi %add3A_416, %shift_right_arithmetic3A_418 : vector<16xi32>
          %min3A_420 = arith.constant 2047 : i32
          %min3A_421 = vector.broadcast %min3A_420 : i32 to vector<16xi32>
          %min3A_422 = arith.minsi %shift_right_arithmetic3A_419, %min3A_421 : vector<16xi32>
          %gather3A_423 = tpu.vector_load_idx %arg10[%min3A_422] : memref<2048xi32, #tpu.memory_space<vmem>>[vector<16xi32>], vector<16xi32>,
          %le3A_424 = arith.cmpi sle, %gather3A_423, %add3A_274 : vector<16xi32>
          %add3A_425 = arith.constant 1 : i32
          %add3A_426 = vector.broadcast %add3A_425 : i32 to vector<16xi32>
          %add3A_427 = arith.addi %min3A_422, %add3A_426 : vector<16xi32>
          %select_n3A_428 = arith.select %le3A_424, %add3A_427, %select_n3A_414 : vector<16xi1>, vector<16xi32>
          %select_n3A_429 = arith.select %le3A_424, %select_n3A_415, %min3A_422 : vector<16xi1>, vector<16xi32>
          %add3A_430 = arith.addi %select_n3A_428, %select_n3A_429 : vector<16xi32>
          %shift_right_arithmetic3A_431 = arith.constant 1 : i32
          %shift_right_arithmetic3A_432 = vector.broadcast %shift_right_arithmetic3A_431 : i32 to vector<16xi32>
          %shift_right_arithmetic3A_433 = arith.shrsi %add3A_430, %shift_right_arithmetic3A_432 : vector<16xi32>
          %min3A_434 = arith.constant 2047 : i32
          %min3A_435 = vector.broadcast %min3A_434 : i32 to vector<16xi32>
          %min3A_436 = arith.minsi %shift_right_arithmetic3A_433, %min3A_435 : vector<16xi32>
          %gather3A_437 = tpu.vector_load_idx %arg10[%min3A_436] : memref<2048xi32, #tpu.memory_space<vmem>>[vector<16xi32>], vector<16xi32>,
          %le3A_438 = arith.cmpi sle, %gather3A_437, %add3A_274 : vector<16xi32>
          %add3A_439 = arith.constant 1 : i32
          %add3A_440 = vector.broadcast %add3A_439 : i32 to vector<16xi32>
          %add3A_441 = arith.addi %min3A_436, %add3A_440 : vector<16xi32>
          %select_n3A_442 = arith.select %le3A_438, %add3A_441, %select_n3A_428 : vector<16xi1>, vector<16xi32>
          %select_n3A_443 = arith.select %le3A_438, %select_n3A_429, %min3A_436 : vector<16xi1>, vector<16xi32>
          %min3A_444 = arith.constant 2047 : i32
          %min3A_445 = vector.broadcast %min3A_444 : i32 to vector<16xi32>
          %min3A_446 = arith.minsi %select_n3A_442, %min3A_445 : vector<16xi32>
          %gather3A_447 = tpu.vector_load_idx %arg9[%min3A_446] : memref<2048xi32, #tpu.memory_space<vmem>>[vector<16xi32>], vector<16xi32>,
          %gather3A_448 = tpu.vector_load_idx %arg10[%min3A_446] : memref<2048xi32, #tpu.memory_space<vmem>>[vector<16xi32>], vector<16xi32>,
          %sub3A_449 = arith.subi %gather3A_448, %gather3A_447 : vector<16xi32>
          %sub3A_450 = arith.subi %add3A_274, %sub3A_449 : vector<16xi32>
          %shift_right_arithmetic3A_451 = arith.constant 1 : i32
          %shift_right_arithmetic3A_452 = vector.broadcast %shift_right_arithmetic3A_451 : i32 to vector<16xi32>
          %shift_right_arithmetic3A_453 = arith.shrsi %gather3A_447, %shift_right_arithmetic3A_452 : vector<16xi32>
          %sub3A_454 = arith.subi %gather3A_447, %shift_right_arithmetic3A_453 : vector<16xi32>
          %convert_element_type3A_455 = arith.sitofp %sub3A_450 : vector<16xi32> to vector<16xf32>
          %convert_element_type3A_456 = arith.sitofp %shift_right_arithmetic3A_453 : vector<16xi32> to vector<16xf32>
          %sub3A_457 = arith.constant 1 : i32
          %sub3A_458 = vector.broadcast %sub3A_457 : i32 to vector<16xi32>
          %sub3A_459 = arith.subi %shift_right_arithmetic3A_453, %sub3A_458 : vector<16xi32>
          %max3A_460 = arith.constant 1 : i32
          %max3A_461 = vector.broadcast %max3A_460 : i32 to vector<16xi32>
          %max3A_462 = arith.maxsi %sub3A_459, %max3A_461 : vector<16xi32>
          %convert_element_type3A_463 = arith.sitofp %max3A_462 : vector<16xi32> to vector<16xf32>
          %sub3A_464 = arith.constant 1 : i32
          %sub3A_465 = vector.broadcast %sub3A_464 : i32 to vector<16xi32>
          %sub3A_466 = arith.subi %sub3A_454, %sub3A_465 : vector<16xi32>
          %max3A_467 = arith.constant 1 : i32
          %max3A_468 = vector.broadcast %max3A_467 : i32 to vector<16xi32>
          %max3A_469 = arith.maxsi %sub3A_466, %max3A_468 : vector<16xi32>
          %convert_element_type3A_470 = arith.sitofp %max3A_469 : vector<16xi32> to vector<16xf32>
          %gt3A_471 = arith.constant 1 : i32
          %gt3A_472 = vector.broadcast %gt3A_471 : i32 to vector<16xi32>
          %gt3A_473 = arith.cmpi sgt, %shift_right_arithmetic3A_453, %gt3A_472 : vector<16xi32>
          %div3A_474 = arith.divf %convert_element_type3A_455, %convert_element_type3A_463 : vector<16xf32>
          %jit3A_475 = arith.constant 0.000000e+00 : f32
          %broadcast_in_dim3A_476 = vector.broadcast %jit3A_475 : f32 to vector<16xf32>
          %select_n3A_477 = arith.select %gt3A_473, %div3A_474, %broadcast_in_dim3A_476 : vector<16xi1>, vector<16xf32>
          %gt3A_478 = arith.constant 1 : i32
          %gt3A_479 = vector.broadcast %gt3A_478 : i32 to vector<16xi32>
          %gt3A_480 = arith.cmpi sgt, %sub3A_454, %gt3A_479 : vector<16xi32>
          %sub3A_481 = arith.subf %convert_element_type3A_455, %convert_element_type3A_456 : vector<16xf32>
          %div3A_482 = arith.divf %sub3A_481, %convert_element_type3A_470 : vector<16xf32>
          %jit3A_483 = arith.constant 0.000000e+00 : f32
          %broadcast_in_dim3A_484 = vector.broadcast %jit3A_483 : f32 to vector<16xf32>
          %select_n3A_485 = arith.select %gt3A_480, %div3A_482, %broadcast_in_dim3A_484 : vector<16xi1>, vector<16xf32>
          %lt3A_486 = arith.cmpi slt, %sub3A_450, %shift_right_arithmetic3A_453 : vector<16xi32>
          %sub3A_487 = arith.constant 1.000000e+00 : f32
          %sub3A_488 = vector.broadcast %sub3A_487 : f32 to vector<16xf32>
          %sub3A_489 = arith.subf %sub3A_488, %select_n3A_477 : vector<16xf32>
          %jit3A_490 = arith.constant 0.000000e+00 : f32
          %broadcast_in_dim3A_491 = vector.broadcast %jit3A_490 : f32 to vector<16xf32>
          %select_n3A_492 = arith.select %lt3A_486, %sub3A_489, %broadcast_in_dim3A_491 : vector<16xi1>, vector<16xf32>
          %sub3A_493 = arith.constant 1.000000e+00 : f32
          %sub3A_494 = vector.broadcast %sub3A_493 : f32 to vector<16xf32>
          %sub3A_495 = arith.subf %sub3A_494, %select_n3A_485 : vector<16xf32>
          %select_n3A_496 = arith.select %lt3A_486, %select_n3A_477, %sub3A_495 : vector<16xi1>, vector<16xf32>
          %jit3A_497 = arith.constant 0.000000e+00 : f32
          %broadcast_in_dim3A_498 = vector.broadcast %jit3A_497 : f32 to vector<16xf32>
          %select_n3A_499 = arith.select %lt3A_486, %broadcast_in_dim3A_498, %select_n3A_485 : vector<16xi1>, vector<16xf32>
          %eq3A_500 = arith.constant 0 : i32
          %eq3A_501 = vector.broadcast %eq3A_500 : i32 to vector<16xi32>
          %eq3A_502 = arith.cmpi eq, %sub3A_450, %eq3A_501 : vector<16xi32>
          %jit3A_503 = arith.constant 1.000000e+00 : f32
          %jit3A_504 = arith.constant 0.000000e+00 : f32
          %broadcast_in_dim3A_505 = vector.broadcast %jit3A_503 : f32 to vector<16xf32>
          %broadcast_in_dim3A_506 = vector.broadcast %jit3A_504 : f32 to vector<16xf32>
          %select_n3A_507 = arith.select %eq3A_502, %broadcast_in_dim3A_505, %broadcast_in_dim3A_506 : vector<16xi1>, vector<16xf32>
          %eq3A_508 = arith.constant 1 : i32
          %eq3A_509 = vector.broadcast %eq3A_508 : i32 to vector<16xi32>
          %eq3A_510 = arith.cmpi eq, %gather3A_447, %eq3A_509 : vector<16xi32>
          %eq3A_511 = arith.constant 2 : i32
          %eq3A_512 = vector.broadcast %eq3A_511 : i32 to vector<16xi32>
          %eq3A_513 = arith.cmpi eq, %gather3A_447, %eq3A_512 : vector<16xi32>
          %select_n3A_514 = arith.select %eq3A_513, %select_n3A_507, %select_n3A_492 : vector<16xi1>, vector<16xf32>
          %jit3A_515 = arith.constant 0.000000e+00 : f32
          %broadcast_in_dim3A_516 = vector.broadcast %jit3A_515 : f32 to vector<16xf32>
          %select_n3A_517 = arith.select %eq3A_510, %broadcast_in_dim3A_516, %select_n3A_514 : vector<16xi1>, vector<16xf32>
          %jit3A_518 = arith.constant 0.000000e+00 : f32
          %broadcast_in_dim3A_519 = vector.broadcast %jit3A_518 : f32 to vector<16xf32>
          %select_n3A_520 = arith.select %eq3A_513, %broadcast_in_dim3A_519, %select_n3A_496 : vector<16xi1>, vector<16xf32>
          %jit3A_521 = arith.constant 1.000000e+00 : f32
          %broadcast_in_dim3A_522 = vector.broadcast %jit3A_521 : f32 to vector<16xf32>
          %select_n3A_523 = arith.select %eq3A_510, %broadcast_in_dim3A_522, %select_n3A_520 : vector<16xi1>, vector<16xf32>
          %sub3A_524 = arith.constant 1.000000e+00 : f32
          %sub3A_525 = vector.broadcast %sub3A_524 : f32 to vector<16xf32>
          %sub3A_526 = arith.subf %sub3A_525, %select_n3A_507 : vector<16xf32>
          %select_n3A_527 = arith.select %eq3A_513, %sub3A_526, %select_n3A_499 : vector<16xi1>, vector<16xf32>
          %jit3A_528 = arith.constant 0.000000e+00 : f32
          %broadcast_in_dim3A_529 = vector.broadcast %jit3A_528 : f32 to vector<16xf32>
          %select_n3A_530 = arith.select %eq3A_510, %broadcast_in_dim3A_529, %select_n3A_527 : vector<16xi1>, vector<16xf32>
          %lt3A_531 = arith.cmpi slt, %add3A_274, %min3A : vector<16xi32>
          %jit3A_532 = arith.constant 1.000000e+00 : f32
          %jit3A_533 = arith.constant 0.000000e+00 : f32
          %broadcast_in_dim3A_534 = vector.broadcast %jit3A_532 : f32 to vector<16xf32>
          %broadcast_in_dim3A_535 = vector.broadcast %jit3A_533 : f32 to vector<16xf32>
          %select_n3A_536 = arith.select %lt3A_531, %broadcast_in_dim3A_534, %broadcast_in_dim3A_535 : vector<16xi1>, vector<16xf32>
          %mul3A_537 = arith.mulf %select_n3A_517, %select_n3A_536 : vector<16xf32>
          %swap3A_538 = arith.index_cast %mul3A_239 : i32 to index
          %swap3A_539 = tpu.vector_load %arg12[%swap3A_538] {strides = array<i32>} : memref<2048xf32, #tpu.memory_space<vmem>>, vector<16xf32>,
          tpu.vector_store %arg12[%swap3A_538], %mul3A_537 {strides = array<i32>} : memref<2048xf32, #tpu.memory_space<vmem>>, vector<16xf32>,
          %mul3A_540 = arith.mulf %select_n3A_523, %select_n3A_536 : vector<16xf32>
          %swap3A_541 = arith.index_cast %mul3A_239 : i32 to index
          %swap3A_542 = tpu.vector_load %arg13[%swap3A_541] {strides = array<i32>} : memref<2048xf32, #tpu.memory_space<vmem>>, vector<16xf32>,
          tpu.vector_store %arg13[%swap3A_541], %mul3A_540 {strides = array<i32>} : memref<2048xf32, #tpu.memory_space<vmem>>, vector<16xf32>,
          %mul3A_543 = arith.mulf %select_n3A_530, %select_n3A_536 : vector<16xf32>
          %swap3A_544 = arith.index_cast %mul3A_239 : i32 to index
          %swap3A_545 = tpu.vector_load %arg14[%swap3A_544] {strides = array<i32>} : memref<2048xf32, #tpu.memory_space<vmem>>, vector<16xf32>,
          tpu.vector_store %arg14[%swap3A_544], %mul3A_543 {strides = array<i32>} : memref<2048xf32, #tpu.memory_space<vmem>>, vector<16xf32>,
          %jit3A_546 = arith.constant 1 : i32
          %jit3A_547 = arith.constant 0 : i32
          %broadcast_in_dim3A_548 = vector.broadcast %jit3A_546 : i32 to vector<16xi32>
          %broadcast_in_dim3A_549 = vector.broadcast %jit3A_547 : i32 to vector<16xi32>
          %select_n3A_550 = arith.select %lt3A_531, %broadcast_in_dim3A_548, %broadcast_in_dim3A_549 : vector<16xi1>, vector<16xi32>
          %swap3A_551 = arith.index_cast %mul3A_239 : i32 to index
          %swap3A_552 = tpu.vector_load %arg15[%swap3A_551] {strides = array<i32>} : memref<2048xi32, #tpu.memory_space<vmem>>, vector<16xi32>,
          tpu.vector_store %arg15[%swap3A_551], %select_n3A_550 {strides = array<i32>} : memref<2048xi32, #tpu.memory_space<vmem>>, vector<16xi32>,
          %mul3A_553 = arith.constant 2048 : i32
          %mul3A_554 = arith.muli %select_n3A, %mul3A_553 : i32
          %add3A_555 = vector.broadcast %mul3A_554 : i32 to vector<16xi32>
          %add3A_556 = arith.addi %add3A_555, %min3A_446 : vector<16xi32>
          %swap3A_557 = arith.index_cast %mul3A_239 : i32 to index
          %swap3A_558 = tpu.vector_load %arg11[%swap3A_557] {strides = array<i32>} : memref<2048xi32, #tpu.memory_space<vmem>>, vector<16xi32>,
          tpu.vector_store %arg11[%swap3A_557], %add3A_556 {strides = array<i32>} : memref<2048xi32, #tpu.memory_space<vmem>>, vector<16xi32>,
          %while3A_559 = arith.constant 0 : i32
          scf.yield %while3A_559 : i32
        }
        %add3A_221 = arith.constant 1 : i32
        %add3A_222 = arith.addi %while3A_147, %add3A_221 : i32
        %mul3A_223 = arith.constant 64 : i32
        %mul3A_224 = arith.muli %add3A_222, %mul3A_223 : i32
        %mul3A_225 = arith.constant 8192 : i32
        %mul3A_226 = arith.muli %select_n3A, %mul3A_225 : i32
        %mul3A_227 = arith.constant 4 : i32
        %mul3A_228 = arith.muli %mul3A_227, %add3A_222 : i32
        %add3A_229 = arith.addi %select_n3A_30, %mul3A_228 : i32
        %mul3A_230 = arith.constant 64 : i32
        %mul3A_231 = arith.muli %add3A_229, %mul3A_230 : i32
        %add3A_232 = arith.addi %mul3A_226, %mul3A_231 : i32
        %dma_start3A = tpu.memref_slice %arg15[%mul3A_224] : memref<2048xi32, #tpu.memory_space<vmem>> -> memref<64xi32, #tpu.memory_space<vmem>>
        %dma_start3A_233 = tpu.memref_slice %arg8[%add3A_232] : memref<65536xi32, #tpu.memory_space<hbm>> -> memref<64xi32, #tpu.memory_space<hbm>>
        %dma_start3A_234 = tpu.memref_slice %arg8[%add3A_232] : memref<65536xi32, #tpu.memory_space<hbm>> -> memref<64xi32, #tpu.memory_space<hbm>>
        %dma_start3A_235 = tpu.memref_slice %arg15[%mul3A_224] : memref<2048xi32, #tpu.memory_space<vmem>> -> memref<64xi32, #tpu.memory_space<vmem>>
        tpu.enqueue_dma source(%dma_start3A_235 : memref<64xi32, #tpu.memory_space<vmem>>) target(%dma_start3A_234 : memref<64xi32, #tpu.memory_space<hbm>>) target_semaphore(%arg28 : memref<!tpu.dma_semaphore, #tpu.memory_space<semaphore_mem>>)
      } else {
      }
      %jit3A_159 = arith.constant 2 : i32
      %eq3A_160 = arith.constant 0 : i32
      %eq3A_161 = arith.cmpi eq, %jit3A_159, %eq3A_160 : i32
      %jit3A_162 = arith.constant 1 : i32
      %select_n3A_163 = arith.select %eq3A_161, %jit3A_162, %jit3A_159 : i32
      %rem3A_164 = arith.remsi %while3A_147, %select_n3A_163 : i32
      %ne3A_165 = arith.constant 0 : i32
      %ne3A_166 = arith.cmpi ne, %rem3A_164, %ne3A_165 : i32
      %lt3A_167 = arith.constant 0 : i32
      %lt3A_168 = arith.cmpi slt, %rem3A_164, %lt3A_167 : i32
      %lt3A_169 = arith.constant 0 : i32
      %lt3A_170 = arith.cmpi slt, %select_n3A_163, %lt3A_169 : i32
      %ne3A_171 = arith.xori %lt3A_168, %lt3A_170 : i1
      %and3A_172 = arith.andi %ne3A_171, %ne3A_166 : i1
      %add3A_173 = arith.addi %rem3A_164, %select_n3A_163 : i32
      %select_n3A_174 = arith.select %and3A_172, %add3A_173, %rem3A_164 : i32
      %eq3A_175 = arith.constant 0 : i32
      %eq3A_176 = arith.cmpi eq, %select_n3A_174, %eq3A_175 : i32
      %convert_element_type3A_177 = arith.extui %eq3A_176 : i1 to i32
      %cond3A_178 = arith.constant 0 : i32
      %cond3A_179 = arith.cmpi ne, %convert_element_type3A_177, %cond3A_178 : i32
      scf.if %cond3A_179 {
        %add3A_202 = arith.constant 1 : i32
        %add3A_203 = arith.addi %while3A_147, %add3A_202 : i32
        %lt3A_204 = arith.cmpi slt, %add3A_203, %min3A_100 : i32
        %convert_element_type3A_205 = arith.extui %lt3A_204 : i1 to i32
        %cond3A_206 = arith.constant 0 : i32
        %cond3A_207 = arith.cmpi ne, %convert_element_type3A_205, %cond3A_206 : i32
        scf.if %cond3A_207 {
          %add3A_245 = arith.constant 1 : i32
          %add3A_246 = arith.addi %while3A_147, %add3A_245 : i32
          %mul3A_247 = arith.constant 64 : i32
          %mul3A_248 = arith.muli %add3A_246, %mul3A_247 : i32
          %dma_start3A_249 = tpu.memref_slice %arg11[%mul3A_248] : memref<2048xi32, #tpu.memory_space<vmem>> -> memref<64xi32, #tpu.memory_space<vmem>>
          %dma_start3A_250 = arith.constant 0 : i32
          %dma_start3A_251 = arith.constant 0 : i32
          %dma_start3A_252 = tpu.memref_slice %arg2[%dma_start3A_250, %dma_start3A_251] : memref<16384x256xf32, #tpu.memory_space<hbm>> -> memref<16384x256xf32, #tpu.memory_space<hbm>>
          tpu.enqueue_indirect_dma source(%dma_start3A_252 : memref<16384x256xf32, #tpu.memory_space<hbm>>) target(%arg20 : memref<64x256xf32, #tpu.memory_space<vmem>>) offsets(%dma_start3A_249 : memref<64xi32, #tpu.memory_space<vmem>>) semaphore(%arg25 : memref<!tpu.dma_semaphore, #tpu.memory_space<semaphore_mem>>)
          %dma_start3A_253 = tpu.memref_slice %arg11[%mul3A_248] : memref<2048xi32, #tpu.memory_space<vmem>> -> memref<64xi32, #tpu.memory_space<vmem>>
          %dma_start3A_254 = arith.constant 0 : i32
          %dma_start3A_255 = arith.constant 0 : i32
          %dma_start3A_256 = tpu.memref_slice %arg3[%dma_start3A_254, %dma_start3A_255] : memref<16384x256xf32, #tpu.memory_space<hbm>> -> memref<16384x256xf32, #tpu.memory_space<hbm>>
          tpu.enqueue_indirect_dma source(%dma_start3A_256 : memref<16384x256xf32, #tpu.memory_space<hbm>>) target(%arg21 : memref<64x256xf32, #tpu.memory_space<vmem>>) offsets(%dma_start3A_253 : memref<64xi32, #tpu.memory_space<vmem>>) semaphore(%arg25 : memref<!tpu.dma_semaphore, #tpu.memory_space<semaphore_mem>>)
          %dma_start3A_257 = tpu.memref_slice %arg11[%mul3A_248] : memref<2048xi32, #tpu.memory_space<vmem>> -> memref<64xi32, #tpu.memory_space<vmem>>
          %dma_start3A_258 = arith.constant 0 : i32
          %dma_start3A_259 = arith.constant 0 : i32
          %dma_start3A_260 = tpu.memref_slice %arg4[%dma_start3A_258, %dma_start3A_259] : memref<16384x256xf32, #tpu.memory_space<hbm>> -> memref<16384x256xf32, #tpu.memory_space<hbm>>
          tpu.enqueue_indirect_dma source(%dma_start3A_260 : memref<16384x256xf32, #tpu.memory_space<hbm>>) target(%arg22 : memref<64x256xf32, #tpu.memory_space<vmem>>) offsets(%dma_start3A_257 : memref<64xi32, #tpu.memory_space<vmem>>) semaphore(%arg25 : memref<!tpu.dma_semaphore, #tpu.memory_space<semaphore_mem>>)
        } else {
        }
        %dma_wait3A = arith.constant 0 : i32
        %dma_wait3A_208 = arith.constant 0 : i32
        %dma_wait3A_209 = tpu.memref_slice %arg2[%dma_wait3A, %dma_wait3A_208] : memref<16384x256xf32, #tpu.memory_space<hbm>> -> memref<64x256xf32, #tpu.memory_space<hbm>>
        %dma_wait3A_210 = arith.constant 0 : i32
        %dma_wait3A_211 = arith.constant 0 : i32
        %dma_wait3A_212 = tpu.memref_slice %arg2[%dma_wait3A_210, %dma_wait3A_211] : memref<16384x256xf32, #tpu.memory_space<hbm>> -> memref<64x256xf32, #tpu.memory_space<hbm>>
        tpu.wait_dma2 semaphore(%arg25 : memref<!tpu.dma_semaphore, #tpu.memory_space<semaphore_mem>>) src(%dma_wait3A_212 : memref<64x256xf32, #tpu.memory_space<hbm>>) dst(%arg17 : memref<64x256xf32, #tpu.memory_space<vmem>>)
        %dma_wait3A_213 = arith.constant 0 : i32
        %dma_wait3A_214 = arith.constant 0 : i32
        %dma_wait3A_215 = tpu.memref_slice %arg3[%dma_wait3A_213, %dma_wait3A_214] : memref<16384x256xf32, #tpu.memory_space<hbm>> -> memref<64x256xf32, #tpu.memory_space<hbm>>
        %dma_wait3A_216 = arith.constant 0 : i32
        %dma_wait3A_217 = arith.constant 0 : i32
        %dma_wait3A_218 = tpu.memref_slice %arg3[%dma_wait3A_216, %dma_wait3A_217] : memref<16384x256xf32, #tpu.memory_space<hbm>> -> memref<64x256xf32, #tpu.memory_space<hbm>>
        tpu.wait_dma2 semaphore(%arg25 : memref<!tpu.dma_semaphore, #tpu.memory_space<semaphore_mem>>) src(%dma_wait3A_218 : memref<64x256xf32, #tpu.memory_space<hbm>>) dst(%arg18 : memref<64x256xf32, #tpu.memory_space<vmem>>)
        %dma_wait3A_219 = arith.constant 0 : i32
        %dma_wait3A_220 = arith.constant 0 : i32
        %dma_wait3A_221 = tpu.memref_slice %arg4[%dma_wait3A_219, %dma_wait3A_220] : memref<16384x256xf32, #tpu.memory_space<hbm>> -> memref<64x256xf32, #tpu.memory_space<hbm>>
        %dma_wait3A_222 = arith.constant 0 : i32
        %dma_wait3A_223 = arith.constant 0 : i32
        %dma_wait3A_224 = tpu.memref_slice %arg4[%dma_wait3A_222, %dma_wait3A_223] : memref<16384x256xf32, #tpu.memory_space<hbm>> -> memref<64x256xf32, #tpu.memory_space<hbm>>
        tpu.wait_dma2 semaphore(%arg25 : memref<!tpu.dma_semaphore, #tpu.memory_space<semaphore_mem>>) src(%dma_wait3A_224 : memref<64x256xf32, #tpu.memory_space<hbm>>) dst(%arg19 : memref<64x256xf32, #tpu.memory_space<vmem>>)
        %mul3A_225 = arith.constant 64 : i32
        %mul3A_226 = arith.muli %while3A_147, %mul3A_225 : i32
        %scan3A_227 = arith.constant 0 : i32
        %scan3A_228 = arith.constant 0 : i32
        %scan3A_229 = arith.constant 64 : i32
        %scan3A_230 = arith.addi %scan3A_228, %scan3A_229 : i32
        %scan3A_231 = arith.constant 1 : i32
        %scan3A_232 = scf.for %scan3A_245 = %scan3A_228 to %scan3A_230 step %scan3A_231 iter_args(%scan3A_246 = %scan3A_227) -> (i32)  : i32 {
          %add3A_247 = arith.addi %mul3A_226, %scan3A_245 : i32
          %broadcast_in_dim3A_248 = vector.broadcast %add3A_247 : i32 to vector<16xi32>
          %gather3A = tpu.vector_load_idx %arg12[%broadcast_in_dim3A_248] : memref<2048xf32, #tpu.memory_space<vmem>>[vector<16xi32>], vector<16xf32>,
          %gather3A_249 = tpu.vector_load_idx %arg13[%broadcast_in_dim3A_248] : memref<2048xf32, #tpu.memory_space<vmem>>[vector<16xi32>], vector<16xf32>,
          %gather3A_250 = tpu.vector_load_idx %arg14[%broadcast_in_dim3A_248] : memref<2048xf32, #tpu.memory_space<vmem>>[vector<16xi32>], vector<16xf32>,
          %get3A_251 = arith.index_cast %scan3A_245 : i32 to index
          %get3A_252 = arith.constant 0 : index
          %get3A_253 = tpu.vector_load %arg17[%get3A_251, %get3A_252] {strides = array<i32>} : memref<64x256xf32, #tpu.memory_space<vmem>>, vector<16xf32>,
          %mul3A_254 = arith.mulf %get3A_253, %gather3A : vector<16xf32>
          %get3A_255 = arith.index_cast %scan3A_245 : i32 to index
          %get3A_256 = arith.constant 0 : index
          %get3A_257 = tpu.vector_load %arg18[%get3A_255, %get3A_256] {strides = array<i32>} : memref<64x256xf32, #tpu.memory_space<vmem>>, vector<16xf32>,
          %mul3A_258 = arith.mulf %get3A_257, %gather3A_249 : vector<16xf32>
          %add3A_259 = arith.addf %mul3A_254, %mul3A_258 : vector<16xf32>
          %get3A_260 = arith.index_cast %scan3A_245 : i32 to index
          %get3A_261 = arith.constant 0 : index
          %get3A_262 = tpu.vector_load %arg19[%get3A_260, %get3A_261] {strides = array<i32>} : memref<64x256xf32, #tpu.memory_space<vmem>>, vector<16xf32>,
          %mul3A_263 = arith.mulf %get3A_262, %gather3A_250 : vector<16xf32>
          %add3A_264 = arith.addf %add3A_259, %mul3A_263 : vector<16xf32>
          %swap3A_265 = arith.index_cast %scan3A_245 : i32 to index
          %swap3A_266 = arith.constant 0 : index
          %swap3A_267 = tpu.vector_load %arg17[%swap3A_265, %swap3A_266] {strides = array<i32>} : memref<64x256xf32, #tpu.memory_space<vmem>>, vector<16xf32>,
          tpu.vector_store %arg17[%swap3A_265, %swap3A_266], %add3A_264 {strides = array<i32>} : memref<64x256xf32, #tpu.memory_space<vmem>>, vector<16xf32>,
          %get3A_268 = arith.index_cast %scan3A_245 : i32 to index
          %get3A_269 = arith.constant 16 : index
          %get3A_270 = tpu.vector_load %arg17[%get3A_268, %get3A_269] {strides = array<i32>} : memref<64x256xf32, #tpu.memory_space<vmem>>, vector<16xf32>,
          %mul3A_271 = arith.mulf %get3A_270, %gather3A : vector<16xf32>
          %get3A_272 = arith.index_cast %scan3A_245 : i32 to index
          %get3A_273 = arith.constant 16 : index
          %get3A_274 = tpu.vector_load %arg18[%get3A_272, %get3A_273] {strides = array<i32>} : memref<64x256xf32, #tpu.memory_space<vmem>>, vector<16xf32>,
          %mul3A_275 = arith.mulf %get3A_274, %gather3A_249 : vector<16xf32>
          %add3A_276 = arith.addf %mul3A_271, %mul3A_275 : vector<16xf32>
          %get3A_277 = arith.index_cast %scan3A_245 : i32 to index
          %get3A_278 = arith.constant 16 : index
          %get3A_279 = tpu.vector_load %arg19[%get3A_277, %get3A_278] {strides = array<i32>} : memref<64x256xf32, #tpu.memory_space<vmem>>, vector<16xf32>,
          %mul3A_280 = arith.mulf %get3A_279, %gather3A_250 : vector<16xf32>
          %add3A_281 = arith.addf %add3A_276, %mul3A_280 : vector<16xf32>
          %swap3A_282 = arith.index_cast %scan3A_245 : i32 to index
          %swap3A_283 = arith.constant 16 : index
          %swap3A_284 = tpu.vector_load %arg17[%swap3A_282, %swap3A_283] {strides = array<i32>} : memref<64x256xf32, #tpu.memory_space<vmem>>, vector<16xf32>,
          tpu.vector_store %arg17[%swap3A_282, %swap3A_283], %add3A_281 {strides = array<i32>} : memref<64x256xf32, #tpu.memory_space<vmem>>, vector<16xf32>,
          %get3A_285 = arith.index_cast %scan3A_245 : i32 to index
          %get3A_286 = arith.constant 32 : index
          %get3A_287 = tpu.vector_load %arg17[%get3A_285, %get3A_286] {strides = array<i32>} : memref<64x256xf32, #tpu.memory_space<vmem>>, vector<16xf32>,
          %mul3A_288 = arith.mulf %get3A_287, %gather3A : vector<16xf32>
          %get3A_289 = arith.index_cast %scan3A_245 : i32 to index
          %get3A_290 = arith.constant 32 : index
          %get3A_291 = tpu.vector_load %arg18[%get3A_289, %get3A_290] {strides = array<i32>} : memref<64x256xf32, #tpu.memory_space<vmem>>, vector<16xf32>,
          %mul3A_292 = arith.mulf %get3A_291, %gather3A_249 : vector<16xf32>
          %add3A_293 = arith.addf %mul3A_288, %mul3A_292 : vector<16xf32>
          %get3A_294 = arith.index_cast %scan3A_245 : i32 to index
          %get3A_295 = arith.constant 32 : index
          %get3A_296 = tpu.vector_load %arg19[%get3A_294, %get3A_295] {strides = array<i32>} : memref<64x256xf32, #tpu.memory_space<vmem>>, vector<16xf32>,
          %mul3A_297 = arith.mulf %get3A_296, %gather3A_250 : vector<16xf32>
          %add3A_298 = arith.addf %add3A_293, %mul3A_297 : vector<16xf32>
          %swap3A_299 = arith.index_cast %scan3A_245 : i32 to index
          %swap3A_300 = arith.constant 32 : index
          %swap3A_301 = tpu.vector_load %arg17[%swap3A_299, %swap3A_300] {strides = array<i32>} : memref<64x256xf32, #tpu.memory_space<vmem>>, vector<16xf32>,
          tpu.vector_store %arg17[%swap3A_299, %swap3A_300], %add3A_298 {strides = array<i32>} : memref<64x256xf32, #tpu.memory_space<vmem>>, vector<16xf32>,
          %get3A_302 = arith.index_cast %scan3A_245 : i32 to index
          %get3A_303 = arith.constant 48 : index
          %get3A_304 = tpu.vector_load %arg17[%get3A_302, %get3A_303] {strides = array<i32>} : memref<64x256xf32, #tpu.memory_space<vmem>>, vector<16xf32>,
          %mul3A_305 = arith.mulf %get3A_304, %gather3A : vector<16xf32>
          %get3A_306 = arith.index_cast %scan3A_245 : i32 to index
          %get3A_307 = arith.constant 48 : index
          %get3A_308 = tpu.vector_load %arg18[%get3A_306, %get3A_307] {strides = array<i32>} : memref<64x256xf32, #tpu.memory_space<vmem>>, vector<16xf32>,
          %mul3A_309 = arith.mulf %get3A_308, %gather3A_249 : vector<16xf32>
          %add3A_310 = arith.addf %mul3A_305, %mul3A_309 : vector<16xf32>
          %get3A_311 = arith.index_cast %scan3A_245 : i32 to index
          %get3A_312 = arith.constant 48 : index
          %get3A_313 = tpu.vector_load %arg19[%get3A_311, %get3A_312] {strides = array<i32>} : memref<64x256xf32, #tpu.memory_space<vmem>>, vector<16xf32>,
          %mul3A_314 = arith.mulf %get3A_313, %gather3A_250 : vector<16xf32>
          %add3A_315 = arith.addf %add3A_310, %mul3A_314 : vector<16xf32>
          %swap3A_316 = arith.index_cast %scan3A_245 : i32 to index
          %swap3A_317 = arith.constant 48 : index
          %swap3A_318 = tpu.vector_load %arg17[%swap3A_316, %swap3A_317] {strides = array<i32>} : memref<64x256xf32, #tpu.memory_space<vmem>>, vector<16xf32>,
          tpu.vector_store %arg17[%swap3A_316, %swap3A_317], %add3A_315 {strides = array<i32>} : memref<64x256xf32, #tpu.memory_space<vmem>>, vector<16xf32>,
          %get3A_319 = arith.index_cast %scan3A_245 : i32 to index
          %get3A_320 = arith.constant 64 : index
          %get3A_321 = tpu.vector_load %arg17[%get3A_319, %get3A_320] {strides = array<i32>} : memref<64x256xf32, #tpu.memory_space<vmem>>, vector<16xf32>,
          %mul3A_322 = arith.mulf %get3A_321, %gather3A : vector<16xf32>
          %get3A_323 = arith.index_cast %scan3A_245 : i32 to index
          %get3A_324 = arith.constant 64 : index
          %get3A_325 = tpu.vector_load %arg18[%get3A_323, %get3A_324] {strides = array<i32>} : memref<64x256xf32, #tpu.memory_space<vmem>>, vector<16xf32>,
          %mul3A_326 = arith.mulf %get3A_325, %gather3A_249 : vector<16xf32>
          %add3A_327 = arith.addf %mul3A_322, %mul3A_326 : vector<16xf32>
          %get3A_328 = arith.index_cast %scan3A_245 : i32 to index
          %get3A_329 = arith.constant 64 : index
          %get3A_330 = tpu.vector_load %arg19[%get3A_328, %get3A_329] {strides = array<i32>} : memref<64x256xf32, #tpu.memory_space<vmem>>, vector<16xf32>,
          %mul3A_331 = arith.mulf %get3A_330, %gather3A_250 : vector<16xf32>
          %add3A_332 = arith.addf %add3A_327, %mul3A_331 : vector<16xf32>
          %swap3A_333 = arith.index_cast %scan3A_245 : i32 to index
          %swap3A_334 = arith.constant 64 : index
          %swap3A_335 = tpu.vector_load %arg17[%swap3A_333, %swap3A_334] {strides = array<i32>} : memref<64x256xf32, #tpu.memory_space<vmem>>, vector<16xf32>,
          tpu.vector_store %arg17[%swap3A_333, %swap3A_334], %add3A_332 {strides = array<i32>} : memref<64x256xf32, #tpu.memory_space<vmem>>, vector<16xf32>,
          %get3A_336 = arith.index_cast %scan3A_245 : i32 to index
          %get3A_337 = arith.constant 80 : index
          %get3A_338 = tpu.vector_load %arg17[%get3A_336, %get3A_337] {strides = array<i32>} : memref<64x256xf32, #tpu.memory_space<vmem>>, vector<16xf32>,
          %mul3A_339 = arith.mulf %get3A_338, %gather3A : vector<16xf32>
          %get3A_340 = arith.index_cast %scan3A_245 : i32 to index
          %get3A_341 = arith.constant 80 : index
          %get3A_342 = tpu.vector_load %arg18[%get3A_340, %get3A_341] {strides = array<i32>} : memref<64x256xf32, #tpu.memory_space<vmem>>, vector<16xf32>,
          %mul3A_343 = arith.mulf %get3A_342, %gather3A_249 : vector<16xf32>
          %add3A_344 = arith.addf %mul3A_339, %mul3A_343 : vector<16xf32>
          %get3A_345 = arith.index_cast %scan3A_245 : i32 to index
          %get3A_346 = arith.constant 80 : index
          %get3A_347 = tpu.vector_load %arg19[%get3A_345, %get3A_346] {strides = array<i32>} : memref<64x256xf32, #tpu.memory_space<vmem>>, vector<16xf32>,
          %mul3A_348 = arith.mulf %get3A_347, %gather3A_250 : vector<16xf32>
          %add3A_349 = arith.addf %add3A_344, %mul3A_348 : vector<16xf32>
          %swap3A_350 = arith.index_cast %scan3A_245 : i32 to index
          %swap3A_351 = arith.constant 80 : index
          %swap3A_352 = tpu.vector_load %arg17[%swap3A_350, %swap3A_351] {strides = array<i32>} : memref<64x256xf32, #tpu.memory_space<vmem>>, vector<16xf32>,
          tpu.vector_store %arg17[%swap3A_350, %swap3A_351], %add3A_349 {strides = array<i32>} : memref<64x256xf32, #tpu.memory_space<vmem>>, vector<16xf32>,
          %get3A_353 = arith.index_cast %scan3A_245 : i32 to index
          %get3A_354 = arith.constant 96 : index
          %get3A_355 = tpu.vector_load %arg17[%get3A_353, %get3A_354] {strides = array<i32>} : memref<64x256xf32, #tpu.memory_space<vmem>>, vector<16xf32>,
          %mul3A_356 = arith.mulf %get3A_355, %gather3A : vector<16xf32>
          %get3A_357 = arith.index_cast %scan3A_245 : i32 to index
          %get3A_358 = arith.constant 96 : index
          %get3A_359 = tpu.vector_load %arg18[%get3A_357, %get3A_358] {strides = array<i32>} : memref<64x256xf32, #tpu.memory_space<vmem>>, vector<16xf32>,
          %mul3A_360 = arith.mulf %get3A_359, %gather3A_249 : vector<16xf32>
          %add3A_361 = arith.addf %mul3A_356, %mul3A_360 : vector<16xf32>
          %get3A_362 = arith.index_cast %scan3A_245 : i32 to index
          %get3A_363 = arith.constant 96 : index
          %get3A_364 = tpu.vector_load %arg19[%get3A_362, %get3A_363] {strides = array<i32>} : memref<64x256xf32, #tpu.memory_space<vmem>>, vector<16xf32>,
          %mul3A_365 = arith.mulf %get3A_364, %gather3A_250 : vector<16xf32>
          %add3A_366 = arith.addf %add3A_361, %mul3A_365 : vector<16xf32>
          %swap3A_367 = arith.index_cast %scan3A_245 : i32 to index
          %swap3A_368 = arith.constant 96 : index
          %swap3A_369 = tpu.vector_load %arg17[%swap3A_367, %swap3A_368] {strides = array<i32>} : memref<64x256xf32, #tpu.memory_space<vmem>>, vector<16xf32>,
          tpu.vector_store %arg17[%swap3A_367, %swap3A_368], %add3A_366 {strides = array<i32>} : memref<64x256xf32, #tpu.memory_space<vmem>>, vector<16xf32>,
          %get3A_370 = arith.index_cast %scan3A_245 : i32 to index
          %get3A_371 = arith.constant 112 : index
          %get3A_372 = tpu.vector_load %arg17[%get3A_370, %get3A_371] {strides = array<i32>} : memref<64x256xf32, #tpu.memory_space<vmem>>, vector<16xf32>,
          %mul3A_373 = arith.mulf %get3A_372, %gather3A : vector<16xf32>
          %get3A_374 = arith.index_cast %scan3A_245 : i32 to index
          %get3A_375 = arith.constant 112 : index
          %get3A_376 = tpu.vector_load %arg18[%get3A_374, %get3A_375] {strides = array<i32>} : memref<64x256xf32, #tpu.memory_space<vmem>>, vector<16xf32>,
          %mul3A_377 = arith.mulf %get3A_376, %gather3A_249 : vector<16xf32>
          %add3A_378 = arith.addf %mul3A_373, %mul3A_377 : vector<16xf32>
          %get3A_379 = arith.index_cast %scan3A_245 : i32 to index
          %get3A_380 = arith.constant 112 : index
          %get3A_381 = tpu.vector_load %arg19[%get3A_379, %get3A_380] {strides = array<i32>} : memref<64x256xf32, #tpu.memory_space<vmem>>, vector<16xf32>,
          %mul3A_382 = arith.mulf %get3A_381, %gather3A_250 : vector<16xf32>
          %add3A_383 = arith.addf %add3A_378, %mul3A_382 : vector<16xf32>
          %swap3A_384 = arith.index_cast %scan3A_245 : i32 to index
          %swap3A_385 = arith.constant 112 : index
          %swap3A_386 = tpu.vector_load %arg17[%swap3A_384, %swap3A_385] {strides = array<i32>} : memref<64x256xf32, #tpu.memory_space<vmem>>, vector<16xf32>,
          tpu.vector_store %arg17[%swap3A_384, %swap3A_385], %add3A_383 {strides = array<i32>} : memref<64x256xf32, #tpu.memory_space<vmem>>, vector<16xf32>,
          %get3A_387 = arith.index_cast %scan3A_245 : i32 to index
          %get3A_388 = arith.constant 128 : index
          %get3A_389 = tpu.vector_load %arg17[%get3A_387, %get3A_388] {strides = array<i32>} : memref<64x256xf32, #tpu.memory_space<vmem>>, vector<16xf32>,
          %mul3A_390 = arith.mulf %get3A_389, %gather3A : vector<16xf32>
          %get3A_391 = arith.index_cast %scan3A_245 : i32 to index
          %get3A_392 = arith.constant 128 : index
          %get3A_393 = tpu.vector_load %arg18[%get3A_391, %get3A_392] {strides = array<i32>} : memref<64x256xf32, #tpu.memory_space<vmem>>, vector<16xf32>,
          %mul3A_394 = arith.mulf %get3A_393, %gather3A_249 : vector<16xf32>
          %add3A_395 = arith.addf %mul3A_390, %mul3A_394 : vector<16xf32>
          %get3A_396 = arith.index_cast %scan3A_245 : i32 to index
          %get3A_397 = arith.constant 128 : index
          %get3A_398 = tpu.vector_load %arg19[%get3A_396, %get3A_397] {strides = array<i32>} : memref<64x256xf32, #tpu.memory_space<vmem>>, vector<16xf32>,
          %mul3A_399 = arith.mulf %get3A_398, %gather3A_250 : vector<16xf32>
          %add3A_400 = arith.addf %add3A_395, %mul3A_399 : vector<16xf32>
          %swap3A_401 = arith.index_cast %scan3A_245 : i32 to index
          %swap3A_402 = arith.constant 128 : index
          %swap3A_403 = tpu.vector_load %arg17[%swap3A_401, %swap3A_402] {strides = array<i32>} : memref<64x256xf32, #tpu.memory_space<vmem>>, vector<16xf32>,
          tpu.vector_store %arg17[%swap3A_401, %swap3A_402], %add3A_400 {strides = array<i32>} : memref<64x256xf32, #tpu.memory_space<vmem>>, vector<16xf32>,
          %get3A_404 = arith.index_cast %scan3A_245 : i32 to index
          %get3A_405 = arith.constant 144 : index
          %get3A_406 = tpu.vector_load %arg17[%get3A_404, %get3A_405] {strides = array<i32>} : memref<64x256xf32, #tpu.memory_space<vmem>>, vector<16xf32>,
          %mul3A_407 = arith.mulf %get3A_406, %gather3A : vector<16xf32>
          %get3A_408 = arith.index_cast %scan3A_245 : i32 to index
          %get3A_409 = arith.constant 144 : index
          %get3A_410 = tpu.vector_load %arg18[%get3A_408, %get3A_409] {strides = array<i32>} : memref<64x256xf32, #tpu.memory_space<vmem>>, vector<16xf32>,
          %mul3A_411 = arith.mulf %get3A_410, %gather3A_249 : vector<16xf32>
          %add3A_412 = arith.addf %mul3A_407, %mul3A_411 : vector<16xf32>
          %get3A_413 = arith.index_cast %scan3A_245 : i32 to index
          %get3A_414 = arith.constant 144 : index
          %get3A_415 = tpu.vector_load %arg19[%get3A_413, %get3A_414] {strides = array<i32>} : memref<64x256xf32, #tpu.memory_space<vmem>>, vector<16xf32>,
          %mul3A_416 = arith.mulf %get3A_415, %gather3A_250 : vector<16xf32>
          %add3A_417 = arith.addf %add3A_412, %mul3A_416 : vector<16xf32>
          %swap3A_418 = arith.index_cast %scan3A_245 : i32 to index
          %swap3A_419 = arith.constant 144 : index
          %swap3A_420 = tpu.vector_load %arg17[%swap3A_418, %swap3A_419] {strides = array<i32>} : memref<64x256xf32, #tpu.memory_space<vmem>>, vector<16xf32>,
          tpu.vector_store %arg17[%swap3A_418, %swap3A_419], %add3A_417 {strides = array<i32>} : memref<64x256xf32, #tpu.memory_space<vmem>>, vector<16xf32>,
          %get3A_421 = arith.index_cast %scan3A_245 : i32 to index
          %get3A_422 = arith.constant 160 : index
          %get3A_423 = tpu.vector_load %arg17[%get3A_421, %get3A_422] {strides = array<i32>} : memref<64x256xf32, #tpu.memory_space<vmem>>, vector<16xf32>,
          %mul3A_424 = arith.mulf %get3A_423, %gather3A : vector<16xf32>
          %get3A_425 = arith.index_cast %scan3A_245 : i32 to index
          %get3A_426 = arith.constant 160 : index
          %get3A_427 = tpu.vector_load %arg18[%get3A_425, %get3A_426] {strides = array<i32>} : memref<64x256xf32, #tpu.memory_space<vmem>>, vector<16xf32>,
          %mul3A_428 = arith.mulf %get3A_427, %gather3A_249 : vector<16xf32>
          %add3A_429 = arith.addf %mul3A_424, %mul3A_428 : vector<16xf32>
          %get3A_430 = arith.index_cast %scan3A_245 : i32 to index
          %get3A_431 = arith.constant 160 : index
          %get3A_432 = tpu.vector_load %arg19[%get3A_430, %get3A_431] {strides = array<i32>} : memref<64x256xf32, #tpu.memory_space<vmem>>, vector<16xf32>,
          %mul3A_433 = arith.mulf %get3A_432, %gather3A_250 : vector<16xf32>
          %add3A_434 = arith.addf %add3A_429, %mul3A_433 : vector<16xf32>
          %swap3A_435 = arith.index_cast %scan3A_245 : i32 to index
          %swap3A_436 = arith.constant 160 : index
          %swap3A_437 = tpu.vector_load %arg17[%swap3A_435, %swap3A_436] {strides = array<i32>} : memref<64x256xf32, #tpu.memory_space<vmem>>, vector<16xf32>,
          tpu.vector_store %arg17[%swap3A_435, %swap3A_436], %add3A_434 {strides = array<i32>} : memref<64x256xf32, #tpu.memory_space<vmem>>, vector<16xf32>,
          %get3A_438 = arith.index_cast %scan3A_245 : i32 to index
          %get3A_439 = arith.constant 176 : index
          %get3A_440 = tpu.vector_load %arg17[%get3A_438, %get3A_439] {strides = array<i32>} : memref<64x256xf32, #tpu.memory_space<vmem>>, vector<16xf32>,
          %mul3A_441 = arith.mulf %get3A_440, %gather3A : vector<16xf32>
          %get3A_442 = arith.index_cast %scan3A_245 : i32 to index
          %get3A_443 = arith.constant 176 : index
          %get3A_444 = tpu.vector_load %arg18[%get3A_442, %get3A_443] {strides = array<i32>} : memref<64x256xf32, #tpu.memory_space<vmem>>, vector<16xf32>,
          %mul3A_445 = arith.mulf %get3A_444, %gather3A_249 : vector<16xf32>
          %add3A_446 = arith.addf %mul3A_441, %mul3A_445 : vector<16xf32>
          %get3A_447 = arith.index_cast %scan3A_245 : i32 to index
          %get3A_448 = arith.constant 176 : index
          %get3A_449 = tpu.vector_load %arg19[%get3A_447, %get3A_448] {strides = array<i32>} : memref<64x256xf32, #tpu.memory_space<vmem>>, vector<16xf32>,
          %mul3A_450 = arith.mulf %get3A_449, %gather3A_250 : vector<16xf32>
          %add3A_451 = arith.addf %add3A_446, %mul3A_450 : vector<16xf32>
          %swap3A_452 = arith.index_cast %scan3A_245 : i32 to index
          %swap3A_453 = arith.constant 176 : index
          %swap3A_454 = tpu.vector_load %arg17[%swap3A_452, %swap3A_453] {strides = array<i32>} : memref<64x256xf32, #tpu.memory_space<vmem>>, vector<16xf32>,
          tpu.vector_store %arg17[%swap3A_452, %swap3A_453], %add3A_451 {strides = array<i32>} : memref<64x256xf32, #tpu.memory_space<vmem>>, vector<16xf32>,
          %get3A_455 = arith.index_cast %scan3A_245 : i32 to index
          %get3A_456 = arith.constant 192 : index
          %get3A_457 = tpu.vector_load %arg17[%get3A_455, %get3A_456] {strides = array<i32>} : memref<64x256xf32, #tpu.memory_space<vmem>>, vector<16xf32>,
          %mul3A_458 = arith.mulf %get3A_457, %gather3A : vector<16xf32>
          %get3A_459 = arith.index_cast %scan3A_245 : i32 to index
          %get3A_460 = arith.constant 192 : index
          %get3A_461 = tpu.vector_load %arg18[%get3A_459, %get3A_460] {strides = array<i32>} : memref<64x256xf32, #tpu.memory_space<vmem>>, vector<16xf32>,
          %mul3A_462 = arith.mulf %get3A_461, %gather3A_249 : vector<16xf32>
          %add3A_463 = arith.addf %mul3A_458, %mul3A_462 : vector<16xf32>
          %get3A_464 = arith.index_cast %scan3A_245 : i32 to index
          %get3A_465 = arith.constant 192 : index
          %get3A_466 = tpu.vector_load %arg19[%get3A_464, %get3A_465] {strides = array<i32>} : memref<64x256xf32, #tpu.memory_space<vmem>>, vector<16xf32>,
          %mul3A_467 = arith.mulf %get3A_466, %gather3A_250 : vector<16xf32>
          %add3A_468 = arith.addf %add3A_463, %mul3A_467 : vector<16xf32>
          %swap3A_469 = arith.index_cast %scan3A_245 : i32 to index
          %swap3A_470 = arith.constant 192 : index
          %swap3A_471 = tpu.vector_load %arg17[%swap3A_469, %swap3A_470] {strides = array<i32>} : memref<64x256xf32, #tpu.memory_space<vmem>>, vector<16xf32>,
          tpu.vector_store %arg17[%swap3A_469, %swap3A_470], %add3A_468 {strides = array<i32>} : memref<64x256xf32, #tpu.memory_space<vmem>>, vector<16xf32>,
          %get3A_472 = arith.index_cast %scan3A_245 : i32 to index
          %get3A_473 = arith.constant 208 : index
          %get3A_474 = tpu.vector_load %arg17[%get3A_472, %get3A_473] {strides = array<i32>} : memref<64x256xf32, #tpu.memory_space<vmem>>, vector<16xf32>,
          %mul3A_475 = arith.mulf %get3A_474, %gather3A : vector<16xf32>
          %get3A_476 = arith.index_cast %scan3A_245 : i32 to index
          %get3A_477 = arith.constant 208 : index
          %get3A_478 = tpu.vector_load %arg18[%get3A_476, %get3A_477] {strides = array<i32>} : memref<64x256xf32, #tpu.memory_space<vmem>>, vector<16xf32>,
          %mul3A_479 = arith.mulf %get3A_478, %gather3A_249 : vector<16xf32>
          %add3A_480 = arith.addf %mul3A_475, %mul3A_479 : vector<16xf32>
          %get3A_481 = arith.index_cast %scan3A_245 : i32 to index
          %get3A_482 = arith.constant 208 : index
          %get3A_483 = tpu.vector_load %arg19[%get3A_481, %get3A_482] {strides = array<i32>} : memref<64x256xf32, #tpu.memory_space<vmem>>, vector<16xf32>,
          %mul3A_484 = arith.mulf %get3A_483, %gather3A_250 : vector<16xf32>
          %add3A_485 = arith.addf %add3A_480, %mul3A_484 : vector<16xf32>
          %swap3A_486 = arith.index_cast %scan3A_245 : i32 to index
          %swap3A_487 = arith.constant 208 : index
          %swap3A_488 = tpu.vector_load %arg17[%swap3A_486, %swap3A_487] {strides = array<i32>} : memref<64x256xf32, #tpu.memory_space<vmem>>, vector<16xf32>,
          tpu.vector_store %arg17[%swap3A_486, %swap3A_487], %add3A_485 {strides = array<i32>} : memref<64x256xf32, #tpu.memory_space<vmem>>, vector<16xf32>,
          %get3A_489 = arith.index_cast %scan3A_245 : i32 to index
          %get3A_490 = arith.constant 224 : index
          %get3A_491 = tpu.vector_load %arg17[%get3A_489, %get3A_490] {strides = array<i32>} : memref<64x256xf32, #tpu.memory_space<vmem>>, vector<16xf32>,
          %mul3A_492 = arith.mulf %get3A_491, %gather3A : vector<16xf32>
          %get3A_493 = arith.index_cast %scan3A_245 : i32 to index
          %get3A_494 = arith.constant 224 : index
          %get3A_495 = tpu.vector_load %arg18[%get3A_493, %get3A_494] {strides = array<i32>} : memref<64x256xf32, #tpu.memory_space<vmem>>, vector<16xf32>,
          %mul3A_496 = arith.mulf %get3A_495, %gather3A_249 : vector<16xf32>
          %add3A_497 = arith.addf %mul3A_492, %mul3A_496 : vector<16xf32>
          %get3A_498 = arith.index_cast %scan3A_245 : i32 to index
          %get3A_499 = arith.constant 224 : index
          %get3A_500 = tpu.vector_load %arg19[%get3A_498, %get3A_499] {strides = array<i32>} : memref<64x256xf32, #tpu.memory_space<vmem>>, vector<16xf32>,
          %mul3A_501 = arith.mulf %get3A_500, %gather3A_250 : vector<16xf32>
          %add3A_502 = arith.addf %add3A_497, %mul3A_501 : vector<16xf32>
          %swap3A_503 = arith.index_cast %scan3A_245 : i32 to index
          %swap3A_504 = arith.constant 224 : index
          %swap3A_505 = tpu.vector_load %arg17[%swap3A_503, %swap3A_504] {strides = array<i32>} : memref<64x256xf32, #tpu.memory_space<vmem>>, vector<16xf32>,
          tpu.vector_store %arg17[%swap3A_503, %swap3A_504], %add3A_502 {strides = array<i32>} : memref<64x256xf32, #tpu.memory_space<vmem>>, vector<16xf32>,
          %get3A_506 = arith.index_cast %scan3A_245 : i32 to index
          %get3A_507 = arith.constant 240 : index
          %get3A_508 = tpu.vector_load %arg17[%get3A_506, %get3A_507] {strides = array<i32>} : memref<64x256xf32, #tpu.memory_space<vmem>>, vector<16xf32>,
          %mul3A_509 = arith.mulf %get3A_508, %gather3A : vector<16xf32>
          %get3A_510 = arith.index_cast %scan3A_245 : i32 to index
          %get3A_511 = arith.constant 240 : index
          %get3A_512 = tpu.vector_load %arg18[%get3A_510, %get3A_511] {strides = array<i32>} : memref<64x256xf32, #tpu.memory_space<vmem>>, vector<16xf32>,
          %mul3A_513 = arith.mulf %get3A_512, %gather3A_249 : vector<16xf32>
          %add3A_514 = arith.addf %mul3A_509, %mul3A_513 : vector<16xf32>
          %get3A_515 = arith.index_cast %scan3A_245 : i32 to index
          %get3A_516 = arith.constant 240 : index
          %get3A_517 = tpu.vector_load %arg19[%get3A_515, %get3A_516] {strides = array<i32>} : memref<64x256xf32, #tpu.memory_space<vmem>>, vector<16xf32>,
          %mul3A_518 = arith.mulf %get3A_517, %gather3A_250 : vector<16xf32>
          %add3A_519 = arith.addf %add3A_514, %mul3A_518 : vector<16xf32>
          %swap3A_520 = arith.index_cast %scan3A_245 : i32 to index
          %swap3A_521 = arith.constant 240 : index
          %swap3A_522 = tpu.vector_load %arg17[%swap3A_520, %swap3A_521] {strides = array<i32>} : memref<64x256xf32, #tpu.memory_space<vmem>>, vector<16xf32>,
          tpu.vector_store %arg17[%swap3A_520, %swap3A_521], %add3A_519 {strides = array<i32>} : memref<64x256xf32, #tpu.memory_space<vmem>>, vector<16xf32>,
          %scan3A_523 = arith.constant 0 : i32
          scf.yield %scan3A_523 : i32
        }
        %scan3A_233 = arith.constant 64 : i32
        %mul3A_234 = arith.constant 8192 : i32
        %mul3A_235 = arith.muli %select_n3A, %mul3A_234 : i32
        %mul3A_236 = arith.constant 4 : i32
        %mul3A_237 = arith.muli %mul3A_236, %while3A_147 : i32
        %add3A_238 = arith.addi %select_n3A_30, %mul3A_237 : i32
        %mul3A_239 = arith.constant 64 : i32
        %mul3A_240 = arith.muli %add3A_238, %mul3A_239 : i32
        %add3A_241 = arith.addi %mul3A_235, %mul3A_240 : i32
        %dma_start3A = arith.constant 0 : i32
        %dma_start3A_242 = tpu.memref_slice %arg7[%add3A_241, %dma_start3A] : memref<65536x256xf32, #tpu.memory_space<hbm>> -> memref<64x256xf32, #tpu.memory_space<hbm>>
        %dma_start3A_243 = arith.constant 0 : i32
        %dma_start3A_244 = tpu.memref_slice %arg7[%add3A_241, %dma_start3A_243] : memref<65536x256xf32, #tpu.memory_space<hbm>> -> memref<64x256xf32, #tpu.memory_space<hbm>>
        tpu.enqueue_dma source(%arg17 : memref<64x256xf32, #tpu.memory_space<vmem>>) target(%dma_start3A_244 : memref<64x256xf32, #tpu.memory_space<hbm>>) target_semaphore(%arg26 : memref<!tpu.dma_semaphore, #tpu.memory_space<semaphore_mem>>)
      } else {
      }
      %jit3A_180 = arith.constant 2 : i32
      %eq3A_181 = arith.constant 0 : i32
      %eq3A_182 = arith.cmpi eq, %jit3A_180, %eq3A_181 : i32
      %jit3A_183 = arith.constant 1 : i32
      %select_n3A_184 = arith.select %eq3A_182, %jit3A_183, %jit3A_180 : i32
      %rem3A_185 = arith.remsi %while3A_147, %select_n3A_184 : i32
      %ne3A_186 = arith.constant 0 : i32
      %ne3A_187 = arith.cmpi ne, %rem3A_185, %ne3A_186 : i32
      %lt3A_188 = arith.constant 0 : i32
      %lt3A_189 = arith.cmpi slt, %rem3A_185, %lt3A_188 : i32
      %lt3A_190 = arith.constant 0 : i32
      %lt3A_191 = arith.cmpi slt, %select_n3A_184, %lt3A_190 : i32
      %ne3A_192 = arith.xori %lt3A_189, %lt3A_191 : i1
      %and3A_193 = arith.andi %ne3A_192, %ne3A_187 : i1
      %add3A_194 = arith.addi %rem3A_185, %select_n3A_184 : i32
      %select_n3A_195 = arith.select %and3A_193, %add3A_194, %rem3A_185 : i32
      %eq3A_196 = arith.constant 1 : i32
      %eq3A_197 = arith.cmpi eq, %select_n3A_195, %eq3A_196 : i32
      %convert_element_type3A_198 = arith.extui %eq3A_197 : i1 to i32
      %cond3A_199 = arith.constant 0 : i32
      %cond3A_200 = arith.cmpi ne, %convert_element_type3A_198, %cond3A_199 : i32
      scf.if %cond3A_200 {
        %add3A_202 = arith.constant 1 : i32
        %add3A_203 = arith.addi %while3A_147, %add3A_202 : i32
        %lt3A_204 = arith.cmpi slt, %add3A_203, %min3A_100 : i32
        %convert_element_type3A_205 = arith.extui %lt3A_204 : i1 to i32
        %cond3A_206 = arith.constant 0 : i32
        %cond3A_207 = arith.cmpi ne, %convert_element_type3A_205, %cond3A_206 : i32
        scf.if %cond3A_207 {
          %add3A_245 = arith.constant 1 : i32
          %add3A_246 = arith.addi %while3A_147, %add3A_245 : i32
          %mul3A_247 = arith.constant 64 : i32
          %mul3A_248 = arith.muli %add3A_246, %mul3A_247 : i32
          %dma_start3A_249 = tpu.memref_slice %arg11[%mul3A_248] : memref<2048xi32, #tpu.memory_space<vmem>> -> memref<64xi32, #tpu.memory_space<vmem>>
          %dma_start3A_250 = arith.constant 0 : i32
          %dma_start3A_251 = arith.constant 0 : i32
          %dma_start3A_252 = tpu.memref_slice %arg2[%dma_start3A_250, %dma_start3A_251] : memref<16384x256xf32, #tpu.memory_space<hbm>> -> memref<16384x256xf32, #tpu.memory_space<hbm>>
          tpu.enqueue_indirect_dma source(%dma_start3A_252 : memref<16384x256xf32, #tpu.memory_space<hbm>>) target(%arg17 : memref<64x256xf32, #tpu.memory_space<vmem>>) offsets(%dma_start3A_249 : memref<64xi32, #tpu.memory_space<vmem>>) semaphore(%arg25 : memref<!tpu.dma_semaphore, #tpu.memory_space<semaphore_mem>>)
          %dma_start3A_253 = tpu.memref_slice %arg11[%mul3A_248] : memref<2048xi32, #tpu.memory_space<vmem>> -> memref<64xi32, #tpu.memory_space<vmem>>
          %dma_start3A_254 = arith.constant 0 : i32
          %dma_start3A_255 = arith.constant 0 : i32
          %dma_start3A_256 = tpu.memref_slice %arg3[%dma_start3A_254, %dma_start3A_255] : memref<16384x256xf32, #tpu.memory_space<hbm>> -> memref<16384x256xf32, #tpu.memory_space<hbm>>
          tpu.enqueue_indirect_dma source(%dma_start3A_256 : memref<16384x256xf32, #tpu.memory_space<hbm>>) target(%arg18 : memref<64x256xf32, #tpu.memory_space<vmem>>) offsets(%dma_start3A_253 : memref<64xi32, #tpu.memory_space<vmem>>) semaphore(%arg25 : memref<!tpu.dma_semaphore, #tpu.memory_space<semaphore_mem>>)
          %dma_start3A_257 = tpu.memref_slice %arg11[%mul3A_248] : memref<2048xi32, #tpu.memory_space<vmem>> -> memref<64xi32, #tpu.memory_space<vmem>>
          %dma_start3A_258 = arith.constant 0 : i32
          %dma_start3A_259 = arith.constant 0 : i32
          %dma_start3A_260 = tpu.memref_slice %arg4[%dma_start3A_258, %dma_start3A_259] : memref<16384x256xf32, #tpu.memory_space<hbm>> -> memref<16384x256xf32, #tpu.memory_space<hbm>>
          tpu.enqueue_indirect_dma source(%dma_start3A_260 : memref<16384x256xf32, #tpu.memory_space<hbm>>) target(%arg19 : memref<64x256xf32, #tpu.memory_space<vmem>>) offsets(%dma_start3A_257 : memref<64xi32, #tpu.memory_space<vmem>>) semaphore(%arg25 : memref<!tpu.dma_semaphore, #tpu.memory_space<semaphore_mem>>)
        } else {
        }
        %dma_wait3A = arith.constant 0 : i32
        %dma_wait3A_208 = arith.constant 0 : i32
        %dma_wait3A_209 = tpu.memref_slice %arg2[%dma_wait3A, %dma_wait3A_208] : memref<16384x256xf32, #tpu.memory_space<hbm>> -> memref<64x256xf32, #tpu.memory_space<hbm>>
        %dma_wait3A_210 = arith.constant 0 : i32
        %dma_wait3A_211 = arith.constant 0 : i32
        %dma_wait3A_212 = tpu.memref_slice %arg2[%dma_wait3A_210, %dma_wait3A_211] : memref<16384x256xf32, #tpu.memory_space<hbm>> -> memref<64x256xf32, #tpu.memory_space<hbm>>
        tpu.wait_dma2 semaphore(%arg25 : memref<!tpu.dma_semaphore, #tpu.memory_space<semaphore_mem>>) src(%dma_wait3A_212 : memref<64x256xf32, #tpu.memory_space<hbm>>) dst(%arg20 : memref<64x256xf32, #tpu.memory_space<vmem>>)
        %dma_wait3A_213 = arith.constant 0 : i32
        %dma_wait3A_214 = arith.constant 0 : i32
        %dma_wait3A_215 = tpu.memref_slice %arg3[%dma_wait3A_213, %dma_wait3A_214] : memref<16384x256xf32, #tpu.memory_space<hbm>> -> memref<64x256xf32, #tpu.memory_space<hbm>>
        %dma_wait3A_216 = arith.constant 0 : i32
        %dma_wait3A_217 = arith.constant 0 : i32
        %dma_wait3A_218 = tpu.memref_slice %arg3[%dma_wait3A_216, %dma_wait3A_217] : memref<16384x256xf32, #tpu.memory_space<hbm>> -> memref<64x256xf32, #tpu.memory_space<hbm>>
        tpu.wait_dma2 semaphore(%arg25 : memref<!tpu.dma_semaphore, #tpu.memory_space<semaphore_mem>>) src(%dma_wait3A_218 : memref<64x256xf32, #tpu.memory_space<hbm>>) dst(%arg21 : memref<64x256xf32, #tpu.memory_space<vmem>>)
        %dma_wait3A_219 = arith.constant 0 : i32
        %dma_wait3A_220 = arith.constant 0 : i32
        %dma_wait3A_221 = tpu.memref_slice %arg4[%dma_wait3A_219, %dma_wait3A_220] : memref<16384x256xf32, #tpu.memory_space<hbm>> -> memref<64x256xf32, #tpu.memory_space<hbm>>
        %dma_wait3A_222 = arith.constant 0 : i32
        %dma_wait3A_223 = arith.constant 0 : i32
        %dma_wait3A_224 = tpu.memref_slice %arg4[%dma_wait3A_222, %dma_wait3A_223] : memref<16384x256xf32, #tpu.memory_space<hbm>> -> memref<64x256xf32, #tpu.memory_space<hbm>>
        tpu.wait_dma2 semaphore(%arg25 : memref<!tpu.dma_semaphore, #tpu.memory_space<semaphore_mem>>) src(%dma_wait3A_224 : memref<64x256xf32, #tpu.memory_space<hbm>>) dst(%arg22 : memref<64x256xf32, #tpu.memory_space<vmem>>)
        %mul3A_225 = arith.constant 64 : i32
        %mul3A_226 = arith.muli %while3A_147, %mul3A_225 : i32
        %scan3A_227 = arith.constant 0 : i32
        %scan3A_228 = arith.constant 0 : i32
        %scan3A_229 = arith.constant 64 : i32
        %scan3A_230 = arith.addi %scan3A_228, %scan3A_229 : i32
        %scan3A_231 = arith.constant 1 : i32
        %scan3A_232 = scf.for %scan3A_245 = %scan3A_228 to %scan3A_230 step %scan3A_231 iter_args(%scan3A_246 = %scan3A_227) -> (i32)  : i32 {
          %add3A_247 = arith.addi %mul3A_226, %scan3A_245 : i32
          %broadcast_in_dim3A_248 = vector.broadcast %add3A_247 : i32 to vector<16xi32>
          %gather3A = tpu.vector_load_idx %arg12[%broadcast_in_dim3A_248] : memref<2048xf32, #tpu.memory_space<vmem>>[vector<16xi32>], vector<16xf32>,
          %gather3A_249 = tpu.vector_load_idx %arg13[%broadcast_in_dim3A_248] : memref<2048xf32, #tpu.memory_space<vmem>>[vector<16xi32>], vector<16xf32>,
          %gather3A_250 = tpu.vector_load_idx %arg14[%broadcast_in_dim3A_248] : memref<2048xf32, #tpu.memory_space<vmem>>[vector<16xi32>], vector<16xf32>,
          %get3A_251 = arith.index_cast %scan3A_245 : i32 to index
          %get3A_252 = arith.constant 0 : index
          %get3A_253 = tpu.vector_load %arg20[%get3A_251, %get3A_252] {strides = array<i32>} : memref<64x256xf32, #tpu.memory_space<vmem>>, vector<16xf32>,
          %mul3A_254 = arith.mulf %get3A_253, %gather3A : vector<16xf32>
          %get3A_255 = arith.index_cast %scan3A_245 : i32 to index
          %get3A_256 = arith.constant 0 : index
          %get3A_257 = tpu.vector_load %arg21[%get3A_255, %get3A_256] {strides = array<i32>} : memref<64x256xf32, #tpu.memory_space<vmem>>, vector<16xf32>,
          %mul3A_258 = arith.mulf %get3A_257, %gather3A_249 : vector<16xf32>
          %add3A_259 = arith.addf %mul3A_254, %mul3A_258 : vector<16xf32>
          %get3A_260 = arith.index_cast %scan3A_245 : i32 to index
          %get3A_261 = arith.constant 0 : index
          %get3A_262 = tpu.vector_load %arg22[%get3A_260, %get3A_261] {strides = array<i32>} : memref<64x256xf32, #tpu.memory_space<vmem>>, vector<16xf32>,
          %mul3A_263 = arith.mulf %get3A_262, %gather3A_250 : vector<16xf32>
          %add3A_264 = arith.addf %add3A_259, %mul3A_263 : vector<16xf32>
          %swap3A_265 = arith.index_cast %scan3A_245 : i32 to index
          %swap3A_266 = arith.constant 0 : index
          %swap3A_267 = tpu.vector_load %arg20[%swap3A_265, %swap3A_266] {strides = array<i32>} : memref<64x256xf32, #tpu.memory_space<vmem>>, vector<16xf32>,
          tpu.vector_store %arg20[%swap3A_265, %swap3A_266], %add3A_264 {strides = array<i32>} : memref<64x256xf32, #tpu.memory_space<vmem>>, vector<16xf32>,
          %get3A_268 = arith.index_cast %scan3A_245 : i32 to index
          %get3A_269 = arith.constant 16 : index
          %get3A_270 = tpu.vector_load %arg20[%get3A_268, %get3A_269] {strides = array<i32>} : memref<64x256xf32, #tpu.memory_space<vmem>>, vector<16xf32>,
          %mul3A_271 = arith.mulf %get3A_270, %gather3A : vector<16xf32>
          %get3A_272 = arith.index_cast %scan3A_245 : i32 to index
          %get3A_273 = arith.constant 16 : index
          %get3A_274 = tpu.vector_load %arg21[%get3A_272, %get3A_273] {strides = array<i32>} : memref<64x256xf32, #tpu.memory_space<vmem>>, vector<16xf32>,
          %mul3A_275 = arith.mulf %get3A_274, %gather3A_249 : vector<16xf32>
          %add3A_276 = arith.addf %mul3A_271, %mul3A_275 : vector<16xf32>
          %get3A_277 = arith.index_cast %scan3A_245 : i32 to index
          %get3A_278 = arith.constant 16 : index
          %get3A_279 = tpu.vector_load %arg22[%get3A_277, %get3A_278] {strides = array<i32>} : memref<64x256xf32, #tpu.memory_space<vmem>>, vector<16xf32>,
          %mul3A_280 = arith.mulf %get3A_279, %gather3A_250 : vector<16xf32>
          %add3A_281 = arith.addf %add3A_276, %mul3A_280 : vector<16xf32>
          %swap3A_282 = arith.index_cast %scan3A_245 : i32 to index
          %swap3A_283 = arith.constant 16 : index
          %swap3A_284 = tpu.vector_load %arg20[%swap3A_282, %swap3A_283] {strides = array<i32>} : memref<64x256xf32, #tpu.memory_space<vmem>>, vector<16xf32>,
          tpu.vector_store %arg20[%swap3A_282, %swap3A_283], %add3A_281 {strides = array<i32>} : memref<64x256xf32, #tpu.memory_space<vmem>>, vector<16xf32>,
          %get3A_285 = arith.index_cast %scan3A_245 : i32 to index
          %get3A_286 = arith.constant 32 : index
          %get3A_287 = tpu.vector_load %arg20[%get3A_285, %get3A_286] {strides = array<i32>} : memref<64x256xf32, #tpu.memory_space<vmem>>, vector<16xf32>,
          %mul3A_288 = arith.mulf %get3A_287, %gather3A : vector<16xf32>
          %get3A_289 = arith.index_cast %scan3A_245 : i32 to index
          %get3A_290 = arith.constant 32 : index
          %get3A_291 = tpu.vector_load %arg21[%get3A_289, %get3A_290] {strides = array<i32>} : memref<64x256xf32, #tpu.memory_space<vmem>>, vector<16xf32>,
          %mul3A_292 = arith.mulf %get3A_291, %gather3A_249 : vector<16xf32>
          %add3A_293 = arith.addf %mul3A_288, %mul3A_292 : vector<16xf32>
          %get3A_294 = arith.index_cast %scan3A_245 : i32 to index
          %get3A_295 = arith.constant 32 : index
          %get3A_296 = tpu.vector_load %arg22[%get3A_294, %get3A_295] {strides = array<i32>} : memref<64x256xf32, #tpu.memory_space<vmem>>, vector<16xf32>,
          %mul3A_297 = arith.mulf %get3A_296, %gather3A_250 : vector<16xf32>
          %add3A_298 = arith.addf %add3A_293, %mul3A_297 : vector<16xf32>
          %swap3A_299 = arith.index_cast %scan3A_245 : i32 to index
          %swap3A_300 = arith.constant 32 : index
          %swap3A_301 = tpu.vector_load %arg20[%swap3A_299, %swap3A_300] {strides = array<i32>} : memref<64x256xf32, #tpu.memory_space<vmem>>, vector<16xf32>,
          tpu.vector_store %arg20[%swap3A_299, %swap3A_300], %add3A_298 {strides = array<i32>} : memref<64x256xf32, #tpu.memory_space<vmem>>, vector<16xf32>,
          %get3A_302 = arith.index_cast %scan3A_245 : i32 to index
          %get3A_303 = arith.constant 48 : index
          %get3A_304 = tpu.vector_load %arg20[%get3A_302, %get3A_303] {strides = array<i32>} : memref<64x256xf32, #tpu.memory_space<vmem>>, vector<16xf32>,
          %mul3A_305 = arith.mulf %get3A_304, %gather3A : vector<16xf32>
          %get3A_306 = arith.index_cast %scan3A_245 : i32 to index
          %get3A_307 = arith.constant 48 : index
          %get3A_308 = tpu.vector_load %arg21[%get3A_306, %get3A_307] {strides = array<i32>} : memref<64x256xf32, #tpu.memory_space<vmem>>, vector<16xf32>,
          %mul3A_309 = arith.mulf %get3A_308, %gather3A_249 : vector<16xf32>
          %add3A_310 = arith.addf %mul3A_305, %mul3A_309 : vector<16xf32>
          %get3A_311 = arith.index_cast %scan3A_245 : i32 to index
          %get3A_312 = arith.constant 48 : index
          %get3A_313 = tpu.vector_load %arg22[%get3A_311, %get3A_312] {strides = array<i32>} : memref<64x256xf32, #tpu.memory_space<vmem>>, vector<16xf32>,
          %mul3A_314 = arith.mulf %get3A_313, %gather3A_250 : vector<16xf32>
          %add3A_315 = arith.addf %add3A_310, %mul3A_314 : vector<16xf32>
          %swap3A_316 = arith.index_cast %scan3A_245 : i32 to index
          %swap3A_317 = arith.constant 48 : index
          %swap3A_318 = tpu.vector_load %arg20[%swap3A_316, %swap3A_317] {strides = array<i32>} : memref<64x256xf32, #tpu.memory_space<vmem>>, vector<16xf32>,
          tpu.vector_store %arg20[%swap3A_316, %swap3A_317], %add3A_315 {strides = array<i32>} : memref<64x256xf32, #tpu.memory_space<vmem>>, vector<16xf32>,
          %get3A_319 = arith.index_cast %scan3A_245 : i32 to index
          %get3A_320 = arith.constant 64 : index
          %get3A_321 = tpu.vector_load %arg20[%get3A_319, %get3A_320] {strides = array<i32>} : memref<64x256xf32, #tpu.memory_space<vmem>>, vector<16xf32>,
          %mul3A_322 = arith.mulf %get3A_321, %gather3A : vector<16xf32>
          %get3A_323 = arith.index_cast %scan3A_245 : i32 to index
          %get3A_324 = arith.constant 64 : index
          %get3A_325 = tpu.vector_load %arg21[%get3A_323, %get3A_324] {strides = array<i32>} : memref<64x256xf32, #tpu.memory_space<vmem>>, vector<16xf32>,
          %mul3A_326 = arith.mulf %get3A_325, %gather3A_249 : vector<16xf32>
          %add3A_327 = arith.addf %mul3A_322, %mul3A_326 : vector<16xf32>
          %get3A_328 = arith.index_cast %scan3A_245 : i32 to index
          %get3A_329 = arith.constant 64 : index
          %get3A_330 = tpu.vector_load %arg22[%get3A_328, %get3A_329] {strides = array<i32>} : memref<64x256xf32, #tpu.memory_space<vmem>>, vector<16xf32>,
          %mul3A_331 = arith.mulf %get3A_330, %gather3A_250 : vector<16xf32>
          %add3A_332 = arith.addf %add3A_327, %mul3A_331 : vector<16xf32>
          %swap3A_333 = arith.index_cast %scan3A_245 : i32 to index
          %swap3A_334 = arith.constant 64 : index
          %swap3A_335 = tpu.vector_load %arg20[%swap3A_333, %swap3A_334] {strides = array<i32>} : memref<64x256xf32, #tpu.memory_space<vmem>>, vector<16xf32>,
          tpu.vector_store %arg20[%swap3A_333, %swap3A_334], %add3A_332 {strides = array<i32>} : memref<64x256xf32, #tpu.memory_space<vmem>>, vector<16xf32>,
          %get3A_336 = arith.index_cast %scan3A_245 : i32 to index
          %get3A_337 = arith.constant 80 : index
          %get3A_338 = tpu.vector_load %arg20[%get3A_336, %get3A_337] {strides = array<i32>} : memref<64x256xf32, #tpu.memory_space<vmem>>, vector<16xf32>,
          %mul3A_339 = arith.mulf %get3A_338, %gather3A : vector<16xf32>
          %get3A_340 = arith.index_cast %scan3A_245 : i32 to index
          %get3A_341 = arith.constant 80 : index
          %get3A_342 = tpu.vector_load %arg21[%get3A_340, %get3A_341] {strides = array<i32>} : memref<64x256xf32, #tpu.memory_space<vmem>>, vector<16xf32>,
          %mul3A_343 = arith.mulf %get3A_342, %gather3A_249 : vector<16xf32>
          %add3A_344 = arith.addf %mul3A_339, %mul3A_343 : vector<16xf32>
          %get3A_345 = arith.index_cast %scan3A_245 : i32 to index
          %get3A_346 = arith.constant 80 : index
          %get3A_347 = tpu.vector_load %arg22[%get3A_345, %get3A_346] {strides = array<i32>} : memref<64x256xf32, #tpu.memory_space<vmem>>, vector<16xf32>,
          %mul3A_348 = arith.mulf %get3A_347, %gather3A_250 : vector<16xf32>
          %add3A_349 = arith.addf %add3A_344, %mul3A_348 : vector<16xf32>
          %swap3A_350 = arith.index_cast %scan3A_245 : i32 to index
          %swap3A_351 = arith.constant 80 : index
          %swap3A_352 = tpu.vector_load %arg20[%swap3A_350, %swap3A_351] {strides = array<i32>} : memref<64x256xf32, #tpu.memory_space<vmem>>, vector<16xf32>,
          tpu.vector_store %arg20[%swap3A_350, %swap3A_351], %add3A_349 {strides = array<i32>} : memref<64x256xf32, #tpu.memory_space<vmem>>, vector<16xf32>,
          %get3A_353 = arith.index_cast %scan3A_245 : i32 to index
          %get3A_354 = arith.constant 96 : index
          %get3A_355 = tpu.vector_load %arg20[%get3A_353, %get3A_354] {strides = array<i32>} : memref<64x256xf32, #tpu.memory_space<vmem>>, vector<16xf32>,
          %mul3A_356 = arith.mulf %get3A_355, %gather3A : vector<16xf32>
          %get3A_357 = arith.index_cast %scan3A_245 : i32 to index
          %get3A_358 = arith.constant 96 : index
          %get3A_359 = tpu.vector_load %arg21[%get3A_357, %get3A_358] {strides = array<i32>} : memref<64x256xf32, #tpu.memory_space<vmem>>, vector<16xf32>,
          %mul3A_360 = arith.mulf %get3A_359, %gather3A_249 : vector<16xf32>
          %add3A_361 = arith.addf %mul3A_356, %mul3A_360 : vector<16xf32>
          %get3A_362 = arith.index_cast %scan3A_245 : i32 to index
          %get3A_363 = arith.constant 96 : index
          %get3A_364 = tpu.vector_load %arg22[%get3A_362, %get3A_363] {strides = array<i32>} : memref<64x256xf32, #tpu.memory_space<vmem>>, vector<16xf32>,
          %mul3A_365 = arith.mulf %get3A_364, %gather3A_250 : vector<16xf32>
          %add3A_366 = arith.addf %add3A_361, %mul3A_365 : vector<16xf32>
          %swap3A_367 = arith.index_cast %scan3A_245 : i32 to index
          %swap3A_368 = arith.constant 96 : index
          %swap3A_369 = tpu.vector_load %arg20[%swap3A_367, %swap3A_368] {strides = array<i32>} : memref<64x256xf32, #tpu.memory_space<vmem>>, vector<16xf32>,
          tpu.vector_store %arg20[%swap3A_367, %swap3A_368], %add3A_366 {strides = array<i32>} : memref<64x256xf32, #tpu.memory_space<vmem>>, vector<16xf32>,
          %get3A_370 = arith.index_cast %scan3A_245 : i32 to index
          %get3A_371 = arith.constant 112 : index
          %get3A_372 = tpu.vector_load %arg20[%get3A_370, %get3A_371] {strides = array<i32>} : memref<64x256xf32, #tpu.memory_space<vmem>>, vector<16xf32>,
          %mul3A_373 = arith.mulf %get3A_372, %gather3A : vector<16xf32>
          %get3A_374 = arith.index_cast %scan3A_245 : i32 to index
          %get3A_375 = arith.constant 112 : index
          %get3A_376 = tpu.vector_load %arg21[%get3A_374, %get3A_375] {strides = array<i32>} : memref<64x256xf32, #tpu.memory_space<vmem>>, vector<16xf32>,
          %mul3A_377 = arith.mulf %get3A_376, %gather3A_249 : vector<16xf32>
          %add3A_378 = arith.addf %mul3A_373, %mul3A_377 : vector<16xf32>
          %get3A_379 = arith.index_cast %scan3A_245 : i32 to index
          %get3A_380 = arith.constant 112 : index
          %get3A_381 = tpu.vector_load %arg22[%get3A_379, %get3A_380] {strides = array<i32>} : memref<64x256xf32, #tpu.memory_space<vmem>>, vector<16xf32>,
          %mul3A_382 = arith.mulf %get3A_381, %gather3A_250 : vector<16xf32>
          %add3A_383 = arith.addf %add3A_378, %mul3A_382 : vector<16xf32>
          %swap3A_384 = arith.index_cast %scan3A_245 : i32 to index
          %swap3A_385 = arith.constant 112 : index
          %swap3A_386 = tpu.vector_load %arg20[%swap3A_384, %swap3A_385] {strides = array<i32>} : memref<64x256xf32, #tpu.memory_space<vmem>>, vector<16xf32>,
          tpu.vector_store %arg20[%swap3A_384, %swap3A_385], %add3A_383 {strides = array<i32>} : memref<64x256xf32, #tpu.memory_space<vmem>>, vector<16xf32>,
          %get3A_387 = arith.index_cast %scan3A_245 : i32 to index
          %get3A_388 = arith.constant 128 : index
          %get3A_389 = tpu.vector_load %arg20[%get3A_387, %get3A_388] {strides = array<i32>} : memref<64x256xf32, #tpu.memory_space<vmem>>, vector<16xf32>,
          %mul3A_390 = arith.mulf %get3A_389, %gather3A : vector<16xf32>
          %get3A_391 = arith.index_cast %scan3A_245 : i32 to index
          %get3A_392 = arith.constant 128 : index
          %get3A_393 = tpu.vector_load %arg21[%get3A_391, %get3A_392] {strides = array<i32>} : memref<64x256xf32, #tpu.memory_space<vmem>>, vector<16xf32>,
          %mul3A_394 = arith.mulf %get3A_393, %gather3A_249 : vector<16xf32>
          %add3A_395 = arith.addf %mul3A_390, %mul3A_394 : vector<16xf32>
          %get3A_396 = arith.index_cast %scan3A_245 : i32 to index
          %get3A_397 = arith.constant 128 : index
          %get3A_398 = tpu.vector_load %arg22[%get3A_396, %get3A_397] {strides = array<i32>} : memref<64x256xf32, #tpu.memory_space<vmem>>, vector<16xf32>,
          %mul3A_399 = arith.mulf %get3A_398, %gather3A_250 : vector<16xf32>
          %add3A_400 = arith.addf %add3A_395, %mul3A_399 : vector<16xf32>
          %swap3A_401 = arith.index_cast %scan3A_245 : i32 to index
          %swap3A_402 = arith.constant 128 : index
          %swap3A_403 = tpu.vector_load %arg20[%swap3A_401, %swap3A_402] {strides = array<i32>} : memref<64x256xf32, #tpu.memory_space<vmem>>, vector<16xf32>,
          tpu.vector_store %arg20[%swap3A_401, %swap3A_402], %add3A_400 {strides = array<i32>} : memref<64x256xf32, #tpu.memory_space<vmem>>, vector<16xf32>,
          %get3A_404 = arith.index_cast %scan3A_245 : i32 to index
          %get3A_405 = arith.constant 144 : index
          %get3A_406 = tpu.vector_load %arg20[%get3A_404, %get3A_405] {strides = array<i32>} : memref<64x256xf32, #tpu.memory_space<vmem>>, vector<16xf32>,
          %mul3A_407 = arith.mulf %get3A_406, %gather3A : vector<16xf32>
          %get3A_408 = arith.index_cast %scan3A_245 : i32 to index
          %get3A_409 = arith.constant 144 : index
          %get3A_410 = tpu.vector_load %arg21[%get3A_408, %get3A_409] {strides = array<i32>} : memref<64x256xf32, #tpu.memory_space<vmem>>, vector<16xf32>,
          %mul3A_411 = arith.mulf %get3A_410, %gather3A_249 : vector<16xf32>
          %add3A_412 = arith.addf %mul3A_407, %mul3A_411 : vector<16xf32>
          %get3A_413 = arith.index_cast %scan3A_245 : i32 to index
          %get3A_414 = arith.constant 144 : index
          %get3A_415 = tpu.vector_load %arg22[%get3A_413, %get3A_414] {strides = array<i32>} : memref<64x256xf32, #tpu.memory_space<vmem>>, vector<16xf32>,
          %mul3A_416 = arith.mulf %get3A_415, %gather3A_250 : vector<16xf32>
          %add3A_417 = arith.addf %add3A_412, %mul3A_416 : vector<16xf32>
          %swap3A_418 = arith.index_cast %scan3A_245 : i32 to index
          %swap3A_419 = arith.constant 144 : index
          %swap3A_420 = tpu.vector_load %arg20[%swap3A_418, %swap3A_419] {strides = array<i32>} : memref<64x256xf32, #tpu.memory_space<vmem>>, vector<16xf32>,
          tpu.vector_store %arg20[%swap3A_418, %swap3A_419], %add3A_417 {strides = array<i32>} : memref<64x256xf32, #tpu.memory_space<vmem>>, vector<16xf32>,
          %get3A_421 = arith.index_cast %scan3A_245 : i32 to index
          %get3A_422 = arith.constant 160 : index
          %get3A_423 = tpu.vector_load %arg20[%get3A_421, %get3A_422] {strides = array<i32>} : memref<64x256xf32, #tpu.memory_space<vmem>>, vector<16xf32>,
          %mul3A_424 = arith.mulf %get3A_423, %gather3A : vector<16xf32>
          %get3A_425 = arith.index_cast %scan3A_245 : i32 to index
          %get3A_426 = arith.constant 160 : index
          %get3A_427 = tpu.vector_load %arg21[%get3A_425, %get3A_426] {strides = array<i32>} : memref<64x256xf32, #tpu.memory_space<vmem>>, vector<16xf32>,
          %mul3A_428 = arith.mulf %get3A_427, %gather3A_249 : vector<16xf32>
          %add3A_429 = arith.addf %mul3A_424, %mul3A_428 : vector<16xf32>
          %get3A_430 = arith.index_cast %scan3A_245 : i32 to index
          %get3A_431 = arith.constant 160 : index
          %get3A_432 = tpu.vector_load %arg22[%get3A_430, %get3A_431] {strides = array<i32>} : memref<64x256xf32, #tpu.memory_space<vmem>>, vector<16xf32>,
          %mul3A_433 = arith.mulf %get3A_432, %gather3A_250 : vector<16xf32>
          %add3A_434 = arith.addf %add3A_429, %mul3A_433 : vector<16xf32>
          %swap3A_435 = arith.index_cast %scan3A_245 : i32 to index
          %swap3A_436 = arith.constant 160 : index
          %swap3A_437 = tpu.vector_load %arg20[%swap3A_435, %swap3A_436] {strides = array<i32>} : memref<64x256xf32, #tpu.memory_space<vmem>>, vector<16xf32>,
          tpu.vector_store %arg20[%swap3A_435, %swap3A_436], %add3A_434 {strides = array<i32>} : memref<64x256xf32, #tpu.memory_space<vmem>>, vector<16xf32>,
          %get3A_438 = arith.index_cast %scan3A_245 : i32 to index
          %get3A_439 = arith.constant 176 : index
          %get3A_440 = tpu.vector_load %arg20[%get3A_438, %get3A_439] {strides = array<i32>} : memref<64x256xf32, #tpu.memory_space<vmem>>, vector<16xf32>,
          %mul3A_441 = arith.mulf %get3A_440, %gather3A : vector<16xf32>
          %get3A_442 = arith.index_cast %scan3A_245 : i32 to index
          %get3A_443 = arith.constant 176 : index
          %get3A_444 = tpu.vector_load %arg21[%get3A_442, %get3A_443] {strides = array<i32>} : memref<64x256xf32, #tpu.memory_space<vmem>>, vector<16xf32>,
          %mul3A_445 = arith.mulf %get3A_444, %gather3A_249 : vector<16xf32>
          %add3A_446 = arith.addf %mul3A_441, %mul3A_445 : vector<16xf32>
          %get3A_447 = arith.index_cast %scan3A_245 : i32 to index
          %get3A_448 = arith.constant 176 : index
          %get3A_449 = tpu.vector_load %arg22[%get3A_447, %get3A_448] {strides = array<i32>} : memref<64x256xf32, #tpu.memory_space<vmem>>, vector<16xf32>,
          %mul3A_450 = arith.mulf %get3A_449, %gather3A_250 : vector<16xf32>
          %add3A_451 = arith.addf %add3A_446, %mul3A_450 : vector<16xf32>
          %swap3A_452 = arith.index_cast %scan3A_245 : i32 to index
          %swap3A_453 = arith.constant 176 : index
          %swap3A_454 = tpu.vector_load %arg20[%swap3A_452, %swap3A_453] {strides = array<i32>} : memref<64x256xf32, #tpu.memory_space<vmem>>, vector<16xf32>,
          tpu.vector_store %arg20[%swap3A_452, %swap3A_453], %add3A_451 {strides = array<i32>} : memref<64x256xf32, #tpu.memory_space<vmem>>, vector<16xf32>,
          %get3A_455 = arith.index_cast %scan3A_245 : i32 to index
          %get3A_456 = arith.constant 192 : index
          %get3A_457 = tpu.vector_load %arg20[%get3A_455, %get3A_456] {strides = array<i32>} : memref<64x256xf32, #tpu.memory_space<vmem>>, vector<16xf32>,
          %mul3A_458 = arith.mulf %get3A_457, %gather3A : vector<16xf32>
          %get3A_459 = arith.index_cast %scan3A_245 : i32 to index
          %get3A_460 = arith.constant 192 : index
          %get3A_461 = tpu.vector_load %arg21[%get3A_459, %get3A_460] {strides = array<i32>} : memref<64x256xf32, #tpu.memory_space<vmem>>, vector<16xf32>,
          %mul3A_462 = arith.mulf %get3A_461, %gather3A_249 : vector<16xf32>
          %add3A_463 = arith.addf %mul3A_458, %mul3A_462 : vector<16xf32>
          %get3A_464 = arith.index_cast %scan3A_245 : i32 to index
          %get3A_465 = arith.constant 192 : index
          %get3A_466 = tpu.vector_load %arg22[%get3A_464, %get3A_465] {strides = array<i32>} : memref<64x256xf32, #tpu.memory_space<vmem>>, vector<16xf32>,
          %mul3A_467 = arith.mulf %get3A_466, %gather3A_250 : vector<16xf32>
          %add3A_468 = arith.addf %add3A_463, %mul3A_467 : vector<16xf32>
          %swap3A_469 = arith.index_cast %scan3A_245 : i32 to index
          %swap3A_470 = arith.constant 192 : index
          %swap3A_471 = tpu.vector_load %arg20[%swap3A_469, %swap3A_470] {strides = array<i32>} : memref<64x256xf32, #tpu.memory_space<vmem>>, vector<16xf32>,
          tpu.vector_store %arg20[%swap3A_469, %swap3A_470], %add3A_468 {strides = array<i32>} : memref<64x256xf32, #tpu.memory_space<vmem>>, vector<16xf32>,
          %get3A_472 = arith.index_cast %scan3A_245 : i32 to index
          %get3A_473 = arith.constant 208 : index
          %get3A_474 = tpu.vector_load %arg20[%get3A_472, %get3A_473] {strides = array<i32>} : memref<64x256xf32, #tpu.memory_space<vmem>>, vector<16xf32>,
          %mul3A_475 = arith.mulf %get3A_474, %gather3A : vector<16xf32>
          %get3A_476 = arith.index_cast %scan3A_245 : i32 to index
          %get3A_477 = arith.constant 208 : index
          %get3A_478 = tpu.vector_load %arg21[%get3A_476, %get3A_477] {strides = array<i32>} : memref<64x256xf32, #tpu.memory_space<vmem>>, vector<16xf32>,
          %mul3A_479 = arith.mulf %get3A_478, %gather3A_249 : vector<16xf32>
          %add3A_480 = arith.addf %mul3A_475, %mul3A_479 : vector<16xf32>
          %get3A_481 = arith.index_cast %scan3A_245 : i32 to index
          %get3A_482 = arith.constant 208 : index
          %get3A_483 = tpu.vector_load %arg22[%get3A_481, %get3A_482] {strides = array<i32>} : memref<64x256xf32, #tpu.memory_space<vmem>>, vector<16xf32>,
          %mul3A_484 = arith.mulf %get3A_483, %gather3A_250 : vector<16xf32>
          %add3A_485 = arith.addf %add3A_480, %mul3A_484 : vector<16xf32>
          %swap3A_486 = arith.index_cast %scan3A_245 : i32 to index
          %swap3A_487 = arith.constant 208 : index
          %swap3A_488 = tpu.vector_load %arg20[%swap3A_486, %swap3A_487] {strides = array<i32>} : memref<64x256xf32, #tpu.memory_space<vmem>>, vector<16xf32>,
          tpu.vector_store %arg20[%swap3A_486, %swap3A_487], %add3A_485 {strides = array<i32>} : memref<64x256xf32, #tpu.memory_space<vmem>>, vector<16xf32>,
          %get3A_489 = arith.index_cast %scan3A_245 : i32 to index
          %get3A_490 = arith.constant 224 : index
          %get3A_491 = tpu.vector_load %arg20[%get3A_489, %get3A_490] {strides = array<i32>} : memref<64x256xf32, #tpu.memory_space<vmem>>, vector<16xf32>,
          %mul3A_492 = arith.mulf %get3A_491, %gather3A : vector<16xf32>
          %get3A_493 = arith.index_cast %scan3A_245 : i32 to index
          %get3A_494 = arith.constant 224 : index
          %get3A_495 = tpu.vector_load %arg21[%get3A_493, %get3A_494] {strides = array<i32>} : memref<64x256xf32, #tpu.memory_space<vmem>>, vector<16xf32>,
          %mul3A_496 = arith.mulf %get3A_495, %gather3A_249 : vector<16xf32>
          %add3A_497 = arith.addf %mul3A_492, %mul3A_496 : vector<16xf32>
          %get3A_498 = arith.index_cast %scan3A_245 : i32 to index
          %get3A_499 = arith.constant 224 : index
          %get3A_500 = tpu.vector_load %arg22[%get3A_498, %get3A_499] {strides = array<i32>} : memref<64x256xf32, #tpu.memory_space<vmem>>, vector<16xf32>,
          %mul3A_501 = arith.mulf %get3A_500, %gather3A_250 : vector<16xf32>
          %add3A_502 = arith.addf %add3A_497, %mul3A_501 : vector<16xf32>
          %swap3A_503 = arith.index_cast %scan3A_245 : i32 to index
          %swap3A_504 = arith.constant 224 : index
          %swap3A_505 = tpu.vector_load %arg20[%swap3A_503, %swap3A_504] {strides = array<i32>} : memref<64x256xf32, #tpu.memory_space<vmem>>, vector<16xf32>,
          tpu.vector_store %arg20[%swap3A_503, %swap3A_504], %add3A_502 {strides = array<i32>} : memref<64x256xf32, #tpu.memory_space<vmem>>, vector<16xf32>,
          %get3A_506 = arith.index_cast %scan3A_245 : i32 to index
          %get3A_507 = arith.constant 240 : index
          %get3A_508 = tpu.vector_load %arg20[%get3A_506, %get3A_507] {strides = array<i32>} : memref<64x256xf32, #tpu.memory_space<vmem>>, vector<16xf32>,
          %mul3A_509 = arith.mulf %get3A_508, %gather3A : vector<16xf32>
          %get3A_510 = arith.index_cast %scan3A_245 : i32 to index
          %get3A_511 = arith.constant 240 : index
          %get3A_512 = tpu.vector_load %arg21[%get3A_510, %get3A_511] {strides = array<i32>} : memref<64x256xf32, #tpu.memory_space<vmem>>, vector<16xf32>,
          %mul3A_513 = arith.mulf %get3A_512, %gather3A_249 : vector<16xf32>
          %add3A_514 = arith.addf %mul3A_509, %mul3A_513 : vector<16xf32>
          %get3A_515 = arith.index_cast %scan3A_245 : i32 to index
          %get3A_516 = arith.constant 240 : index
          %get3A_517 = tpu.vector_load %arg22[%get3A_515, %get3A_516] {strides = array<i32>} : memref<64x256xf32, #tpu.memory_space<vmem>>, vector<16xf32>,
          %mul3A_518 = arith.mulf %get3A_517, %gather3A_250 : vector<16xf32>
          %add3A_519 = arith.addf %add3A_514, %mul3A_518 : vector<16xf32>
          %swap3A_520 = arith.index_cast %scan3A_245 : i32 to index
          %swap3A_521 = arith.constant 240 : index
          %swap3A_522 = tpu.vector_load %arg20[%swap3A_520, %swap3A_521] {strides = array<i32>} : memref<64x256xf32, #tpu.memory_space<vmem>>, vector<16xf32>,
          tpu.vector_store %arg20[%swap3A_520, %swap3A_521], %add3A_519 {strides = array<i32>} : memref<64x256xf32, #tpu.memory_space<vmem>>, vector<16xf32>,
          %scan3A_523 = arith.constant 0 : i32
          scf.yield %scan3A_523 : i32
        }
        %scan3A_233 = arith.constant 64 : i32
        %mul3A_234 = arith.constant 8192 : i32
        %mul3A_235 = arith.muli %select_n3A, %mul3A_234 : i32
        %mul3A_236 = arith.constant 4 : i32
        %mul3A_237 = arith.muli %mul3A_236, %while3A_147 : i32
        %add3A_238 = arith.addi %select_n3A_30, %mul3A_237 : i32
        %mul3A_239 = arith.constant 64 : i32
        %mul3A_240 = arith.muli %add3A_238, %mul3A_239 : i32
        %add3A_241 = arith.addi %mul3A_235, %mul3A_240 : i32
        %dma_start3A = arith.constant 0 : i32
        %dma_start3A_242 = tpu.memref_slice %arg7[%add3A_241, %dma_start3A] : memref<65536x256xf32, #tpu.memory_space<hbm>> -> memref<64x256xf32, #tpu.memory_space<hbm>>
        %dma_start3A_243 = arith.constant 0 : i32
        %dma_start3A_244 = tpu.memref_slice %arg7[%add3A_241, %dma_start3A_243] : memref<65536x256xf32, #tpu.memory_space<hbm>> -> memref<64x256xf32, #tpu.memory_space<hbm>>
        tpu.enqueue_dma source(%arg20 : memref<64x256xf32, #tpu.memory_space<vmem>>) target(%dma_start3A_244 : memref<64x256xf32, #tpu.memory_space<hbm>>) target_semaphore(%arg26 : memref<!tpu.dma_semaphore, #tpu.memory_space<semaphore_mem>>)
      } else {
      }
      %while3A_201 = arith.constant 0 : i32
      scf.yield %while3A_201 : i32
    }
    %while3A_119 = arith.constant 1 : i32
    %while3A_120 = scf.for %while3A_147 = %while3A_116 to %while3A_112 step %while3A_119 iter_args(%while3A_148 = %while3A_118) -> (i32)  : i32 {
      %ge3A = arith.constant 1 : i32
      %ge3A_149 = arith.cmpi sge, %while3A_147, %ge3A : i32
      %convert_element_type3A_150 = arith.extui %ge3A_149 : i1 to i32
      %cond3A_151 = arith.constant 0 : i32
      %cond3A_152 = arith.cmpi ne, %convert_element_type3A_150, %cond3A_151 : i32
      scf.if %cond3A_152 {
        %dma_wait3A = arith.constant 0 : i32
        %dma_wait3A_202 = arith.constant 0 : i32
        %dma_wait3A_203 = tpu.memref_slice %arg7[%dma_wait3A, %dma_wait3A_202] : memref<65536x256xf32, #tpu.memory_space<hbm>> -> memref<64x256xf32, #tpu.memory_space<hbm>>
        %dma_wait3A_204 = arith.constant 0 : i32
        %dma_wait3A_205 = arith.constant 0 : i32
        %dma_wait3A_206 = tpu.memref_slice %arg7[%dma_wait3A_204, %dma_wait3A_205] : memref<65536x256xf32, #tpu.memory_space<hbm>> -> memref<64x256xf32, #tpu.memory_space<hbm>>
        tpu.wait_dma2 semaphore(%arg26 : memref<!tpu.dma_semaphore, #tpu.memory_space<semaphore_mem>>) src(%dma_wait3A_206 : memref<64x256xf32, #tpu.memory_space<hbm>>) dst(%arg17 : memref<64x256xf32, #tpu.memory_space<vmem>>)
      } else {
      }
      %add3A_153 = arith.constant 1 : i32
      %add3A_154 = arith.addi %while3A_147, %add3A_153 : i32
      %lt3A_155 = arith.cmpi slt, %add3A_154, %min3A_100 : i32
      %convert_element_type3A_156 = arith.extui %lt3A_155 : i1 to i32
      %cond3A_157 = arith.constant 0 : i32
      %cond3A_158 = arith.cmpi ne, %convert_element_type3A_156, %cond3A_157 : i32
      scf.if %cond3A_158 {
        %add3A_202 = arith.constant 1 : i32
        %add3A_203 = arith.addi %while3A_147, %add3A_202 : i32
        %mul3A_204 = arith.constant 4 : i32
        %mul3A_205 = arith.muli %add3A_203, %mul3A_204 : i32
        %add3A_206 = arith.constant 1 : i32
        %add3A_207 = arith.addi %add3A_203, %add3A_206 : i32
        %mul3A_208 = arith.constant 4 : i32
        %mul3A_209 = arith.muli %add3A_207, %mul3A_208 : i32
        %while3A_210 = arith.constant 0 : i32
        %while3A_211 = arith.subi %mul3A_209, %mul3A_205 : i32
        %while3A_212 = arith.addi %mul3A_205, %while3A_211 : i32
        %while3A_213 = arith.constant 1 : i32
        %while3A_214 = arith.divsi %while3A_211, %while3A_213 : i32
        %while3A_215 = arith.muli %while3A_214, %while3A_213 : i32
        %while3A_216 = arith.addi %mul3A_205, %while3A_215 : i32
        %while3A_217 = arith.constant 1 : i32
        %while3A_218 = scf.for %while3A_236 = %mul3A_205 to %while3A_216 step %while3A_217 iter_args(%while3A_237 = %while3A_210) -> (i32)  : i32 {
          %mul3A_238 = arith.constant 16 : i32
          %mul3A_239 = arith.muli %while3A_236, %mul3A_238 : i32
          %jit3A_240 = arith.constant 64 : i32
          %div3A_241 = arith.divsi %mul3A_239, %jit3A_240 : i32
          %sign3A_242 = arith.constant 0 : i32
          %sign3A_243 = arith.cmpi sgt, %mul3A_239, %sign3A_242 : i32
          %sign3A_244 = arith.extui %sign3A_243 : i1 to i32
          %sign3A_245 = arith.constant 0 : i32
          %sign3A_246 = arith.cmpi slt, %mul3A_239, %sign3A_245 : i32
          %sign3A_247 = arith.extui %sign3A_246 : i1 to i32
          %sign3A_248 = arith.subi %sign3A_244, %sign3A_247 : i32
          %sign3A_249 = arith.constant 0 : i32
          %sign3A_250 = arith.cmpi sgt, %jit3A_240, %sign3A_249 : i32
          %sign3A_251 = arith.extui %sign3A_250 : i1 to i32
          %sign3A_252 = arith.constant 0 : i32
          %sign3A_253 = arith.cmpi slt, %jit3A_240, %sign3A_252 : i32
          %sign3A_254 = arith.extui %sign3A_253 : i1 to i32
          %sign3A_255 = arith.subi %sign3A_251, %sign3A_254 : i32
          %ne3A_256 = arith.cmpi ne, %sign3A_248, %sign3A_255 : i32
          %rem3A_257 = arith.remsi %mul3A_239, %jit3A_240 : i32
          %ne3A_258 = arith.constant 0 : i32
          %ne3A_259 = arith.cmpi ne, %rem3A_257, %ne3A_258 : i32
          %and3A_260 = arith.andi %ne3A_256, %ne3A_259 : i1
          %sub3A_261 = arith.constant 1 : i32
          %sub3A_262 = arith.subi %div3A_241, %sub3A_261 : i32
          %select_n3A_263 = arith.select %and3A_260, %sub3A_262, %div3A_241 : i32
          %mul3A_264 = arith.constant 64 : i32
          %mul3A_265 = arith.muli %select_n3A_263, %mul3A_264 : i32
          %sub3A_266 = arith.subi %mul3A_239, %mul3A_265 : i32
          %mul3A_267 = arith.constant 4 : i32
          %mul3A_268 = arith.muli %mul3A_267, %select_n3A_263 : i32
          %add3A_269 = arith.addi %select_n3A_30, %mul3A_268 : i32
          %mul3A_270 = arith.constant 64 : i32
          %mul3A_271 = arith.muli %add3A_269, %mul3A_270 : i32
          %add3A_272 = arith.addi %mul3A_271, %sub3A_266 : i32
          %iota3A = tpu.iota {dimensions = array<i32: 0>} : vector<16xi32>
          %add3A_273 = vector.broadcast %add3A_272 : i32 to vector<16xi32>
          %add3A_274 = arith.addi %add3A_273, %iota3A : vector<16xi32>
          %broadcast_in_dim3A_275 = arith.constant 0 : i32
          %broadcast_in_dim3A_276 = vector.broadcast %broadcast_in_dim3A_275 : i32 to vector<16xi32>
          %broadcast_in_dim3A_277 = arith.constant 2048 : i32
          %broadcast_in_dim3A_278 = vector.broadcast %broadcast_in_dim3A_277 : i32 to vector<16xi32>
          %add3A_279 = arith.addi %broadcast_in_dim3A_276, %broadcast_in_dim3A_278 : vector<16xi32>
          %shift_right_arithmetic3A = arith.constant 1 : i32
          %shift_right_arithmetic3A_280 = vector.broadcast %shift_right_arithmetic3A : i32 to vector<16xi32>
          %shift_right_arithmetic3A_281 = arith.shrsi %add3A_279, %shift_right_arithmetic3A_280 : vector<16xi32>
          %min3A_282 = arith.constant 2047 : i32
          %min3A_283 = vector.broadcast %min3A_282 : i32 to vector<16xi32>
          %min3A_284 = arith.minsi %shift_right_arithmetic3A_281, %min3A_283 : vector<16xi32>
          %gather3A = tpu.vector_load_idx %arg10[%min3A_284] : memref<2048xi32, #tpu.memory_space<vmem>>[vector<16xi32>], vector<16xi32>,
          %le3A = arith.cmpi sle, %gather3A, %add3A_274 : vector<16xi32>
          %add3A_285 = arith.constant 1 : i32
          %add3A_286 = vector.broadcast %add3A_285 : i32 to vector<16xi32>
          %add3A_287 = arith.addi %min3A_284, %add3A_286 : vector<16xi32>
          %select_n3A_288 = arith.select %le3A, %add3A_287, %broadcast_in_dim3A_276 : vector<16xi1>, vector<16xi32>
          %select_n3A_289 = arith.select %le3A, %broadcast_in_dim3A_278, %min3A_284 : vector<16xi1>, vector<16xi32>
          %add3A_290 = arith.addi %select_n3A_288, %select_n3A_289 : vector<16xi32>
          %shift_right_arithmetic3A_291 = arith.constant 1 : i32
          %shift_right_arithmetic3A_292 = vector.broadcast %shift_right_arithmetic3A_291 : i32 to vector<16xi32>
          %shift_right_arithmetic3A_293 = arith.shrsi %add3A_290, %shift_right_arithmetic3A_292 : vector<16xi32>
          %min3A_294 = arith.constant 2047 : i32
          %min3A_295 = vector.broadcast %min3A_294 : i32 to vector<16xi32>
          %min3A_296 = arith.minsi %shift_right_arithmetic3A_293, %min3A_295 : vector<16xi32>
          %gather3A_297 = tpu.vector_load_idx %arg10[%min3A_296] : memref<2048xi32, #tpu.memory_space<vmem>>[vector<16xi32>], vector<16xi32>,
          %le3A_298 = arith.cmpi sle, %gather3A_297, %add3A_274 : vector<16xi32>
          %add3A_299 = arith.constant 1 : i32
          %add3A_300 = vector.broadcast %add3A_299 : i32 to vector<16xi32>
          %add3A_301 = arith.addi %min3A_296, %add3A_300 : vector<16xi32>
          %select_n3A_302 = arith.select %le3A_298, %add3A_301, %select_n3A_288 : vector<16xi1>, vector<16xi32>
          %select_n3A_303 = arith.select %le3A_298, %select_n3A_289, %min3A_296 : vector<16xi1>, vector<16xi32>
          %add3A_304 = arith.addi %select_n3A_302, %select_n3A_303 : vector<16xi32>
          %shift_right_arithmetic3A_305 = arith.constant 1 : i32
          %shift_right_arithmetic3A_306 = vector.broadcast %shift_right_arithmetic3A_305 : i32 to vector<16xi32>
          %shift_right_arithmetic3A_307 = arith.shrsi %add3A_304, %shift_right_arithmetic3A_306 : vector<16xi32>
          %min3A_308 = arith.constant 2047 : i32
          %min3A_309 = vector.broadcast %min3A_308 : i32 to vector<16xi32>
          %min3A_310 = arith.minsi %shift_right_arithmetic3A_307, %min3A_309 : vector<16xi32>
          %gather3A_311 = tpu.vector_load_idx %arg10[%min3A_310] : memref<2048xi32, #tpu.memory_space<vmem>>[vector<16xi32>], vector<16xi32>,
          %le3A_312 = arith.cmpi sle, %gather3A_311, %add3A_274 : vector<16xi32>
          %add3A_313 = arith.constant 1 : i32
          %add3A_314 = vector.broadcast %add3A_313 : i32 to vector<16xi32>
          %add3A_315 = arith.addi %min3A_310, %add3A_314 : vector<16xi32>
          %select_n3A_316 = arith.select %le3A_312, %add3A_315, %select_n3A_302 : vector<16xi1>, vector<16xi32>
          %select_n3A_317 = arith.select %le3A_312, %select_n3A_303, %min3A_310 : vector<16xi1>, vector<16xi32>
          %add3A_318 = arith.addi %select_n3A_316, %select_n3A_317 : vector<16xi32>
          %shift_right_arithmetic3A_319 = arith.constant 1 : i32
          %shift_right_arithmetic3A_320 = vector.broadcast %shift_right_arithmetic3A_319 : i32 to vector<16xi32>
          %shift_right_arithmetic3A_321 = arith.shrsi %add3A_318, %shift_right_arithmetic3A_320 : vector<16xi32>
          %min3A_322 = arith.constant 2047 : i32
          %min3A_323 = vector.broadcast %min3A_322 : i32 to vector<16xi32>
          %min3A_324 = arith.minsi %shift_right_arithmetic3A_321, %min3A_323 : vector<16xi32>
          %gather3A_325 = tpu.vector_load_idx %arg10[%min3A_324] : memref<2048xi32, #tpu.memory_space<vmem>>[vector<16xi32>], vector<16xi32>,
          %le3A_326 = arith.cmpi sle, %gather3A_325, %add3A_274 : vector<16xi32>
          %add3A_327 = arith.constant 1 : i32
          %add3A_328 = vector.broadcast %add3A_327 : i32 to vector<16xi32>
          %add3A_329 = arith.addi %min3A_324, %add3A_328 : vector<16xi32>
          %select_n3A_330 = arith.select %le3A_326, %add3A_329, %select_n3A_316 : vector<16xi1>, vector<16xi32>
          %select_n3A_331 = arith.select %le3A_326, %select_n3A_317, %min3A_324 : vector<16xi1>, vector<16xi32>
          %add3A_332 = arith.addi %select_n3A_330, %select_n3A_331 : vector<16xi32>
          %shift_right_arithmetic3A_333 = arith.constant 1 : i32
          %shift_right_arithmetic3A_334 = vector.broadcast %shift_right_arithmetic3A_333 : i32 to vector<16xi32>
          %shift_right_arithmetic3A_335 = arith.shrsi %add3A_332, %shift_right_arithmetic3A_334 : vector<16xi32>
          %min3A_336 = arith.constant 2047 : i32
          %min3A_337 = vector.broadcast %min3A_336 : i32 to vector<16xi32>
          %min3A_338 = arith.minsi %shift_right_arithmetic3A_335, %min3A_337 : vector<16xi32>
          %gather3A_339 = tpu.vector_load_idx %arg10[%min3A_338] : memref<2048xi32, #tpu.memory_space<vmem>>[vector<16xi32>], vector<16xi32>,
          %le3A_340 = arith.cmpi sle, %gather3A_339, %add3A_274 : vector<16xi32>
          %add3A_341 = arith.constant 1 : i32
          %add3A_342 = vector.broadcast %add3A_341 : i32 to vector<16xi32>
          %add3A_343 = arith.addi %min3A_338, %add3A_342 : vector<16xi32>
          %select_n3A_344 = arith.select %le3A_340, %add3A_343, %select_n3A_330 : vector<16xi1>, vector<16xi32>
          %select_n3A_345 = arith.select %le3A_340, %select_n3A_331, %min3A_338 : vector<16xi1>, vector<16xi32>
          %add3A_346 = arith.addi %select_n3A_344, %select_n3A_345 : vector<16xi32>
          %shift_right_arithmetic3A_347 = arith.constant 1 : i32
          %shift_right_arithmetic3A_348 = vector.broadcast %shift_right_arithmetic3A_347 : i32 to vector<16xi32>
          %shift_right_arithmetic3A_349 = arith.shrsi %add3A_346, %shift_right_arithmetic3A_348 : vector<16xi32>
          %min3A_350 = arith.constant 2047 : i32
          %min3A_351 = vector.broadcast %min3A_350 : i32 to vector<16xi32>
          %min3A_352 = arith.minsi %shift_right_arithmetic3A_349, %min3A_351 : vector<16xi32>
          %gather3A_353 = tpu.vector_load_idx %arg10[%min3A_352] : memref<2048xi32, #tpu.memory_space<vmem>>[vector<16xi32>], vector<16xi32>,
          %le3A_354 = arith.cmpi sle, %gather3A_353, %add3A_274 : vector<16xi32>
          %add3A_355 = arith.constant 1 : i32
          %add3A_356 = vector.broadcast %add3A_355 : i32 to vector<16xi32>
          %add3A_357 = arith.addi %min3A_352, %add3A_356 : vector<16xi32>
          %select_n3A_358 = arith.select %le3A_354, %add3A_357, %select_n3A_344 : vector<16xi1>, vector<16xi32>
          %select_n3A_359 = arith.select %le3A_354, %select_n3A_345, %min3A_352 : vector<16xi1>, vector<16xi32>
          %add3A_360 = arith.addi %select_n3A_358, %select_n3A_359 : vector<16xi32>
          %shift_right_arithmetic3A_361 = arith.constant 1 : i32
          %shift_right_arithmetic3A_362 = vector.broadcast %shift_right_arithmetic3A_361 : i32 to vector<16xi32>
          %shift_right_arithmetic3A_363 = arith.shrsi %add3A_360, %shift_right_arithmetic3A_362 : vector<16xi32>
          %min3A_364 = arith.constant 2047 : i32
          %min3A_365 = vector.broadcast %min3A_364 : i32 to vector<16xi32>
          %min3A_366 = arith.minsi %shift_right_arithmetic3A_363, %min3A_365 : vector<16xi32>
          %gather3A_367 = tpu.vector_load_idx %arg10[%min3A_366] : memref<2048xi32, #tpu.memory_space<vmem>>[vector<16xi32>], vector<16xi32>,
          %le3A_368 = arith.cmpi sle, %gather3A_367, %add3A_274 : vector<16xi32>
          %add3A_369 = arith.constant 1 : i32
          %add3A_370 = vector.broadcast %add3A_369 : i32 to vector<16xi32>
          %add3A_371 = arith.addi %min3A_366, %add3A_370 : vector<16xi32>
          %select_n3A_372 = arith.select %le3A_368, %add3A_371, %select_n3A_358 : vector<16xi1>, vector<16xi32>
          %select_n3A_373 = arith.select %le3A_368, %select_n3A_359, %min3A_366 : vector<16xi1>, vector<16xi32>
          %add3A_374 = arith.addi %select_n3A_372, %select_n3A_373 : vector<16xi32>
          %shift_right_arithmetic3A_375 = arith.constant 1 : i32
          %shift_right_arithmetic3A_376 = vector.broadcast %shift_right_arithmetic3A_375 : i32 to vector<16xi32>
          %shift_right_arithmetic3A_377 = arith.shrsi %add3A_374, %shift_right_arithmetic3A_376 : vector<16xi32>
          %min3A_378 = arith.constant 2047 : i32
          %min3A_379 = vector.broadcast %min3A_378 : i32 to vector<16xi32>
          %min3A_380 = arith.minsi %shift_right_arithmetic3A_377, %min3A_379 : vector<16xi32>
          %gather3A_381 = tpu.vector_load_idx %arg10[%min3A_380] : memref<2048xi32, #tpu.memory_space<vmem>>[vector<16xi32>], vector<16xi32>,
          %le3A_382 = arith.cmpi sle, %gather3A_381, %add3A_274 : vector<16xi32>
          %add3A_383 = arith.constant 1 : i32
          %add3A_384 = vector.broadcast %add3A_383 : i32 to vector<16xi32>
          %add3A_385 = arith.addi %min3A_380, %add3A_384 : vector<16xi32>
          %select_n3A_386 = arith.select %le3A_382, %add3A_385, %select_n3A_372 : vector<16xi1>, vector<16xi32>
          %select_n3A_387 = arith.select %le3A_382, %select_n3A_373, %min3A_380 : vector<16xi1>, vector<16xi32>
          %add3A_388 = arith.addi %select_n3A_386, %select_n3A_387 : vector<16xi32>
          %shift_right_arithmetic3A_389 = arith.constant 1 : i32
          %shift_right_arithmetic3A_390 = vector.broadcast %shift_right_arithmetic3A_389 : i32 to vector<16xi32>
          %shift_right_arithmetic3A_391 = arith.shrsi %add3A_388, %shift_right_arithmetic3A_390 : vector<16xi32>
          %min3A_392 = arith.constant 2047 : i32
          %min3A_393 = vector.broadcast %min3A_392 : i32 to vector<16xi32>
          %min3A_394 = arith.minsi %shift_right_arithmetic3A_391, %min3A_393 : vector<16xi32>
          %gather3A_395 = tpu.vector_load_idx %arg10[%min3A_394] : memref<2048xi32, #tpu.memory_space<vmem>>[vector<16xi32>], vector<16xi32>,
          %le3A_396 = arith.cmpi sle, %gather3A_395, %add3A_274 : vector<16xi32>
          %add3A_397 = arith.constant 1 : i32
          %add3A_398 = vector.broadcast %add3A_397 : i32 to vector<16xi32>
          %add3A_399 = arith.addi %min3A_394, %add3A_398 : vector<16xi32>
          %select_n3A_400 = arith.select %le3A_396, %add3A_399, %select_n3A_386 : vector<16xi1>, vector<16xi32>
          %select_n3A_401 = arith.select %le3A_396, %select_n3A_387, %min3A_394 : vector<16xi1>, vector<16xi32>
          %add3A_402 = arith.addi %select_n3A_400, %select_n3A_401 : vector<16xi32>
          %shift_right_arithmetic3A_403 = arith.constant 1 : i32
          %shift_right_arithmetic3A_404 = vector.broadcast %shift_right_arithmetic3A_403 : i32 to vector<16xi32>
          %shift_right_arithmetic3A_405 = arith.shrsi %add3A_402, %shift_right_arithmetic3A_404 : vector<16xi32>
          %min3A_406 = arith.constant 2047 : i32
          %min3A_407 = vector.broadcast %min3A_406 : i32 to vector<16xi32>
          %min3A_408 = arith.minsi %shift_right_arithmetic3A_405, %min3A_407 : vector<16xi32>
          %gather3A_409 = tpu.vector_load_idx %arg10[%min3A_408] : memref<2048xi32, #tpu.memory_space<vmem>>[vector<16xi32>], vector<16xi32>,
          %le3A_410 = arith.cmpi sle, %gather3A_409, %add3A_274 : vector<16xi32>
          %add3A_411 = arith.constant 1 : i32
          %add3A_412 = vector.broadcast %add3A_411 : i32 to vector<16xi32>
          %add3A_413 = arith.addi %min3A_408, %add3A_412 : vector<16xi32>
          %select_n3A_414 = arith.select %le3A_410, %add3A_413, %select_n3A_400 : vector<16xi1>, vector<16xi32>
          %select_n3A_415 = arith.select %le3A_410, %select_n3A_401, %min3A_408 : vector<16xi1>, vector<16xi32>
          %add3A_416 = arith.addi %select_n3A_414, %select_n3A_415 : vector<16xi32>
          %shift_right_arithmetic3A_417 = arith.constant 1 : i32
          %shift_right_arithmetic3A_418 = vector.broadcast %shift_right_arithmetic3A_417 : i32 to vector<16xi32>
          %shift_right_arithmetic3A_419 = arith.shrsi %add3A_416, %shift_right_arithmetic3A_418 : vector<16xi32>
          %min3A_420 = arith.constant 2047 : i32
          %min3A_421 = vector.broadcast %min3A_420 : i32 to vector<16xi32>
          %min3A_422 = arith.minsi %shift_right_arithmetic3A_419, %min3A_421 : vector<16xi32>
          %gather3A_423 = tpu.vector_load_idx %arg10[%min3A_422] : memref<2048xi32, #tpu.memory_space<vmem>>[vector<16xi32>], vector<16xi32>,
          %le3A_424 = arith.cmpi sle, %gather3A_423, %add3A_274 : vector<16xi32>
          %add3A_425 = arith.constant 1 : i32
          %add3A_426 = vector.broadcast %add3A_425 : i32 to vector<16xi32>
          %add3A_427 = arith.addi %min3A_422, %add3A_426 : vector<16xi32>
          %select_n3A_428 = arith.select %le3A_424, %add3A_427, %select_n3A_414 : vector<16xi1>, vector<16xi32>
          %select_n3A_429 = arith.select %le3A_424, %select_n3A_415, %min3A_422 : vector<16xi1>, vector<16xi32>
          %add3A_430 = arith.addi %select_n3A_428, %select_n3A_429 : vector<16xi32>
          %shift_right_arithmetic3A_431 = arith.constant 1 : i32
          %shift_right_arithmetic3A_432 = vector.broadcast %shift_right_arithmetic3A_431 : i32 to vector<16xi32>
          %shift_right_arithmetic3A_433 = arith.shrsi %add3A_430, %shift_right_arithmetic3A_432 : vector<16xi32>
          %min3A_434 = arith.constant 2047 : i32
          %min3A_435 = vector.broadcast %min3A_434 : i32 to vector<16xi32>
          %min3A_436 = arith.minsi %shift_right_arithmetic3A_433, %min3A_435 : vector<16xi32>
          %gather3A_437 = tpu.vector_load_idx %arg10[%min3A_436] : memref<2048xi32, #tpu.memory_space<vmem>>[vector<16xi32>], vector<16xi32>,
          %le3A_438 = arith.cmpi sle, %gather3A_437, %add3A_274 : vector<16xi32>
          %add3A_439 = arith.constant 1 : i32
          %add3A_440 = vector.broadcast %add3A_439 : i32 to vector<16xi32>
          %add3A_441 = arith.addi %min3A_436, %add3A_440 : vector<16xi32>
          %select_n3A_442 = arith.select %le3A_438, %add3A_441, %select_n3A_428 : vector<16xi1>, vector<16xi32>
          %select_n3A_443 = arith.select %le3A_438, %select_n3A_429, %min3A_436 : vector<16xi1>, vector<16xi32>
          %min3A_444 = arith.constant 2047 : i32
          %min3A_445 = vector.broadcast %min3A_444 : i32 to vector<16xi32>
          %min3A_446 = arith.minsi %select_n3A_442, %min3A_445 : vector<16xi32>
          %gather3A_447 = tpu.vector_load_idx %arg9[%min3A_446] : memref<2048xi32, #tpu.memory_space<vmem>>[vector<16xi32>], vector<16xi32>,
          %gather3A_448 = tpu.vector_load_idx %arg10[%min3A_446] : memref<2048xi32, #tpu.memory_space<vmem>>[vector<16xi32>], vector<16xi32>,
          %sub3A_449 = arith.subi %gather3A_448, %gather3A_447 : vector<16xi32>
          %sub3A_450 = arith.subi %add3A_274, %sub3A_449 : vector<16xi32>
          %shift_right_arithmetic3A_451 = arith.constant 1 : i32
          %shift_right_arithmetic3A_452 = vector.broadcast %shift_right_arithmetic3A_451 : i32 to vector<16xi32>
          %shift_right_arithmetic3A_453 = arith.shrsi %gather3A_447, %shift_right_arithmetic3A_452 : vector<16xi32>
          %sub3A_454 = arith.subi %gather3A_447, %shift_right_arithmetic3A_453 : vector<16xi32>
          %convert_element_type3A_455 = arith.sitofp %sub3A_450 : vector<16xi32> to vector<16xf32>
          %convert_element_type3A_456 = arith.sitofp %shift_right_arithmetic3A_453 : vector<16xi32> to vector<16xf32>
          %sub3A_457 = arith.constant 1 : i32
          %sub3A_458 = vector.broadcast %sub3A_457 : i32 to vector<16xi32>
          %sub3A_459 = arith.subi %shift_right_arithmetic3A_453, %sub3A_458 : vector<16xi32>
          %max3A_460 = arith.constant 1 : i32
          %max3A_461 = vector.broadcast %max3A_460 : i32 to vector<16xi32>
          %max3A_462 = arith.maxsi %sub3A_459, %max3A_461 : vector<16xi32>
          %convert_element_type3A_463 = arith.sitofp %max3A_462 : vector<16xi32> to vector<16xf32>
          %sub3A_464 = arith.constant 1 : i32
          %sub3A_465 = vector.broadcast %sub3A_464 : i32 to vector<16xi32>
          %sub3A_466 = arith.subi %sub3A_454, %sub3A_465 : vector<16xi32>
          %max3A_467 = arith.constant 1 : i32
          %max3A_468 = vector.broadcast %max3A_467 : i32 to vector<16xi32>
          %max3A_469 = arith.maxsi %sub3A_466, %max3A_468 : vector<16xi32>
          %convert_element_type3A_470 = arith.sitofp %max3A_469 : vector<16xi32> to vector<16xf32>
          %gt3A_471 = arith.constant 1 : i32
          %gt3A_472 = vector.broadcast %gt3A_471 : i32 to vector<16xi32>
          %gt3A_473 = arith.cmpi sgt, %shift_right_arithmetic3A_453, %gt3A_472 : vector<16xi32>
          %div3A_474 = arith.divf %convert_element_type3A_455, %convert_element_type3A_463 : vector<16xf32>
          %jit3A_475 = arith.constant 0.000000e+00 : f32
          %broadcast_in_dim3A_476 = vector.broadcast %jit3A_475 : f32 to vector<16xf32>
          %select_n3A_477 = arith.select %gt3A_473, %div3A_474, %broadcast_in_dim3A_476 : vector<16xi1>, vector<16xf32>
          %gt3A_478 = arith.constant 1 : i32
          %gt3A_479 = vector.broadcast %gt3A_478 : i32 to vector<16xi32>
          %gt3A_480 = arith.cmpi sgt, %sub3A_454, %gt3A_479 : vector<16xi32>
          %sub3A_481 = arith.subf %convert_element_type3A_455, %convert_element_type3A_456 : vector<16xf32>
          %div3A_482 = arith.divf %sub3A_481, %convert_element_type3A_470 : vector<16xf32>
          %jit3A_483 = arith.constant 0.000000e+00 : f32
          %broadcast_in_dim3A_484 = vector.broadcast %jit3A_483 : f32 to vector<16xf32>
          %select_n3A_485 = arith.select %gt3A_480, %div3A_482, %broadcast_in_dim3A_484 : vector<16xi1>, vector<16xf32>
          %lt3A_486 = arith.cmpi slt, %sub3A_450, %shift_right_arithmetic3A_453 : vector<16xi32>
          %sub3A_487 = arith.constant 1.000000e+00 : f32
          %sub3A_488 = vector.broadcast %sub3A_487 : f32 to vector<16xf32>
          %sub3A_489 = arith.subf %sub3A_488, %select_n3A_477 : vector<16xf32>
          %jit3A_490 = arith.constant 0.000000e+00 : f32
          %broadcast_in_dim3A_491 = vector.broadcast %jit3A_490 : f32 to vector<16xf32>
          %select_n3A_492 = arith.select %lt3A_486, %sub3A_489, %broadcast_in_dim3A_491 : vector<16xi1>, vector<16xf32>
          %sub3A_493 = arith.constant 1.000000e+00 : f32
          %sub3A_494 = vector.broadcast %sub3A_493 : f32 to vector<16xf32>
          %sub3A_495 = arith.subf %sub3A_494, %select_n3A_485 : vector<16xf32>
          %select_n3A_496 = arith.select %lt3A_486, %select_n3A_477, %sub3A_495 : vector<16xi1>, vector<16xf32>
          %jit3A_497 = arith.constant 0.000000e+00 : f32
          %broadcast_in_dim3A_498 = vector.broadcast %jit3A_497 : f32 to vector<16xf32>
          %select_n3A_499 = arith.select %lt3A_486, %broadcast_in_dim3A_498, %select_n3A_485 : vector<16xi1>, vector<16xf32>
          %eq3A_500 = arith.constant 0 : i32
          %eq3A_501 = vector.broadcast %eq3A_500 : i32 to vector<16xi32>
          %eq3A_502 = arith.cmpi eq, %sub3A_450, %eq3A_501 : vector<16xi32>
          %jit3A_503 = arith.constant 1.000000e+00 : f32
          %jit3A_504 = arith.constant 0.000000e+00 : f32
          %broadcast_in_dim3A_505 = vector.broadcast %jit3A_503 : f32 to vector<16xf32>
          %broadcast_in_dim3A_506 = vector.broadcast %jit3A_504 : f32 to vector<16xf32>
          %select_n3A_507 = arith.select %eq3A_502, %broadcast_in_dim3A_505, %broadcast_in_dim3A_506 : vector<16xi1>, vector<16xf32>
          %eq3A_508 = arith.constant 1 : i32
          %eq3A_509 = vector.broadcast %eq3A_508 : i32 to vector<16xi32>
          %eq3A_510 = arith.cmpi eq, %gather3A_447, %eq3A_509 : vector<16xi32>
          %eq3A_511 = arith.constant 2 : i32
          %eq3A_512 = vector.broadcast %eq3A_511 : i32 to vector<16xi32>
          %eq3A_513 = arith.cmpi eq, %gather3A_447, %eq3A_512 : vector<16xi32>
          %select_n3A_514 = arith.select %eq3A_513, %select_n3A_507, %select_n3A_492 : vector<16xi1>, vector<16xf32>
          %jit3A_515 = arith.constant 0.000000e+00 : f32
          %broadcast_in_dim3A_516 = vector.broadcast %jit3A_515 : f32 to vector<16xf32>
          %select_n3A_517 = arith.select %eq3A_510, %broadcast_in_dim3A_516, %select_n3A_514 : vector<16xi1>, vector<16xf32>
          %jit3A_518 = arith.constant 0.000000e+00 : f32
          %broadcast_in_dim3A_519 = vector.broadcast %jit3A_518 : f32 to vector<16xf32>
          %select_n3A_520 = arith.select %eq3A_513, %broadcast_in_dim3A_519, %select_n3A_496 : vector<16xi1>, vector<16xf32>
          %jit3A_521 = arith.constant 1.000000e+00 : f32
          %broadcast_in_dim3A_522 = vector.broadcast %jit3A_521 : f32 to vector<16xf32>
          %select_n3A_523 = arith.select %eq3A_510, %broadcast_in_dim3A_522, %select_n3A_520 : vector<16xi1>, vector<16xf32>
          %sub3A_524 = arith.constant 1.000000e+00 : f32
          %sub3A_525 = vector.broadcast %sub3A_524 : f32 to vector<16xf32>
          %sub3A_526 = arith.subf %sub3A_525, %select_n3A_507 : vector<16xf32>
          %select_n3A_527 = arith.select %eq3A_513, %sub3A_526, %select_n3A_499 : vector<16xi1>, vector<16xf32>
          %jit3A_528 = arith.constant 0.000000e+00 : f32
          %broadcast_in_dim3A_529 = vector.broadcast %jit3A_528 : f32 to vector<16xf32>
          %select_n3A_530 = arith.select %eq3A_510, %broadcast_in_dim3A_529, %select_n3A_527 : vector<16xi1>, vector<16xf32>
          %lt3A_531 = arith.cmpi slt, %add3A_274, %min3A : vector<16xi32>
          %jit3A_532 = arith.constant 1.000000e+00 : f32
          %jit3A_533 = arith.constant 0.000000e+00 : f32
          %broadcast_in_dim3A_534 = vector.broadcast %jit3A_532 : f32 to vector<16xf32>
          %broadcast_in_dim3A_535 = vector.broadcast %jit3A_533 : f32 to vector<16xf32>
          %select_n3A_536 = arith.select %lt3A_531, %broadcast_in_dim3A_534, %broadcast_in_dim3A_535 : vector<16xi1>, vector<16xf32>
          %mul3A_537 = arith.mulf %select_n3A_517, %select_n3A_536 : vector<16xf32>
          %swap3A_538 = arith.index_cast %mul3A_239 : i32 to index
          %swap3A_539 = tpu.vector_load %arg12[%swap3A_538] {strides = array<i32>} : memref<2048xf32, #tpu.memory_space<vmem>>, vector<16xf32>,
          tpu.vector_store %arg12[%swap3A_538], %mul3A_537 {strides = array<i32>} : memref<2048xf32, #tpu.memory_space<vmem>>, vector<16xf32>,
          %mul3A_540 = arith.mulf %select_n3A_523, %select_n3A_536 : vector<16xf32>
          %swap3A_541 = arith.index_cast %mul3A_239 : i32 to index
          %swap3A_542 = tpu.vector_load %arg13[%swap3A_541] {strides = array<i32>} : memref<2048xf32, #tpu.memory_space<vmem>>, vector<16xf32>,
          tpu.vector_store %arg13[%swap3A_541], %mul3A_540 {strides = array<i32>} : memref<2048xf32, #tpu.memory_space<vmem>>, vector<16xf32>,
          %mul3A_543 = arith.mulf %select_n3A_530, %select_n3A_536 : vector<16xf32>
          %swap3A_544 = arith.index_cast %mul3A_239 : i32 to index
          %swap3A_545 = tpu.vector_load %arg14[%swap3A_544] {strides = array<i32>} : memref<2048xf32, #tpu.memory_space<vmem>>, vector<16xf32>,
          tpu.vector_store %arg14[%swap3A_544], %mul3A_543 {strides = array<i32>} : memref<2048xf32, #tpu.memory_space<vmem>>, vector<16xf32>,
          %jit3A_546 = arith.constant 1 : i32
          %jit3A_547 = arith.constant 0 : i32
          %broadcast_in_dim3A_548 = vector.broadcast %jit3A_546 : i32 to vector<16xi32>
          %broadcast_in_dim3A_549 = vector.broadcast %jit3A_547 : i32 to vector<16xi32>
          %select_n3A_550 = arith.select %lt3A_531, %broadcast_in_dim3A_548, %broadcast_in_dim3A_549 : vector<16xi1>, vector<16xi32>
          %swap3A_551 = arith.index_cast %mul3A_239 : i32 to index
          %swap3A_552 = tpu.vector_load %arg15[%swap3A_551] {strides = array<i32>} : memref<2048xi32, #tpu.memory_space<vmem>>, vector<16xi32>,
          tpu.vector_store %arg15[%swap3A_551], %select_n3A_550 {strides = array<i32>} : memref<2048xi32, #tpu.memory_space<vmem>>, vector<16xi32>,
          %mul3A_553 = arith.constant 2048 : i32
          %mul3A_554 = arith.muli %select_n3A, %mul3A_553 : i32
          %add3A_555 = vector.broadcast %mul3A_554 : i32 to vector<16xi32>
          %add3A_556 = arith.addi %add3A_555, %min3A_446 : vector<16xi32>
          %swap3A_557 = arith.index_cast %mul3A_239 : i32 to index
          %swap3A_558 = tpu.vector_load %arg11[%swap3A_557] {strides = array<i32>} : memref<2048xi32, #tpu.memory_space<vmem>>, vector<16xi32>,
          tpu.vector_store %arg11[%swap3A_557], %add3A_556 {strides = array<i32>} : memref<2048xi32, #tpu.memory_space<vmem>>, vector<16xi32>,
          %while3A_559 = arith.constant 0 : i32
          scf.yield %while3A_559 : i32
        }
        %while3A_219 = arith.constant 1 : i32
        %while3A_220 = scf.for %while3A_236 = %while3A_216 to %while3A_212 step %while3A_219 iter_args(%while3A_237 = %while3A_218) -> (i32)  : i32 {
          %mul3A_238 = arith.constant 16 : i32
          %mul3A_239 = arith.muli %while3A_236, %mul3A_238 : i32
          %jit3A_240 = arith.constant 64 : i32
          %div3A_241 = arith.divsi %mul3A_239, %jit3A_240 : i32
          %sign3A_242 = arith.constant 0 : i32
          %sign3A_243 = arith.cmpi sgt, %mul3A_239, %sign3A_242 : i32
          %sign3A_244 = arith.extui %sign3A_243 : i1 to i32
          %sign3A_245 = arith.constant 0 : i32
          %sign3A_246 = arith.cmpi slt, %mul3A_239, %sign3A_245 : i32
          %sign3A_247 = arith.extui %sign3A_246 : i1 to i32
          %sign3A_248 = arith.subi %sign3A_244, %sign3A_247 : i32
          %sign3A_249 = arith.constant 0 : i32
          %sign3A_250 = arith.cmpi sgt, %jit3A_240, %sign3A_249 : i32
          %sign3A_251 = arith.extui %sign3A_250 : i1 to i32
          %sign3A_252 = arith.constant 0 : i32
          %sign3A_253 = arith.cmpi slt, %jit3A_240, %sign3A_252 : i32
          %sign3A_254 = arith.extui %sign3A_253 : i1 to i32
          %sign3A_255 = arith.subi %sign3A_251, %sign3A_254 : i32
          %ne3A_256 = arith.cmpi ne, %sign3A_248, %sign3A_255 : i32
          %rem3A_257 = arith.remsi %mul3A_239, %jit3A_240 : i32
          %ne3A_258 = arith.constant 0 : i32
          %ne3A_259 = arith.cmpi ne, %rem3A_257, %ne3A_258 : i32
          %and3A_260 = arith.andi %ne3A_256, %ne3A_259 : i1
          %sub3A_261 = arith.constant 1 : i32
          %sub3A_262 = arith.subi %div3A_241, %sub3A_261 : i32
          %select_n3A_263 = arith.select %and3A_260, %sub3A_262, %div3A_241 : i32
          %mul3A_264 = arith.constant 64 : i32
          %mul3A_265 = arith.muli %select_n3A_263, %mul3A_264 : i32
          %sub3A_266 = arith.subi %mul3A_239, %mul3A_265 : i32
          %mul3A_267 = arith.constant 4 : i32
          %mul3A_268 = arith.muli %mul3A_267, %select_n3A_263 : i32
          %add3A_269 = arith.addi %select_n3A_30, %mul3A_268 : i32
          %mul3A_270 = arith.constant 64 : i32
          %mul3A_271 = arith.muli %add3A_269, %mul3A_270 : i32
          %add3A_272 = arith.addi %mul3A_271, %sub3A_266 : i32
          %iota3A = tpu.iota {dimensions = array<i32: 0>} : vector<16xi32>
          %add3A_273 = vector.broadcast %add3A_272 : i32 to vector<16xi32>
          %add3A_274 = arith.addi %add3A_273, %iota3A : vector<16xi32>
          %broadcast_in_dim3A_275 = arith.constant 0 : i32
          %broadcast_in_dim3A_276 = vector.broadcast %broadcast_in_dim3A_275 : i32 to vector<16xi32>
          %broadcast_in_dim3A_277 = arith.constant 2048 : i32
          %broadcast_in_dim3A_278 = vector.broadcast %broadcast_in_dim3A_277 : i32 to vector<16xi32>
          %add3A_279 = arith.addi %broadcast_in_dim3A_276, %broadcast_in_dim3A_278 : vector<16xi32>
          %shift_right_arithmetic3A = arith.constant 1 : i32
          %shift_right_arithmetic3A_280 = vector.broadcast %shift_right_arithmetic3A : i32 to vector<16xi32>
          %shift_right_arithmetic3A_281 = arith.shrsi %add3A_279, %shift_right_arithmetic3A_280 : vector<16xi32>
          %min3A_282 = arith.constant 2047 : i32
          %min3A_283 = vector.broadcast %min3A_282 : i32 to vector<16xi32>
          %min3A_284 = arith.minsi %shift_right_arithmetic3A_281, %min3A_283 : vector<16xi32>
          %gather3A = tpu.vector_load_idx %arg10[%min3A_284] : memref<2048xi32, #tpu.memory_space<vmem>>[vector<16xi32>], vector<16xi32>,
          %le3A = arith.cmpi sle, %gather3A, %add3A_274 : vector<16xi32>
          %add3A_285 = arith.constant 1 : i32
          %add3A_286 = vector.broadcast %add3A_285 : i32 to vector<16xi32>
          %add3A_287 = arith.addi %min3A_284, %add3A_286 : vector<16xi32>
          %select_n3A_288 = arith.select %le3A, %add3A_287, %broadcast_in_dim3A_276 : vector<16xi1>, vector<16xi32>
          %select_n3A_289 = arith.select %le3A, %broadcast_in_dim3A_278, %min3A_284 : vector<16xi1>, vector<16xi32>
          %add3A_290 = arith.addi %select_n3A_288, %select_n3A_289 : vector<16xi32>
          %shift_right_arithmetic3A_291 = arith.constant 1 : i32
          %shift_right_arithmetic3A_292 = vector.broadcast %shift_right_arithmetic3A_291 : i32 to vector<16xi32>
          %shift_right_arithmetic3A_293 = arith.shrsi %add3A_290, %shift_right_arithmetic3A_292 : vector<16xi32>
          %min3A_294 = arith.constant 2047 : i32
          %min3A_295 = vector.broadcast %min3A_294 : i32 to vector<16xi32>
          %min3A_296 = arith.minsi %shift_right_arithmetic3A_293, %min3A_295 : vector<16xi32>
          %gather3A_297 = tpu.vector_load_idx %arg10[%min3A_296] : memref<2048xi32, #tpu.memory_space<vmem>>[vector<16xi32>], vector<16xi32>,
          %le3A_298 = arith.cmpi sle, %gather3A_297, %add3A_274 : vector<16xi32>
          %add3A_299 = arith.constant 1 : i32
          %add3A_300 = vector.broadcast %add3A_299 : i32 to vector<16xi32>
          %add3A_301 = arith.addi %min3A_296, %add3A_300 : vector<16xi32>
          %select_n3A_302 = arith.select %le3A_298, %add3A_301, %select_n3A_288 : vector<16xi1>, vector<16xi32>
          %select_n3A_303 = arith.select %le3A_298, %select_n3A_289, %min3A_296 : vector<16xi1>, vector<16xi32>
          %add3A_304 = arith.addi %select_n3A_302, %select_n3A_303 : vector<16xi32>
          %shift_right_arithmetic3A_305 = arith.constant 1 : i32
          %shift_right_arithmetic3A_306 = vector.broadcast %shift_right_arithmetic3A_305 : i32 to vector<16xi32>
          %shift_right_arithmetic3A_307 = arith.shrsi %add3A_304, %shift_right_arithmetic3A_306 : vector<16xi32>
          %min3A_308 = arith.constant 2047 : i32
          %min3A_309 = vector.broadcast %min3A_308 : i32 to vector<16xi32>
          %min3A_310 = arith.minsi %shift_right_arithmetic3A_307, %min3A_309 : vector<16xi32>
          %gather3A_311 = tpu.vector_load_idx %arg10[%min3A_310] : memref<2048xi32, #tpu.memory_space<vmem>>[vector<16xi32>], vector<16xi32>,
          %le3A_312 = arith.cmpi sle, %gather3A_311, %add3A_274 : vector<16xi32>
          %add3A_313 = arith.constant 1 : i32
          %add3A_314 = vector.broadcast %add3A_313 : i32 to vector<16xi32>
          %add3A_315 = arith.addi %min3A_310, %add3A_314 : vector<16xi32>
          %select_n3A_316 = arith.select %le3A_312, %add3A_315, %select_n3A_302 : vector<16xi1>, vector<16xi32>
          %select_n3A_317 = arith.select %le3A_312, %select_n3A_303, %min3A_310 : vector<16xi1>, vector<16xi32>
          %add3A_318 = arith.addi %select_n3A_316, %select_n3A_317 : vector<16xi32>
          %shift_right_arithmetic3A_319 = arith.constant 1 : i32
          %shift_right_arithmetic3A_320 = vector.broadcast %shift_right_arithmetic3A_319 : i32 to vector<16xi32>
          %shift_right_arithmetic3A_321 = arith.shrsi %add3A_318, %shift_right_arithmetic3A_320 : vector<16xi32>
          %min3A_322 = arith.constant 2047 : i32
          %min3A_323 = vector.broadcast %min3A_322 : i32 to vector<16xi32>
          %min3A_324 = arith.minsi %shift_right_arithmetic3A_321, %min3A_323 : vector<16xi32>
          %gather3A_325 = tpu.vector_load_idx %arg10[%min3A_324] : memref<2048xi32, #tpu.memory_space<vmem>>[vector<16xi32>], vector<16xi32>,
          %le3A_326 = arith.cmpi sle, %gather3A_325, %add3A_274 : vector<16xi32>
          %add3A_327 = arith.constant 1 : i32
          %add3A_328 = vector.broadcast %add3A_327 : i32 to vector<16xi32>
          %add3A_329 = arith.addi %min3A_324, %add3A_328 : vector<16xi32>
          %select_n3A_330 = arith.select %le3A_326, %add3A_329, %select_n3A_316 : vector<16xi1>, vector<16xi32>
          %select_n3A_331 = arith.select %le3A_326, %select_n3A_317, %min3A_324 : vector<16xi1>, vector<16xi32>
          %add3A_332 = arith.addi %select_n3A_330, %select_n3A_331 : vector<16xi32>
          %shift_right_arithmetic3A_333 = arith.constant 1 : i32
          %shift_right_arithmetic3A_334 = vector.broadcast %shift_right_arithmetic3A_333 : i32 to vector<16xi32>
          %shift_right_arithmetic3A_335 = arith.shrsi %add3A_332, %shift_right_arithmetic3A_334 : vector<16xi32>
          %min3A_336 = arith.constant 2047 : i32
          %min3A_337 = vector.broadcast %min3A_336 : i32 to vector<16xi32>
          %min3A_338 = arith.minsi %shift_right_arithmetic3A_335, %min3A_337 : vector<16xi32>
          %gather3A_339 = tpu.vector_load_idx %arg10[%min3A_338] : memref<2048xi32, #tpu.memory_space<vmem>>[vector<16xi32>], vector<16xi32>,
          %le3A_340 = arith.cmpi sle, %gather3A_339, %add3A_274 : vector<16xi32>
          %add3A_341 = arith.constant 1 : i32
          %add3A_342 = vector.broadcast %add3A_341 : i32 to vector<16xi32>
          %add3A_343 = arith.addi %min3A_338, %add3A_342 : vector<16xi32>
          %select_n3A_344 = arith.select %le3A_340, %add3A_343, %select_n3A_330 : vector<16xi1>, vector<16xi32>
          %select_n3A_345 = arith.select %le3A_340, %select_n3A_331, %min3A_338 : vector<16xi1>, vector<16xi32>
          %add3A_346 = arith.addi %select_n3A_344, %select_n3A_345 : vector<16xi32>
          %shift_right_arithmetic3A_347 = arith.constant 1 : i32
          %shift_right_arithmetic3A_348 = vector.broadcast %shift_right_arithmetic3A_347 : i32 to vector<16xi32>
          %shift_right_arithmetic3A_349 = arith.shrsi %add3A_346, %shift_right_arithmetic3A_348 : vector<16xi32>
          %min3A_350 = arith.constant 2047 : i32
          %min3A_351 = vector.broadcast %min3A_350 : i32 to vector<16xi32>
          %min3A_352 = arith.minsi %shift_right_arithmetic3A_349, %min3A_351 : vector<16xi32>
          %gather3A_353 = tpu.vector_load_idx %arg10[%min3A_352] : memref<2048xi32, #tpu.memory_space<vmem>>[vector<16xi32>], vector<16xi32>,
          %le3A_354 = arith.cmpi sle, %gather3A_353, %add3A_274 : vector<16xi32>
          %add3A_355 = arith.constant 1 : i32
          %add3A_356 = vector.broadcast %add3A_355 : i32 to vector<16xi32>
          %add3A_357 = arith.addi %min3A_352, %add3A_356 : vector<16xi32>
          %select_n3A_358 = arith.select %le3A_354, %add3A_357, %select_n3A_344 : vector<16xi1>, vector<16xi32>
          %select_n3A_359 = arith.select %le3A_354, %select_n3A_345, %min3A_352 : vector<16xi1>, vector<16xi32>
          %add3A_360 = arith.addi %select_n3A_358, %select_n3A_359 : vector<16xi32>
          %shift_right_arithmetic3A_361 = arith.constant 1 : i32
          %shift_right_arithmetic3A_362 = vector.broadcast %shift_right_arithmetic3A_361 : i32 to vector<16xi32>
          %shift_right_arithmetic3A_363 = arith.shrsi %add3A_360, %shift_right_arithmetic3A_362 : vector<16xi32>
          %min3A_364 = arith.constant 2047 : i32
          %min3A_365 = vector.broadcast %min3A_364 : i32 to vector<16xi32>
          %min3A_366 = arith.minsi %shift_right_arithmetic3A_363, %min3A_365 : vector<16xi32>
          %gather3A_367 = tpu.vector_load_idx %arg10[%min3A_366] : memref<2048xi32, #tpu.memory_space<vmem>>[vector<16xi32>], vector<16xi32>,
          %le3A_368 = arith.cmpi sle, %gather3A_367, %add3A_274 : vector<16xi32>
          %add3A_369 = arith.constant 1 : i32
          %add3A_370 = vector.broadcast %add3A_369 : i32 to vector<16xi32>
          %add3A_371 = arith.addi %min3A_366, %add3A_370 : vector<16xi32>
          %select_n3A_372 = arith.select %le3A_368, %add3A_371, %select_n3A_358 : vector<16xi1>, vector<16xi32>
          %select_n3A_373 = arith.select %le3A_368, %select_n3A_359, %min3A_366 : vector<16xi1>, vector<16xi32>
          %add3A_374 = arith.addi %select_n3A_372, %select_n3A_373 : vector<16xi32>
          %shift_right_arithmetic3A_375 = arith.constant 1 : i32
          %shift_right_arithmetic3A_376 = vector.broadcast %shift_right_arithmetic3A_375 : i32 to vector<16xi32>
          %shift_right_arithmetic3A_377 = arith.shrsi %add3A_374, %shift_right_arithmetic3A_376 : vector<16xi32>
          %min3A_378 = arith.constant 2047 : i32
          %min3A_379 = vector.broadcast %min3A_378 : i32 to vector<16xi32>
          %min3A_380 = arith.minsi %shift_right_arithmetic3A_377, %min3A_379 : vector<16xi32>
          %gather3A_381 = tpu.vector_load_idx %arg10[%min3A_380] : memref<2048xi32, #tpu.memory_space<vmem>>[vector<16xi32>], vector<16xi32>,
          %le3A_382 = arith.cmpi sle, %gather3A_381, %add3A_274 : vector<16xi32>
          %add3A_383 = arith.constant 1 : i32
          %add3A_384 = vector.broadcast %add3A_383 : i32 to vector<16xi32>
          %add3A_385 = arith.addi %min3A_380, %add3A_384 : vector<16xi32>
          %select_n3A_386 = arith.select %le3A_382, %add3A_385, %select_n3A_372 : vector<16xi1>, vector<16xi32>
          %select_n3A_387 = arith.select %le3A_382, %select_n3A_373, %min3A_380 : vector<16xi1>, vector<16xi32>
          %add3A_388 = arith.addi %select_n3A_386, %select_n3A_387 : vector<16xi32>
          %shift_right_arithmetic3A_389 = arith.constant 1 : i32
          %shift_right_arithmetic3A_390 = vector.broadcast %shift_right_arithmetic3A_389 : i32 to vector<16xi32>
          %shift_right_arithmetic3A_391 = arith.shrsi %add3A_388, %shift_right_arithmetic3A_390 : vector<16xi32>
          %min3A_392 = arith.constant 2047 : i32
          %min3A_393 = vector.broadcast %min3A_392 : i32 to vector<16xi32>
          %min3A_394 = arith.minsi %shift_right_arithmetic3A_391, %min3A_393 : vector<16xi32>
          %gather3A_395 = tpu.vector_load_idx %arg10[%min3A_394] : memref<2048xi32, #tpu.memory_space<vmem>>[vector<16xi32>], vector<16xi32>,
          %le3A_396 = arith.cmpi sle, %gather3A_395, %add3A_274 : vector<16xi32>
          %add3A_397 = arith.constant 1 : i32
          %add3A_398 = vector.broadcast %add3A_397 : i32 to vector<16xi32>
          %add3A_399 = arith.addi %min3A_394, %add3A_398 : vector<16xi32>
          %select_n3A_400 = arith.select %le3A_396, %add3A_399, %select_n3A_386 : vector<16xi1>, vector<16xi32>
          %select_n3A_401 = arith.select %le3A_396, %select_n3A_387, %min3A_394 : vector<16xi1>, vector<16xi32>
          %add3A_402 = arith.addi %select_n3A_400, %select_n3A_401 : vector<16xi32>
          %shift_right_arithmetic3A_403 = arith.constant 1 : i32
          %shift_right_arithmetic3A_404 = vector.broadcast %shift_right_arithmetic3A_403 : i32 to vector<16xi32>
          %shift_right_arithmetic3A_405 = arith.shrsi %add3A_402, %shift_right_arithmetic3A_404 : vector<16xi32>
          %min3A_406 = arith.constant 2047 : i32
          %min3A_407 = vector.broadcast %min3A_406 : i32 to vector<16xi32>
          %min3A_408 = arith.minsi %shift_right_arithmetic3A_405, %min3A_407 : vector<16xi32>
          %gather3A_409 = tpu.vector_load_idx %arg10[%min3A_408] : memref<2048xi32, #tpu.memory_space<vmem>>[vector<16xi32>], vector<16xi32>,
          %le3A_410 = arith.cmpi sle, %gather3A_409, %add3A_274 : vector<16xi32>
          %add3A_411 = arith.constant 1 : i32
          %add3A_412 = vector.broadcast %add3A_411 : i32 to vector<16xi32>
          %add3A_413 = arith.addi %min3A_408, %add3A_412 : vector<16xi32>
          %select_n3A_414 = arith.select %le3A_410, %add3A_413, %select_n3A_400 : vector<16xi1>, vector<16xi32>
          %select_n3A_415 = arith.select %le3A_410, %select_n3A_401, %min3A_408 : vector<16xi1>, vector<16xi32>
          %add3A_416 = arith.addi %select_n3A_414, %select_n3A_415 : vector<16xi32>
          %shift_right_arithmetic3A_417 = arith.constant 1 : i32
          %shift_right_arithmetic3A_418 = vector.broadcast %shift_right_arithmetic3A_417 : i32 to vector<16xi32>
          %shift_right_arithmetic3A_419 = arith.shrsi %add3A_416, %shift_right_arithmetic3A_418 : vector<16xi32>
          %min3A_420 = arith.constant 2047 : i32
          %min3A_421 = vector.broadcast %min3A_420 : i32 to vector<16xi32>
          %min3A_422 = arith.minsi %shift_right_arithmetic3A_419, %min3A_421 : vector<16xi32>
          %gather3A_423 = tpu.vector_load_idx %arg10[%min3A_422] : memref<2048xi32, #tpu.memory_space<vmem>>[vector<16xi32>], vector<16xi32>,
          %le3A_424 = arith.cmpi sle, %gather3A_423, %add3A_274 : vector<16xi32>
          %add3A_425 = arith.constant 1 : i32
          %add3A_426 = vector.broadcast %add3A_425 : i32 to vector<16xi32>
          %add3A_427 = arith.addi %min3A_422, %add3A_426 : vector<16xi32>
          %select_n3A_428 = arith.select %le3A_424, %add3A_427, %select_n3A_414 : vector<16xi1>, vector<16xi32>
          %select_n3A_429 = arith.select %le3A_424, %select_n3A_415, %min3A_422 : vector<16xi1>, vector<16xi32>
          %add3A_430 = arith.addi %select_n3A_428, %select_n3A_429 : vector<16xi32>
          %shift_right_arithmetic3A_431 = arith.constant 1 : i32
          %shift_right_arithmetic3A_432 = vector.broadcast %shift_right_arithmetic3A_431 : i32 to vector<16xi32>
          %shift_right_arithmetic3A_433 = arith.shrsi %add3A_430, %shift_right_arithmetic3A_432 : vector<16xi32>
          %min3A_434 = arith.constant 2047 : i32
          %min3A_435 = vector.broadcast %min3A_434 : i32 to vector<16xi32>
          %min3A_436 = arith.minsi %shift_right_arithmetic3A_433, %min3A_435 : vector<16xi32>
          %gather3A_437 = tpu.vector_load_idx %arg10[%min3A_436] : memref<2048xi32, #tpu.memory_space<vmem>>[vector<16xi32>], vector<16xi32>,
          %le3A_438 = arith.cmpi sle, %gather3A_437, %add3A_274 : vector<16xi32>
          %add3A_439 = arith.constant 1 : i32
          %add3A_440 = vector.broadcast %add3A_439 : i32 to vector<16xi32>
          %add3A_441 = arith.addi %min3A_436, %add3A_440 : vector<16xi32>
          %select_n3A_442 = arith.select %le3A_438, %add3A_441, %select_n3A_428 : vector<16xi1>, vector<16xi32>
          %select_n3A_443 = arith.select %le3A_438, %select_n3A_429, %min3A_436 : vector<16xi1>, vector<16xi32>
          %min3A_444 = arith.constant 2047 : i32
          %min3A_445 = vector.broadcast %min3A_444 : i32 to vector<16xi32>
          %min3A_446 = arith.minsi %select_n3A_442, %min3A_445 : vector<16xi32>
          %gather3A_447 = tpu.vector_load_idx %arg9[%min3A_446] : memref<2048xi32, #tpu.memory_space<vmem>>[vector<16xi32>], vector<16xi32>,
          %gather3A_448 = tpu.vector_load_idx %arg10[%min3A_446] : memref<2048xi32, #tpu.memory_space<vmem>>[vector<16xi32>], vector<16xi32>,
          %sub3A_449 = arith.subi %gather3A_448, %gather3A_447 : vector<16xi32>
          %sub3A_450 = arith.subi %add3A_274, %sub3A_449 : vector<16xi32>
          %shift_right_arithmetic3A_451 = arith.constant 1 : i32
          %shift_right_arithmetic3A_452 = vector.broadcast %shift_right_arithmetic3A_451 : i32 to vector<16xi32>
          %shift_right_arithmetic3A_453 = arith.shrsi %gather3A_447, %shift_right_arithmetic3A_452 : vector<16xi32>
          %sub3A_454 = arith.subi %gather3A_447, %shift_right_arithmetic3A_453 : vector<16xi32>
          %convert_element_type3A_455 = arith.sitofp %sub3A_450 : vector<16xi32> to vector<16xf32>
          %convert_element_type3A_456 = arith.sitofp %shift_right_arithmetic3A_453 : vector<16xi32> to vector<16xf32>
          %sub3A_457 = arith.constant 1 : i32
          %sub3A_458 = vector.broadcast %sub3A_457 : i32 to vector<16xi32>
          %sub3A_459 = arith.subi %shift_right_arithmetic3A_453, %sub3A_458 : vector<16xi32>
          %max3A_460 = arith.constant 1 : i32
          %max3A_461 = vector.broadcast %max3A_460 : i32 to vector<16xi32>
          %max3A_462 = arith.maxsi %sub3A_459, %max3A_461 : vector<16xi32>
          %convert_element_type3A_463 = arith.sitofp %max3A_462 : vector<16xi32> to vector<16xf32>
          %sub3A_464 = arith.constant 1 : i32
          %sub3A_465 = vector.broadcast %sub3A_464 : i32 to vector<16xi32>
          %sub3A_466 = arith.subi %sub3A_454, %sub3A_465 : vector<16xi32>
          %max3A_467 = arith.constant 1 : i32
          %max3A_468 = vector.broadcast %max3A_467 : i32 to vector<16xi32>
          %max3A_469 = arith.maxsi %sub3A_466, %max3A_468 : vector<16xi32>
          %convert_element_type3A_470 = arith.sitofp %max3A_469 : vector<16xi32> to vector<16xf32>
          %gt3A_471 = arith.constant 1 : i32
          %gt3A_472 = vector.broadcast %gt3A_471 : i32 to vector<16xi32>
          %gt3A_473 = arith.cmpi sgt, %shift_right_arithmetic3A_453, %gt3A_472 : vector<16xi32>
          %div3A_474 = arith.divf %convert_element_type3A_455, %convert_element_type3A_463 : vector<16xf32>
          %jit3A_475 = arith.constant 0.000000e+00 : f32
          %broadcast_in_dim3A_476 = vector.broadcast %jit3A_475 : f32 to vector<16xf32>
          %select_n3A_477 = arith.select %gt3A_473, %div3A_474, %broadcast_in_dim3A_476 : vector<16xi1>, vector<16xf32>
          %gt3A_478 = arith.constant 1 : i32
          %gt3A_479 = vector.broadcast %gt3A_478 : i32 to vector<16xi32>
          %gt3A_480 = arith.cmpi sgt, %sub3A_454, %gt3A_479 : vector<16xi32>
          %sub3A_481 = arith.subf %convert_element_type3A_455, %convert_element_type3A_456 : vector<16xf32>
          %div3A_482 = arith.divf %sub3A_481, %convert_element_type3A_470 : vector<16xf32>
          %jit3A_483 = arith.constant 0.000000e+00 : f32
          %broadcast_in_dim3A_484 = vector.broadcast %jit3A_483 : f32 to vector<16xf32>
          %select_n3A_485 = arith.select %gt3A_480, %div3A_482, %broadcast_in_dim3A_484 : vector<16xi1>, vector<16xf32>
          %lt3A_486 = arith.cmpi slt, %sub3A_450, %shift_right_arithmetic3A_453 : vector<16xi32>
          %sub3A_487 = arith.constant 1.000000e+00 : f32
          %sub3A_488 = vector.broadcast %sub3A_487 : f32 to vector<16xf32>
          %sub3A_489 = arith.subf %sub3A_488, %select_n3A_477 : vector<16xf32>
          %jit3A_490 = arith.constant 0.000000e+00 : f32
          %broadcast_in_dim3A_491 = vector.broadcast %jit3A_490 : f32 to vector<16xf32>
          %select_n3A_492 = arith.select %lt3A_486, %sub3A_489, %broadcast_in_dim3A_491 : vector<16xi1>, vector<16xf32>
          %sub3A_493 = arith.constant 1.000000e+00 : f32
          %sub3A_494 = vector.broadcast %sub3A_493 : f32 to vector<16xf32>
          %sub3A_495 = arith.subf %sub3A_494, %select_n3A_485 : vector<16xf32>
          %select_n3A_496 = arith.select %lt3A_486, %select_n3A_477, %sub3A_495 : vector<16xi1>, vector<16xf32>
          %jit3A_497 = arith.constant 0.000000e+00 : f32
          %broadcast_in_dim3A_498 = vector.broadcast %jit3A_497 : f32 to vector<16xf32>
          %select_n3A_499 = arith.select %lt3A_486, %broadcast_in_dim3A_498, %select_n3A_485 : vector<16xi1>, vector<16xf32>
          %eq3A_500 = arith.constant 0 : i32
          %eq3A_501 = vector.broadcast %eq3A_500 : i32 to vector<16xi32>
          %eq3A_502 = arith.cmpi eq, %sub3A_450, %eq3A_501 : vector<16xi32>
          %jit3A_503 = arith.constant 1.000000e+00 : f32
          %jit3A_504 = arith.constant 0.000000e+00 : f32
          %broadcast_in_dim3A_505 = vector.broadcast %jit3A_503 : f32 to vector<16xf32>
          %broadcast_in_dim3A_506 = vector.broadcast %jit3A_504 : f32 to vector<16xf32>
          %select_n3A_507 = arith.select %eq3A_502, %broadcast_in_dim3A_505, %broadcast_in_dim3A_506 : vector<16xi1>, vector<16xf32>
          %eq3A_508 = arith.constant 1 : i32
          %eq3A_509 = vector.broadcast %eq3A_508 : i32 to vector<16xi32>
          %eq3A_510 = arith.cmpi eq, %gather3A_447, %eq3A_509 : vector<16xi32>
          %eq3A_511 = arith.constant 2 : i32
          %eq3A_512 = vector.broadcast %eq3A_511 : i32 to vector<16xi32>
          %eq3A_513 = arith.cmpi eq, %gather3A_447, %eq3A_512 : vector<16xi32>
          %select_n3A_514 = arith.select %eq3A_513, %select_n3A_507, %select_n3A_492 : vector<16xi1>, vector<16xf32>
          %jit3A_515 = arith.constant 0.000000e+00 : f32
          %broadcast_in_dim3A_516 = vector.broadcast %jit3A_515 : f32 to vector<16xf32>
          %select_n3A_517 = arith.select %eq3A_510, %broadcast_in_dim3A_516, %select_n3A_514 : vector<16xi1>, vector<16xf32>
          %jit3A_518 = arith.constant 0.000000e+00 : f32
          %broadcast_in_dim3A_519 = vector.broadcast %jit3A_518 : f32 to vector<16xf32>
          %select_n3A_520 = arith.select %eq3A_513, %broadcast_in_dim3A_519, %select_n3A_496 : vector<16xi1>, vector<16xf32>
          %jit3A_521 = arith.constant 1.000000e+00 : f32
          %broadcast_in_dim3A_522 = vector.broadcast %jit3A_521 : f32 to vector<16xf32>
          %select_n3A_523 = arith.select %eq3A_510, %broadcast_in_dim3A_522, %select_n3A_520 : vector<16xi1>, vector<16xf32>
          %sub3A_524 = arith.constant 1.000000e+00 : f32
          %sub3A_525 = vector.broadcast %sub3A_524 : f32 to vector<16xf32>
          %sub3A_526 = arith.subf %sub3A_525, %select_n3A_507 : vector<16xf32>
          %select_n3A_527 = arith.select %eq3A_513, %sub3A_526, %select_n3A_499 : vector<16xi1>, vector<16xf32>
          %jit3A_528 = arith.constant 0.000000e+00 : f32
          %broadcast_in_dim3A_529 = vector.broadcast %jit3A_528 : f32 to vector<16xf32>
          %select_n3A_530 = arith.select %eq3A_510, %broadcast_in_dim3A_529, %select_n3A_527 : vector<16xi1>, vector<16xf32>
          %lt3A_531 = arith.cmpi slt, %add3A_274, %min3A : vector<16xi32>
          %jit3A_532 = arith.constant 1.000000e+00 : f32
          %jit3A_533 = arith.constant 0.000000e+00 : f32
          %broadcast_in_dim3A_534 = vector.broadcast %jit3A_532 : f32 to vector<16xf32>
          %broadcast_in_dim3A_535 = vector.broadcast %jit3A_533 : f32 to vector<16xf32>
          %select_n3A_536 = arith.select %lt3A_531, %broadcast_in_dim3A_534, %broadcast_in_dim3A_535 : vector<16xi1>, vector<16xf32>
          %mul3A_537 = arith.mulf %select_n3A_517, %select_n3A_536 : vector<16xf32>
          %swap3A_538 = arith.index_cast %mul3A_239 : i32 to index
          %swap3A_539 = tpu.vector_load %arg12[%swap3A_538] {strides = array<i32>} : memref<2048xf32, #tpu.memory_space<vmem>>, vector<16xf32>,
          tpu.vector_store %arg12[%swap3A_538], %mul3A_537 {strides = array<i32>} : memref<2048xf32, #tpu.memory_space<vmem>>, vector<16xf32>,
          %mul3A_540 = arith.mulf %select_n3A_523, %select_n3A_536 : vector<16xf32>
          %swap3A_541 = arith.index_cast %mul3A_239 : i32 to index
          %swap3A_542 = tpu.vector_load %arg13[%swap3A_541] {strides = array<i32>} : memref<2048xf32, #tpu.memory_space<vmem>>, vector<16xf32>,
          tpu.vector_store %arg13[%swap3A_541], %mul3A_540 {strides = array<i32>} : memref<2048xf32, #tpu.memory_space<vmem>>, vector<16xf32>,
          %mul3A_543 = arith.mulf %select_n3A_530, %select_n3A_536 : vector<16xf32>
          %swap3A_544 = arith.index_cast %mul3A_239 : i32 to index
          %swap3A_545 = tpu.vector_load %arg14[%swap3A_544] {strides = array<i32>} : memref<2048xf32, #tpu.memory_space<vmem>>, vector<16xf32>,
          tpu.vector_store %arg14[%swap3A_544], %mul3A_543 {strides = array<i32>} : memref<2048xf32, #tpu.memory_space<vmem>>, vector<16xf32>,
          %jit3A_546 = arith.constant 1 : i32
          %jit3A_547 = arith.constant 0 : i32
          %broadcast_in_dim3A_548 = vector.broadcast %jit3A_546 : i32 to vector<16xi32>
          %broadcast_in_dim3A_549 = vector.broadcast %jit3A_547 : i32 to vector<16xi32>
          %select_n3A_550 = arith.select %lt3A_531, %broadcast_in_dim3A_548, %broadcast_in_dim3A_549 : vector<16xi1>, vector<16xi32>
          %swap3A_551 = arith.index_cast %mul3A_239 : i32 to index
          %swap3A_552 = tpu.vector_load %arg15[%swap3A_551] {strides = array<i32>} : memref<2048xi32, #tpu.memory_space<vmem>>, vector<16xi32>,
          tpu.vector_store %arg15[%swap3A_551], %select_n3A_550 {strides = array<i32>} : memref<2048xi32, #tpu.memory_space<vmem>>, vector<16xi32>,
          %mul3A_553 = arith.constant 2048 : i32
          %mul3A_554 = arith.muli %select_n3A, %mul3A_553 : i32
          %add3A_555 = vector.broadcast %mul3A_554 : i32 to vector<16xi32>
          %add3A_556 = arith.addi %add3A_555, %min3A_446 : vector<16xi32>
          %swap3A_557 = arith.index_cast %mul3A_239 : i32 to index
          %swap3A_558 = tpu.vector_load %arg11[%swap3A_557] {strides = array<i32>} : memref<2048xi32, #tpu.memory_space<vmem>>, vector<16xi32>,
          tpu.vector_store %arg11[%swap3A_557], %add3A_556 {strides = array<i32>} : memref<2048xi32, #tpu.memory_space<vmem>>, vector<16xi32>,
          %while3A_559 = arith.constant 0 : i32
          scf.yield %while3A_559 : i32
        }
        %add3A_221 = arith.constant 1 : i32
        %add3A_222 = arith.addi %while3A_147, %add3A_221 : i32
        %mul3A_223 = arith.constant 64 : i32
        %mul3A_224 = arith.muli %add3A_222, %mul3A_223 : i32
        %mul3A_225 = arith.constant 8192 : i32
        %mul3A_226 = arith.muli %select_n3A, %mul3A_225 : i32
        %mul3A_227 = arith.constant 4 : i32
        %mul3A_228 = arith.muli %mul3A_227, %add3A_222 : i32
        %add3A_229 = arith.addi %select_n3A_30, %mul3A_228 : i32
        %mul3A_230 = arith.constant 64 : i32
        %mul3A_231 = arith.muli %add3A_229, %mul3A_230 : i32
        %add3A_232 = arith.addi %mul3A_226, %mul3A_231 : i32
        %dma_start3A = tpu.memref_slice %arg15[%mul3A_224] : memref<2048xi32, #tpu.memory_space<vmem>> -> memref<64xi32, #tpu.memory_space<vmem>>
        %dma_start3A_233 = tpu.memref_slice %arg8[%add3A_232] : memref<65536xi32, #tpu.memory_space<hbm>> -> memref<64xi32, #tpu.memory_space<hbm>>
        %dma_start3A_234 = tpu.memref_slice %arg8[%add3A_232] : memref<65536xi32, #tpu.memory_space<hbm>> -> memref<64xi32, #tpu.memory_space<hbm>>
        %dma_start3A_235 = tpu.memref_slice %arg15[%mul3A_224] : memref<2048xi32, #tpu.memory_space<vmem>> -> memref<64xi32, #tpu.memory_space<vmem>>
        tpu.enqueue_dma source(%dma_start3A_235 : memref<64xi32, #tpu.memory_space<vmem>>) target(%dma_start3A_234 : memref<64xi32, #tpu.memory_space<hbm>>) target_semaphore(%arg28 : memref<!tpu.dma_semaphore, #tpu.memory_space<semaphore_mem>>)
      } else {
      }
      %jit3A_159 = arith.constant 2 : i32
      %eq3A_160 = arith.constant 0 : i32
      %eq3A_161 = arith.cmpi eq, %jit3A_159, %eq3A_160 : i32
      %jit3A_162 = arith.constant 1 : i32
      %select_n3A_163 = arith.select %eq3A_161, %jit3A_162, %jit3A_159 : i32
      %rem3A_164 = arith.remsi %while3A_147, %select_n3A_163 : i32
      %ne3A_165 = arith.constant 0 : i32
      %ne3A_166 = arith.cmpi ne, %rem3A_164, %ne3A_165 : i32
      %lt3A_167 = arith.constant 0 : i32
      %lt3A_168 = arith.cmpi slt, %rem3A_164, %lt3A_167 : i32
      %lt3A_169 = arith.constant 0 : i32
      %lt3A_170 = arith.cmpi slt, %select_n3A_163, %lt3A_169 : i32
      %ne3A_171 = arith.xori %lt3A_168, %lt3A_170 : i1
      %and3A_172 = arith.andi %ne3A_171, %ne3A_166 : i1
      %add3A_173 = arith.addi %rem3A_164, %select_n3A_163 : i32
      %select_n3A_174 = arith.select %and3A_172, %add3A_173, %rem3A_164 : i32
      %eq3A_175 = arith.constant 0 : i32
      %eq3A_176 = arith.cmpi eq, %select_n3A_174, %eq3A_175 : i32
      %convert_element_type3A_177 = arith.extui %eq3A_176 : i1 to i32
      %cond3A_178 = arith.constant 0 : i32
      %cond3A_179 = arith.cmpi ne, %convert_element_type3A_177, %cond3A_178 : i32
      scf.if %cond3A_179 {
        %add3A_202 = arith.constant 1 : i32
        %add3A_203 = arith.addi %while3A_147, %add3A_202 : i32
        %lt3A_204 = arith.cmpi slt, %add3A_203, %min3A_100 : i32
        %convert_element_type3A_205 = arith.extui %lt3A_204 : i1 to i32
        %cond3A_206 = arith.constant 0 : i32
        %cond3A_207 = arith.cmpi ne, %convert_element_type3A_205, %cond3A_206 : i32
        scf.if %cond3A_207 {
          %add3A_245 = arith.constant 1 : i32
          %add3A_246 = arith.addi %while3A_147, %add3A_245 : i32
          %mul3A_247 = arith.constant 64 : i32
          %mul3A_248 = arith.muli %add3A_246, %mul3A_247 : i32
          %dma_start3A_249 = tpu.memref_slice %arg11[%mul3A_248] : memref<2048xi32, #tpu.memory_space<vmem>> -> memref<64xi32, #tpu.memory_space<vmem>>
          %dma_start3A_250 = arith.constant 0 : i32
          %dma_start3A_251 = arith.constant 0 : i32
          %dma_start3A_252 = tpu.memref_slice %arg2[%dma_start3A_250, %dma_start3A_251] : memref<16384x256xf32, #tpu.memory_space<hbm>> -> memref<16384x256xf32, #tpu.memory_space<hbm>>
          tpu.enqueue_indirect_dma source(%dma_start3A_252 : memref<16384x256xf32, #tpu.memory_space<hbm>>) target(%arg20 : memref<64x256xf32, #tpu.memory_space<vmem>>) offsets(%dma_start3A_249 : memref<64xi32, #tpu.memory_space<vmem>>) semaphore(%arg25 : memref<!tpu.dma_semaphore, #tpu.memory_space<semaphore_mem>>)
          %dma_start3A_253 = tpu.memref_slice %arg11[%mul3A_248] : memref<2048xi32, #tpu.memory_space<vmem>> -> memref<64xi32, #tpu.memory_space<vmem>>
          %dma_start3A_254 = arith.constant 0 : i32
          %dma_start3A_255 = arith.constant 0 : i32
          %dma_start3A_256 = tpu.memref_slice %arg3[%dma_start3A_254, %dma_start3A_255] : memref<16384x256xf32, #tpu.memory_space<hbm>> -> memref<16384x256xf32, #tpu.memory_space<hbm>>
          tpu.enqueue_indirect_dma source(%dma_start3A_256 : memref<16384x256xf32, #tpu.memory_space<hbm>>) target(%arg21 : memref<64x256xf32, #tpu.memory_space<vmem>>) offsets(%dma_start3A_253 : memref<64xi32, #tpu.memory_space<vmem>>) semaphore(%arg25 : memref<!tpu.dma_semaphore, #tpu.memory_space<semaphore_mem>>)
          %dma_start3A_257 = tpu.memref_slice %arg11[%mul3A_248] : memref<2048xi32, #tpu.memory_space<vmem>> -> memref<64xi32, #tpu.memory_space<vmem>>
          %dma_start3A_258 = arith.constant 0 : i32
          %dma_start3A_259 = arith.constant 0 : i32
          %dma_start3A_260 = tpu.memref_slice %arg4[%dma_start3A_258, %dma_start3A_259] : memref<16384x256xf32, #tpu.memory_space<hbm>> -> memref<16384x256xf32, #tpu.memory_space<hbm>>
          tpu.enqueue_indirect_dma source(%dma_start3A_260 : memref<16384x256xf32, #tpu.memory_space<hbm>>) target(%arg22 : memref<64x256xf32, #tpu.memory_space<vmem>>) offsets(%dma_start3A_257 : memref<64xi32, #tpu.memory_space<vmem>>) semaphore(%arg25 : memref<!tpu.dma_semaphore, #tpu.memory_space<semaphore_mem>>)
        } else {
        }
        %dma_wait3A = arith.constant 0 : i32
        %dma_wait3A_208 = arith.constant 0 : i32
        %dma_wait3A_209 = tpu.memref_slice %arg2[%dma_wait3A, %dma_wait3A_208] : memref<16384x256xf32, #tpu.memory_space<hbm>> -> memref<64x256xf32, #tpu.memory_space<hbm>>
        %dma_wait3A_210 = arith.constant 0 : i32
        %dma_wait3A_211 = arith.constant 0 : i32
        %dma_wait3A_212 = tpu.memref_slice %arg2[%dma_wait3A_210, %dma_wait3A_211] : memref<16384x256xf32, #tpu.memory_space<hbm>> -> memref<64x256xf32, #tpu.memory_space<hbm>>
        tpu.wait_dma2 semaphore(%arg25 : memref<!tpu.dma_semaphore, #tpu.memory_space<semaphore_mem>>) src(%dma_wait3A_212 : memref<64x256xf32, #tpu.memory_space<hbm>>) dst(%arg17 : memref<64x256xf32, #tpu.memory_space<vmem>>)
        %dma_wait3A_213 = arith.constant 0 : i32
        %dma_wait3A_214 = arith.constant 0 : i32
        %dma_wait3A_215 = tpu.memref_slice %arg3[%dma_wait3A_213, %dma_wait3A_214] : memref<16384x256xf32, #tpu.memory_space<hbm>> -> memref<64x256xf32, #tpu.memory_space<hbm>>
        %dma_wait3A_216 = arith.constant 0 : i32
        %dma_wait3A_217 = arith.constant 0 : i32
        %dma_wait3A_218 = tpu.memref_slice %arg3[%dma_wait3A_216, %dma_wait3A_217] : memref<16384x256xf32, #tpu.memory_space<hbm>> -> memref<64x256xf32, #tpu.memory_space<hbm>>
        tpu.wait_dma2 semaphore(%arg25 : memref<!tpu.dma_semaphore, #tpu.memory_space<semaphore_mem>>) src(%dma_wait3A_218 : memref<64x256xf32, #tpu.memory_space<hbm>>) dst(%arg18 : memref<64x256xf32, #tpu.memory_space<vmem>>)
        %dma_wait3A_219 = arith.constant 0 : i32
        %dma_wait3A_220 = arith.constant 0 : i32
        %dma_wait3A_221 = tpu.memref_slice %arg4[%dma_wait3A_219, %dma_wait3A_220] : memref<16384x256xf32, #tpu.memory_space<hbm>> -> memref<64x256xf32, #tpu.memory_space<hbm>>
        %dma_wait3A_222 = arith.constant 0 : i32
        %dma_wait3A_223 = arith.constant 0 : i32
        %dma_wait3A_224 = tpu.memref_slice %arg4[%dma_wait3A_222, %dma_wait3A_223] : memref<16384x256xf32, #tpu.memory_space<hbm>> -> memref<64x256xf32, #tpu.memory_space<hbm>>
        tpu.wait_dma2 semaphore(%arg25 : memref<!tpu.dma_semaphore, #tpu.memory_space<semaphore_mem>>) src(%dma_wait3A_224 : memref<64x256xf32, #tpu.memory_space<hbm>>) dst(%arg19 : memref<64x256xf32, #tpu.memory_space<vmem>>)
        %mul3A_225 = arith.constant 64 : i32
        %mul3A_226 = arith.muli %while3A_147, %mul3A_225 : i32
        %scan3A_227 = arith.constant 0 : i32
        %scan3A_228 = arith.constant 0 : i32
        %scan3A_229 = arith.constant 64 : i32
        %scan3A_230 = arith.addi %scan3A_228, %scan3A_229 : i32
        %scan3A_231 = arith.constant 1 : i32
        %scan3A_232 = scf.for %scan3A_245 = %scan3A_228 to %scan3A_230 step %scan3A_231 iter_args(%scan3A_246 = %scan3A_227) -> (i32)  : i32 {
          %add3A_247 = arith.addi %mul3A_226, %scan3A_245 : i32
          %broadcast_in_dim3A_248 = vector.broadcast %add3A_247 : i32 to vector<16xi32>
          %gather3A = tpu.vector_load_idx %arg12[%broadcast_in_dim3A_248] : memref<2048xf32, #tpu.memory_space<vmem>>[vector<16xi32>], vector<16xf32>,
          %gather3A_249 = tpu.vector_load_idx %arg13[%broadcast_in_dim3A_248] : memref<2048xf32, #tpu.memory_space<vmem>>[vector<16xi32>], vector<16xf32>,
          %gather3A_250 = tpu.vector_load_idx %arg14[%broadcast_in_dim3A_248] : memref<2048xf32, #tpu.memory_space<vmem>>[vector<16xi32>], vector<16xf32>,
          %get3A_251 = arith.index_cast %scan3A_245 : i32 to index
          %get3A_252 = arith.constant 0 : index
          %get3A_253 = tpu.vector_load %arg17[%get3A_251, %get3A_252] {strides = array<i32>} : memref<64x256xf32, #tpu.memory_space<vmem>>, vector<16xf32>,
          %mul3A_254 = arith.mulf %get3A_253, %gather3A : vector<16xf32>
          %get3A_255 = arith.index_cast %scan3A_245 : i32 to index
          %get3A_256 = arith.constant 0 : index
          %get3A_257 = tpu.vector_load %arg18[%get3A_255, %get3A_256] {strides = array<i32>} : memref<64x256xf32, #tpu.memory_space<vmem>>, vector<16xf32>,
          %mul3A_258 = arith.mulf %get3A_257, %gather3A_249 : vector<16xf32>
          %add3A_259 = arith.addf %mul3A_254, %mul3A_258 : vector<16xf32>
          %get3A_260 = arith.index_cast %scan3A_245 : i32 to index
          %get3A_261 = arith.constant 0 : index
          %get3A_262 = tpu.vector_load %arg19[%get3A_260, %get3A_261] {strides = array<i32>} : memref<64x256xf32, #tpu.memory_space<vmem>>, vector<16xf32>,
          %mul3A_263 = arith.mulf %get3A_262, %gather3A_250 : vector<16xf32>
          %add3A_264 = arith.addf %add3A_259, %mul3A_263 : vector<16xf32>
          %swap3A_265 = arith.index_cast %scan3A_245 : i32 to index
          %swap3A_266 = arith.constant 0 : index
          %swap3A_267 = tpu.vector_load %arg17[%swap3A_265, %swap3A_266] {strides = array<i32>} : memref<64x256xf32, #tpu.memory_space<vmem>>, vector<16xf32>,
          tpu.vector_store %arg17[%swap3A_265, %swap3A_266], %add3A_264 {strides = array<i32>} : memref<64x256xf32, #tpu.memory_space<vmem>>, vector<16xf32>,
          %get3A_268 = arith.index_cast %scan3A_245 : i32 to index
          %get3A_269 = arith.constant 16 : index
          %get3A_270 = tpu.vector_load %arg17[%get3A_268, %get3A_269] {strides = array<i32>} : memref<64x256xf32, #tpu.memory_space<vmem>>, vector<16xf32>,
          %mul3A_271 = arith.mulf %get3A_270, %gather3A : vector<16xf32>
          %get3A_272 = arith.index_cast %scan3A_245 : i32 to index
          %get3A_273 = arith.constant 16 : index
          %get3A_274 = tpu.vector_load %arg18[%get3A_272, %get3A_273] {strides = array<i32>} : memref<64x256xf32, #tpu.memory_space<vmem>>, vector<16xf32>,
          %mul3A_275 = arith.mulf %get3A_274, %gather3A_249 : vector<16xf32>
          %add3A_276 = arith.addf %mul3A_271, %mul3A_275 : vector<16xf32>
          %get3A_277 = arith.index_cast %scan3A_245 : i32 to index
          %get3A_278 = arith.constant 16 : index
          %get3A_279 = tpu.vector_load %arg19[%get3A_277, %get3A_278] {strides = array<i32>} : memref<64x256xf32, #tpu.memory_space<vmem>>, vector<16xf32>,
          %mul3A_280 = arith.mulf %get3A_279, %gather3A_250 : vector<16xf32>
          %add3A_281 = arith.addf %add3A_276, %mul3A_280 : vector<16xf32>
          %swap3A_282 = arith.index_cast %scan3A_245 : i32 to index
          %swap3A_283 = arith.constant 16 : index
          %swap3A_284 = tpu.vector_load %arg17[%swap3A_282, %swap3A_283] {strides = array<i32>} : memref<64x256xf32, #tpu.memory_space<vmem>>, vector<16xf32>,
          tpu.vector_store %arg17[%swap3A_282, %swap3A_283], %add3A_281 {strides = array<i32>} : memref<64x256xf32, #tpu.memory_space<vmem>>, vector<16xf32>,
          %get3A_285 = arith.index_cast %scan3A_245 : i32 to index
          %get3A_286 = arith.constant 32 : index
          %get3A_287 = tpu.vector_load %arg17[%get3A_285, %get3A_286] {strides = array<i32>} : memref<64x256xf32, #tpu.memory_space<vmem>>, vector<16xf32>,
          %mul3A_288 = arith.mulf %get3A_287, %gather3A : vector<16xf32>
          %get3A_289 = arith.index_cast %scan3A_245 : i32 to index
          %get3A_290 = arith.constant 32 : index
          %get3A_291 = tpu.vector_load %arg18[%get3A_289, %get3A_290] {strides = array<i32>} : memref<64x256xf32, #tpu.memory_space<vmem>>, vector<16xf32>,
          %mul3A_292 = arith.mulf %get3A_291, %gather3A_249 : vector<16xf32>
          %add3A_293 = arith.addf %mul3A_288, %mul3A_292 : vector<16xf32>
          %get3A_294 = arith.index_cast %scan3A_245 : i32 to index
          %get3A_295 = arith.constant 32 : index
          %get3A_296 = tpu.vector_load %arg19[%get3A_294, %get3A_295] {strides = array<i32>} : memref<64x256xf32, #tpu.memory_space<vmem>>, vector<16xf32>,
          %mul3A_297 = arith.mulf %get3A_296, %gather3A_250 : vector<16xf32>
          %add3A_298 = arith.addf %add3A_293, %mul3A_297 : vector<16xf32>
          %swap3A_299 = arith.index_cast %scan3A_245 : i32 to index
          %swap3A_300 = arith.constant 32 : index
          %swap3A_301 = tpu.vector_load %arg17[%swap3A_299, %swap3A_300] {strides = array<i32>} : memref<64x256xf32, #tpu.memory_space<vmem>>, vector<16xf32>,
          tpu.vector_store %arg17[%swap3A_299, %swap3A_300], %add3A_298 {strides = array<i32>} : memref<64x256xf32, #tpu.memory_space<vmem>>, vector<16xf32>,
          %get3A_302 = arith.index_cast %scan3A_245 : i32 to index
          %get3A_303 = arith.constant 48 : index
          %get3A_304 = tpu.vector_load %arg17[%get3A_302, %get3A_303] {strides = array<i32>} : memref<64x256xf32, #tpu.memory_space<vmem>>, vector<16xf32>,
          %mul3A_305 = arith.mulf %get3A_304, %gather3A : vector<16xf32>
          %get3A_306 = arith.index_cast %scan3A_245 : i32 to index
          %get3A_307 = arith.constant 48 : index
          %get3A_308 = tpu.vector_load %arg18[%get3A_306, %get3A_307] {strides = array<i32>} : memref<64x256xf32, #tpu.memory_space<vmem>>, vector<16xf32>,
          %mul3A_309 = arith.mulf %get3A_308, %gather3A_249 : vector<16xf32>
          %add3A_310 = arith.addf %mul3A_305, %mul3A_309 : vector<16xf32>
          %get3A_311 = arith.index_cast %scan3A_245 : i32 to index
          %get3A_312 = arith.constant 48 : index
          %get3A_313 = tpu.vector_load %arg19[%get3A_311, %get3A_312] {strides = array<i32>} : memref<64x256xf32, #tpu.memory_space<vmem>>, vector<16xf32>,
          %mul3A_314 = arith.mulf %get3A_313, %gather3A_250 : vector<16xf32>
          %add3A_315 = arith.addf %add3A_310, %mul3A_314 : vector<16xf32>
          %swap3A_316 = arith.index_cast %scan3A_245 : i32 to index
          %swap3A_317 = arith.constant 48 : index
          %swap3A_318 = tpu.vector_load %arg17[%swap3A_316, %swap3A_317] {strides = array<i32>} : memref<64x256xf32, #tpu.memory_space<vmem>>, vector<16xf32>,
          tpu.vector_store %arg17[%swap3A_316, %swap3A_317], %add3A_315 {strides = array<i32>} : memref<64x256xf32, #tpu.memory_space<vmem>>, vector<16xf32>,
          %get3A_319 = arith.index_cast %scan3A_245 : i32 to index
          %get3A_320 = arith.constant 64 : index
          %get3A_321 = tpu.vector_load %arg17[%get3A_319, %get3A_320] {strides = array<i32>} : memref<64x256xf32, #tpu.memory_space<vmem>>, vector<16xf32>,
          %mul3A_322 = arith.mulf %get3A_321, %gather3A : vector<16xf32>
          %get3A_323 = arith.index_cast %scan3A_245 : i32 to index
          %get3A_324 = arith.constant 64 : index
          %get3A_325 = tpu.vector_load %arg18[%get3A_323, %get3A_324] {strides = array<i32>} : memref<64x256xf32, #tpu.memory_space<vmem>>, vector<16xf32>,
          %mul3A_326 = arith.mulf %get3A_325, %gather3A_249 : vector<16xf32>
          %add3A_327 = arith.addf %mul3A_322, %mul3A_326 : vector<16xf32>
          %get3A_328 = arith.index_cast %scan3A_245 : i32 to index
          %get3A_329 = arith.constant 64 : index
          %get3A_330 = tpu.vector_load %arg19[%get3A_328, %get3A_329] {strides = array<i32>} : memref<64x256xf32, #tpu.memory_space<vmem>>, vector<16xf32>,
          %mul3A_331 = arith.mulf %get3A_330, %gather3A_250 : vector<16xf32>
          %add3A_332 = arith.addf %add3A_327, %mul3A_331 : vector<16xf32>
          %swap3A_333 = arith.index_cast %scan3A_245 : i32 to index
          %swap3A_334 = arith.constant 64 : index
          %swap3A_335 = tpu.vector_load %arg17[%swap3A_333, %swap3A_334] {strides = array<i32>} : memref<64x256xf32, #tpu.memory_space<vmem>>, vector<16xf32>,
          tpu.vector_store %arg17[%swap3A_333, %swap3A_334], %add3A_332 {strides = array<i32>} : memref<64x256xf32, #tpu.memory_space<vmem>>, vector<16xf32>,
          %get3A_336 = arith.index_cast %scan3A_245 : i32 to index
          %get3A_337 = arith.constant 80 : index
          %get3A_338 = tpu.vector_load %arg17[%get3A_336, %get3A_337] {strides = array<i32>} : memref<64x256xf32, #tpu.memory_space<vmem>>, vector<16xf32>,
          %mul3A_339 = arith.mulf %get3A_338, %gather3A : vector<16xf32>
          %get3A_340 = arith.index_cast %scan3A_245 : i32 to index
          %get3A_341 = arith.constant 80 : index
          %get3A_342 = tpu.vector_load %arg18[%get3A_340, %get3A_341] {strides = array<i32>} : memref<64x256xf32, #tpu.memory_space<vmem>>, vector<16xf32>,
          %mul3A_343 = arith.mulf %get3A_342, %gather3A_249 : vector<16xf32>
          %add3A_344 = arith.addf %mul3A_339, %mul3A_343 : vector<16xf32>
          %get3A_345 = arith.index_cast %scan3A_245 : i32 to index
          %get3A_346 = arith.constant 80 : index
          %get3A_347 = tpu.vector_load %arg19[%get3A_345, %get3A_346] {strides = array<i32>} : memref<64x256xf32, #tpu.memory_space<vmem>>, vector<16xf32>,
          %mul3A_348 = arith.mulf %get3A_347, %gather3A_250 : vector<16xf32>
          %add3A_349 = arith.addf %add3A_344, %mul3A_348 : vector<16xf32>
          %swap3A_350 = arith.index_cast %scan3A_245 : i32 to index
          %swap3A_351 = arith.constant 80 : index
          %swap3A_352 = tpu.vector_load %arg17[%swap3A_350, %swap3A_351] {strides = array<i32>} : memref<64x256xf32, #tpu.memory_space<vmem>>, vector<16xf32>,
          tpu.vector_store %arg17[%swap3A_350, %swap3A_351], %add3A_349 {strides = array<i32>} : memref<64x256xf32, #tpu.memory_space<vmem>>, vector<16xf32>,
          %get3A_353 = arith.index_cast %scan3A_245 : i32 to index
          %get3A_354 = arith.constant 96 : index
          %get3A_355 = tpu.vector_load %arg17[%get3A_353, %get3A_354] {strides = array<i32>} : memref<64x256xf32, #tpu.memory_space<vmem>>, vector<16xf32>,
          %mul3A_356 = arith.mulf %get3A_355, %gather3A : vector<16xf32>
          %get3A_357 = arith.index_cast %scan3A_245 : i32 to index
          %get3A_358 = arith.constant 96 : index
          %get3A_359 = tpu.vector_load %arg18[%get3A_357, %get3A_358] {strides = array<i32>} : memref<64x256xf32, #tpu.memory_space<vmem>>, vector<16xf32>,
          %mul3A_360 = arith.mulf %get3A_359, %gather3A_249 : vector<16xf32>
          %add3A_361 = arith.addf %mul3A_356, %mul3A_360 : vector<16xf32>
          %get3A_362 = arith.index_cast %scan3A_245 : i32 to index
          %get3A_363 = arith.constant 96 : index
          %get3A_364 = tpu.vector_load %arg19[%get3A_362, %get3A_363] {strides = array<i32>} : memref<64x256xf32, #tpu.memory_space<vmem>>, vector<16xf32>,
          %mul3A_365 = arith.mulf %get3A_364, %gather3A_250 : vector<16xf32>
          %add3A_366 = arith.addf %add3A_361, %mul3A_365 : vector<16xf32>
          %swap3A_367 = arith.index_cast %scan3A_245 : i32 to index
          %swap3A_368 = arith.constant 96 : index
          %swap3A_369 = tpu.vector_load %arg17[%swap3A_367, %swap3A_368] {strides = array<i32>} : memref<64x256xf32, #tpu.memory_space<vmem>>, vector<16xf32>,
          tpu.vector_store %arg17[%swap3A_367, %swap3A_368], %add3A_366 {strides = array<i32>} : memref<64x256xf32, #tpu.memory_space<vmem>>, vector<16xf32>,
          %get3A_370 = arith.index_cast %scan3A_245 : i32 to index
          %get3A_371 = arith.constant 112 : index
          %get3A_372 = tpu.vector_load %arg17[%get3A_370, %get3A_371] {strides = array<i32>} : memref<64x256xf32, #tpu.memory_space<vmem>>, vector<16xf32>,
          %mul3A_373 = arith.mulf %get3A_372, %gather3A : vector<16xf32>
          %get3A_374 = arith.index_cast %scan3A_245 : i32 to index
          %get3A_375 = arith.constant 112 : index
          %get3A_376 = tpu.vector_load %arg18[%get3A_374, %get3A_375] {strides = array<i32>} : memref<64x256xf32, #tpu.memory_space<vmem>>, vector<16xf32>,
          %mul3A_377 = arith.mulf %get3A_376, %gather3A_249 : vector<16xf32>
          %add3A_378 = arith.addf %mul3A_373, %mul3A_377 : vector<16xf32>
          %get3A_379 = arith.index_cast %scan3A_245 : i32 to index
          %get3A_380 = arith.constant 112 : index
          %get3A_381 = tpu.vector_load %arg19[%get3A_379, %get3A_380] {strides = array<i32>} : memref<64x256xf32, #tpu.memory_space<vmem>>, vector<16xf32>,
          %mul3A_382 = arith.mulf %get3A_381, %gather3A_250 : vector<16xf32>
          %add3A_383 = arith.addf %add3A_378, %mul3A_382 : vector<16xf32>
          %swap3A_384 = arith.index_cast %scan3A_245 : i32 to index
          %swap3A_385 = arith.constant 112 : index
          %swap3A_386 = tpu.vector_load %arg17[%swap3A_384, %swap3A_385] {strides = array<i32>} : memref<64x256xf32, #tpu.memory_space<vmem>>, vector<16xf32>,
          tpu.vector_store %arg17[%swap3A_384, %swap3A_385], %add3A_383 {strides = array<i32>} : memref<64x256xf32, #tpu.memory_space<vmem>>, vector<16xf32>,
          %get3A_387 = arith.index_cast %scan3A_245 : i32 to index
          %get3A_388 = arith.constant 128 : index
          %get3A_389 = tpu.vector_load %arg17[%get3A_387, %get3A_388] {strides = array<i32>} : memref<64x256xf32, #tpu.memory_space<vmem>>, vector<16xf32>,
          %mul3A_390 = arith.mulf %get3A_389, %gather3A : vector<16xf32>
          %get3A_391 = arith.index_cast %scan3A_245 : i32 to index
          %get3A_392 = arith.constant 128 : index
          %get3A_393 = tpu.vector_load %arg18[%get3A_391, %get3A_392] {strides = array<i32>} : memref<64x256xf32, #tpu.memory_space<vmem>>, vector<16xf32>,
          %mul3A_394 = arith.mulf %get3A_393, %gather3A_249 : vector<16xf32>
          %add3A_395 = arith.addf %mul3A_390, %mul3A_394 : vector<16xf32>
          %get3A_396 = arith.index_cast %scan3A_245 : i32 to index
          %get3A_397 = arith.constant 128 : index
          %get3A_398 = tpu.vector_load %arg19[%get3A_396, %get3A_397] {strides = array<i32>} : memref<64x256xf32, #tpu.memory_space<vmem>>, vector<16xf32>,
          %mul3A_399 = arith.mulf %get3A_398, %gather3A_250 : vector<16xf32>
          %add3A_400 = arith.addf %add3A_395, %mul3A_399 : vector<16xf32>
          %swap3A_401 = arith.index_cast %scan3A_245 : i32 to index
          %swap3A_402 = arith.constant 128 : index
          %swap3A_403 = tpu.vector_load %arg17[%swap3A_401, %swap3A_402] {strides = array<i32>} : memref<64x256xf32, #tpu.memory_space<vmem>>, vector<16xf32>,
          tpu.vector_store %arg17[%swap3A_401, %swap3A_402], %add3A_400 {strides = array<i32>} : memref<64x256xf32, #tpu.memory_space<vmem>>, vector<16xf32>,
          %get3A_404 = arith.index_cast %scan3A_245 : i32 to index
          %get3A_405 = arith.constant 144 : index
          %get3A_406 = tpu.vector_load %arg17[%get3A_404, %get3A_405] {strides = array<i32>} : memref<64x256xf32, #tpu.memory_space<vmem>>, vector<16xf32>,
          %mul3A_407 = arith.mulf %get3A_406, %gather3A : vector<16xf32>
          %get3A_408 = arith.index_cast %scan3A_245 : i32 to index
          %get3A_409 = arith.constant 144 : index
          %get3A_410 = tpu.vector_load %arg18[%get3A_408, %get3A_409] {strides = array<i32>} : memref<64x256xf32, #tpu.memory_space<vmem>>, vector<16xf32>,
          %mul3A_411 = arith.mulf %get3A_410, %gather3A_249 : vector<16xf32>
          %add3A_412 = arith.addf %mul3A_407, %mul3A_411 : vector<16xf32>
          %get3A_413 = arith.index_cast %scan3A_245 : i32 to index
          %get3A_414 = arith.constant 144 : index
          %get3A_415 = tpu.vector_load %arg19[%get3A_413, %get3A_414] {strides = array<i32>} : memref<64x256xf32, #tpu.memory_space<vmem>>, vector<16xf32>,
          %mul3A_416 = arith.mulf %get3A_415, %gather3A_250 : vector<16xf32>
          %add3A_417 = arith.addf %add3A_412, %mul3A_416 : vector<16xf32>
          %swap3A_418 = arith.index_cast %scan3A_245 : i32 to index
          %swap3A_419 = arith.constant 144 : index
          %swap3A_420 = tpu.vector_load %arg17[%swap3A_418, %swap3A_419] {strides = array<i32>} : memref<64x256xf32, #tpu.memory_space<vmem>>, vector<16xf32>,
          tpu.vector_store %arg17[%swap3A_418, %swap3A_419], %add3A_417 {strides = array<i32>} : memref<64x256xf32, #tpu.memory_space<vmem>>, vector<16xf32>,
          %get3A_421 = arith.index_cast %scan3A_245 : i32 to index
          %get3A_422 = arith.constant 160 : index
          %get3A_423 = tpu.vector_load %arg17[%get3A_421, %get3A_422] {strides = array<i32>} : memref<64x256xf32, #tpu.memory_space<vmem>>, vector<16xf32>,
          %mul3A_424 = arith.mulf %get3A_423, %gather3A : vector<16xf32>
          %get3A_425 = arith.index_cast %scan3A_245 : i32 to index
          %get3A_426 = arith.constant 160 : index
          %get3A_427 = tpu.vector_load %arg18[%get3A_425, %get3A_426] {strides = array<i32>} : memref<64x256xf32, #tpu.memory_space<vmem>>, vector<16xf32>,
          %mul3A_428 = arith.mulf %get3A_427, %gather3A_249 : vector<16xf32>
          %add3A_429 = arith.addf %mul3A_424, %mul3A_428 : vector<16xf32>
          %get3A_430 = arith.index_cast %scan3A_245 : i32 to index
          %get3A_431 = arith.constant 160 : index
          %get3A_432 = tpu.vector_load %arg19[%get3A_430, %get3A_431] {strides = array<i32>} : memref<64x256xf32, #tpu.memory_space<vmem>>, vector<16xf32>,
          %mul3A_433 = arith.mulf %get3A_432, %gather3A_250 : vector<16xf32>
          %add3A_434 = arith.addf %add3A_429, %mul3A_433 : vector<16xf32>
          %swap3A_435 = arith.index_cast %scan3A_245 : i32 to index
          %swap3A_436 = arith.constant 160 : index
          %swap3A_437 = tpu.vector_load %arg17[%swap3A_435, %swap3A_436] {strides = array<i32>} : memref<64x256xf32, #tpu.memory_space<vmem>>, vector<16xf32>,
          tpu.vector_store %arg17[%swap3A_435, %swap3A_436], %add3A_434 {strides = array<i32>} : memref<64x256xf32, #tpu.memory_space<vmem>>, vector<16xf32>,
          %get3A_438 = arith.index_cast %scan3A_245 : i32 to index
          %get3A_439 = arith.constant 176 : index
          %get3A_440 = tpu.vector_load %arg17[%get3A_438, %get3A_439] {strides = array<i32>} : memref<64x256xf32, #tpu.memory_space<vmem>>, vector<16xf32>,
          %mul3A_441 = arith.mulf %get3A_440, %gather3A : vector<16xf32>
          %get3A_442 = arith.index_cast %scan3A_245 : i32 to index
          %get3A_443 = arith.constant 176 : index
          %get3A_444 = tpu.vector_load %arg18[%get3A_442, %get3A_443] {strides = array<i32>} : memref<64x256xf32, #tpu.memory_space<vmem>>, vector<16xf32>,
          %mul3A_445 = arith.mulf %get3A_444, %gather3A_249 : vector<16xf32>
          %add3A_446 = arith.addf %mul3A_441, %mul3A_445 : vector<16xf32>
          %get3A_447 = arith.index_cast %scan3A_245 : i32 to index
          %get3A_448 = arith.constant 176 : index
          %get3A_449 = tpu.vector_load %arg19[%get3A_447, %get3A_448] {strides = array<i32>} : memref<64x256xf32, #tpu.memory_space<vmem>>, vector<16xf32>,
          %mul3A_450 = arith.mulf %get3A_449, %gather3A_250 : vector<16xf32>
          %add3A_451 = arith.addf %add3A_446, %mul3A_450 : vector<16xf32>
          %swap3A_452 = arith.index_cast %scan3A_245 : i32 to index
          %swap3A_453 = arith.constant 176 : index
          %swap3A_454 = tpu.vector_load %arg17[%swap3A_452, %swap3A_453] {strides = array<i32>} : memref<64x256xf32, #tpu.memory_space<vmem>>, vector<16xf32>,
          tpu.vector_store %arg17[%swap3A_452, %swap3A_453], %add3A_451 {strides = array<i32>} : memref<64x256xf32, #tpu.memory_space<vmem>>, vector<16xf32>,
          %get3A_455 = arith.index_cast %scan3A_245 : i32 to index
          %get3A_456 = arith.constant 192 : index
          %get3A_457 = tpu.vector_load %arg17[%get3A_455, %get3A_456] {strides = array<i32>} : memref<64x256xf32, #tpu.memory_space<vmem>>, vector<16xf32>,
          %mul3A_458 = arith.mulf %get3A_457, %gather3A : vector<16xf32>
          %get3A_459 = arith.index_cast %scan3A_245 : i32 to index
          %get3A_460 = arith.constant 192 : index
          %get3A_461 = tpu.vector_load %arg18[%get3A_459, %get3A_460] {strides = array<i32>} : memref<64x256xf32, #tpu.memory_space<vmem>>, vector<16xf32>,
          %mul3A_462 = arith.mulf %get3A_461, %gather3A_249 : vector<16xf32>
          %add3A_463 = arith.addf %mul3A_458, %mul3A_462 : vector<16xf32>
          %get3A_464 = arith.index_cast %scan3A_245 : i32 to index
          %get3A_465 = arith.constant 192 : index
          %get3A_466 = tpu.vector_load %arg19[%get3A_464, %get3A_465] {strides = array<i32>} : memref<64x256xf32, #tpu.memory_space<vmem>>, vector<16xf32>,
          %mul3A_467 = arith.mulf %get3A_466, %gather3A_250 : vector<16xf32>
          %add3A_468 = arith.addf %add3A_463, %mul3A_467 : vector<16xf32>
          %swap3A_469 = arith.index_cast %scan3A_245 : i32 to index
          %swap3A_470 = arith.constant 192 : index
          %swap3A_471 = tpu.vector_load %arg17[%swap3A_469, %swap3A_470] {strides = array<i32>} : memref<64x256xf32, #tpu.memory_space<vmem>>, vector<16xf32>,
          tpu.vector_store %arg17[%swap3A_469, %swap3A_470], %add3A_468 {strides = array<i32>} : memref<64x256xf32, #tpu.memory_space<vmem>>, vector<16xf32>,
          %get3A_472 = arith.index_cast %scan3A_245 : i32 to index
          %get3A_473 = arith.constant 208 : index
          %get3A_474 = tpu.vector_load %arg17[%get3A_472, %get3A_473] {strides = array<i32>} : memref<64x256xf32, #tpu.memory_space<vmem>>, vector<16xf32>,
          %mul3A_475 = arith.mulf %get3A_474, %gather3A : vector<16xf32>
          %get3A_476 = arith.index_cast %scan3A_245 : i32 to index
          %get3A_477 = arith.constant 208 : index
          %get3A_478 = tpu.vector_load %arg18[%get3A_476, %get3A_477] {strides = array<i32>} : memref<64x256xf32, #tpu.memory_space<vmem>>, vector<16xf32>,
          %mul3A_479 = arith.mulf %get3A_478, %gather3A_249 : vector<16xf32>
          %add3A_480 = arith.addf %mul3A_475, %mul3A_479 : vector<16xf32>
          %get3A_481 = arith.index_cast %scan3A_245 : i32 to index
          %get3A_482 = arith.constant 208 : index
          %get3A_483 = tpu.vector_load %arg19[%get3A_481, %get3A_482] {strides = array<i32>} : memref<64x256xf32, #tpu.memory_space<vmem>>, vector<16xf32>,
          %mul3A_484 = arith.mulf %get3A_483, %gather3A_250 : vector<16xf32>
          %add3A_485 = arith.addf %add3A_480, %mul3A_484 : vector<16xf32>
          %swap3A_486 = arith.index_cast %scan3A_245 : i32 to index
          %swap3A_487 = arith.constant 208 : index
          %swap3A_488 = tpu.vector_load %arg17[%swap3A_486, %swap3A_487] {strides = array<i32>} : memref<64x256xf32, #tpu.memory_space<vmem>>, vector<16xf32>,
          tpu.vector_store %arg17[%swap3A_486, %swap3A_487], %add3A_485 {strides = array<i32>} : memref<64x256xf32, #tpu.memory_space<vmem>>, vector<16xf32>,
          %get3A_489 = arith.index_cast %scan3A_245 : i32 to index
          %get3A_490 = arith.constant 224 : index
          %get3A_491 = tpu.vector_load %arg17[%get3A_489, %get3A_490] {strides = array<i32>} : memref<64x256xf32, #tpu.memory_space<vmem>>, vector<16xf32>,
          %mul3A_492 = arith.mulf %get3A_491, %gather3A : vector<16xf32>
          %get3A_493 = arith.index_cast %scan3A_245 : i32 to index
          %get3A_494 = arith.constant 224 : index
          %get3A_495 = tpu.vector_load %arg18[%get3A_493, %get3A_494] {strides = array<i32>} : memref<64x256xf32, #tpu.memory_space<vmem>>, vector<16xf32>,
          %mul3A_496 = arith.mulf %get3A_495, %gather3A_249 : vector<16xf32>
          %add3A_497 = arith.addf %mul3A_492, %mul3A_496 : vector<16xf32>
          %get3A_498 = arith.index_cast %scan3A_245 : i32 to index
          %get3A_499 = arith.constant 224 : index
          %get3A_500 = tpu.vector_load %arg19[%get3A_498, %get3A_499] {strides = array<i32>} : memref<64x256xf32, #tpu.memory_space<vmem>>, vector<16xf32>,
          %mul3A_501 = arith.mulf %get3A_500, %gather3A_250 : vector<16xf32>
          %add3A_502 = arith.addf %add3A_497, %mul3A_501 : vector<16xf32>
          %swap3A_503 = arith.index_cast %scan3A_245 : i32 to index
          %swap3A_504 = arith.constant 224 : index
          %swap3A_505 = tpu.vector_load %arg17[%swap3A_503, %swap3A_504] {strides = array<i32>} : memref<64x256xf32, #tpu.memory_space<vmem>>, vector<16xf32>,
          tpu.vector_store %arg17[%swap3A_503, %swap3A_504], %add3A_502 {strides = array<i32>} : memref<64x256xf32, #tpu.memory_space<vmem>>, vector<16xf32>,
          %get3A_506 = arith.index_cast %scan3A_245 : i32 to index
          %get3A_507 = arith.constant 240 : index
          %get3A_508 = tpu.vector_load %arg17[%get3A_506, %get3A_507] {strides = array<i32>} : memref<64x256xf32, #tpu.memory_space<vmem>>, vector<16xf32>,
          %mul3A_509 = arith.mulf %get3A_508, %gather3A : vector<16xf32>
          %get3A_510 = arith.index_cast %scan3A_245 : i32 to index
          %get3A_511 = arith.constant 240 : index
          %get3A_512 = tpu.vector_load %arg18[%get3A_510, %get3A_511] {strides = array<i32>} : memref<64x256xf32, #tpu.memory_space<vmem>>, vector<16xf32>,
          %mul3A_513 = arith.mulf %get3A_512, %gather3A_249 : vector<16xf32>
          %add3A_514 = arith.addf %mul3A_509, %mul3A_513 : vector<16xf32>
          %get3A_515 = arith.index_cast %scan3A_245 : i32 to index
          %get3A_516 = arith.constant 240 : index
          %get3A_517 = tpu.vector_load %arg19[%get3A_515, %get3A_516] {strides = array<i32>} : memref<64x256xf32, #tpu.memory_space<vmem>>, vector<16xf32>,
          %mul3A_518 = arith.mulf %get3A_517, %gather3A_250 : vector<16xf32>
          %add3A_519 = arith.addf %add3A_514, %mul3A_518 : vector<16xf32>
          %swap3A_520 = arith.index_cast %scan3A_245 : i32 to index
          %swap3A_521 = arith.constant 240 : index
          %swap3A_522 = tpu.vector_load %arg17[%swap3A_520, %swap3A_521] {strides = array<i32>} : memref<64x256xf32, #tpu.memory_space<vmem>>, vector<16xf32>,
          tpu.vector_store %arg17[%swap3A_520, %swap3A_521], %add3A_519 {strides = array<i32>} : memref<64x256xf32, #tpu.memory_space<vmem>>, vector<16xf32>,
          %scan3A_523 = arith.constant 0 : i32
          scf.yield %scan3A_523 : i32
        }
        %scan3A_233 = arith.constant 64 : i32
        %mul3A_234 = arith.constant 8192 : i32
        %mul3A_235 = arith.muli %select_n3A, %mul3A_234 : i32
        %mul3A_236 = arith.constant 4 : i32
        %mul3A_237 = arith.muli %mul3A_236, %while3A_147 : i32
        %add3A_238 = arith.addi %select_n3A_30, %mul3A_237 : i32
        %mul3A_239 = arith.constant 64 : i32
        %mul3A_240 = arith.muli %add3A_238, %mul3A_239 : i32
        %add3A_241 = arith.addi %mul3A_235, %mul3A_240 : i32
        %dma_start3A = arith.constant 0 : i32
        %dma_start3A_242 = tpu.memref_slice %arg7[%add3A_241, %dma_start3A] : memref<65536x256xf32, #tpu.memory_space<hbm>> -> memref<64x256xf32, #tpu.memory_space<hbm>>
        %dma_start3A_243 = arith.constant 0 : i32
        %dma_start3A_244 = tpu.memref_slice %arg7[%add3A_241, %dma_start3A_243] : memref<65536x256xf32, #tpu.memory_space<hbm>> -> memref<64x256xf32, #tpu.memory_space<hbm>>
        tpu.enqueue_dma source(%arg17 : memref<64x256xf32, #tpu.memory_space<vmem>>) target(%dma_start3A_244 : memref<64x256xf32, #tpu.memory_space<hbm>>) target_semaphore(%arg26 : memref<!tpu.dma_semaphore, #tpu.memory_space<semaphore_mem>>)
      } else {
      }
      %jit3A_180 = arith.constant 2 : i32
      %eq3A_181 = arith.constant 0 : i32
      %eq3A_182 = arith.cmpi eq, %jit3A_180, %eq3A_181 : i32
      %jit3A_183 = arith.constant 1 : i32
      %select_n3A_184 = arith.select %eq3A_182, %jit3A_183, %jit3A_180 : i32
      %rem3A_185 = arith.remsi %while3A_147, %select_n3A_184 : i32
      %ne3A_186 = arith.constant 0 : i32
      %ne3A_187 = arith.cmpi ne, %rem3A_185, %ne3A_186 : i32
      %lt3A_188 = arith.constant 0 : i32
      %lt3A_189 = arith.cmpi slt, %rem3A_185, %lt3A_188 : i32
      %lt3A_190 = arith.constant 0 : i32
      %lt3A_191 = arith.cmpi slt, %select_n3A_184, %lt3A_190 : i32
      %ne3A_192 = arith.xori %lt3A_189, %lt3A_191 : i1
      %and3A_193 = arith.andi %ne3A_192, %ne3A_187 : i1
      %add3A_194 = arith.addi %rem3A_185, %select_n3A_184 : i32
      %select_n3A_195 = arith.select %and3A_193, %add3A_194, %rem3A_185 : i32
      %eq3A_196 = arith.constant 1 : i32
      %eq3A_197 = arith.cmpi eq, %select_n3A_195, %eq3A_196 : i32
      %convert_element_type3A_198 = arith.extui %eq3A_197 : i1 to i32
      %cond3A_199 = arith.constant 0 : i32
      %cond3A_200 = arith.cmpi ne, %convert_element_type3A_198, %cond3A_199 : i32
      scf.if %cond3A_200 {
        %add3A_202 = arith.constant 1 : i32
        %add3A_203 = arith.addi %while3A_147, %add3A_202 : i32
        %lt3A_204 = arith.cmpi slt, %add3A_203, %min3A_100 : i32
        %convert_element_type3A_205 = arith.extui %lt3A_204 : i1 to i32
        %cond3A_206 = arith.constant 0 : i32
        %cond3A_207 = arith.cmpi ne, %convert_element_type3A_205, %cond3A_206 : i32
        scf.if %cond3A_207 {
          %add3A_245 = arith.constant 1 : i32
          %add3A_246 = arith.addi %while3A_147, %add3A_245 : i32
          %mul3A_247 = arith.constant 64 : i32
          %mul3A_248 = arith.muli %add3A_246, %mul3A_247 : i32
          %dma_start3A_249 = tpu.memref_slice %arg11[%mul3A_248] : memref<2048xi32, #tpu.memory_space<vmem>> -> memref<64xi32, #tpu.memory_space<vmem>>
          %dma_start3A_250 = arith.constant 0 : i32
          %dma_start3A_251 = arith.constant 0 : i32
          %dma_start3A_252 = tpu.memref_slice %arg2[%dma_start3A_250, %dma_start3A_251] : memref<16384x256xf32, #tpu.memory_space<hbm>> -> memref<16384x256xf32, #tpu.memory_space<hbm>>
          tpu.enqueue_indirect_dma source(%dma_start3A_252 : memref<16384x256xf32, #tpu.memory_space<hbm>>) target(%arg17 : memref<64x256xf32, #tpu.memory_space<vmem>>) offsets(%dma_start3A_249 : memref<64xi32, #tpu.memory_space<vmem>>) semaphore(%arg25 : memref<!tpu.dma_semaphore, #tpu.memory_space<semaphore_mem>>)
          %dma_start3A_253 = tpu.memref_slice %arg11[%mul3A_248] : memref<2048xi32, #tpu.memory_space<vmem>> -> memref<64xi32, #tpu.memory_space<vmem>>
          %dma_start3A_254 = arith.constant 0 : i32
          %dma_start3A_255 = arith.constant 0 : i32
          %dma_start3A_256 = tpu.memref_slice %arg3[%dma_start3A_254, %dma_start3A_255] : memref<16384x256xf32, #tpu.memory_space<hbm>> -> memref<16384x256xf32, #tpu.memory_space<hbm>>
          tpu.enqueue_indirect_dma source(%dma_start3A_256 : memref<16384x256xf32, #tpu.memory_space<hbm>>) target(%arg18 : memref<64x256xf32, #tpu.memory_space<vmem>>) offsets(%dma_start3A_253 : memref<64xi32, #tpu.memory_space<vmem>>) semaphore(%arg25 : memref<!tpu.dma_semaphore, #tpu.memory_space<semaphore_mem>>)
          %dma_start3A_257 = tpu.memref_slice %arg11[%mul3A_248] : memref<2048xi32, #tpu.memory_space<vmem>> -> memref<64xi32, #tpu.memory_space<vmem>>
          %dma_start3A_258 = arith.constant 0 : i32
          %dma_start3A_259 = arith.constant 0 : i32
          %dma_start3A_260 = tpu.memref_slice %arg4[%dma_start3A_258, %dma_start3A_259] : memref<16384x256xf32, #tpu.memory_space<hbm>> -> memref<16384x256xf32, #tpu.memory_space<hbm>>
          tpu.enqueue_indirect_dma source(%dma_start3A_260 : memref<16384x256xf32, #tpu.memory_space<hbm>>) target(%arg19 : memref<64x256xf32, #tpu.memory_space<vmem>>) offsets(%dma_start3A_257 : memref<64xi32, #tpu.memory_space<vmem>>) semaphore(%arg25 : memref<!tpu.dma_semaphore, #tpu.memory_space<semaphore_mem>>)
        } else {
        }
        %dma_wait3A = arith.constant 0 : i32
        %dma_wait3A_208 = arith.constant 0 : i32
        %dma_wait3A_209 = tpu.memref_slice %arg2[%dma_wait3A, %dma_wait3A_208] : memref<16384x256xf32, #tpu.memory_space<hbm>> -> memref<64x256xf32, #tpu.memory_space<hbm>>
        %dma_wait3A_210 = arith.constant 0 : i32
        %dma_wait3A_211 = arith.constant 0 : i32
        %dma_wait3A_212 = tpu.memref_slice %arg2[%dma_wait3A_210, %dma_wait3A_211] : memref<16384x256xf32, #tpu.memory_space<hbm>> -> memref<64x256xf32, #tpu.memory_space<hbm>>
        tpu.wait_dma2 semaphore(%arg25 : memref<!tpu.dma_semaphore, #tpu.memory_space<semaphore_mem>>) src(%dma_wait3A_212 : memref<64x256xf32, #tpu.memory_space<hbm>>) dst(%arg20 : memref<64x256xf32, #tpu.memory_space<vmem>>)
        %dma_wait3A_213 = arith.constant 0 : i32
        %dma_wait3A_214 = arith.constant 0 : i32
        %dma_wait3A_215 = tpu.memref_slice %arg3[%dma_wait3A_213, %dma_wait3A_214] : memref<16384x256xf32, #tpu.memory_space<hbm>> -> memref<64x256xf32, #tpu.memory_space<hbm>>
        %dma_wait3A_216 = arith.constant 0 : i32
        %dma_wait3A_217 = arith.constant 0 : i32
        %dma_wait3A_218 = tpu.memref_slice %arg3[%dma_wait3A_216, %dma_wait3A_217] : memref<16384x256xf32, #tpu.memory_space<hbm>> -> memref<64x256xf32, #tpu.memory_space<hbm>>
        tpu.wait_dma2 semaphore(%arg25 : memref<!tpu.dma_semaphore, #tpu.memory_space<semaphore_mem>>) src(%dma_wait3A_218 : memref<64x256xf32, #tpu.memory_space<hbm>>) dst(%arg21 : memref<64x256xf32, #tpu.memory_space<vmem>>)
        %dma_wait3A_219 = arith.constant 0 : i32
        %dma_wait3A_220 = arith.constant 0 : i32
        %dma_wait3A_221 = tpu.memref_slice %arg4[%dma_wait3A_219, %dma_wait3A_220] : memref<16384x256xf32, #tpu.memory_space<hbm>> -> memref<64x256xf32, #tpu.memory_space<hbm>>
        %dma_wait3A_222 = arith.constant 0 : i32
        %dma_wait3A_223 = arith.constant 0 : i32
        %dma_wait3A_224 = tpu.memref_slice %arg4[%dma_wait3A_222, %dma_wait3A_223] : memref<16384x256xf32, #tpu.memory_space<hbm>> -> memref<64x256xf32, #tpu.memory_space<hbm>>
        tpu.wait_dma2 semaphore(%arg25 : memref<!tpu.dma_semaphore, #tpu.memory_space<semaphore_mem>>) src(%dma_wait3A_224 : memref<64x256xf32, #tpu.memory_space<hbm>>) dst(%arg22 : memref<64x256xf32, #tpu.memory_space<vmem>>)
        %mul3A_225 = arith.constant 64 : i32
        %mul3A_226 = arith.muli %while3A_147, %mul3A_225 : i32
        %scan3A_227 = arith.constant 0 : i32
        %scan3A_228 = arith.constant 0 : i32
        %scan3A_229 = arith.constant 64 : i32
        %scan3A_230 = arith.addi %scan3A_228, %scan3A_229 : i32
        %scan3A_231 = arith.constant 1 : i32
        %scan3A_232 = scf.for %scan3A_245 = %scan3A_228 to %scan3A_230 step %scan3A_231 iter_args(%scan3A_246 = %scan3A_227) -> (i32)  : i32 {
          %add3A_247 = arith.addi %mul3A_226, %scan3A_245 : i32
          %broadcast_in_dim3A_248 = vector.broadcast %add3A_247 : i32 to vector<16xi32>
          %gather3A = tpu.vector_load_idx %arg12[%broadcast_in_dim3A_248] : memref<2048xf32, #tpu.memory_space<vmem>>[vector<16xi32>], vector<16xf32>,
          %gather3A_249 = tpu.vector_load_idx %arg13[%broadcast_in_dim3A_248] : memref<2048xf32, #tpu.memory_space<vmem>>[vector<16xi32>], vector<16xf32>,
          %gather3A_250 = tpu.vector_load_idx %arg14[%broadcast_in_dim3A_248] : memref<2048xf32, #tpu.memory_space<vmem>>[vector<16xi32>], vector<16xf32>,
          %get3A_251 = arith.index_cast %scan3A_245 : i32 to index
          %get3A_252 = arith.constant 0 : index
          %get3A_253 = tpu.vector_load %arg20[%get3A_251, %get3A_252] {strides = array<i32>} : memref<64x256xf32, #tpu.memory_space<vmem>>, vector<16xf32>,
          %mul3A_254 = arith.mulf %get3A_253, %gather3A : vector<16xf32>
          %get3A_255 = arith.index_cast %scan3A_245 : i32 to index
          %get3A_256 = arith.constant 0 : index
          %get3A_257 = tpu.vector_load %arg21[%get3A_255, %get3A_256] {strides = array<i32>} : memref<64x256xf32, #tpu.memory_space<vmem>>, vector<16xf32>,
          %mul3A_258 = arith.mulf %get3A_257, %gather3A_249 : vector<16xf32>
          %add3A_259 = arith.addf %mul3A_254, %mul3A_258 : vector<16xf32>
          %get3A_260 = arith.index_cast %scan3A_245 : i32 to index
          %get3A_261 = arith.constant 0 : index
          %get3A_262 = tpu.vector_load %arg22[%get3A_260, %get3A_261] {strides = array<i32>} : memref<64x256xf32, #tpu.memory_space<vmem>>, vector<16xf32>,
          %mul3A_263 = arith.mulf %get3A_262, %gather3A_250 : vector<16xf32>
          %add3A_264 = arith.addf %add3A_259, %mul3A_263 : vector<16xf32>
          %swap3A_265 = arith.index_cast %scan3A_245 : i32 to index
          %swap3A_266 = arith.constant 0 : index
          %swap3A_267 = tpu.vector_load %arg20[%swap3A_265, %swap3A_266] {strides = array<i32>} : memref<64x256xf32, #tpu.memory_space<vmem>>, vector<16xf32>,
          tpu.vector_store %arg20[%swap3A_265, %swap3A_266], %add3A_264 {strides = array<i32>} : memref<64x256xf32, #tpu.memory_space<vmem>>, vector<16xf32>,
          %get3A_268 = arith.index_cast %scan3A_245 : i32 to index
          %get3A_269 = arith.constant 16 : index
          %get3A_270 = tpu.vector_load %arg20[%get3A_268, %get3A_269] {strides = array<i32>} : memref<64x256xf32, #tpu.memory_space<vmem>>, vector<16xf32>,
          %mul3A_271 = arith.mulf %get3A_270, %gather3A : vector<16xf32>
          %get3A_272 = arith.index_cast %scan3A_245 : i32 to index
          %get3A_273 = arith.constant 16 : index
          %get3A_274 = tpu.vector_load %arg21[%get3A_272, %get3A_273] {strides = array<i32>} : memref<64x256xf32, #tpu.memory_space<vmem>>, vector<16xf32>,
          %mul3A_275 = arith.mulf %get3A_274, %gather3A_249 : vector<16xf32>
          %add3A_276 = arith.addf %mul3A_271, %mul3A_275 : vector<16xf32>
          %get3A_277 = arith.index_cast %scan3A_245 : i32 to index
          %get3A_278 = arith.constant 16 : index
          %get3A_279 = tpu.vector_load %arg22[%get3A_277, %get3A_278] {strides = array<i32>} : memref<64x256xf32, #tpu.memory_space<vmem>>, vector<16xf32>,
          %mul3A_280 = arith.mulf %get3A_279, %gather3A_250 : vector<16xf32>
          %add3A_281 = arith.addf %add3A_276, %mul3A_280 : vector<16xf32>
          %swap3A_282 = arith.index_cast %scan3A_245 : i32 to index
          %swap3A_283 = arith.constant 16 : index
          %swap3A_284 = tpu.vector_load %arg20[%swap3A_282, %swap3A_283] {strides = array<i32>} : memref<64x256xf32, #tpu.memory_space<vmem>>, vector<16xf32>,
          tpu.vector_store %arg20[%swap3A_282, %swap3A_283], %add3A_281 {strides = array<i32>} : memref<64x256xf32, #tpu.memory_space<vmem>>, vector<16xf32>,
          %get3A_285 = arith.index_cast %scan3A_245 : i32 to index
          %get3A_286 = arith.constant 32 : index
          %get3A_287 = tpu.vector_load %arg20[%get3A_285, %get3A_286] {strides = array<i32>} : memref<64x256xf32, #tpu.memory_space<vmem>>, vector<16xf32>,
          %mul3A_288 = arith.mulf %get3A_287, %gather3A : vector<16xf32>
          %get3A_289 = arith.index_cast %scan3A_245 : i32 to index
          %get3A_290 = arith.constant 32 : index
          %get3A_291 = tpu.vector_load %arg21[%get3A_289, %get3A_290] {strides = array<i32>} : memref<64x256xf32, #tpu.memory_space<vmem>>, vector<16xf32>,
          %mul3A_292 = arith.mulf %get3A_291, %gather3A_249 : vector<16xf32>
          %add3A_293 = arith.addf %mul3A_288, %mul3A_292 : vector<16xf32>
          %get3A_294 = arith.index_cast %scan3A_245 : i32 to index
          %get3A_295 = arith.constant 32 : index
          %get3A_296 = tpu.vector_load %arg22[%get3A_294, %get3A_295] {strides = array<i32>} : memref<64x256xf32, #tpu.memory_space<vmem>>, vector<16xf32>,
          %mul3A_297 = arith.mulf %get3A_296, %gather3A_250 : vector<16xf32>
          %add3A_298 = arith.addf %add3A_293, %mul3A_297 : vector<16xf32>
          %swap3A_299 = arith.index_cast %scan3A_245 : i32 to index
          %swap3A_300 = arith.constant 32 : index
          %swap3A_301 = tpu.vector_load %arg20[%swap3A_299, %swap3A_300] {strides = array<i32>} : memref<64x256xf32, #tpu.memory_space<vmem>>, vector<16xf32>,
          tpu.vector_store %arg20[%swap3A_299, %swap3A_300], %add3A_298 {strides = array<i32>} : memref<64x256xf32, #tpu.memory_space<vmem>>, vector<16xf32>,
          %get3A_302 = arith.index_cast %scan3A_245 : i32 to index
          %get3A_303 = arith.constant 48 : index
          %get3A_304 = tpu.vector_load %arg20[%get3A_302, %get3A_303] {strides = array<i32>} : memref<64x256xf32, #tpu.memory_space<vmem>>, vector<16xf32>,
          %mul3A_305 = arith.mulf %get3A_304, %gather3A : vector<16xf32>
          %get3A_306 = arith.index_cast %scan3A_245 : i32 to index
          %get3A_307 = arith.constant 48 : index
          %get3A_308 = tpu.vector_load %arg21[%get3A_306, %get3A_307] {strides = array<i32>} : memref<64x256xf32, #tpu.memory_space<vmem>>, vector<16xf32>,
          %mul3A_309 = arith.mulf %get3A_308, %gather3A_249 : vector<16xf32>
          %add3A_310 = arith.addf %mul3A_305, %mul3A_309 : vector<16xf32>
          %get3A_311 = arith.index_cast %scan3A_245 : i32 to index
          %get3A_312 = arith.constant 48 : index
          %get3A_313 = tpu.vector_load %arg22[%get3A_311, %get3A_312] {strides = array<i32>} : memref<64x256xf32, #tpu.memory_space<vmem>>, vector<16xf32>,
          %mul3A_314 = arith.mulf %get3A_313, %gather3A_250 : vector<16xf32>
          %add3A_315 = arith.addf %add3A_310, %mul3A_314 : vector<16xf32>
          %swap3A_316 = arith.index_cast %scan3A_245 : i32 to index
          %swap3A_317 = arith.constant 48 : index
          %swap3A_318 = tpu.vector_load %arg20[%swap3A_316, %swap3A_317] {strides = array<i32>} : memref<64x256xf32, #tpu.memory_space<vmem>>, vector<16xf32>,
          tpu.vector_store %arg20[%swap3A_316, %swap3A_317], %add3A_315 {strides = array<i32>} : memref<64x256xf32, #tpu.memory_space<vmem>>, vector<16xf32>,
          %get3A_319 = arith.index_cast %scan3A_245 : i32 to index
          %get3A_320 = arith.constant 64 : index
          %get3A_321 = tpu.vector_load %arg20[%get3A_319, %get3A_320] {strides = array<i32>} : memref<64x256xf32, #tpu.memory_space<vmem>>, vector<16xf32>,
          %mul3A_322 = arith.mulf %get3A_321, %gather3A : vector<16xf32>
          %get3A_323 = arith.index_cast %scan3A_245 : i32 to index
          %get3A_324 = arith.constant 64 : index
          %get3A_325 = tpu.vector_load %arg21[%get3A_323, %get3A_324] {strides = array<i32>} : memref<64x256xf32, #tpu.memory_space<vmem>>, vector<16xf32>,
          %mul3A_326 = arith.mulf %get3A_325, %gather3A_249 : vector<16xf32>
          %add3A_327 = arith.addf %mul3A_322, %mul3A_326 : vector<16xf32>
          %get3A_328 = arith.index_cast %scan3A_245 : i32 to index
          %get3A_329 = arith.constant 64 : index
          %get3A_330 = tpu.vector_load %arg22[%get3A_328, %get3A_329] {strides = array<i32>} : memref<64x256xf32, #tpu.memory_space<vmem>>, vector<16xf32>,
          %mul3A_331 = arith.mulf %get3A_330, %gather3A_250 : vector<16xf32>
          %add3A_332 = arith.addf %add3A_327, %mul3A_331 : vector<16xf32>
          %swap3A_333 = arith.index_cast %scan3A_245 : i32 to index
          %swap3A_334 = arith.constant 64 : index
          %swap3A_335 = tpu.vector_load %arg20[%swap3A_333, %swap3A_334] {strides = array<i32>} : memref<64x256xf32, #tpu.memory_space<vmem>>, vector<16xf32>,
          tpu.vector_store %arg20[%swap3A_333, %swap3A_334], %add3A_332 {strides = array<i32>} : memref<64x256xf32, #tpu.memory_space<vmem>>, vector<16xf32>,
          %get3A_336 = arith.index_cast %scan3A_245 : i32 to index
          %get3A_337 = arith.constant 80 : index
          %get3A_338 = tpu.vector_load %arg20[%get3A_336, %get3A_337] {strides = array<i32>} : memref<64x256xf32, #tpu.memory_space<vmem>>, vector<16xf32>,
          %mul3A_339 = arith.mulf %get3A_338, %gather3A : vector<16xf32>
          %get3A_340 = arith.index_cast %scan3A_245 : i32 to index
          %get3A_341 = arith.constant 80 : index
          %get3A_342 = tpu.vector_load %arg21[%get3A_340, %get3A_341] {strides = array<i32>} : memref<64x256xf32, #tpu.memory_space<vmem>>, vector<16xf32>,
          %mul3A_343 = arith.mulf %get3A_342, %gather3A_249 : vector<16xf32>
          %add3A_344 = arith.addf %mul3A_339, %mul3A_343 : vector<16xf32>
          %get3A_345 = arith.index_cast %scan3A_245 : i32 to index
          %get3A_346 = arith.constant 80 : index
          %get3A_347 = tpu.vector_load %arg22[%get3A_345, %get3A_346] {strides = array<i32>} : memref<64x256xf32, #tpu.memory_space<vmem>>, vector<16xf32>,
          %mul3A_348 = arith.mulf %get3A_347, %gather3A_250 : vector<16xf32>
          %add3A_349 = arith.addf %add3A_344, %mul3A_348 : vector<16xf32>
          %swap3A_350 = arith.index_cast %scan3A_245 : i32 to index
          %swap3A_351 = arith.constant 80 : index
          %swap3A_352 = tpu.vector_load %arg20[%swap3A_350, %swap3A_351] {strides = array<i32>} : memref<64x256xf32, #tpu.memory_space<vmem>>, vector<16xf32>,
          tpu.vector_store %arg20[%swap3A_350, %swap3A_351], %add3A_349 {strides = array<i32>} : memref<64x256xf32, #tpu.memory_space<vmem>>, vector<16xf32>,
          %get3A_353 = arith.index_cast %scan3A_245 : i32 to index
          %get3A_354 = arith.constant 96 : index
          %get3A_355 = tpu.vector_load %arg20[%get3A_353, %get3A_354] {strides = array<i32>} : memref<64x256xf32, #tpu.memory_space<vmem>>, vector<16xf32>,
          %mul3A_356 = arith.mulf %get3A_355, %gather3A : vector<16xf32>
          %get3A_357 = arith.index_cast %scan3A_245 : i32 to index
          %get3A_358 = arith.constant 96 : index
          %get3A_359 = tpu.vector_load %arg21[%get3A_357, %get3A_358] {strides = array<i32>} : memref<64x256xf32, #tpu.memory_space<vmem>>, vector<16xf32>,
          %mul3A_360 = arith.mulf %get3A_359, %gather3A_249 : vector<16xf32>
          %add3A_361 = arith.addf %mul3A_356, %mul3A_360 : vector<16xf32>
          %get3A_362 = arith.index_cast %scan3A_245 : i32 to index
          %get3A_363 = arith.constant 96 : index
          %get3A_364 = tpu.vector_load %arg22[%get3A_362, %get3A_363] {strides = array<i32>} : memref<64x256xf32, #tpu.memory_space<vmem>>, vector<16xf32>,
          %mul3A_365 = arith.mulf %get3A_364, %gather3A_250 : vector<16xf32>
          %add3A_366 = arith.addf %add3A_361, %mul3A_365 : vector<16xf32>
          %swap3A_367 = arith.index_cast %scan3A_245 : i32 to index
          %swap3A_368 = arith.constant 96 : index
          %swap3A_369 = tpu.vector_load %arg20[%swap3A_367, %swap3A_368] {strides = array<i32>} : memref<64x256xf32, #tpu.memory_space<vmem>>, vector<16xf32>,
          tpu.vector_store %arg20[%swap3A_367, %swap3A_368], %add3A_366 {strides = array<i32>} : memref<64x256xf32, #tpu.memory_space<vmem>>, vector<16xf32>,
          %get3A_370 = arith.index_cast %scan3A_245 : i32 to index
          %get3A_371 = arith.constant 112 : index
          %get3A_372 = tpu.vector_load %arg20[%get3A_370, %get3A_371] {strides = array<i32>} : memref<64x256xf32, #tpu.memory_space<vmem>>, vector<16xf32>,
          %mul3A_373 = arith.mulf %get3A_372, %gather3A : vector<16xf32>
          %get3A_374 = arith.index_cast %scan3A_245 : i32 to index
          %get3A_375 = arith.constant 112 : index
          %get3A_376 = tpu.vector_load %arg21[%get3A_374, %get3A_375] {strides = array<i32>} : memref<64x256xf32, #tpu.memory_space<vmem>>, vector<16xf32>,
          %mul3A_377 = arith.mulf %get3A_376, %gather3A_249 : vector<16xf32>
          %add3A_378 = arith.addf %mul3A_373, %mul3A_377 : vector<16xf32>
          %get3A_379 = arith.index_cast %scan3A_245 : i32 to index
          %get3A_380 = arith.constant 112 : index
          %get3A_381 = tpu.vector_load %arg22[%get3A_379, %get3A_380] {strides = array<i32>} : memref<64x256xf32, #tpu.memory_space<vmem>>, vector<16xf32>,
          %mul3A_382 = arith.mulf %get3A_381, %gather3A_250 : vector<16xf32>
          %add3A_383 = arith.addf %add3A_378, %mul3A_382 : vector<16xf32>
          %swap3A_384 = arith.index_cast %scan3A_245 : i32 to index
          %swap3A_385 = arith.constant 112 : index
          %swap3A_386 = tpu.vector_load %arg20[%swap3A_384, %swap3A_385] {strides = array<i32>} : memref<64x256xf32, #tpu.memory_space<vmem>>, vector<16xf32>,
          tpu.vector_store %arg20[%swap3A_384, %swap3A_385], %add3A_383 {strides = array<i32>} : memref<64x256xf32, #tpu.memory_space<vmem>>, vector<16xf32>,
          %get3A_387 = arith.index_cast %scan3A_245 : i32 to index
          %get3A_388 = arith.constant 128 : index
          %get3A_389 = tpu.vector_load %arg20[%get3A_387, %get3A_388] {strides = array<i32>} : memref<64x256xf32, #tpu.memory_space<vmem>>, vector<16xf32>,
          %mul3A_390 = arith.mulf %get3A_389, %gather3A : vector<16xf32>
          %get3A_391 = arith.index_cast %scan3A_245 : i32 to index
          %get3A_392 = arith.constant 128 : index
          %get3A_393 = tpu.vector_load %arg21[%get3A_391, %get3A_392] {strides = array<i32>} : memref<64x256xf32, #tpu.memory_space<vmem>>, vector<16xf32>,
          %mul3A_394 = arith.mulf %get3A_393, %gather3A_249 : vector<16xf32>
          %add3A_395 = arith.addf %mul3A_390, %mul3A_394 : vector<16xf32>
          %get3A_396 = arith.index_cast %scan3A_245 : i32 to index
          %get3A_397 = arith.constant 128 : index
          %get3A_398 = tpu.vector_load %arg22[%get3A_396, %get3A_397] {strides = array<i32>} : memref<64x256xf32, #tpu.memory_space<vmem>>, vector<16xf32>,
          %mul3A_399 = arith.mulf %get3A_398, %gather3A_250 : vector<16xf32>
          %add3A_400 = arith.addf %add3A_395, %mul3A_399 : vector<16xf32>
          %swap3A_401 = arith.index_cast %scan3A_245 : i32 to index
          %swap3A_402 = arith.constant 128 : index
          %swap3A_403 = tpu.vector_load %arg20[%swap3A_401, %swap3A_402] {strides = array<i32>} : memref<64x256xf32, #tpu.memory_space<vmem>>, vector<16xf32>,
          tpu.vector_store %arg20[%swap3A_401, %swap3A_402], %add3A_400 {strides = array<i32>} : memref<64x256xf32, #tpu.memory_space<vmem>>, vector<16xf32>,
          %get3A_404 = arith.index_cast %scan3A_245 : i32 to index
          %get3A_405 = arith.constant 144 : index
          %get3A_406 = tpu.vector_load %arg20[%get3A_404, %get3A_405] {strides = array<i32>} : memref<64x256xf32, #tpu.memory_space<vmem>>, vector<16xf32>,
          %mul3A_407 = arith.mulf %get3A_406, %gather3A : vector<16xf32>
          %get3A_408 = arith.index_cast %scan3A_245 : i32 to index
          %get3A_409 = arith.constant 144 : index
          %get3A_410 = tpu.vector_load %arg21[%get3A_408, %get3A_409] {strides = array<i32>} : memref<64x256xf32, #tpu.memory_space<vmem>>, vector<16xf32>,
          %mul3A_411 = arith.mulf %get3A_410, %gather3A_249 : vector<16xf32>
          %add3A_412 = arith.addf %mul3A_407, %mul3A_411 : vector<16xf32>
          %get3A_413 = arith.index_cast %scan3A_245 : i32 to index
          %get3A_414 = arith.constant 144 : index
          %get3A_415 = tpu.vector_load %arg22[%get3A_413, %get3A_414] {strides = array<i32>} : memref<64x256xf32, #tpu.memory_space<vmem>>, vector<16xf32>,
          %mul3A_416 = arith.mulf %get3A_415, %gather3A_250 : vector<16xf32>
          %add3A_417 = arith.addf %add3A_412, %mul3A_416 : vector<16xf32>
          %swap3A_418 = arith.index_cast %scan3A_245 : i32 to index
          %swap3A_419 = arith.constant 144 : index
          %swap3A_420 = tpu.vector_load %arg20[%swap3A_418, %swap3A_419] {strides = array<i32>} : memref<64x256xf32, #tpu.memory_space<vmem>>, vector<16xf32>,
          tpu.vector_store %arg20[%swap3A_418, %swap3A_419], %add3A_417 {strides = array<i32>} : memref<64x256xf32, #tpu.memory_space<vmem>>, vector<16xf32>,
          %get3A_421 = arith.index_cast %scan3A_245 : i32 to index
          %get3A_422 = arith.constant 160 : index
          %get3A_423 = tpu.vector_load %arg20[%get3A_421, %get3A_422] {strides = array<i32>} : memref<64x256xf32, #tpu.memory_space<vmem>>, vector<16xf32>,
          %mul3A_424 = arith.mulf %get3A_423, %gather3A : vector<16xf32>
          %get3A_425 = arith.index_cast %scan3A_245 : i32 to index
          %get3A_426 = arith.constant 160 : index
          %get3A_427 = tpu.vector_load %arg21[%get3A_425, %get3A_426] {strides = array<i32>} : memref<64x256xf32, #tpu.memory_space<vmem>>, vector<16xf32>,
          %mul3A_428 = arith.mulf %get3A_427, %gather3A_249 : vector<16xf32>
          %add3A_429 = arith.addf %mul3A_424, %mul3A_428 : vector<16xf32>
          %get3A_430 = arith.index_cast %scan3A_245 : i32 to index
          %get3A_431 = arith.constant 160 : index
          %get3A_432 = tpu.vector_load %arg22[%get3A_430, %get3A_431] {strides = array<i32>} : memref<64x256xf32, #tpu.memory_space<vmem>>, vector<16xf32>,
          %mul3A_433 = arith.mulf %get3A_432, %gather3A_250 : vector<16xf32>
          %add3A_434 = arith.addf %add3A_429, %mul3A_433 : vector<16xf32>
          %swap3A_435 = arith.index_cast %scan3A_245 : i32 to index
          %swap3A_436 = arith.constant 160 : index
          %swap3A_437 = tpu.vector_load %arg20[%swap3A_435, %swap3A_436] {strides = array<i32>} : memref<64x256xf32, #tpu.memory_space<vmem>>, vector<16xf32>,
          tpu.vector_store %arg20[%swap3A_435, %swap3A_436], %add3A_434 {strides = array<i32>} : memref<64x256xf32, #tpu.memory_space<vmem>>, vector<16xf32>,
          %get3A_438 = arith.index_cast %scan3A_245 : i32 to index
          %get3A_439 = arith.constant 176 : index
          %get3A_440 = tpu.vector_load %arg20[%get3A_438, %get3A_439] {strides = array<i32>} : memref<64x256xf32, #tpu.memory_space<vmem>>, vector<16xf32>,
          %mul3A_441 = arith.mulf %get3A_440, %gather3A : vector<16xf32>
          %get3A_442 = arith.index_cast %scan3A_245 : i32 to index
          %get3A_443 = arith.constant 176 : index
          %get3A_444 = tpu.vector_load %arg21[%get3A_442, %get3A_443] {strides = array<i32>} : memref<64x256xf32, #tpu.memory_space<vmem>>, vector<16xf32>,
          %mul3A_445 = arith.mulf %get3A_444, %gather3A_249 : vector<16xf32>
          %add3A_446 = arith.addf %mul3A_441, %mul3A_445 : vector<16xf32>
          %get3A_447 = arith.index_cast %scan3A_245 : i32 to index
          %get3A_448 = arith.constant 176 : index
          %get3A_449 = tpu.vector_load %arg22[%get3A_447, %get3A_448] {strides = array<i32>} : memref<64x256xf32, #tpu.memory_space<vmem>>, vector<16xf32>,
          %mul3A_450 = arith.mulf %get3A_449, %gather3A_250 : vector<16xf32>
          %add3A_451 = arith.addf %add3A_446, %mul3A_450 : vector<16xf32>
          %swap3A_452 = arith.index_cast %scan3A_245 : i32 to index
          %swap3A_453 = arith.constant 176 : index
          %swap3A_454 = tpu.vector_load %arg20[%swap3A_452, %swap3A_453] {strides = array<i32>} : memref<64x256xf32, #tpu.memory_space<vmem>>, vector<16xf32>,
          tpu.vector_store %arg20[%swap3A_452, %swap3A_453], %add3A_451 {strides = array<i32>} : memref<64x256xf32, #tpu.memory_space<vmem>>, vector<16xf32>,
          %get3A_455 = arith.index_cast %scan3A_245 : i32 to index
          %get3A_456 = arith.constant 192 : index
          %get3A_457 = tpu.vector_load %arg20[%get3A_455, %get3A_456] {strides = array<i32>} : memref<64x256xf32, #tpu.memory_space<vmem>>, vector<16xf32>,
          %mul3A_458 = arith.mulf %get3A_457, %gather3A : vector<16xf32>
          %get3A_459 = arith.index_cast %scan3A_245 : i32 to index
          %get3A_460 = arith.constant 192 : index
          %get3A_461 = tpu.vector_load %arg21[%get3A_459, %get3A_460] {strides = array<i32>} : memref<64x256xf32, #tpu.memory_space<vmem>>, vector<16xf32>,
          %mul3A_462 = arith.mulf %get3A_461, %gather3A_249 : vector<16xf32>
          %add3A_463 = arith.addf %mul3A_458, %mul3A_462 : vector<16xf32>
          %get3A_464 = arith.index_cast %scan3A_245 : i32 to index
          %get3A_465 = arith.constant 192 : index
          %get3A_466 = tpu.vector_load %arg22[%get3A_464, %get3A_465] {strides = array<i32>} : memref<64x256xf32, #tpu.memory_space<vmem>>, vector<16xf32>,
          %mul3A_467 = arith.mulf %get3A_466, %gather3A_250 : vector<16xf32>
          %add3A_468 = arith.addf %add3A_463, %mul3A_467 : vector<16xf32>
          %swap3A_469 = arith.index_cast %scan3A_245 : i32 to index
          %swap3A_470 = arith.constant 192 : index
          %swap3A_471 = tpu.vector_load %arg20[%swap3A_469, %swap3A_470] {strides = array<i32>} : memref<64x256xf32, #tpu.memory_space<vmem>>, vector<16xf32>,
          tpu.vector_store %arg20[%swap3A_469, %swap3A_470], %add3A_468 {strides = array<i32>} : memref<64x256xf32, #tpu.memory_space<vmem>>, vector<16xf32>,
          %get3A_472 = arith.index_cast %scan3A_245 : i32 to index
          %get3A_473 = arith.constant 208 : index
          %get3A_474 = tpu.vector_load %arg20[%get3A_472, %get3A_473] {strides = array<i32>} : memref<64x256xf32, #tpu.memory_space<vmem>>, vector<16xf32>,
          %mul3A_475 = arith.mulf %get3A_474, %gather3A : vector<16xf32>
          %get3A_476 = arith.index_cast %scan3A_245 : i32 to index
          %get3A_477 = arith.constant 208 : index
          %get3A_478 = tpu.vector_load %arg21[%get3A_476, %get3A_477] {strides = array<i32>} : memref<64x256xf32, #tpu.memory_space<vmem>>, vector<16xf32>,
          %mul3A_479 = arith.mulf %get3A_478, %gather3A_249 : vector<16xf32>
          %add3A_480 = arith.addf %mul3A_475, %mul3A_479 : vector<16xf32>
          %get3A_481 = arith.index_cast %scan3A_245 : i32 to index
          %get3A_482 = arith.constant 208 : index
          %get3A_483 = tpu.vector_load %arg22[%get3A_481, %get3A_482] {strides = array<i32>} : memref<64x256xf32, #tpu.memory_space<vmem>>, vector<16xf32>,
          %mul3A_484 = arith.mulf %get3A_483, %gather3A_250 : vector<16xf32>
          %add3A_485 = arith.addf %add3A_480, %mul3A_484 : vector<16xf32>
          %swap3A_486 = arith.index_cast %scan3A_245 : i32 to index
          %swap3A_487 = arith.constant 208 : index
          %swap3A_488 = tpu.vector_load %arg20[%swap3A_486, %swap3A_487] {strides = array<i32>} : memref<64x256xf32, #tpu.memory_space<vmem>>, vector<16xf32>,
          tpu.vector_store %arg20[%swap3A_486, %swap3A_487], %add3A_485 {strides = array<i32>} : memref<64x256xf32, #tpu.memory_space<vmem>>, vector<16xf32>,
          %get3A_489 = arith.index_cast %scan3A_245 : i32 to index
          %get3A_490 = arith.constant 224 : index
          %get3A_491 = tpu.vector_load %arg20[%get3A_489, %get3A_490] {strides = array<i32>} : memref<64x256xf32, #tpu.memory_space<vmem>>, vector<16xf32>,
          %mul3A_492 = arith.mulf %get3A_491, %gather3A : vector<16xf32>
          %get3A_493 = arith.index_cast %scan3A_245 : i32 to index
          %get3A_494 = arith.constant 224 : index
          %get3A_495 = tpu.vector_load %arg21[%get3A_493, %get3A_494] {strides = array<i32>} : memref<64x256xf32, #tpu.memory_space<vmem>>, vector<16xf32>,
          %mul3A_496 = arith.mulf %get3A_495, %gather3A_249 : vector<16xf32>
          %add3A_497 = arith.addf %mul3A_492, %mul3A_496 : vector<16xf32>
          %get3A_498 = arith.index_cast %scan3A_245 : i32 to index
          %get3A_499 = arith.constant 224 : index
          %get3A_500 = tpu.vector_load %arg22[%get3A_498, %get3A_499] {strides = array<i32>} : memref<64x256xf32, #tpu.memory_space<vmem>>, vector<16xf32>,
          %mul3A_501 = arith.mulf %get3A_500, %gather3A_250 : vector<16xf32>
          %add3A_502 = arith.addf %add3A_497, %mul3A_501 : vector<16xf32>
          %swap3A_503 = arith.index_cast %scan3A_245 : i32 to index
          %swap3A_504 = arith.constant 224 : index
          %swap3A_505 = tpu.vector_load %arg20[%swap3A_503, %swap3A_504] {strides = array<i32>} : memref<64x256xf32, #tpu.memory_space<vmem>>, vector<16xf32>,
          tpu.vector_store %arg20[%swap3A_503, %swap3A_504], %add3A_502 {strides = array<i32>} : memref<64x256xf32, #tpu.memory_space<vmem>>, vector<16xf32>,
          %get3A_506 = arith.index_cast %scan3A_245 : i32 to index
          %get3A_507 = arith.constant 240 : index
          %get3A_508 = tpu.vector_load %arg20[%get3A_506, %get3A_507] {strides = array<i32>} : memref<64x256xf32, #tpu.memory_space<vmem>>, vector<16xf32>,
          %mul3A_509 = arith.mulf %get3A_508, %gather3A : vector<16xf32>
          %get3A_510 = arith.index_cast %scan3A_245 : i32 to index
          %get3A_511 = arith.constant 240 : index
          %get3A_512 = tpu.vector_load %arg21[%get3A_510, %get3A_511] {strides = array<i32>} : memref<64x256xf32, #tpu.memory_space<vmem>>, vector<16xf32>,
          %mul3A_513 = arith.mulf %get3A_512, %gather3A_249 : vector<16xf32>
          %add3A_514 = arith.addf %mul3A_509, %mul3A_513 : vector<16xf32>
          %get3A_515 = arith.index_cast %scan3A_245 : i32 to index
          %get3A_516 = arith.constant 240 : index
          %get3A_517 = tpu.vector_load %arg22[%get3A_515, %get3A_516] {strides = array<i32>} : memref<64x256xf32, #tpu.memory_space<vmem>>, vector<16xf32>,
          %mul3A_518 = arith.mulf %get3A_517, %gather3A_250 : vector<16xf32>
          %add3A_519 = arith.addf %add3A_514, %mul3A_518 : vector<16xf32>
          %swap3A_520 = arith.index_cast %scan3A_245 : i32 to index
          %swap3A_521 = arith.constant 240 : index
          %swap3A_522 = tpu.vector_load %arg20[%swap3A_520, %swap3A_521] {strides = array<i32>} : memref<64x256xf32, #tpu.memory_space<vmem>>, vector<16xf32>,
          tpu.vector_store %arg20[%swap3A_520, %swap3A_521], %add3A_519 {strides = array<i32>} : memref<64x256xf32, #tpu.memory_space<vmem>>, vector<16xf32>,
          %scan3A_523 = arith.constant 0 : i32
          scf.yield %scan3A_523 : i32
        }
        %scan3A_233 = arith.constant 64 : i32
        %mul3A_234 = arith.constant 8192 : i32
        %mul3A_235 = arith.muli %select_n3A, %mul3A_234 : i32
        %mul3A_236 = arith.constant 4 : i32
        %mul3A_237 = arith.muli %mul3A_236, %while3A_147 : i32
        %add3A_238 = arith.addi %select_n3A_30, %mul3A_237 : i32
        %mul3A_239 = arith.constant 64 : i32
        %mul3A_240 = arith.muli %add3A_238, %mul3A_239 : i32
        %add3A_241 = arith.addi %mul3A_235, %mul3A_240 : i32
        %dma_start3A = arith.constant 0 : i32
        %dma_start3A_242 = tpu.memref_slice %arg7[%add3A_241, %dma_start3A] : memref<65536x256xf32, #tpu.memory_space<hbm>> -> memref<64x256xf32, #tpu.memory_space<hbm>>
        %dma_start3A_243 = arith.constant 0 : i32
        %dma_start3A_244 = tpu.memref_slice %arg7[%add3A_241, %dma_start3A_243] : memref<65536x256xf32, #tpu.memory_space<hbm>> -> memref<64x256xf32, #tpu.memory_space<hbm>>
        tpu.enqueue_dma source(%arg20 : memref<64x256xf32, #tpu.memory_space<vmem>>) target(%dma_start3A_244 : memref<64x256xf32, #tpu.memory_space<hbm>>) target_semaphore(%arg26 : memref<!tpu.dma_semaphore, #tpu.memory_space<semaphore_mem>>)
      } else {
      }
      %while3A_201 = arith.constant 0 : i32
      scf.yield %while3A_201 : i32
    }
    %gt3A_121 = arith.constant 0 : i32
    %gt3A_122 = arith.cmpi sgt, %min3A_100, %gt3A_121 : i32
    %convert_element_type3A_123 = arith.extui %gt3A_122 : i1 to i32
    %cond3A_124 = arith.constant 0 : i32
    %cond3A_125 = arith.cmpi ne, %convert_element_type3A_123, %cond3A_124 : i32
    scf.if %cond3A_125 {
      %dma_wait3A = arith.constant 0 : i32
      %dma_wait3A_147 = arith.constant 0 : i32
      %dma_wait3A_148 = tpu.memref_slice %arg7[%dma_wait3A, %dma_wait3A_147] : memref<65536x256xf32, #tpu.memory_space<hbm>> -> memref<64x256xf32, #tpu.memory_space<hbm>>
      %dma_wait3A_149 = arith.constant 0 : i32
      %dma_wait3A_150 = arith.constant 0 : i32
      %dma_wait3A_151 = tpu.memref_slice %arg7[%dma_wait3A_149, %dma_wait3A_150] : memref<65536x256xf32, #tpu.memory_space<hbm>> -> memref<64x256xf32, #tpu.memory_space<hbm>>
      tpu.wait_dma2 semaphore(%arg26 : memref<!tpu.dma_semaphore, #tpu.memory_space<semaphore_mem>>) src(%dma_wait3A_151 : memref<64x256xf32, #tpu.memory_space<hbm>>) dst(%arg17 : memref<64x256xf32, #tpu.memory_space<vmem>>)
    } else {
    }
    %sub3A_126 = arith.constant 32 : i32
    %sub3A_127 = arith.subi %sub3A_126, %min3A_100 : i32
    %while3A_128 = arith.constant 0 : i32
    %while3A_129 = arith.constant 0 : i32
    %while3A_130 = arith.subi %sub3A_127, %while3A_128 : i32
    %while3A_131 = arith.addi %while3A_128, %while3A_130 : i32
    %while3A_132 = arith.constant 1 : i32
    %while3A_133 = arith.divsi %while3A_130, %while3A_132 : i32
    %while3A_134 = arith.muli %while3A_133, %while3A_132 : i32
    %while3A_135 = arith.addi %while3A_128, %while3A_134 : i32
    %while3A_136 = arith.constant 1 : i32
    %while3A_137 = scf.for %while3A_147 = %while3A_128 to %while3A_135 step %while3A_136 iter_args(%while3A_148 = %while3A_129) -> (i32)  : i32 {
      %dma_wait3A = arith.constant 0 : i32
      %dma_wait3A_149 = arith.constant 0 : i32
      %dma_wait3A_150 = tpu.memref_slice %arg7[%dma_wait3A, %dma_wait3A_149] : memref<65536x256xf32, #tpu.memory_space<hbm>> -> memref<64x256xf32, #tpu.memory_space<hbm>>
      %dma_wait3A_151 = arith.constant 0 : i32
      %dma_wait3A_152 = arith.constant 0 : i32
      %dma_wait3A_153 = tpu.memref_slice %arg7[%dma_wait3A_151, %dma_wait3A_152] : memref<65536x256xf32, #tpu.memory_space<hbm>> -> memref<64x256xf32, #tpu.memory_space<hbm>>
      tpu.wait_dma2 semaphore(%arg27 : memref<!tpu.dma_semaphore, #tpu.memory_space<semaphore_mem>>) src(%dma_wait3A_153 : memref<64x256xf32, #tpu.memory_space<hbm>>) dst(%arg23 : memref<64x256xf32, #tpu.memory_space<vmem>>)
      %while3A_154 = arith.constant 0 : i32
      scf.yield %while3A_154 : i32
    }
    %while3A_138 = arith.constant 1 : i32
    %while3A_139 = scf.for %while3A_147 = %while3A_135 to %while3A_131 step %while3A_138 iter_args(%while3A_148 = %while3A_137) -> (i32)  : i32 {
      %dma_wait3A = arith.constant 0 : i32
      %dma_wait3A_149 = arith.constant 0 : i32
      %dma_wait3A_150 = tpu.memref_slice %arg7[%dma_wait3A, %dma_wait3A_149] : memref<65536x256xf32, #tpu.memory_space<hbm>> -> memref<64x256xf32, #tpu.memory_space<hbm>>
      %dma_wait3A_151 = arith.constant 0 : i32
      %dma_wait3A_152 = arith.constant 0 : i32
      %dma_wait3A_153 = tpu.memref_slice %arg7[%dma_wait3A_151, %dma_wait3A_152] : memref<65536x256xf32, #tpu.memory_space<hbm>> -> memref<64x256xf32, #tpu.memory_space<hbm>>
      tpu.wait_dma2 semaphore(%arg27 : memref<!tpu.dma_semaphore, #tpu.memory_space<semaphore_mem>>) src(%dma_wait3A_153 : memref<64x256xf32, #tpu.memory_space<hbm>>) dst(%arg23 : memref<64x256xf32, #tpu.memory_space<vmem>>)
      %while3A_154 = arith.constant 0 : i32
      scf.yield %while3A_154 : i32
    }
    %scan3A_140 = arith.constant 0 : i32
    %scan3A_141 = arith.constant 0 : i32
    %scan3A_142 = arith.constant 32 : i32
    %scan3A_143 = arith.addi %scan3A_141, %scan3A_142 : i32
    %scan3A_144 = arith.constant 1 : i32
    %scan3A_145 = scf.for %scan3A_147 = %scan3A_141 to %scan3A_143 step %scan3A_144 iter_args(%scan3A_148 = %scan3A_140) -> (i32)  : i32 {
      %dma_wait3A = arith.constant 0 : i32
      %dma_wait3A_149 = tpu.memref_slice %arg15[%dma_wait3A] : memref<2048xi32, #tpu.memory_space<vmem>> -> memref<64xi32, #tpu.memory_space<vmem>>
      %dma_wait3A_150 = arith.constant 0 : i32
      %dma_wait3A_151 = tpu.memref_slice %arg8[%dma_wait3A_150] : memref<65536xi32, #tpu.memory_space<hbm>> -> memref<64xi32, #tpu.memory_space<hbm>>
      %dma_wait3A_152 = arith.constant 0 : i32
      %dma_wait3A_153 = tpu.memref_slice %arg15[%dma_wait3A_152] : memref<2048xi32, #tpu.memory_space<vmem>> -> memref<64xi32, #tpu.memory_space<vmem>>
      %dma_wait3A_154 = arith.constant 0 : i32
      %dma_wait3A_155 = tpu.memref_slice %arg8[%dma_wait3A_154] : memref<65536xi32, #tpu.memory_space<hbm>> -> memref<64xi32, #tpu.memory_space<hbm>>
      tpu.wait_dma2 semaphore(%arg28 : memref<!tpu.dma_semaphore, #tpu.memory_space<semaphore_mem>>) src(%dma_wait3A_155 : memref<64xi32, #tpu.memory_space<hbm>>) dst(%dma_wait3A_153 : memref<64xi32, #tpu.memory_space<vmem>>)
      %scan3A_156 = arith.constant 0 : i32
      scf.yield %scan3A_156 : i32
    }
    %scan3A_146 = arith.constant 32 : i32
    return
  }
}

</mosaic_0001>

<sc_bundles>
// kernel: kernel.3.cloned.1.call-start
scs
__scs_entry_jumppad:
0x0: {  	(pc) =	sbr.rel $0x88, $3  }
0x1: {  	(tag) =	ssettag $0x0;
	lr =	simm.s32 $0x1  }
0x2: {  	[smem:$0x3F9C] =	sst lr;
	_ =	strace $0xD0000000  }
0x3: {  	_ = 	snop  }
0x4: {  	_ = 	snop  }
0x5: {  	_ = 	snop  }
0x6: {  	_ = 	snop  }
0x7: {  	_ = 	snop  }
__scs_overlays_trampoline_lowered:
0x8: {  	[smem:$0x3FAB] =	sst s0  }
0x9: {  	[smem:$0x3FAC] =	sst s1  }
0xa: {  	[smem:$0x3FAD] =	sst s2  }
0xb: {  	[smem:$0x3FAE] =	sst s3  }
0xc: {  	[smem:$0x3FAF] =	sst s4  }
0xd: {  	[smem:$0x3FB0] =	sst s5  }
0xe: {  	[smem:$0x3FB1] =	sst s6  }
0xf: {  	[smem:$0x3FB2] =	sst s7  }
0x10: {  	[smem:$0x3FB3] =	sst s8  }
0x11: {  	[smem:$0x3FB4] =	sst s9;
	s0 =	simm.s32 @!p0 $0x0  }
0x12: {  	s1 =	sld [smem:$0x3F9A];
	s0 =	simm.s32 @p0 $0x1  }
0x13: {  	[smem:$0x3FB5] =	sst s0;
	s0 =	simm.s32 @!p1 $0x0  }
0x14: {  	s2 =	sld [smem:$0x3F99];
	s0 =	simm.s32 @p1 $0x1  }
0x15: {  	[smem:$0x3FB6] =	sst s0;
	s0 =	simm.s32 @!p2 $0x0  }
0x16: {  	s3 =	sld [smem:$0x3FDB];
	s0 =	simm.s32 @p2 $0x1  }
0x17: {  	s4 =	simm.s32 $0x1BF5;
	[smem:$0x3FB8] =	sst s0  }
0x18: {  	s0 =	sld [smem:$0x3F9B];
	_ =	swait.ge [sflag:s4], $0x0  }
0x19: {  	s7 =	sld [smem:$0x3F9C]  }
0x1a: {  	s8 =	sadd.s32 $0xFFFFE003, lr  }
0x1b: {  	s9 =	sadd.s32 $0xFFFFFEF7, lr;
	s5 =	simm.s32 $0xFFFFFFFF;
	p2 =	slt.u32 s8, $0xFFFFF086  }
0x1c: {  	p1 =	slt.u32 s9, $0xF7A;
	s5 =	simm.s32 @!p2 $0x0  }
0x1d: {  	s5 =	simm.s32 @p1 $0x1;
	p0 =	seq.s32 s7, s2  }
0x1e: {  	s7 =	smul.u32 @!p0 $0xF7A, s2;
	p2 =	seq.s32 @!p0 s5, $0x0  }
0x1f: {  	s9 =	smul.u32 $0xF7A, s1;
	s8 =	simm.s32 @!p0 $0x1BF5;
	p2 =	por !p2, p0  }
0x20: {  	[sflag:s8] =	ssyncset.s32 @!p0 $0xFFFFF086;
	s6 =	sadd.s32 @!p0 s3, s7;
	s7 =	simm.s32 @!p0 $0x108  }
0x21: {  	s3 =	sadd.s32 s3, s9;
	s6 =	sadd.s32 @!p0 $0x88, s6;
	s7 =	simm.s32 @p2 $0x1082  }
0x22: {  	[simem:s7], [sflag:s8] =	dma.local @!p0 [hbm:s6], $0xF7A  }
0x23: {  	s9 =	sor.u32 $0xD0000000, s2;
	s6 =	simm.s32 $0x108;
	_ =	swait.ge @!p0 [sflag:s8], $0x0  }
0x24: {  	s3 =	sadd.s32 $0x88, s3;
	s6 =	simm.s32 @!p1 $0x1082;
	[sflag:s4] =	ssyncset.s32 $0xFFFFF086  }
0x25: {  	[simem:s6], [sflag:s4] =	dma.local [hbm:s3], $0xF7A  }
0x26: {  	[smem:$0x3F9C] =	sst s1;
	(tag) =	ssettag s2;
	_ =	strace s9  }
0x27: {  	s1 =	sld [smem:$0x3FAC]  }
0x28: {  	s2 =	sld [smem:$0x3FAD]  }
0x29: {  	s4 =	sld [smem:$0x3FAF]  }
0x2a: {  	p0 =	seq.s32 s5, $0x0;
	s5 =	sld [smem:$0x3FB0]  }
0x2b: {  	s6 =	sld [smem:$0x3FB1]  }
0x2c: {  	s7 =	sld [smem:$0x3FB2]  }
0x2d: {  	s3 =	simm.s32 $0x108;
	s8 =	sld [smem:$0x3FB3]  }
0x2e: {  	s3 =	simm.s32 @!p0 $0x1082;
	s9 =	sld [smem:$0x3FB4]  }
0x2f: {  	lr =	sadd.s32 s0, s3;
	s0 =	sld [smem:$0x3FAB]  }
0x30: {  	s3 =	sld [smem:$0x3FAE]  }
0x31: {  	[smem:$0x3FB7] =	sst s10  }
0x32: {  	s10 =	sld [smem:$0x3FB5];
	_ =	sdelay $0x3  }
0x33: {  	p0 =	seq.s32 s10, $0x1;
	s10 =	sld [smem:$0x3FB7];
	_ =	sdelay $0x3  }
0x34: {  	[smem:$0x3FB7] =	sst s10  }
0x35: {  	s10 =	sld [smem:$0x3FB6];
	_ =	sdelay $0x3  }
0x36: {  	p1 =	seq.s32 s10, $0x1;
	s10 =	sld [smem:$0x3FB7];
	_ =	sdelay $0x3  }
0x37: {  	[smem:$0x3FB7] =	sst s10  }
0x38: {  	s10 =	sld [smem:$0x3FB8]  }
0x39: {  	_ = 	snop;
	(pc) =	sbr.ind lr, $3  }
0x3a: {  	_ = 	snop  }
0x3b: {  	_ = 	snop  }
0x3c: {  	p2 =	seq.s32 s10, $0x1;
	s10 =	sld [smem:$0x3FB7]  }
0x3d: {  	_ =	shalt  }
0x3e: {  	_ =	shalt  }
0x3f: {  	_ =	shalt  }
0x40: {  	_ =	shalt  }
0x41: {  	_ =	shalt  }
0x42: {  	_ =	shalt  }
0x43: {  	_ =	shalt  }
0x44: {  	_ =	shalt  }
0x45: {  	_ =	shalt  }
0x46: {  	_ =	shalt  }
0x47: {  	_ =	shalt  }
0x48: {  	_ =	shalt  }
0x49: {  	_ =	shalt  }
0x4a: {  	_ =	shalt  }
0x4b: {  	_ =	shalt  }
0x4c: {  	_ =	shalt  }
0x4d: {  	_ =	shalt  }
0x4e: {  	_ =	shalt  }
0x4f: {  	_ =	shalt  }
0x50: {  	_ =	shalt  }
0x51: {  	_ =	shalt  }
0x52: {  	_ =	shalt  }
0x53: {  	_ =	shalt  }
0x54: {  	_ =	shalt  }
0x55: {  	_ =	shalt  }
0x56: {  	_ =	shalt  }
0x57: {  	_ =	shalt  }
0x58: {  	_ =	shalt  }
0x59: {  	_ =	shalt  }
0x5a: {  	_ =	shalt  }
0x5b: {  	_ =	shalt  }
0x5c: {  	_ =	shalt  }
0x5d: {  	_ =	shalt  }
0x5e: {  	_ =	shalt  }
0x5f: {  	_ =	shalt  }
0x60: {  	_ =	shalt  }
0x61: {  	_ =	shalt  }
0x62: {  	_ =	shalt  }
0x63: {  	_ =	shalt  }
0x64: {  	_ =	shalt  }
0x65: {  	_ =	shalt  }
0x66: {  	_ =	shalt  }
0x67: {  	_ =	shalt  }
0x68: {  	_ =	shalt  }
0x69: {  	_ =	shalt  }
0x6a: {  	_ =	shalt  }
0x6b: {  	_ =	shalt  }
0x6c: {  	_ =	shalt  }
0x6d: {  	_ =	shalt  }
0x6e: {  	_ =	shalt  }
0x6f: {  	_ =	shalt  }
0x70: {  	_ =	shalt  }
0x71: {  	_ =	shalt  }
0x72: {  	_ =	shalt  }
0x73: {  	_ =	shalt  }
0x74: {  	_ =	shalt  }
0x75: {  	_ =	shalt  }
0x76: {  	_ =	shalt  }
0x77: {  	_ =	shalt  }
0x78: {  	_ =	shalt  }
0x79: {  	_ =	shalt  }
0x7a: {  	_ =	shalt  }
0x7b: {  	_ =	shalt  }
0x7c: {  	_ =	shalt  }
0x7d: {  	_ =	shalt  }
0x7e: {  	_ =	shalt  }
0x7f: {  	_ =	shalt  }
0x80: {  	_ =	shalt  }
0x81: {  	_ =	shalt  }
0x82: {  	_ =	shalt  }
0x83: {  	_ =	shalt  }
0x84: {  	_ =	shalt  }
0x85: {  	_ =	shalt  }
0x86: {  	_ =	shalt  }
0x87: {  	_ =	shalt  }
.Lfunc_end0:
.L_simem_size_0:
called_computation_lowered:
.L_overlay_start_0:
0x88: {  	s2 =	sld [smem:$0x3FD9]  }
0x89: {  	s3 =	sld [smem:$0x3FFE];
	_ =	sdelay $0x1  }
0x8a: {  	s1 =	srdreg.scid  }
0x8b: {  	s0 =	sand.u32 $0x1, s1  }
0x8c: {  	s14 =	sshll.u32 s0, $0xA;
	s2 =	sadd.s32 s3, s2  }
0x8d: {  	s2 =	sadd.s32 s2, s14  }
0x8e: {  	[smem:$0x3FC3] =	sst s2  }
0x8f: {  	_ = 	snop  }
0x90: {  	s2 =	sld [smem:$0x3FC9]  }
0x91: {  	s15 =	sld [smem:$0x3FD0]  }
0x92: {  	s4 =	sld [smem:$0x3FC8]  }
0x93: {  	s5 =	sld [smem:$0x3FC7]  }
0x94: {  	s7 =	simm.s32 $0xA;
	s8 =	simm.s32 $0x10;
	s6 =	sld [smem:$0x3FC6]  }
0x95: {  	[smem:s8], [sflag:s7] =	dma.local [hbm:s15], $0x1  }
0x96: {  	_ =	swait.eq [sflag:s7], $0x1  }
0x97: {  	[sflag:s7] =	ssyncset.done $0x0  }
0x98: {  	s16 =	sld [smem:$0x10];
	[sflag:s7] =	ssyncadd.s32 $0xFFFFFFFF  }
0x99: {  	s17 =	sld [smem:$0x11];
	(tm) =	ssettm $0x1  }
0x9a: {  	s18 =	sld [smem:$0x3FFB];
	_ =	sdelay $0x3  }
0x9b: {  	_ =	strace s18  }
0x9c: {  	s8 =	sld [smem:$0x3FFC];
	_ =	sdelay $0x3  }
0x9d: {  	_ =	strace s8  }
0x9e: {  	s8 =	sld [smem:$0x3FFD];
	_ =	sdelay $0x3  }
0x9f: {  	_ =	strace s8  }
0xa0: {  	_ =	strace $0x8FFFFFFF  }
0xa1: {  	s19 =	sld [smem:$0x3FDB];
	_ =	sdelay $0x1  }
0xa2: {  	s9 =	simm.s32 $_scs_section_size  }
0xa3: {  	s10 =	simm.s32 $_size__tile_overlayer_lowered;
	s11 =	simm.s32 $_tile_overlayer_lowered  }
0xa4: {  	s22 =	simm.s32 $0x1BFF;
	s21 =	sshll.u32 s11, $0x1;
	s8 =	sadd.s32 s9, s19  }
0xa5: {  	s12 =	simm.s32 $0x0;
	s20 =	sshll.u32 s10, $0x1;
	s10 =	sadd.s32 s21, s8  }
0xa6: {  	[timem:s12], [sflag:s22] =	dma.local [hbm:s10], s20  }
0xa7: {  	_ =	swait.ge [sflag:s22], s20  }
0xa8: {  	s9 =	ssub.s32 $0x0, s20;
	[sflag:s22] =	ssyncset.done $0x0  }
0xa9: {  	[sflag:s22] =	ssyncadd.s32 s9;
	_ =	sdelay $0x1  }
0xaa: {  	s23 =	simm.s32 $0x1B8B  }
0xab: {  	_ =	swait.ge [sflag:s23], $0x1  }
0xac: {  	[sflag:s23] =	ssyncset.done $0x0  }
0xad: {  	s25 =	simm.s32 $0x1B8E;
	s24 =	sld [smem:$0x3FFE];
	[sflag:s23] =	ssyncadd.s32 $0xFFFFFFFF  }
0xae: {  	s26 =	simm.s32 $execute0_lowered;
	[smem:$0x3FD2] =	sst s25  }
0xaf: {  	s10 =	sshll.u32 s26, $0x1;
	_ =	strace $0x80000046;
	[dreg:$0x1] =	wrdreg $0xFFFFFFFF  }
0xb0: {  	s28 =	simm.s32 $_size_execute0_lowered;
	s8 =	sadd.s32 s8, s10;
	[dreg:$0x0] =	wrdreg $0x0  }
0xb1: {  	s10 =	sshll.u32 s28, $0x1;
	[dreg:$0x2] =	wrdreg s8  }
0xb2: {  	[dreg:$0x3] =	wrdreg s10  }
0xb3: {  	[dreg:$0x4] =	wrdreg $0xC0  }
0xb4: {  	_ =	task [dreg:s12], $0x5FFFF  }
0xb5: {  	[dreg:$0x1] =	wrdreg $0xFFFFFFFF  }
0xb6: {  	[dreg:$0x0] =	wrdreg $0x60  }
0xb7: {  	[dreg:$0x2] =	wrdreg s2  }
0xb8: {  	[dreg:$0x3] =	wrdreg s4  }
0xb9: {  	[dreg:$0x4] =	wrdreg s5  }
0xba: {  	[dreg:$0x5] =	wrdreg s6  }
0xbb: {  	[dreg:$0x6] =	wrdreg s17  }
0xbc: {  	[dreg:$0x7] =	wrdreg s16  }
0xbd: {  	[dreg:$0x8] =	wrdreg s24  }
0xbe: {  	[dreg:$0x9] =	wrdreg $0x9  }
0xbf: {  	_ =	task.clear_ibuf [dreg:s12], $0xAFFFF;
	_ =	strace $0x90000046  }
0xc0: {  	s29 =	simm.s32 $0x9;
	_ =	strace $0x80000048  }
0xc1: {  	_ =	swait.ge [sflag:s29], $0x1  }
0xc2: {  	[sflag:s29] =	ssyncadd.s32 $0xFFFFFFFF  }
0xc3: {  	_ =	strace $0x90000048  }
0xc4: {  	_ =	sfence  }
0xc5: {  	s30 =	sld [smem:$0x0];
	_ =	sdelay $0x2  }
0xc6: {  	s31 =	sshll.u32 s1, $0xD;
	s1 =	sshrl.u32 s1, $0x2  }
0xc7: {  	s3 =	sand.u32 $0x4000, s31;
	s1 =	sadd.s32 s1, s30  }
0xc8: {  	s0 =	sor.u32 s3, s0;
	s1 =	sshll.u32 s1, $0x11  }
0xc9: {  	s0 =	sor.u32 s1, s0  }
0xca: {  	s0 =	sadd.s32 $0x8F2B, s0  }
0xcb: {  	[sflag:s0] =	ssyncadd.remote.s32 $0x1  }
0xcc: {  	_ =	sfence.sel $0xFFFF  }
0xcd: {  	[dreg:$0x0] =	wrdreg $0xFFFFFFFF;
	(pc) =	sbr.abs _section_cstart, $3  }
0xce: {  	[dreg:$0x1] =	wrdreg $0xFFFFFFFF  }
0xcf: {  	_ =	task.clear_ibuf [dreg:s12], $0x2FFFF;
	_ =	strace $0x9FFFFFFF  }
0xd0: {  	(tm) =	ssettm $0x7FFFFFFF  }
0xd1: {  	_ =	shalt  }
tec
execute0_lowered:
.L_overlay_start_1:
0x0: {  	(tag) =	ssettag $0x1  }
0x1: {  	s0 =	rddreg [dreg:$0x0]  }
0x2: {  	s1 =	rddreg [dreg:$0x1]  }
0x3: {  	s2 =	rddreg [dreg:$0x2]  }
0x4: {  	s3 =	srdreg.scid;
	s4 =	rddreg [dreg:$0x3]  }
0x5: {  	s6 =	stileid.u32;
	s13 =	rddreg [dreg:$0x5]  }
0x6: {  	s17 =	rddreg [dreg:$0x6];
	s8 =	simm.s32 $0x0;
	s7 =	simm.s32 $0x1  }
0x7: {  	s12 =	simm.s32 $0x1;
	s3 =	sand.u32 $0x1, s3;
	s14 =	sand.u32 $0x3, s6  }
0x8: {  	[smem:$0x7FF] =	sst s8;
	s15 =	sadd.s32 $0x800, s17;
	s17 =	simm.s32 $0x0  }
0x9: {  	s5 =	sshll.u32 s3, $0x4;
	p1 =	sne.s32 s14, $0x0;
	_ =	strace $0x80000047  }
0xa: {  	s18 =	ssub.s32 $0x2, s3;
	s16 =	sshll.u32 s14, $0x6;
	[dreg:$0x9] =	wrdreg s15  }
0xb: {  	s25 =	sshll.u32 s14, $0xE;
	[dreg:$0x8] =	wrdreg s14;
	s5 =	sor.u32 s6, s5  }
0xc: {  	s30 =	sshll.u32 s14, $0xB;
	s10 =	sshrl.u32 s18, $0x1;
	p0 =	seq.s32 s5, $0x0  }
0xd: {  	s31 =	sadd.s32 $0x40, s16;
	[dreg:$0xa] =	wrdreg s16;
	p0 =	por !p1, !p0  }
0xe: {  	s5 =	sshrl.u32 s5, $0x2;
	s20 =	ssub.s32 s18, s10;
	p0 =	por !p0, !p0  }
0xf: {  	[dreg:$0x11] =	wrdreg s31;
	s29 =	smax.u32 s20, $0x1;
	s7 =	simm.s32 @!p0 $0x0  }
0x10: {  	s3 =	simm.s32 $0x2000;
	[dreg:$0xf] =	wrdreg s29;
	s5 =	ssub.s32 s5, s7  }
0x11: {  	s19 =	sshll.u32 s5, $0xB;
	s9 =	sshll.u32 s5, $0x7;
	s22 =	sshll.u32 s5, $0xD  }
0x12: {  	s24 =	sshll.u32 s5, $0x15;
	s11 =	sand.u32 $0xFFFFC000, s19;
	s9 =	sand.u32 $0x380, s9  }
0x13: {  	s28 =	sshll.u32 s5, $0x12;
	s5 =	simm.s32 $0x1800;
	s21 =	sor.u32 s9, s11  }
0x14: {  	[dreg:$0xb] =	wrdreg s22;
	s23 =	sor.u32 s16, s22;
	s7 =	sshrl.u32 s21, $0x3  }
.Ltmp0:
0x15: {  	v4 =	vimm.s32 $0x400;
	s26 =	sor.u32 s25, s24;
	s4 =	sadd.s32 s4, s7;
	(pc) =	sbr.rel .LBB2_1-.Ltmp0, $4  }
0x16: {  	v1 =	vimm.f32 $0.0e+00;
	v2 =	vimm.s32 $0x0;
	v3 =	vlaneseq.u32;
	s24 =	simm.s32 $0x2800;
	[dreg:$0xc] =	wrdreg s4;
	s4 =	sshrl.u32 s23, $0x3  }
0x17: {  	v5 =	vimm.s32 $0x401;
	v6 =	vimm.s32 $0x800;
	v7 =	vimm.s32 $0x600;
	[dreg:$0xe] =	wrdreg s26;
	s15 =	sadd.s32 s15, s4;
	s4 =	sadd.s32 s28, s13  }
0x18: {  	vm0 =	vmmov $0xffff;
	v9 =	vshrl.u32 v3, $0x3;
	v0 =	vmov s19;
	s19 =	simm.s32 $0x4;
	s4 =	sadd.s32 s30, s4;
	[dreg:$0xd] =	wrdreg s15  }
0x19: {  	v8 =	vand.u32 $0x7, v3;
	v10 =	vor.u32 $0x8, v3;
	v9 =	vmul.u32 $0x8, v9;
	s23 =	simm.s32 $0x800;
	[dreg:$0x10] =	wrdreg s4;
	s4 =	simm.s32 $0x3  }
.LBB2_27:
0x1a: {  	[sflag:s4] =	ssyncadd.s32 $0xFFFFC000  }
.LBB2_28:
0x1b: {  	_ =	swait.ge [sflag:s19], $0x40  }
0x1c: {  	[sflag:s19] =	ssyncset.done $0x0  }
0x1d: {  	[sflag:s19] =	ssyncadd.s32 $0xFFFFFFC0  }
0x1e: {  	_ =	swait.ge [sflag:s19], $0x40  }
0x1f: {  	[sflag:s19] =	ssyncset.done $0x0  }
0x20: {  	[sflag:s19] =	ssyncadd.s32 $0xFFFFFFC0  }
0x21: {  	_ =	swait.ge [sflag:s19], $0x40  }
0x22: {  	[sflag:s19] =	ssyncset.done $0x0  }
0x23: {  	[sflag:s19] =	ssyncadd.s32 $0xFFFFFFC0  }
0x24: {  	_ =	swait.ge [sflag:s19], $0x40  }
0x25: {  	[sflag:s19] =	ssyncset.done $0x0  }
0x26: {  	[sflag:s19] =	ssyncadd.s32 $0xFFFFFFC0  }
0x27: {  	_ =	swait.ge [sflag:s19], $0x40  }
0x28: {  	[sflag:s19] =	ssyncset.done $0x0  }
0x29: {  	[sflag:s19] =	ssyncadd.s32 $0xFFFFFFC0  }
0x2a: {  	_ =	swait.ge [sflag:s19], $0x40  }
0x2b: {  	[sflag:s19] =	ssyncset.done $0x0  }
0x2c: {  	[sflag:s19] =	ssyncadd.s32 $0xFFFFFFC0  }
0x2d: {  	_ =	swait.ge [sflag:s19], $0x40  }
0x2e: {  	[sflag:s19] =	ssyncset.done $0x0  }
0x2f: {  	[sflag:s19] =	ssyncadd.s32 $0xFFFFFFC0  }
0x30: {  	_ =	swait.ge [sflag:s19], $0x40  }
0x31: {  	[sflag:s19] =	ssyncset.done $0x0  }
0x32: {  	[sflag:s19] =	ssyncadd.s32 $0xFFFFFFC0  }
0x33: {  	_ =	swait.ge [sflag:s19], $0x40  }
0x34: {  	[sflag:s19] =	ssyncset.done $0x0  }
0x35: {  	[sflag:s19] =	ssyncadd.s32 $0xFFFFFFC0  }
0x36: {  	_ =	swait.ge [sflag:s19], $0x40  }
0x37: {  	[sflag:s19] =	ssyncset.done $0x0  }
0x38: {  	[sflag:s19] =	ssyncadd.s32 $0xFFFFFFC0  }
0x39: {  	_ =	swait.ge [sflag:s19], $0x40  }
0x3a: {  	[sflag:s19] =	ssyncset.done $0x0  }
0x3b: {  	[sflag:s19] =	ssyncadd.s32 $0xFFFFFFC0  }
0x3c: {  	_ =	swait.ge [sflag:s19], $0x40  }
0x3d: {  	[sflag:s19] =	ssyncset.done $0x0  }
0x3e: {  	[sflag:s19] =	ssyncadd.s32 $0xFFFFFFC0  }
0x3f: {  	_ =	swait.ge [sflag:s19], $0x40  }
0x40: {  	[sflag:s19] =	ssyncset.done $0x0  }
0x41: {  	[sflag:s19] =	ssyncadd.s32 $0xFFFFFFC0  }
0x42: {  	_ =	swait.ge [sflag:s19], $0x40  }
0x43: {  	[sflag:s19] =	ssyncset.done $0x0  }
0x44: {  	[sflag:s19] =	ssyncadd.s32 $0xFFFFFFC0  }
0x45: {  	_ =	swait.ge [sflag:s19], $0x40  }
0x46: {  	[sflag:s19] =	ssyncset.done $0x0  }
0x47: {  	[sflag:s19] =	ssyncadd.s32 $0xFFFFFFC0  }
0x48: {  	_ =	swait.ge [sflag:s19], $0x40  }
0x49: {  	[sflag:s19] =	ssyncset.done $0x0  }
0x4a: {  	[sflag:s19] =	ssyncadd.s32 $0xFFFFFFC0  }
0x4b: {  	_ =	swait.ge [sflag:s19], $0x40  }
0x4c: {  	[sflag:s19] =	ssyncset.done $0x0  }
0x4d: {  	[sflag:s19] =	ssyncadd.s32 $0xFFFFFFC0  }
0x4e: {  	_ =	swait.ge [sflag:s19], $0x40  }
0x4f: {  	[sflag:s19] =	ssyncset.done $0x0  }
0x50: {  	[sflag:s19] =	ssyncadd.s32 $0xFFFFFFC0  }
0x51: {  	_ =	swait.ge [sflag:s19], $0x40  }
0x52: {  	[sflag:s19] =	ssyncset.done $0x0  }
0x53: {  	[sflag:s19] =	ssyncadd.s32 $0xFFFFFFC0  }
0x54: {  	_ =	swait.ge [sflag:s19], $0x40  }
0x55: {  	[sflag:s19] =	ssyncset.done $0x0  }
0x56: {  	[sflag:s19] =	ssyncadd.s32 $0xFFFFFFC0  }
0x57: {  	_ =	swait.ge [sflag:s19], $0x40  }
0x58: {  	[sflag:s19] =	ssyncset.done $0x0  }
0x59: {  	[sflag:s19] =	ssyncadd.s32 $0xFFFFFFC0  }
0x5a: {  	_ =	swait.ge [sflag:s19], $0x40  }
0x5b: {  	[sflag:s19] =	ssyncset.done $0x0  }
0x5c: {  	[sflag:s19] =	ssyncadd.s32 $0xFFFFFFC0  }
0x5d: {  	_ =	swait.ge [sflag:s19], $0x40  }
0x5e: {  	[sflag:s19] =	ssyncset.done $0x0  }
0x5f: {  	[sflag:s19] =	ssyncadd.s32 $0xFFFFFFC0  }
0x60: {  	_ =	swait.ge [sflag:s19], $0x40  }
0x61: {  	[sflag:s19] =	ssyncset.done $0x0  }
0x62: {  	[sflag:s19] =	ssyncadd.s32 $0xFFFFFFC0  }
0x63: {  	_ =	swait.ge [sflag:s19], $0x40  }
0x64: {  	[sflag:s19] =	ssyncset.done $0x0  }
0x65: {  	[sflag:s19] =	ssyncadd.s32 $0xFFFFFFC0  }
0x66: {  	_ =	swait.ge [sflag:s19], $0x40  }
0x67: {  	[sflag:s19] =	ssyncset.done $0x0  }
0x68: {  	[sflag:s19] =	ssyncadd.s32 $0xFFFFFFC0  }
0x69: {  	_ =	swait.ge [sflag:s19], $0x40  }
0x6a: {  	[sflag:s19] =	ssyncset.done $0x0  }
0x6b: {  	[sflag:s19] =	ssyncadd.s32 $0xFFFFFFC0  }
0x6c: {  	_ =	swait.ge [sflag:s19], $0x40  }
0x6d: {  	[sflag:s19] =	ssyncset.done $0x0  }
0x6e: {  	[sflag:s19] =	ssyncadd.s32 $0xFFFFFFC0  }
0x6f: {  	_ =	swait.ge [sflag:s19], $0x40  }
0x70: {  	[sflag:s19] =	ssyncset.done $0x0  }
0x71: {  	[sflag:s19] =	ssyncadd.s32 $0xFFFFFFC0  }
0x72: {  	_ =	swait.ge [sflag:s19], $0x40  }
0x73: {  	[sflag:s19] =	ssyncset.done $0x0  }
0x74: {  	[sflag:s19] =	ssyncadd.s32 $0xFFFFFFC0  }
0x75: {  	_ =	swait.ge [sflag:s19], $0x40  }
0x76: {  	[sflag:s19] =	ssyncset.done $0x0  }
0x77: {  	[sflag:s19] =	ssyncadd.s32 $0xFFFFFFC0  }
0x78: {  	_ =	swait.ge [sflag:s19], $0x40  }
0x79: {  	s17 =	sadd.s32 $0x1, s17;
	s6 =	rddreg [dreg:$0xf]  }
0x7a: {  	p0 =	seq.s32 s17, s6  }
.Ltmp1:
0x7b: {  	_ = 	snop;
	(pc) =	sbr.rel @p0 .LBB2_29-.Ltmp1, $3  }
0x7c: {  	_ =	sdelay $0x1  }
0x7d: {  	[sflag:s19] =	ssyncset.done $0x0  }
0x7e: {  	[sflag:s19] =	ssyncadd.s32 $0xFFFFFFC0  }
.LBB2_1:
0x7f: {  	s6 =	rddreg [dreg:$0xc]  }
0x80: {  	s7 =	simm.s32 $0x80;
	s9 =	simm.s32 $0x400;
	s29 =	simm.s32 $0x5  }
0x81: {  	[tilespmem:s8], [sflag:$0x5] =	stream.strided.gather [hbm4b:s6+s7], $0x800, s9, s7, $0x38;
	[tilespmem:$0x1F900] =	vst v63  }
0x82: {  	_ =	swait.ge [sflag:s29], $0x800  }
0x83: {  	[sflag:s29] =	ssyncset.done $0x0  }
0x84: {  	[sflag:s29] =	ssyncadd.s32 $0xFFFFF800  }
0x85: {  	s31 =	simm.s32 $0x3800;
	s30 =	rddreg [dreg:$0x4]  }
0x86: {  	[tilespmem:s31], [sflag:$0x5] =	stream.linear.gather [hbm4b:s30+s8], $0x80, $0x38;
	[tilespmem:$0x1F900] =	vst v63  }
0x87: {  	_ =	swait.ge [sflag:s29], $0x80  }
0x88: {  	[sflag:s29] =	ssyncset.done $0x0  }
0x89: {  	s11 =	simm.s32 $0x0;
	[sflag:s29] =	ssyncadd.s32 $0xFFFFFF80  }
0x8a: {  	s7 =	simm.s32 $0x10;
	v11 =	vld [tilespmem:s11+$0x0]  }
0x8b: {  	v12 =	vld [tilespmem:s7+$0x0];
	_ =	sdelay $0x3  }
0x8c: {  	(xrf0) =	vadd.scan.msk.s32 $0xffff, v11  }
0x8d: {  	(xrf0) =	vadd.scan.msk.s32 $0xffff, v12;
	_ =	sdelay $0x4  }
0x8e: {  	s9 =	simm.s32 $0x20;
	v12, _, _ =	vpop (xrf0)  }
0x8f: {  	v13 =	vld [tilespmem:s9+$0x0];
	(v2sf) =	vpush v12, $0xF;
	v11, _, _ =	vpop (xrf0)  }
0x90: {  	(v2sf) =	vpush v11, $0xF;
	_ =	sdelay $0x3  }
0x91: {  	s10 =	simm.s32 $0x30;
	(xrf0) =	vadd.scan.msk.s32 $0xffff, v13  }
0x92: {  	v13 =	vld [tilespmem:s10+$0x0];
	_ =	sdelay $0x3  }
0x93: {  	s14 =	simm.s32 $0x100;
	s13 =	simm.s32 $0x0  }
.LBB2_2:
0x94: {  	s6 =	sshra.s32 s14, $0x2;
	p0 =	sne.s32 s14, $0x1FC0;
	s14 =	sadd.s32 $0x40, s14;
	(xrf0) =	vadd.scan.msk.s32 $0xffff, v13;
	v14 =	vadd.s32 s13, v12;
	v12 =	vmov v11;
	v11, _, _ =	vpop (xrf0)  }
.Ltmp2:
0x95: {  	v13 =	vld [tilespmem:s6+$0x0];
	(v2sf) =	vpush v11, $0xF;
	[tilespmem:s11+$0x800] =	vst v14;
	s11 =	smov.u32 s7;
	s7 =	smov.u32 s9;
	(pc) =	sbr.rel @p0 .LBB2_2-.Ltmp2, $3  }
0x96: {  	s9 =	smov.u32 s10;
	s10 =	smov.u32 s6;
	_ =	sdelay $0x1  }
0x97: {  	s6 =	spop (v2sf)  }
0x98: {  	s13 =	sadd.s32 s13, s6  }
0x99: {  	v14, _, _ =	vpop (xrf0)  }
0x9a: {  	(v2sf) =	vpush v14, $0xF;
	_ =	sdelay $0x9  }
0x9b: {  	(xrf0) =	vadd.scan.msk.s32 $0xffff, v13;
	_ =	sdelay $0x2  }
0x9c: {  	s6 =	spop (v2sf)  }
0x9d: {  	v12 =	vadd.s32 s13, v12;
	s6 =	sadd.s32 s13, s6;
	s25 =	spop (v2sf)  }
0x9e: {  	[tilespmem:s11+$0x800] =	vst v12;
	v11 =	vadd.s32 s6, v11;
	s6 =	sadd.s32 s6, s25;
	s26 =	spop (v2sf)  }
0x9f: {  	s28 =	simm.s32 $0x0;
	[tilespmem:s7+$0x800] =	vst v11;
	v63, _, _ =	vpop (xrf0);
	v11 =	vadd.s32 s6, v14;
	s6 =	sadd.s32 s6, s26  }
0xa0: {  	s29 =	sand.u32 $0x3800, s28;
	s7 =	sand.u32 $0x380, s28;
	(v2sf) =	vpush v63, $0xF;
	[tilespmem:s9+$0x800] =	vst v11;
	v11 =	vadd.s32 s6, v63  }
0xa1: {  	s9 =	sor.u32 s7, s29;
	[tilespmem:s10+$0x800] =	vst v11  }
0xa2: {  	s7 =	sadd.s32 $0x1B880, s9;
	v11 =	vld [tilespmem:$0x3800];
	[tilespmem:s9+$0x1B880] =	vst v1  }
0xa3: {  	[tilespmem:s7+$0x40] =	vst v1  }
0xa4: {  	[tilespmem:s7+$0x50] =	vst v1  }
0xa5: {  	[tilespmem:s7+$0x60] =	vst v1  }
0xa6: {  	[tilespmem:s7+$0x70] =	vst v1  }
0xa7: {  	[tilespmem:s7+$0x400] =	vst v1  }
0xa8: {  	[tilespmem:s7+$0x410] =	vst v1  }
0xa9: {  	[tilespmem:s7+$0x420] =	vst v1  }
0xaa: {  	[tilespmem:s7+$0x430] =	vst v1  }
0xab: {  	[tilespmem:s7+$0x440] =	vst v1  }
0xac: {  	[tilespmem:s7+$0x450] =	vst v1  }
0xad: {  	[tilespmem:s7+$0x460] =	vst v1  }
0xae: {  	s31 =	simm.s32 $0x100;
	[tilespmem:s7+$0x10] =	vst v1  }
0xaf: {  	s11 =	simm.s32 $0x200;
	s10 =	simm.s32 $0x80;
	[tilespmem:s7+$0x20] =	vst v1;
	s30 =	spop (v2sf)  }
0xb0: {  	s13 =	sand.u32 $0x380, s10;
	[tilespmem:s7+$0x30] =	vst v1;
	s9 =	sadd.s32 s6, s30;
	s6 =	sand.u32 $0x3800, s31  }
.LBB2_4:
0xb1: {  	p0 =	sne.s32 s11, $0x3F00;
	s6 =	sor.u32 s13, s6;
	[tilespmem:s7+$0x470] =	vst v1  }
0xb2: {  	s7 =	sadd.s32 $0x1B880, s6;
	[tilespmem:s6+$0x1B880] =	vst v1  }
0xb3: {  	[tilespmem:s7+$0x10] =	vst v1  }
0xb4: {  	[tilespmem:s7+$0x20] =	vst v1  }
0xb5: {  	[tilespmem:s7+$0x30] =	vst v1  }
0xb6: {  	[tilespmem:s7+$0x40] =	vst v1  }
0xb7: {  	[tilespmem:s7+$0x50] =	vst v1  }
0xb8: {  	[tilespmem:s7+$0x60] =	vst v1  }
0xb9: {  	[tilespmem:s7+$0x70] =	vst v1  }
0xba: {  	[tilespmem:s7+$0x400] =	vst v1  }
0xbb: {  	[tilespmem:s7+$0x410] =	vst v1  }
.Ltmp3:
0xbc: {  	[tilespmem:s7+$0x420] =	vst v1;
	(pc) =	sbr.rel @p0 .LBB2_4-.Ltmp3, $4  }
0xbd: {  	[tilespmem:s7+$0x430] =	vst v1  }
0xbe: {  	[tilespmem:s7+$0x440] =	vst v1  }
0xbf: {  	s10 =	sadd.s32 $0x80, s10;
	[tilespmem:s7+$0x450] =	vst v1  }
0xc0: {  	s6 =	sand.u32 $0x3800, s11;
	s13 =	sand.u32 $0x380, s10;
	s11 =	sadd.s32 $0x100, s11;
	[tilespmem:s7+$0x460] =	vst v1  }
0xc1: {  	v12 =	vmov s9  }
0xc2: {  	vm1 =	vlt.s32 v12, v11  }
0xc3: {  	v11 =	vsel vm1, s9, v11  }
0xc4: {  	v63 =	vxor.u32 $0x80000000, v11  }
0xc5: {  	(xrf0) =	vmax.scan.msk.u32 $0xffff, v63;
	_ =	sdelay $0x5  }
0xc6: {  	v12, _, _ =	vpop (xrf0)  }
0xc7: {  	(v2sf) =	vpush v12, $0xF;
	_ =	sdelay $0x7  }
0xc8: {  	s6 =	sor.u32 s13, s6;
	[tilespmem:s7+$0x470] =	vst v1  }
0xc9: {  	s28 =	sadd.s32 $0x1B880, s6;
	[tilespmem:s6+$0x1B880] =	vst v1  }
0xca: {  	[tilespmem:s28+$0x10] =	vst v1  }
0xcb: {  	[tilespmem:s28+$0x20] =	vst v1  }
0xcc: {  	[tilespmem:s28+$0x30] =	vst v1  }
0xcd: {  	[tilespmem:s28+$0x40] =	vst v1  }
0xce: {  	[tilespmem:s28+$0x50] =	vst v1  }
0xcf: {  	[tilespmem:s28+$0x60] =	vst v1;
	s29 =	spop (v2sf)  }
0xd0: {  	[tilespmem:s28+$0x70] =	vst v1;
	s6 =	sxor.u32 $0x80000000, s29  }
0xd1: {  	[tilespmem:s28+$0x400] =	vst v1;
	s6 =	ssub.s32 s6, s16  }
0xd2: {  	[tilespmem:s28+$0x410] =	vst v1;
	p0 =	sgt.s32 s6, $0x0  }
0xd3: {  	[tilespmem:s28+$0x420] =	vst v1;
	s6 =	simm.s32 @!p0 $0x0  }
0xd4: {  	[tilespmem:s28+$0x430] =	vst v1;
	s6 =	sadd.s32 $0xFF, s6  }
0xd5: {  	[tilespmem:s28+$0x440] =	vst v1;
	s30 =	sand.u32 $0xFF, s6  }
0xd6: {  	[tilespmem:s28+$0x450] =	vst v1;
	s10 =	sshra.s32 s6, $0x1F;
	p6 =	slt.s32 s6, $0x0;
	p1 =	sne.s32 s30, $0x0  }
0xd7: {  	[tilespmem:s28+$0x460] =	vst v1;
	s31 =	sshrl.u32 s10, $0x18;
	p0 =	por !p6, !p1  }
0xd8: {  	s7 =	simm.s32 $0x1;
	[tilespmem:s28+$0x470] =	vst v1;
	s6 =	sadd.s32 s31, s6;
	p0 =	por !p0, !p0  }
0xd9: {  	[tilespmem:$0x1F880] =	vst v2;
	s6 =	sshra.s32 s6, $0x8;
	s7 =	simm.s32 @!p0 $0x0  }
0xda: {  	[tilespmem:$0x1F890] =	vst v2;
	s22 =	ssub.s32 s6, s7  }
0xdb: {  	s11 =	smov.u32 s15;
	s9 =	rddreg [dreg:$0x10];
	[tilespmem:$0x1F8A0] =	vst v2;
	p0 =	sgt.s32 s22, $0x0  }
0xdc: {  	[tilespmem:$0x1F8B0] =	vst v2;
	s10 =	sadd.s32 $0x20, s15;
	s6 =	simm.s32 @!p0 $0x0;
	s7 =	simm.s32 @!p0 $0x1B880  }
0xdd: {  	[hbm4b:s9+s6] =	stream.linear.scatter @!p0 [tilespmem:s7], [sflag:$0x3], $0x4000, $0x38;
	[tilespmem:$0x1F900] =	vst v63  }
0xde: {  	s13 =	simm.s32 @!p0 $0x1F880;
	s7 =	simm.s32 $0x1;
	s9 =	sadd.s32 $0x2000, s9  }
.LBB2_6:
0xdf: {  	[hbm4b:s11+s6] =	stream.linear.scatter @!p0 [tilespmem:s13], [sflag:$0x4], $0x40, $0x38;
	[tilespmem:$0x1F900] =	vst v63  }
0xe0: {  	s6 =	smov.u32 s7;
	s7 =	sadd.s32 $0x1, s7  }
0xe1: {  	p1 =	sne.s32 s7, $0x20  }
.Ltmp4:
0xe2: {  	(pc) =	sbr.rel @p1 .LBB2_6-.Ltmp4, $4  }
0xe3: {  	s11 =	smov.u32 s10;
	p0 =	sgt.s32 s22, s6  }
0xe4: {  	s6 =	simm.s32 @!p0 $0x0;
	s13 =	simm.s32 @!p0 $0x1B880  }
0xe5: {  	[hbm4b:s9+s6] =	stream.linear.scatter @!p0 [tilespmem:s13], [sflag:$0x3], $0x4000, $0x38;
	[tilespmem:$0x1F900] =	vst v63  }
0xe6: {  	s10 =	sadd.s32 $0x20, s10;
	s13 =	simm.s32 @!p0 $0x1F880;
	s9 =	sadd.s32 $0x2000, s9  }
0xe7: {  	p1 =	slt.s32 s22, $0x1  }
.Ltmp5:
0xe8: {  	_ = 	snop;
	(pc) =	sbr.rel @p1 .LBB2_25-.Ltmp5, $4  }
0xe9: {  	_ = 	snop  }
0xea: {  	[hbm4b:s11+s6] =	stream.linear.scatter @!p0 [tilespmem:s13], [sflag:$0x4], $0x40, $0x38;
	[tilespmem:$0x1F900] =	vst v63  }
0xeb: {  	p0 =	slt.s32 s22, $0x20;
	s18 =	smov.u32 s22  }
0xec: {  	s7 =	simm.s32 $0x0;
	s9 =	smov.u32 s16;
	s18 =	simm.s32 @!p0 $0x20  }
.LBB2_8:
0xed: {  	v12 =	vld.idx.msk [tilespmem:v4+s23+$0x0], $0xffff;
	_ =	sdelay $0x3  }
0xee: {  	v13 =	vor.u32 s9, v3  }
0xef: {  	vm1 =	vgt.s32 v12, v13  }
0xf0: {  	v12 =	vsel vm1, $0x200, v7;
	_ =	sdelay $0x4  }
0xf1: {  	v14 =	vld.idx.msk [tilespmem:v12+s23+$0x0], $0xffff;
	_ =	sdelay $0x4  }
0xf2: {  	v15 =	vsel vm1, $0x400, v6;
	vm2 =	vgt.s32 v14, v13  }
0xf3: {  	v32 =	vsel vm1, $0x0, v5;
	v16 =	vor.u32 $0x1, v12;
	v12 =	vsel vm2, v12, v15  }
0xf4: {  	v14 =	vsel vm2, v32, v16;
	v15 =	vadd.s32 $0xFFFFFFFF, v12  }
0xf5: {  	v16 =	vxor.u32 v15, v14  }
0xf6: {  	v15 =	vor.u32 v15, v14;
	v16 =	vshrl.u32 v16, $0x1  }
0xf7: {  	v15 =	vsub.s32 v15, v16;
	_ =	sdelay $0x4  }
0xf8: {  	v16 =	vld.idx.msk [tilespmem:v15+s23+$0x0], $0xffff;
	_ =	sdelay $0x4  }
0xf9: {  	v33 =	vor.u32 $0x1, v15;
	vm1 =	vgt.s32 v16, v13  }
0xfa: {  	v14 =	vsel vm1, v14, v33;
	v12 =	vsel vm1, v15, v12  }
0xfb: {  	v15 =	vxor.u32 v12, v14  }
0xfc: {  	v16 =	vand.u32 v12, v14;
	v15 =	vshrl.u32 v15, $0x1  }
0xfd: {  	v15 =	vadd.s32 v15, v16;
	_ =	sdelay $0x4  }
0xfe: {  	v16 =	vld.idx.msk [tilespmem:v15+s23+$0x0], $0xffff;
	_ =	sdelay $0x4  }
0xff: {  	v34 =	vadd.s32 $0x1, v15;
	vm1 =	vgt.s32 v16, v13  }
0x100: {  	v14 =	vsel vm1, v14, v34;
	v12 =	vsel vm1, v15, v12  }
0x101: {  	v15 =	vadd.s32 v12, v14  }
0x102: {  	v15 =	vshrl.u32 v15, $0x1;
	_ =	sdelay $0x4  }
0x103: {  	v35 =	vld.idx.msk [tilespmem:v15+s23+$0x0], $0xffff;
	_ =	sdelay $0x4  }
0x104: {  	v36 =	vadd.s32 $0x1, v15;
	vm1 =	vgt.s32 v35, v13  }
0x105: {  	v14 =	vsel vm1, v14, v36;
	v12 =	vsel vm1, v15, v12  }
0x106: {  	v15 =	vadd.s32 v12, v14  }
0x107: {  	v15 =	vshrl.u32 v15, $0x1;
	_ =	sdelay $0x4  }
0x108: {  	v37 =	vld.idx.msk [tilespmem:v15+s23+$0x0], $0xffff;
	_ =	sdelay $0x4  }
0x109: {  	v38 =	vadd.s32 $0x1, v15;
	vm1 =	vgt.s32 v37, v13  }
0x10a: {  	v14 =	vsel vm1, v14, v38;
	v12 =	vsel vm1, v15, v12  }
0x10b: {  	v15 =	vadd.s32 v12, v14  }
0x10c: {  	v15 =	vshrl.u32 v15, $0x1;
	_ =	sdelay $0x4  }
0x10d: {  	v39 =	vld.idx.msk [tilespmem:v15+s23+$0x0], $0xffff;
	_ =	sdelay $0x4  }
0x10e: {  	v40 =	vadd.s32 $0x1, v15;
	vm1 =	vgt.s32 v39, v13  }
0x10f: {  	v14 =	vsel vm1, v14, v40;
	v12 =	vsel vm1, v15, v12  }
0x110: {  	v15 =	vadd.s32 v12, v14  }
0x111: {  	v15 =	vshrl.u32 v15, $0x1;
	_ =	sdelay $0x4  }
0x112: {  	v41 =	vld.idx.msk [tilespmem:v15+s23+$0x0], $0xffff;
	_ =	sdelay $0x4  }
0x113: {  	v42 =	vadd.s32 $0x1, v15;
	vm1 =	vgt.s32 v41, v13  }
0x114: {  	v14 =	vsel vm1, v14, v42;
	v12 =	vsel vm1, v15, v12  }
0x115: {  	v15 =	vadd.s32 v12, v14  }
0x116: {  	v15 =	vshrl.u32 v15, $0x1;
	_ =	sdelay $0x4  }
0x117: {  	v43 =	vld.idx.msk [tilespmem:v15+s23+$0x0], $0xffff;
	_ =	sdelay $0x4  }
0x118: {  	v44 =	vadd.s32 $0x1, v15;
	vm1 =	vgt.s32 v43, v13  }
0x119: {  	v14 =	vsel vm1, v14, v44;
	v12 =	vsel vm1, v15, v12  }
0x11a: {  	v15 =	vadd.s32 v12, v14  }
0x11b: {  	v15 =	vshrl.u32 v15, $0x1;
	_ =	sdelay $0x4  }
0x11c: {  	v45 =	vld.idx.msk [tilespmem:v15+s23+$0x0], $0xffff;
	_ =	sdelay $0x4  }
0x11d: {  	v46 =	vadd.s32 $0x1, v15;
	vm1 =	vgt.s32 v45, v13  }
0x11e: {  	v14 =	vsel vm1, v14, v46;
	v12 =	vsel vm1, v15, v12  }
0x11f: {  	v15 =	vadd.s32 v12, v14  }
0x120: {  	v15 =	vshrl.u32 v15, $0x1;
	_ =	sdelay $0x4  }
0x121: {  	v47 =	vld.idx.msk [tilespmem:v15+s23+$0x0], $0xffff;
	_ =	sdelay $0x4  }
0x122: {  	v48 =	vadd.s32 $0x1, v15;
	vm1 =	vgt.s32 v47, v13  }
0x123: {  	v14 =	vsel vm1, v14, v48;
	v12 =	vsel vm1, v15, v12  }
0x124: {  	v12 =	vadd.s32 v12, v14  }
0x125: {  	v12 =	vshrl.u32 v12, $0x1  }
0x126: {  	v12 =	vmin.u32 v12, $0x7FF;
	_ =	sdelay $0x4  }
0x127: {  	v49 =	vld.idx.msk [tilespmem:v12+s23+$0x0], $0xffff;
	_ =	sdelay $0x4  }
0x128: {  	v12 =	vadd.s32 $0x1, v12;
	vm1 =	vgt.s32 v49, v13  }
0x129: {  	v12 =	vsel vm1, v14, v12  }
0x12a: {  	v12 =	vmin.u32 v12, $0x7FF;
	_ =	sdelay $0x4  }
0x12b: {  	v50 =	vld.idx.msk [tilespmem:v12+s8+$0x0], $0xffff;
	_ =	sdelay $0x4  }
0x12c: {  	v51 =	vshra.s32 v50, $0x1  }
0x12d: {  	v52 =	vsub.s32 v50, v51;
	vm1 =	vgt.s32 v51, $0x2  }
0x12e: {  	v17 =	vnsel vm1, $0x2, v51;
	v18 =	vadd.s32 $0xFFFFFFFF, v52  }
0x12f: {  	v17 =	vadd.s32 $0xFFFFFFFF, v17;
	vm1 =	vgt.s32 v18, $0x1  }
0x130: {  	v17 =	vcvt.s32.f32 v17;
	v18 =	vnsel vm1, $0x1, v18  }
0x131: {  	v18 =	vcvt.s32.f32 v18  }
0x132: {  	v19 =	vld.idx.msk [tilespmem:v12+s23+$0x0], $0xffff;
	(erf) = vrcp.f32 v17  }
0x133: {  	(erf) = vrcp.f32 v18;
	_ =	sdelay $0x3  }
0x134: {  	v53 =	vsub.s32 v50, v19  }
0x135: {  	v17 =	vadd.s32 v13, v53  }
0x136: {  	v55 =	vcvt.s32.f32 v51;
	v54 =	vcvt.s32.f32 v17;
	_ =	sdelay $0x1  }
0x137: {  	v19 =	vsub.f32 v54, v55;
	v20 =	vpop (erf)  }
0x138: {  	v18 =	vmul.f32 v54, v20;
	v56 =	vpop (erf)  }
0x139: {  	vm1 =	vgt.s32 v51, $0x1;
	v19 =	vmul.f32 v56, v19  }
0x13a: {  	v18 =	vnsel vm1, $0x0, v18;
	vm1 =	vgt.s32 v52, $0x1  }
0x13b: {  	vm3 =	vlt.s32 v13, v11;
	v16 =	vnsel vm1, $0x0, v19  }
0x13c: {  	v57 =	vsub.f32 $1.000000000e+00, v18;
	vm1 =	vlt.s32 v17, v51;
	v58 =	vsub.f32 $1.000000000e+00, v16  }
0x13d: {  	v61 =	vsel vm3, $0x3F800000, v1;
	v16 =	vsel vm1, $0x0, v16  }
0x13e: {  	v19 =	vnsel vm1, $0x0, v57;
	v15 =	vsel vm1, v18, v58;
	vm1 =	veq.s32 v17, $0x0  }
0x13f: {  	v63 =	vsel vm3, $0x1, v2;
	vm2 =	veq.s32 v50, $0x2;
	v17 =	vsel vm1, $0x3F800000, v1  }
0x140: {  	vm1 =	veq.s32 v50, $0x1;
	v14 =	vsel vm2, v17, v19;
	v17 =	vsub.f32 $1.000000000e+00, v17  }
0x141: {  	s6 =	sshra.s32 s7, $0x2;
	p0 =	sne.s32 s7, $0xC0;
	v12 =	vor.u32 v0, v12;
	v60 =	vsel vm2, $0x0, v15;
	v59 =	vsel vm1, $0x0, v14  }
.Ltmp6:
0x142: {  	[tilespmem:s6+$0x3000] =	vst v63;
	v14 =	vsel vm1, $0x3F800000, v60;
	v16 =	vsel vm2, v17, v16;
	v13 =	vmul.f32 v59, v61;
	(pc) =	sbr.rel @p0 .LBB2_8-.Ltmp6, $4  }
0x143: {  	[tilespmem:s6+$0x1000] =	vst v12;
	v14 =	vmul.f32 v14, v61;
	v16 =	vsel vm1, $0x0, v16  }
0x144: {  	[tilespmem:s6+$0x1800] =	vst v13;
	v62 =	vmul.f32 v16, v61  }
0x145: {  	[tilespmem:s6+$0x2000] =	vst v14  }
0x146: {  	s9 =	sadd.s32 $0x10, s9;
	s7 =	sadd.s32 $0x40, s7;
	[tilespmem:s6+$0x2800] =	vst v62  }
0x147: {  	s13 =	simm.s32 $0x0;
	s6 =	simm.s32 $0x3000  }
0x148: {  	[hbm4b:s15+s13] =	stream.linear.scatter [tilespmem:s6], [sflag:$0x4], $0x40, $0x38;
	[tilespmem:$0x1F900] =	vst v63  }
0x149: {  	v12 =	vld [tilespmem:$0x1000];
	_ =	sdelay $0x4  }
0x14a: {  	v13 =	vshll.u32 v12, $0x1  }
0x14b: {  	v12 =	vand.u32 $0x7, v12;
	v13 =	vand.u32 $0xFFFFFFF0, v13  }
0x14c: {  	v12 =	vor.u32 v12, v13  }
0x14d: {  	v13 =	vperm.xlane v12, v8;
	_ =	sdelay $0x1  }
0x14e: {  	v12 =	vperm.xlane v12, v10;
	v13 =	vadd.s32 v9, v13;
	_ =	sdelay $0x1  }
0x14f: {  	v12 =	vadd.s32 v9, v12;
	_ =	sdelay $0x1  }
0x150: {  	s7 =	simm.s32 $0x3880  }
0x151: {  	[tilespmem:s7], [sflag:$0x1] =	stream.indirect_vreg.gather [hbm4b:s0+s13], $0x80, v13, vm0, $0xb8;
	[tilespmem:$0x1F900] =	vst v63  }
0x152: {  	s9 =	simm.s32 $0x4080  }
0x153: {  	[tilespmem:s9], [sflag:$0x1] =	stream.indirect_vreg.gather [hbm4b:s0+s13], $0x80, v12, vm0, $0xb8;
	[tilespmem:$0x1F900] =	vst v63  }
0x154: {  	v12 =	vld [tilespmem:$0x1010];
	_ =	sdelay $0x4  }
0x155: {  	v53 =	vshll.u32 v12, $0x1  }
0x156: {  	v12 =	vand.u32 $0x7, v12;
	v13 =	vand.u32 $0xFFFFFFF0, v53  }
0x157: {  	v12 =	vor.u32 v12, v13  }
0x158: {  	v13 =	vperm.xlane v12, v8;
	_ =	sdelay $0x1  }
0x159: {  	v12 =	vperm.xlane v12, v10;
	v13 =	vadd.s32 v9, v13;
	_ =	sdelay $0x1  }
0x15a: {  	v12 =	vadd.s32 v9, v12;
	_ =	sdelay $0x1  }
0x15b: {  	s10 =	simm.s32 $0x4880  }
0x15c: {  	[tilespmem:s10], [sflag:$0x1] =	stream.indirect_vreg.gather [hbm4b:s0+s13], $0x80, v13, vm0, $0xb8;
	[tilespmem:$0x1F900] =	vst v63  }
0x15d: {  	s11 =	simm.s32 $0x5080  }
0x15e: {  	[tilespmem:s11], [sflag:$0x1] =	stream.indirect_vreg.gather [hbm4b:s0+s13], $0x80, v12, vm0, $0xb8;
	[tilespmem:$0x1F900] =	vst v63  }
0x15f: {  	v12 =	vld [tilespmem:$0x1020];
	_ =	sdelay $0x4  }
0x160: {  	v54 =	vshll.u32 v12, $0x1  }
0x161: {  	v12 =	vand.u32 $0x7, v12;
	v13 =	vand.u32 $0xFFFFFFF0, v54  }
0x162: {  	v12 =	vor.u32 v12, v13  }
0x163: {  	v13 =	vperm.xlane v12, v8;
	_ =	sdelay $0x1  }
0x164: {  	v12 =	vperm.xlane v12, v10;
	v13 =	vadd.s32 v9, v13;
	_ =	sdelay $0x1  }
0x165: {  	v12 =	vadd.s32 v9, v12;
	_ =	sdelay $0x1  }
0x166: {  	s14 =	simm.s32 $0x5880  }
0x167: {  	[tilespmem:s14], [sflag:$0x1] =	stream.indirect_vreg.gather [hbm4b:s0+s13], $0x80, v13, vm0, $0xb8;
	[tilespmem:$0x1F900] =	vst v63  }
0x168: {  	s15 =	simm.s32 $0x6080  }
0x169: {  	[tilespmem:s15], [sflag:$0x1] =	stream.indirect_vreg.gather [hbm4b:s0+s13], $0x80, v12, vm0, $0xb8;
	[tilespmem:$0x1F900] =	vst v63  }
0x16a: {  	v12 =	vld [tilespmem:$0x1030];
	_ =	sdelay $0x4  }
0x16b: {  	v55 =	vshll.u32 v12, $0x1  }
0x16c: {  	v12 =	vand.u32 $0x7, v12;
	v13 =	vand.u32 $0xFFFFFFF0, v55  }
0x16d: {  	v12 =	vor.u32 v12, v13  }
0x16e: {  	v13 =	vperm.xlane v12, v8;
	_ =	sdelay $0x1  }
0x16f: {  	v12 =	vperm.xlane v12, v10;
	v13 =	vadd.s32 v9, v13;
	_ =	sdelay $0x1  }
0x170: {  	v12 =	vadd.s32 v9, v12;
	_ =	sdelay $0x1  }
0x171: {  	s16 =	simm.s32 $0x6880  }
0x172: {  	[tilespmem:s16], [sflag:$0x1] =	stream.indirect_vreg.gather [hbm4b:s0+s13], $0x80, v13, vm0, $0xb8;
	[tilespmem:$0x1F900] =	vst v63  }
0x173: {  	[dreg:$0x12] =	wrdreg s17;
	s17 =	simm.s32 $0x7080  }
0x174: {  	[tilespmem:s17], [sflag:$0x1] =	stream.indirect_vreg.gather [hbm4b:s0+s13], $0x80, v12, vm0, $0xb8;
	[tilespmem:$0x1F900] =	vst v63  }
0x175: {  	v12 =	vld [tilespmem:$0x1000];
	_ =	sdelay $0x4  }
0x176: {  	v56 =	vshll.u32 v12, $0x1  }
0x177: {  	v12 =	vand.u32 $0x7, v12;
	v13 =	vand.u32 $0xFFFFFFF0, v56  }
0x178: {  	v12 =	vor.u32 v12, v13  }
0x179: {  	v13 =	vperm.xlane v12, v8;
	_ =	sdelay $0x1  }
0x17a: {  	v12 =	vperm.xlane v12, v10;
	v13 =	vadd.s32 v9, v13;
	_ =	sdelay $0x1  }
0x17b: {  	v12 =	vadd.s32 v9, v12;
	_ =	sdelay $0x1  }
0x17c: {  	s20 =	simm.s32 $0x7880  }
0x17d: {  	[tilespmem:s20], [sflag:$0x1] =	stream.indirect_vreg.gather [hbm4b:s1+s13], $0x80, v13, vm0, $0xb8;
	[tilespmem:$0x1F900] =	vst v63  }
0x17e: {  	s21 =	simm.s32 $0x8080  }
0x17f: {  	[tilespmem:s21], [sflag:$0x1] =	stream.indirect_vreg.gather [hbm4b:s1+s13], $0x80, v12, vm0, $0xb8;
	[tilespmem:$0x1F900] =	vst v63  }
0x180: {  	v12 =	vld [tilespmem:$0x1010];
	_ =	sdelay $0x4  }
0x181: {  	v57 =	vshll.u32 v12, $0x1  }
0x182: {  	v12 =	vand.u32 $0x7, v12;
	v13 =	vand.u32 $0xFFFFFFF0, v57  }
0x183: {  	v12 =	vor.u32 v12, v13  }
0x184: {  	v13 =	vperm.xlane v12, v8;
	_ =	sdelay $0x1  }
0x185: {  	v12 =	vperm.xlane v12, v10;
	v13 =	vadd.s32 v9, v13;
	_ =	sdelay $0x1  }
0x186: {  	v12 =	vadd.s32 v9, v12;
	_ =	sdelay $0x1  }
0x187: {  	s25 =	simm.s32 $0x8880  }
0x188: {  	[tilespmem:s25], [sflag:$0x1] =	stream.indirect_vreg.gather [hbm4b:s1+s13], $0x80, v13, vm0, $0xb8;
	[tilespmem:$0x1F900] =	vst v63  }
0x189: {  	s26 =	simm.s32 $0x9080  }
0x18a: {  	[tilespmem:s26], [sflag:$0x1] =	stream.indirect_vreg.gather [hbm4b:s1+s13], $0x80, v12, vm0, $0xb8;
	[tilespmem:$0x1F900] =	vst v63  }
0x18b: {  	v12 =	vld [tilespmem:$0x1020];
	_ =	sdelay $0x4  }
0x18c: {  	v58 =	vshll.u32 v12, $0x1  }
0x18d: {  	v12 =	vand.u32 $0x7, v12;
	v13 =	vand.u32 $0xFFFFFFF0, v58  }
0x18e: {  	v12 =	vor.u32 v12, v13  }
0x18f: {  	v13 =	vperm.xlane v12, v8;
	_ =	sdelay $0x1  }
0x190: {  	v12 =	vperm.xlane v12, v10;
	v13 =	vadd.s32 v9, v13;
	_ =	sdelay $0x1  }
0x191: {  	v12 =	vadd.s32 v9, v12;
	_ =	sdelay $0x1  }
0x192: {  	s7 =	simm.s32 $0x9880  }
0x193: {  	[tilespmem:s7], [sflag:$0x1] =	stream.indirect_vreg.gather [hbm4b:s1+s13], $0x80, v13, vm0, $0xb8;
	[tilespmem:$0x1F900] =	vst v63  }
0x194: {  	s9 =	simm.s32 $0xA080  }
0x195: {  	[tilespmem:s9], [sflag:$0x1] =	stream.indirect_vreg.gather [hbm4b:s1+s13], $0x80, v12, vm0, $0xb8;
	[tilespmem:$0x1F900] =	vst v63  }
0x196: {  	v12 =	vld [tilespmem:$0x1030];
	_ =	sdelay $0x4  }
0x197: {  	v59 =	vshll.u32 v12, $0x1  }
0x198: {  	v12 =	vand.u32 $0x7, v12;
	v13 =	vand.u32 $0xFFFFFFF0, v59  }
0x199: {  	v12 =	vor.u32 v12, v13  }
0x19a: {  	v13 =	vperm.xlane v12, v8;
	_ =	sdelay $0x1  }
0x19b: {  	v12 =	vperm.xlane v12, v10;
	v13 =	vadd.s32 v9, v13;
	_ =	sdelay $0x1  }
0x19c: {  	v12 =	vadd.s32 v9, v12;
	_ =	sdelay $0x1  }
0x19d: {  	s10 =	simm.s32 $0xA880  }
0x19e: {  	[tilespmem:s10], [sflag:$0x1] =	stream.indirect_vreg.gather [hbm4b:s1+s13], $0x80, v13, vm0, $0xb8;
	[tilespmem:$0x1F900] =	vst v63  }
0x19f: {  	s11 =	simm.s32 $0xB080  }
0x1a0: {  	[tilespmem:s11], [sflag:$0x1] =	stream.indirect_vreg.gather [hbm4b:s1+s13], $0x80, v12, vm0, $0xb8;
	[tilespmem:$0x1F900] =	vst v63  }
0x1a1: {  	v12 =	vld [tilespmem:$0x1000];
	_ =	sdelay $0x4  }
0x1a2: {  	v60 =	vshll.u32 v12, $0x1  }
0x1a3: {  	v12 =	vand.u32 $0x7, v12;
	v13 =	vand.u32 $0xFFFFFFF0, v60  }
0x1a4: {  	v12 =	vor.u32 v12, v13  }
0x1a5: {  	v13 =	vperm.xlane v12, v8;
	_ =	sdelay $0x1  }
0x1a6: {  	v12 =	vperm.xlane v12, v10;
	v13 =	vadd.s32 v9, v13;
	_ =	sdelay $0x1  }
0x1a7: {  	v12 =	vadd.s32 v9, v12;
	_ =	sdelay $0x1  }
0x1a8: {  	s14 =	simm.s32 $0xB880  }
0x1a9: {  	[tilespmem:s14], [sflag:$0x1] =	stream.indirect_vreg.gather [hbm4b:s2+s13], $0x80, v13, vm0, $0xb8;
	[tilespmem:$0x1F900] =	vst v63  }
0x1aa: {  	s15 =	simm.s32 $0xC080  }
0x1ab: {  	[tilespmem:s15], [sflag:$0x1] =	stream.indirect_vreg.gather [hbm4b:s2+s13], $0x80, v12, vm0, $0xb8;
	[tilespmem:$0x1F900] =	vst v63  }
0x1ac: {  	v12 =	vld [tilespmem:$0x1010];
	_ =	sdelay $0x4  }
0x1ad: {  	v61 =	vshll.u32 v12, $0x1  }
0x1ae: {  	v12 =	vand.u32 $0x7, v12;
	v13 =	vand.u32 $0xFFFFFFF0, v61  }
0x1af: {  	v12 =	vor.u32 v12, v13  }
0x1b0: {  	v13 =	vperm.xlane v12, v8;
	_ =	sdelay $0x1  }
0x1b1: {  	v12 =	vperm.xlane v12, v10;
	v13 =	vadd.s32 v9, v13;
	_ =	sdelay $0x1  }
0x1b2: {  	v12 =	vadd.s32 v9, v12;
	_ =	sdelay $0x1  }
0x1b3: {  	s16 =	simm.s32 $0xC880  }
0x1b4: {  	[tilespmem:s16], [sflag:$0x1] =	stream.indirect_vreg.gather [hbm4b:s2+s13], $0x80, v13, vm0, $0xb8;
	[tilespmem:$0x1F900] =	vst v63  }
0x1b5: {  	s17 =	simm.s32 $0xD080  }
0x1b6: {  	[tilespmem:s17], [sflag:$0x1] =	stream.indirect_vreg.gather [hbm4b:s2+s13], $0x80, v12, vm0, $0xb8;
	[tilespmem:$0x1F900] =	vst v63  }
0x1b7: {  	v12 =	vld [tilespmem:$0x1020];
	_ =	sdelay $0x4  }
0x1b8: {  	v62 =	vshll.u32 v12, $0x1  }
0x1b9: {  	v12 =	vand.u32 $0x7, v12;
	v13 =	vand.u32 $0xFFFFFFF0, v62  }
0x1ba: {  	v12 =	vor.u32 v12, v13  }
0x1bb: {  	v13 =	vperm.xlane v12, v8;
	_ =	sdelay $0x1  }
0x1bc: {  	v12 =	vperm.xlane v12, v10;
	v13 =	vadd.s32 v9, v13;
	_ =	sdelay $0x1  }
0x1bd: {  	v12 =	vadd.s32 v9, v12;
	_ =	sdelay $0x1  }
0x1be: {  	s20 =	simm.s32 $0xD880  }
0x1bf: {  	[tilespmem:s20], [sflag:$0x1] =	stream.indirect_vreg.gather [hbm4b:s2+s13], $0x80, v13, vm0, $0xb8;
	[tilespmem:$0x1F900] =	vst v63  }
0x1c0: {  	s21 =	simm.s32 $0xE080  }
0x1c1: {  	[tilespmem:s21], [sflag:$0x1] =	stream.indirect_vreg.gather [hbm4b:s2+s13], $0x80, v12, vm0, $0xb8;
	[tilespmem:$0x1F900] =	vst v63  }
0x1c2: {  	v12 =	vld [tilespmem:$0x1030];
	_ =	sdelay $0x4  }
0x1c3: {  	v63 =	vshll.u32 v12, $0x1  }
0x1c4: {  	v12 =	vand.u32 $0x7, v12;
	v13 =	vand.u32 $0xFFFFFFF0, v63  }
0x1c5: {  	v12 =	vor.u32 v12, v13  }
0x1c6: {  	v13 =	vperm.xlane v12, v8;
	_ =	sdelay $0x1  }
0x1c7: {  	v12 =	vperm.xlane v12, v10;
	v13 =	vadd.s32 v9, v13;
	_ =	sdelay $0x1  }
0x1c8: {  	v12 =	vadd.s32 v9, v12  }
0x1c9: {  	s31 =	simm.s32 $0x40;
	s28 =	simm.s32 $0x1040;
	s29 =	simm.s32 $0x0  }
.Ltmp7:
0x1ca: {  	s30 =	rddreg [dreg:$0x11];
	s25 =	simm.s32 $0xE880;
	(pc) =	sbr.rel .LBB2_10-.Ltmp7, $4  }
0x1cb: {  	[tilespmem:s25], [sflag:$0x1] =	stream.indirect_vreg.gather [hbm4b:s2+s13], $0x80, v13, vm0, $0xb8;
	[tilespmem:$0x1F900] =	vst v63  }
0x1cc: {  	s26 =	simm.s32 $0xF080;
	s10 =	simm.s32 $0x1840;
	s14 =	simm.s32 $0x2040  }
0x1cd: {  	[tilespmem:s26], [sflag:$0x1] =	stream.indirect_vreg.gather [hbm4b:s2+s13], $0x80, v12, vm0, $0xb8;
	[tilespmem:$0x1F900] =	vst v63  }
0x1ce: {  	s16 =	simm.s32 $0x100;
	s21 =	simm.s32 $0x2840;
	s26 =	simm.s32 $0x3040  }
.LBB2_23:
0x1cf: {  	p0 =	sne.s32 s20, s18  }
.Ltmp8:
0x1d0: {  	_ = 	snop;
	(pc) =	sbr.rel @!p0 .LBB2_24-.Ltmp8, $4  }
0x1d1: {  	s16 =	sadd.s32 $0x100, s16  }
0x1d2: {  	s31 =	sadd.s32 $0x40, s31;
	s30 =	sadd.s32 $0x40, s30;
	s10 =	sadd.s32 $0x40, s10  }
0x1d3: {  	s14 =	sadd.s32 $0x40, s14;
	s21 =	sadd.s32 $0x40, s21;
	s26 =	sadd.s32 $0x40, s26  }
0x1d4: {  	s28 =	sadd.s32 $0x40, s28;
	s29 =	sadd.s32 $0x40, s29;
	s13 =	smov.u32 s20  }
.LBB2_10:
0x1d5: {  	s20 =	sadd.s32 $0x1, s13  }
0x1d6: {  	p0 =	sge.s32 s20, s18  }
.Ltmp9:
0x1d7: {  	p1 =	seq.s32 s13, $0x0;
	(pc) =	sbr.rel @p0 .LBB2_30-.Ltmp9, $4  }
0x1d8: {  	s6 =	simm.s32 @!p1 $0x2  }
0x1d9: {  	_ =	swait.ge @!p1 [sflag:s6], $0x4000  }
0x1da: {  	[sflag:s6] =	ssyncset.done @!p1 $0x0  }
0x1db: {  	[sflag:s6] =	ssyncadd.s32 @!p1 $0xFFFFC000  }
0x1dc: {  	v12 =	vmov s10;
	v13 =	vmov s14;
	s7 =	sshll.u32 s20, $0x2;
	s9 =	simm.s32 $0x0  }
0x1dd: {  	v14 =	vmov s21;
	v15 =	vmov s26;
	v16 =	vmov s28;
	s11 =	smov.u32 s16;
	s25 =	smov.u32 s30;
	s17 =	smov.u32 s31  }
.LBB2_12:
0x1de: {  	v17 =	vld.idx.msk [tilespmem:v4+s23+$0x0], $0xffff  }
0x1df: {  	s6 =	sand.u32 $0xFFFFFF00, s11  }
0x1e0: {  	s15 =	sand.u32 $0xFFFFFFC0, s17;
	s6 =	sadd.s32 s6, s25  }
0x1e1: {  	s6 =	ssub.s32 s6, s15  }
0x1e2: {  	v18 =	vor.u32 s6, v3  }
0x1e3: {  	vm1 =	vgt.s32 v17, v18  }
0x1e4: {  	v17 =	vsel vm1, $0x200, v7;
	_ =	sdelay $0x4  }
0x1e5: {  	v19 =	vld.idx.msk [tilespmem:v17+s23+$0x0], $0xffff;
	_ =	sdelay $0x4  }
0x1e6: {  	v20 =	vsel vm1, $0x400, v6;
	vm2 =	vgt.s32 v19, v18  }
0x1e7: {  	v21 =	vor.u32 $0x1, v17;
	v19 =	vsel vm1, $0x0, v5;
	v17 =	vsel vm2, v17, v20  }
0x1e8: {  	v19 =	vsel vm2, v19, v21;
	v20 =	vadd.s32 $0xFFFFFFFF, v17  }
0x1e9: {  	v21 =	vxor.u32 v20, v19  }
0x1ea: {  	v20 =	vor.u32 v20, v19;
	v21 =	vshrl.u32 v21, $0x1  }
0x1eb: {  	v20 =	vsub.s32 v20, v21;
	_ =	sdelay $0x4  }
0x1ec: {  	v21 =	vld.idx.msk [tilespmem:v20+s23+$0x0], $0xffff;
	_ =	sdelay $0x4  }
0x1ed: {  	v38 =	vor.u32 $0x1, v20;
	vm1 =	vgt.s32 v21, v18  }
0x1ee: {  	v19 =	vsel vm1, v19, v38;
	v17 =	vsel vm1, v20, v17  }
0x1ef: {  	v20 =	vxor.u32 v17, v19  }
0x1f0: {  	v21 =	vand.u32 v17, v19;
	v20 =	vshrl.u32 v20, $0x1  }
0x1f1: {  	v20 =	vadd.s32 v20, v21;
	_ =	sdelay $0x4  }
0x1f2: {  	v21 =	vld.idx.msk [tilespmem:v20+s23+$0x0], $0xffff;
	_ =	sdelay $0x4  }
0x1f3: {  	v39 =	vadd.s32 $0x1, v20;
	vm1 =	vgt.s32 v21, v18  }
0x1f4: {  	v19 =	vsel vm1, v19, v39;
	v17 =	vsel vm1, v20, v17  }
0x1f5: {  	v20 =	vadd.s32 v17, v19  }
0x1f6: {  	v20 =	vshrl.u32 v20, $0x1;
	_ =	sdelay $0x4  }
0x1f7: {  	v40 =	vld.idx.msk [tilespmem:v20+s23+$0x0], $0xffff;
	_ =	sdelay $0x4  }
0x1f8: {  	v41 =	vadd.s32 $0x1, v20;
	vm1 =	vgt.s32 v40, v18  }
0x1f9: {  	v19 =	vsel vm1, v19, v41;
	v17 =	vsel vm1, v20, v17  }
0x1fa: {  	v20 =	vadd.s32 v17, v19  }
0x1fb: {  	v20 =	vshrl.u32 v20, $0x1;
	_ =	sdelay $0x4  }
0x1fc: {  	v42 =	vld.idx.msk [tilespmem:v20+s23+$0x0], $0xffff;
	_ =	sdelay $0x4  }
0x1fd: {  	v43 =	vadd.s32 $0x1, v20;
	vm1 =	vgt.s32 v42, v18  }
0x1fe: {  	v19 =	vsel vm1, v19, v43;
	v17 =	vsel vm1, v20, v17  }
0x1ff: {  	v20 =	vadd.s32 v17, v19  }
0x200: {  	v20 =	vshrl.u32 v20, $0x1;
	_ =	sdelay $0x4  }
0x201: {  	v44 =	vld.idx.msk [tilespmem:v20+s23+$0x0], $0xffff;
	_ =	sdelay $0x4  }
0x202: {  	v45 =	vadd.s32 $0x1, v20;
	vm1 =	vgt.s32 v44, v18  }
0x203: {  	v19 =	vsel vm1, v19, v45;
	v17 =	vsel vm1, v20, v17  }
0x204: {  	v20 =	vadd.s32 v17, v19  }
0x205: {  	v20 =	vshrl.u32 v20, $0x1;
	_ =	sdelay $0x4  }
0x206: {  	v46 =	vld.idx.msk [tilespmem:v20+s23+$0x0], $0xffff;
	_ =	sdelay $0x4  }
0x207: {  	v47 =	vadd.s32 $0x1, v20;
	vm1 =	vgt.s32 v46, v18  }
0x208: {  	v19 =	vsel vm1, v19, v47;
	v17 =	vsel vm1, v20, v17  }
0x209: {  	v20 =	vadd.s32 v17, v19  }
0x20a: {  	v20 =	vshrl.u32 v20, $0x1;
	_ =	sdelay $0x4  }
0x20b: {  	v48 =	vld.idx.msk [tilespmem:v20+s23+$0x0], $0xffff;
	_ =	sdelay $0x4  }
0x20c: {  	v49 =	vadd.s32 $0x1, v20;
	vm1 =	vgt.s32 v48, v18  }
0x20d: {  	v19 =	vsel vm1, v19, v49;
	v17 =	vsel vm1, v20, v17  }
0x20e: {  	v20 =	vadd.s32 v17, v19  }
0x20f: {  	v20 =	vshrl.u32 v20, $0x1;
	_ =	sdelay $0x4  }
0x210: {  	v50 =	vld.idx.msk [tilespmem:v20+s23+$0x0], $0xffff;
	_ =	sdelay $0x4  }
0x211: {  	v51 =	vadd.s32 $0x1, v20;
	vm1 =	vgt.s32 v50, v18  }
0x212: {  	v19 =	vsel vm1, v19, v51;
	v17 =	vsel vm1, v20, v17  }
0x213: {  	v20 =	vadd.s32 v17, v19  }
0x214: {  	v20 =	vshrl.u32 v20, $0x1;
	_ =	sdelay $0x4  }
0x215: {  	v52 =	vld.idx.msk [tilespmem:v20+s23+$0x0], $0xffff;
	_ =	sdelay $0x4  }
0x216: {  	v53 =	vadd.s32 $0x1, v20;
	vm1 =	vgt.s32 v52, v18  }
0x217: {  	v19 =	vsel vm1, v19, v53;
	v17 =	vsel vm1, v20, v17  }
0x218: {  	v17 =	vadd.s32 v17, v19  }
0x219: {  	v17 =	vshrl.u32 v17, $0x1  }
0x21a: {  	v17 =	vmin.u32 v17, $0x7FF;
	_ =	sdelay $0x4  }
0x21b: {  	v54 =	vld.idx.msk [tilespmem:v17+s23+$0x0], $0xffff;
	_ =	sdelay $0x4  }
0x21c: {  	v17 =	vadd.s32 $0x1, v17;
	vm1 =	vgt.s32 v54, v18  }
0x21d: {  	v17 =	vsel vm1, v19, v17  }
0x21e: {  	v17 =	vmin.u32 v17, $0x7FF;
	_ =	sdelay $0x4  }
0x21f: {  	v19 =	vld.idx.msk [tilespmem:v17+s8+$0x0], $0xffff;
	_ =	sdelay $0x4  }
0x220: {  	v55 =	vshra.s32 v19, $0x1  }
0x221: {  	v56 =	vsub.s32 v19, v55;
	vm1 =	vgt.s32 v55, $0x2  }
0x222: {  	v22 =	vnsel vm1, $0x2, v55;
	v23 =	vadd.s32 $0xFFFFFFFF, v56  }
0x223: {  	v22 =	vadd.s32 $0xFFFFFFFF, v22;
	vm1 =	vgt.s32 v23, $0x1  }
0x224: {  	v22 =	vcvt.s32.f32 v22;
	v23 =	vnsel vm1, $0x1, v23  }
0x225: {  	v23 =	vcvt.s32.f32 v23  }
0x226: {  	v24 =	vld.idx.msk [tilespmem:v17+s23+$0x0], $0xffff;
	(erf) = vrcp.f32 v22  }
0x227: {  	(erf) = vrcp.f32 v23;
	_ =	sdelay $0x3  }
0x228: {  	v57 =	vsub.s32 v19, v24  }
0x229: {  	v22 =	vadd.s32 v18, v57  }
0x22a: {  	v59 =	vcvt.s32.f32 v55;
	v58 =	vcvt.s32.f32 v22;
	_ =	sdelay $0x1  }
0x22b: {  	v24 =	vsub.f32 v58, v59;
	v25 =	vpop (erf)  }
0x22c: {  	v23 =	vmul.f32 v58, v25;
	v60 =	vpop (erf)  }
0x22d: {  	vm1 =	vgt.s32 v55, $0x1;
	v24 =	vmul.f32 v60, v24  }
0x22e: {  	v23 =	vnsel vm1, $0x0, v23;
	vm1 =	vgt.s32 v56, $0x1  }
0x22f: {  	v21 =	vnsel vm1, $0x0, v24  }
0x230: {  	v61 =	vsub.f32 $1.000000000e+00, v23;
	vm1 =	vlt.s32 v22, v55;
	v62 =	vsub.f32 $1.000000000e+00, v21  }
0x231: {  	v21 =	vsel vm1, $0x0, v21  }
0x232: {  	v24 =	vnsel vm1, $0x0, v61;
	v20 =	vsel vm1, v23, v62;
	vm1 =	veq.s32 v22, $0x0  }
0x233: {  	vm3 =	vlt.s32 v18, v11;
	vm2 =	veq.s32 v19, $0x2;
	v22 =	vsel vm1, $0x3F800000, v1  }
0x234: {  	vm1 =	veq.s32 v19, $0x1;
	v19 =	vsel vm2, v22, v24;
	v22 =	vsub.f32 $1.000000000e+00, v22  }
0x235: {  	v63 =	vsel vm3, $0x3F800000, v1;
	v18 =	vsel vm1, $0x0, v19;
	v19 =	vsel vm2, $0x0, v20  }
0x236: {  	v21 =	vsel vm2, v22, v21;
	v19 =	vsel vm1, $0x3F800000, v19;
	v18 =	vmul.f32 v18, v63  }
0x237: {  	p1 =	sne.s32 s9, $0xC0;
	s15 =	sshra.s32 s9, $0x2;
	v21 =	vsel vm1, $0x0, v21;
	v19 =	vmul.f32 v19, v63  }
.Ltmp10:
0x238: {  	[tilespmem:v12+s15+$0x0 ss:$0x1] =	vst.idx.msk $0xffff, v18;
	v18 =	vmul.f32 v21, v63;
	(pc) =	sbr.rel @p1 .LBB2_12-.Ltmp10, $4  }
0x239: {  	[tilespmem:v13+s15+$0x0 ss:$0x1] =	vst.idx.msk $0xffff, v19  }
0x23a: {  	[tilespmem:v14+s15+$0x0 ss:$0x1] =	vst.idx.msk $0xffff, v18;
	v18 =	vsel vm3, $0x1, v2  }
0x23b: {  	s17 =	sadd.s32 $0x10, s17;
	v17 =	vor.u32 v0, v17;
	[tilespmem:v15+s15+$0x0 ss:$0x1] =	vst.idx.msk $0xffff, v18  }
0x23c: {  	s11 =	sadd.s32 $0x40, s11;
	s25 =	sadd.s32 $0x10, s25;
	s9 =	sadd.s32 $0x40, s9;
	[tilespmem:v16+s15+$0x0 ss:$0x1] =	vst.idx.msk $0xffff, v17  }
0x23d: {  	s6 =	rddreg [dreg:$0x8];
	s25 =	sand.u32 $0x1, s13  }
0x23e: {  	s6 =	sor.u32 s6, s7;
	p1 =	seq.s32 s25, $0x1  }
.Ltmp11:
0x23f: {  	s11 =	rddreg [dreg:$0xb];
	s6 =	sshll.u32 s6, $0x6;
	(pc) =	sbr.rel @p1 .LBB2_19-.Ltmp11, $4  }
0x240: {  	s15 =	sshll.u32 s20, $0x8;
	s6 =	sadd.s32 s11, s6  }
0x241: {  	s9 =	rddreg [dreg:$0x9];
	s7 =	sshra.s32 s15, $0x2;
	s6 =	sshrl.u32 s6, $0x3  }
0x242: {  	s17 =	sadd.s32 $0x3000, s7;
	s6 =	sadd.s32 s9, s6  }
0x243: {  	[hbm4b:s6+s8] =	stream.linear.scatter [tilespmem:s17], [sflag:$0x4], $0x40, $0x38;
	[tilespmem:$0x1F900] =	vst v63  }
0x244: {  	v12 =	vld [tilespmem:s7+$0x1000];
	_ =	sdelay $0x4  }
0x245: {  	v13 =	vshll.u32 v12, $0x1  }
0x246: {  	v12 =	vand.u32 $0x7, v12;
	v13 =	vand.u32 $0xFFFFFFF0, v13  }
0x247: {  	v12 =	vor.u32 v12, v13  }
0x248: {  	v13 =	vperm.xlane v12, v8;
	_ =	sdelay $0x1  }
0x249: {  	v12 =	vperm.xlane v12, v10;
	v13 =	vadd.s32 v9, v13;
	_ =	sdelay $0x1  }
0x24a: {  	v12 =	vadd.s32 v9, v12;
	_ =	sdelay $0x1  }
0x24b: {  	s6 =	simm.s32 $0xF880  }
0x24c: {  	[tilespmem:s6], [sflag:$0x1] =	stream.indirect_vreg.gather [hbm4b:s0+s8], $0x80, v13, vm0, $0xb8;
	[tilespmem:$0x1F900] =	vst v63  }
0x24d: {  	s15 =	simm.s32 $0x10080  }
0x24e: {  	[tilespmem:s15], [sflag:$0x1] =	stream.indirect_vreg.gather [hbm4b:s0+s8], $0x80, v12, vm0, $0xb8;
	[tilespmem:$0x1F900] =	vst v63  }
0x24f: {  	v12 =	vld [tilespmem:s7+$0x1010];
	_ =	sdelay $0x4  }
0x250: {  	v53 =	vshll.u32 v12, $0x1  }
0x251: {  	v12 =	vand.u32 $0x7, v12;
	v13 =	vand.u32 $0xFFFFFFF0, v53  }
0x252: {  	v12 =	vor.u32 v12, v13  }
0x253: {  	v13 =	vperm.xlane v12, v8;
	_ =	sdelay $0x1  }
0x254: {  	v12 =	vperm.xlane v12, v10;
	v13 =	vadd.s32 v9, v13;
	_ =	sdelay $0x1  }
0x255: {  	v12 =	vadd.s32 v9, v12;
	_ =	sdelay $0x1  }
0x256: {  	s17 =	simm.s32 $0x10880  }
0x257: {  	[tilespmem:s17], [sflag:$0x1] =	stream.indirect_vreg.gather [hbm4b:s0+s8], $0x80, v13, vm0, $0xb8;
	[tilespmem:$0x1F900] =	vst v63  }
0x258: {  	s25 =	simm.s32 $0x11080  }
0x259: {  	[tilespmem:s25], [sflag:$0x1] =	stream.indirect_vreg.gather [hbm4b:s0+s8], $0x80, v12, vm0, $0xb8;
	[tilespmem:$0x1F900] =	vst v63  }
0x25a: {  	v12 =	vld [tilespmem:s7+$0x1020];
	_ =	sdelay $0x4  }
0x25b: {  	v54 =	vshll.u32 v12, $0x1  }
0x25c: {  	v12 =	vand.u32 $0x7, v12;
	v13 =	vand.u32 $0xFFFFFFF0, v54  }
0x25d: {  	v12 =	vor.u32 v12, v13  }
0x25e: {  	v13 =	vperm.xlane v12, v8;
	_ =	sdelay $0x1  }
0x25f: {  	v12 =	vperm.xlane v12, v10;
	v13 =	vadd.s32 v9, v13;
	_ =	sdelay $0x1  }
0x260: {  	v12 =	vadd.s32 v9, v12;
	_ =	sdelay $0x1  }
0x261: {  	s9 =	simm.s32 $0x11880  }
0x262: {  	[tilespmem:s9], [sflag:$0x1] =	stream.indirect_vreg.gather [hbm4b:s0+s8], $0x80, v13, vm0, $0xb8;
	[tilespmem:$0x1F900] =	vst v63  }
0x263: {  	s11 =	simm.s32 $0x12080  }
0x264: {  	[tilespmem:s11], [sflag:$0x1] =	stream.indirect_vreg.gather [hbm4b:s0+s8], $0x80, v12, vm0, $0xb8;
	[tilespmem:$0x1F900] =	vst v63  }
0x265: {  	v12 =	vld [tilespmem:s7+$0x1030];
	_ =	sdelay $0x4  }
0x266: {  	v55 =	vshll.u32 v12, $0x1  }
0x267: {  	v12 =	vand.u32 $0x7, v12;
	v13 =	vand.u32 $0xFFFFFFF0, v55  }
0x268: {  	v12 =	vor.u32 v12, v13  }
0x269: {  	v13 =	vperm.xlane v12, v8;
	_ =	sdelay $0x1  }
0x26a: {  	v12 =	vperm.xlane v12, v10;
	v13 =	vadd.s32 v9, v13;
	_ =	sdelay $0x1  }
0x26b: {  	v12 =	vadd.s32 v9, v12;
	_ =	sdelay $0x1  }
0x26c: {  	s15 =	simm.s32 $0x12880  }
0x26d: {  	[tilespmem:s15], [sflag:$0x1] =	stream.indirect_vreg.gather [hbm4b:s0+s8], $0x80, v13, vm0, $0xb8;
	[tilespmem:$0x1F900] =	vst v63  }
0x26e: {  	s17 =	simm.s32 $0x13080  }
0x26f: {  	[tilespmem:s17], [sflag:$0x1] =	stream.indirect_vreg.gather [hbm4b:s0+s8], $0x80, v12, vm0, $0xb8;
	[tilespmem:$0x1F900] =	vst v63  }
0x270: {  	v12 =	vld [tilespmem:s7+$0x1000];
	_ =	sdelay $0x4  }
0x271: {  	v56 =	vshll.u32 v12, $0x1  }
0x272: {  	v12 =	vand.u32 $0x7, v12;
	v13 =	vand.u32 $0xFFFFFFF0, v56  }
0x273: {  	v12 =	vor.u32 v12, v13  }
0x274: {  	v13 =	vperm.xlane v12, v8;
	_ =	sdelay $0x1  }
0x275: {  	v12 =	vperm.xlane v12, v10;
	v13 =	vadd.s32 v9, v13;
	_ =	sdelay $0x1  }
0x276: {  	v12 =	vadd.s32 v9, v12;
	_ =	sdelay $0x1  }
0x277: {  	s25 =	simm.s32 $0x13880  }
0x278: {  	[tilespmem:s25], [sflag:$0x1] =	stream.indirect_vreg.gather [hbm4b:s1+s8], $0x80, v13, vm0, $0xb8;
	[tilespmem:$0x1F900] =	vst v63  }
0x279: {  	s9 =	simm.s32 $0x14080  }
0x27a: {  	[tilespmem:s9], [sflag:$0x1] =	stream.indirect_vreg.gather [hbm4b:s1+s8], $0x80, v12, vm0, $0xb8;
	[tilespmem:$0x1F900] =	vst v63  }
0x27b: {  	v12 =	vld [tilespmem:s7+$0x1010];
	_ =	sdelay $0x4  }
0x27c: {  	v57 =	vshll.u32 v12, $0x1  }
0x27d: {  	v12 =	vand.u32 $0x7, v12;
	v13 =	vand.u32 $0xFFFFFFF0, v57  }
0x27e: {  	v12 =	vor.u32 v12, v13  }
0x27f: {  	v13 =	vperm.xlane v12, v8;
	_ =	sdelay $0x1  }
0x280: {  	v12 =	vperm.xlane v12, v10;
	v13 =	vadd.s32 v9, v13;
	_ =	sdelay $0x1  }
0x281: {  	v12 =	vadd.s32 v9, v12;
	_ =	sdelay $0x1  }
0x282: {  	s11 =	simm.s32 $0x14880  }
0x283: {  	[tilespmem:s11], [sflag:$0x1] =	stream.indirect_vreg.gather [hbm4b:s1+s8], $0x80, v13, vm0, $0xb8;
	[tilespmem:$0x1F900] =	vst v63  }
0x284: {  	s15 =	simm.s32 $0x15080  }
0x285: {  	[tilespmem:s15], [sflag:$0x1] =	stream.indirect_vreg.gather [hbm4b:s1+s8], $0x80, v12, vm0, $0xb8;
	[tilespmem:$0x1F900] =	vst v63  }
0x286: {  	v12 =	vld [tilespmem:s7+$0x1020];
	_ =	sdelay $0x4  }
0x287: {  	v58 =	vshll.u32 v12, $0x1  }
0x288: {  	v12 =	vand.u32 $0x7, v12;
	v13 =	vand.u32 $0xFFFFFFF0, v58  }
0x289: {  	v12 =	vor.u32 v12, v13  }
0x28a: {  	v13 =	vperm.xlane v12, v8;
	_ =	sdelay $0x1  }
0x28b: {  	v12 =	vperm.xlane v12, v10;
	v13 =	vadd.s32 v9, v13;
	_ =	sdelay $0x1  }
0x28c: {  	v12 =	vadd.s32 v9, v12;
	_ =	sdelay $0x1  }
0x28d: {  	s17 =	simm.s32 $0x15880  }
0x28e: {  	[tilespmem:s17], [sflag:$0x1] =	stream.indirect_vreg.gather [hbm4b:s1+s8], $0x80, v13, vm0, $0xb8;
	[tilespmem:$0x1F900] =	vst v63  }
0x28f: {  	s25 =	simm.s32 $0x16080  }
0x290: {  	[tilespmem:s25], [sflag:$0x1] =	stream.indirect_vreg.gather [hbm4b:s1+s8], $0x80, v12, vm0, $0xb8;
	[tilespmem:$0x1F900] =	vst v63  }
0x291: {  	v12 =	vld [tilespmem:s7+$0x1030];
	_ =	sdelay $0x4  }
0x292: {  	v59 =	vshll.u32 v12, $0x1  }
0x293: {  	v12 =	vand.u32 $0x7, v12;
	v13 =	vand.u32 $0xFFFFFFF0, v59  }
0x294: {  	v12 =	vor.u32 v12, v13  }
0x295: {  	v13 =	vperm.xlane v12, v8;
	_ =	sdelay $0x1  }
0x296: {  	v12 =	vperm.xlane v12, v10;
	v13 =	vadd.s32 v9, v13;
	_ =	sdelay $0x1  }
0x297: {  	v12 =	vadd.s32 v9, v12;
	_ =	sdelay $0x1  }
0x298: {  	s9 =	simm.s32 $0x16880  }
0x299: {  	[tilespmem:s9], [sflag:$0x1] =	stream.indirect_vreg.gather [hbm4b:s1+s8], $0x80, v13, vm0, $0xb8;
	[tilespmem:$0x1F900] =	vst v63  }
0x29a: {  	s11 =	simm.s32 $0x17080  }
0x29b: {  	[tilespmem:s11], [sflag:$0x1] =	stream.indirect_vreg.gather [hbm4b:s1+s8], $0x80, v12, vm0, $0xb8;
	[tilespmem:$0x1F900] =	vst v63  }
0x29c: {  	v12 =	vld [tilespmem:s7+$0x1000];
	_ =	sdelay $0x4  }
0x29d: {  	v60 =	vshll.u32 v12, $0x1  }
0x29e: {  	v12 =	vand.u32 $0x7, v12;
	v13 =	vand.u32 $0xFFFFFFF0, v60  }
0x29f: {  	v12 =	vor.u32 v12, v13  }
0x2a0: {  	v13 =	vperm.xlane v12, v8;
	_ =	sdelay $0x1  }
0x2a1: {  	v12 =	vperm.xlane v12, v10;
	v13 =	vadd.s32 v9, v13;
	_ =	sdelay $0x1  }
0x2a2: {  	v12 =	vadd.s32 v9, v12;
	_ =	sdelay $0x1  }
0x2a3: {  	s15 =	simm.s32 $0x17880  }
0x2a4: {  	[tilespmem:s15], [sflag:$0x1] =	stream.indirect_vreg.gather [hbm4b:s2+s8], $0x80, v13, vm0, $0xb8;
	[tilespmem:$0x1F900] =	vst v63  }
0x2a5: {  	s17 =	simm.s32 $0x18080  }
0x2a6: {  	[tilespmem:s17], [sflag:$0x1] =	stream.indirect_vreg.gather [hbm4b:s2+s8], $0x80, v12, vm0, $0xb8;
	[tilespmem:$0x1F900] =	vst v63  }
0x2a7: {  	v12 =	vld [tilespmem:s7+$0x1010];
	_ =	sdelay $0x4  }
0x2a8: {  	v61 =	vshll.u32 v12, $0x1  }
0x2a9: {  	v12 =	vand.u32 $0x7, v12;
	v13 =	vand.u32 $0xFFFFFFF0, v61  }
0x2aa: {  	v12 =	vor.u32 v12, v13  }
0x2ab: {  	v13 =	vperm.xlane v12, v8;
	_ =	sdelay $0x1  }
0x2ac: {  	v12 =	vperm.xlane v12, v10;
	v13 =	vadd.s32 v9, v13;
	_ =	sdelay $0x1  }
0x2ad: {  	v12 =	vadd.s32 v9, v12;
	_ =	sdelay $0x1  }
0x2ae: {  	s25 =	simm.s32 $0x18880  }
0x2af: {  	[tilespmem:s25], [sflag:$0x1] =	stream.indirect_vreg.gather [hbm4b:s2+s8], $0x80, v13, vm0, $0xb8;
	[tilespmem:$0x1F900] =	vst v63  }
0x2b0: {  	s9 =	simm.s32 $0x19080  }
0x2b1: {  	[tilespmem:s9], [sflag:$0x1] =	stream.indirect_vreg.gather [hbm4b:s2+s8], $0x80, v12, vm0, $0xb8;
	[tilespmem:$0x1F900] =	vst v63  }
0x2b2: {  	v12 =	vld [tilespmem:s7+$0x1020];
	_ =	sdelay $0x4  }
0x2b3: {  	v62 =	vshll.u32 v12, $0x1  }
0x2b4: {  	v12 =	vand.u32 $0x7, v12;
	v13 =	vand.u32 $0xFFFFFFF0, v62  }
0x2b5: {  	v12 =	vor.u32 v12, v13  }
0x2b6: {  	v13 =	vperm.xlane v12, v8;
	_ =	sdelay $0x1  }
0x2b7: {  	v12 =	vperm.xlane v12, v10;
	v13 =	vadd.s32 v9, v13;
	_ =	sdelay $0x1  }
0x2b8: {  	v12 =	vadd.s32 v9, v12;
	_ =	sdelay $0x1  }
0x2b9: {  	s11 =	simm.s32 $0x19880  }
0x2ba: {  	[tilespmem:s11], [sflag:$0x1] =	stream.indirect_vreg.gather [hbm4b:s2+s8], $0x80, v13, vm0, $0xb8;
	[tilespmem:$0x1F900] =	vst v63  }
0x2bb: {  	s15 =	simm.s32 $0x1A080  }
0x2bc: {  	[tilespmem:s15], [sflag:$0x1] =	stream.indirect_vreg.gather [hbm4b:s2+s8], $0x80, v12, vm0, $0xb8;
	[tilespmem:$0x1F900] =	vst v63  }
0x2bd: {  	v12 =	vld [tilespmem:s7+$0x1030];
	_ =	sdelay $0x4  }
0x2be: {  	v63 =	vshll.u32 v12, $0x1  }
0x2bf: {  	v12 =	vand.u32 $0x7, v12;
	v13 =	vand.u32 $0xFFFFFFF0, v63  }
0x2c0: {  	v12 =	vor.u32 v12, v13  }
0x2c1: {  	v13 =	vperm.xlane v12, v8;
	_ =	sdelay $0x1  }
0x2c2: {  	v12 =	vperm.xlane v12, v10;
	v13 =	vadd.s32 v9, v13;
	_ =	sdelay $0x1  }
0x2c3: {  	v12 =	vadd.s32 v9, v12  }
.Ltmp12:
0x2c4: {  	_ = 	snop;
	(pc) =	sbr.rel .LBB2_15-.Ltmp12, $4  }
0x2c5: {  	s17 =	simm.s32 $0x1A880  }
0x2c6: {  	[tilespmem:s17], [sflag:$0x1] =	stream.indirect_vreg.gather [hbm4b:s2+s8], $0x80, v13, vm0, $0xb8;
	[tilespmem:$0x1F900] =	vst v63  }
0x2c7: {  	s25 =	simm.s32 $0x1B080  }
0x2c8: {  	[tilespmem:s25], [sflag:$0x1] =	stream.indirect_vreg.gather [hbm4b:s2+s8], $0x80, v12, vm0, $0xb8;
	[tilespmem:$0x1F900] =	vst v63  }
.LBB2_30:
0x2c9: {  	s6 =	sand.u32 $0x1, s13  }
0x2ca: {  	p1 =	seq.s32 s6, $0x1  }
.Ltmp13:
0x2cb: {  	_ = 	snop;
	(pc) =	sbr.rel @p1 .LBB2_20-.Ltmp13, $1  }
0x2cc: {  	_ =	sdelay $0x3  }
.LBB2_15:
0x2cd: {  	_ =	swait.ge [sflag:s12], $0x4000  }
0x2ce: {  	[sflag:s12] =	ssyncset.done $0x0  }
0x2cf: {  	[sflag:s12] =	ssyncadd.s32 $0xFFFFC000  }
0x2d0: {  	_ =	swait.ge [sflag:s12], $0x4000  }
0x2d1: {  	[sflag:s12] =	ssyncset.done $0x0  }
0x2d2: {  	[sflag:s12] =	ssyncadd.s32 $0xFFFFC000  }
0x2d3: {  	s6 =	simm.s32 $0x0;
	_ =	swait.ge [sflag:s12], $0x4000  }
0x2d4: {  	s7 =	sand.u32 $0x3800, s6;
	s6 =	sand.u32 $0x380, s6;
	[sflag:s12] =	ssyncset.done $0x0  }
0x2d5: {  	s25 =	sor.u32 s6, s7;
	[sflag:s12] =	ssyncadd.s32 $0xFFFFC000  }
0x2d6: {  	v15 =	vld [tilespmem:s25+$0x7CA0]  }
0x2d7: {  	v21 =	vld [tilespmem:s25+$0x3CA0]  }
0x2d8: {  	v23 =	vld [tilespmem:s25+$0xB8D0]  }
0x2d9: {  	v16 =	vld [tilespmem:s25+$0xB8B0]  }
0x2da: {  	v13 =	vld [tilespmem:s25+$0xB8C0]  }
0x2db: {  	v20 =	vld [tilespmem:s25+$0x7C90]  }
0x2dc: {  	v18 =	vld [tilespmem:s25+$0x78F0]  }
0x2dd: {  	v22 =	vld [tilespmem:s25+$0x78E0]  }
0x2de: {  	v24 =	vld [tilespmem:s25+$0x78D0]  }
0x2df: {  	v26 =	vld [tilespmem:s25+$0x38D0]  }
0x2e0: {  	v17 =	vld [tilespmem:s25+$0x78C0]  }
0x2e1: {  	v25 =	vld [tilespmem:s25+$0x78B0]  }
0x2e2: {  	v27 =	vld [tilespmem:s25+$0x38C0]  }
0x2e3: {  	v28 =	vld [tilespmem:s25+$0xBCE0]  }
0x2e4: {  	v29 =	vld [tilespmem:s25+$0xBCF0]  }
0x2e5: {  	v30 =	vld [tilespmem:s25+$0x78A0]  }
0x2e6: {  	v19 =	vmov s29;
	v31 =	vld [tilespmem:s25+$0x38A0]  }
0x2e7: {  	v32 =	vld [tilespmem:s25+$0x7890]  }
0x2e8: {  	v33 =	vld [tilespmem:s25+$0x3890]  }
0x2e9: {  	v34 =	vld [tilespmem:s25+$0x7880]  }
0x2ea: {  	v35 =	vld [tilespmem:s25+$0x3880]  }
0x2eb: {  	v12 =	vld.idx.msk [tilespmem:v19+s24+$0x0], $0xffff  }
0x2ec: {  	v14 =	vld.idx.msk [tilespmem:v19+s3+$0x0], $0xffff  }
0x2ed: {  	v37 =	vld.idx.msk [tilespmem:v19+s5+$0x0], $0xffff  }
0x2ee: {  	v38 =	vld [tilespmem:s25+$0x3CB0]  }
0x2ef: {  	v36 =	vld [tilespmem:s25+$0xBCA0]  }
0x2f0: {  	v39 =	vld [tilespmem:s25+$0x7CB0];
	v19 =	vmul.f32 v13, v12;
	v13 =	vmul.f32 v28, v12  }
0x2f1: {  	v40 =	vld [tilespmem:s25+$0x3CC0];
	v42 =	vmul.f32 v16, v12;
	v43 =	vmul.f32 v17, v14  }
0x2f2: {  	v41 =	vld [tilespmem:s25+$0x7CC0];
	v45 =	vmul.f32 v15, v14;
	v17 =	vmul.f32 v29, v12  }
0x2f3: {  	v44 =	vld [tilespmem:s25+$0x7CD0];
	v15 =	vmul.f32 v18, v14;
	v16 =	vmul.f32 v38, v37  }
0x2f4: {  	v61 =	vld [tilespmem:s25+$0x7CE0];
	v34 =	vmul.f32 v34, v14;
	v46 =	vmul.f32 v25, v14  }
0x2f5: {  	v48 =	vld [tilespmem:s25+$0xB880];
	v33 =	vmul.f32 v33, v37;
	v18 =	vmul.f32 v39, v14  }
0x2f6: {  	v56 =	vld [tilespmem:s25+$0x3C90];
	v35 =	vmul.f32 v35, v37;
	v47 =	vmul.f32 v22, v14  }
0x2f7: {  	v59 =	vld [tilespmem:s25+$0xBC90];
	v49 =	vmul.f32 v20, v14;
	v40 =	vmul.f32 v40, v37  }
0x2f8: {  	v28 =	vld [tilespmem:s25+$0x3CD0];
	v20 =	vmul.f32 v30, v14;
	v51 =	vmul.f32 v23, v12  }
0x2f9: {  	v29 =	vld [tilespmem:s25+$0x3CE0];
	v21 =	vmul.f32 v21, v37;
	v41 =	vmul.f32 v41, v14  }
0x2fa: {  	v25 =	vld [tilespmem:s25+$0x3CF0];
	v55 =	vmul.f32 v24, v14;
	v24 =	vmul.f32 v36, v12  }
0x2fb: {  	v52 =	vld [tilespmem:s25+$0x38B0];
	v38 =	vmul.f32 v61, v14;
	v32 =	vmul.f32 v32, v14;
	v21 =	vadd.f32 v45, v21  }
0x2fc: {  	v30 =	vld [tilespmem:s25+$0xB8A0];
	v27 =	vmul.f32 v27, v37;
	v60 =	vmul.f32 v26, v37  }
0x2fd: {  	v62 =	vld [tilespmem:s25+$0x7CF0];
	v45 =	vmul.f32 v56, v37;
	v57 =	vadd.f32 v24, v21;
	v24 =	vadd.f32 v41, v40  }
0x2fe: {  	v63 =	vld [tilespmem:s25+$0x38E0];
	v40 =	vadd.f32 v43, v27;
	v43 =	vmul.f32 v59, v12;
	v22 =	vmul.f32 v28, v37  }
0x2ff: {  	v54 =	vld [tilespmem:s25+$0x38F0];
	v53 =	vmul.f32 v29, v37;
	v23 =	vmul.f32 v25, v37  }
0x300: {  	v58 =	vld [tilespmem:s25+$0x3C80];
	v34 =	vadd.f32 v34, v35;
	v25 =	vmul.f32 v48, v12;
	v28 =	vmul.f32 v44, v14  }
0x301: {  	v50 =	vld [tilespmem:s25+$0xB890];
	v21 =	vmul.f32 v30, v12;
	v30 =	vmul.f32 v52, v37  }
0x302: {  	v36 =	vld [tilespmem:s25+$0x7C80];
	v34 =	vadd.f32 v25, v34;
	v25 =	vmul.f32 v31, v37;
	v31 =	vadd.f32 v32, v33  }
0x303: {  	v35 =	vld [tilespmem:s25+$0xBCC0];
	v32 =	vmul.f32 v62, v14;
	v61 =	vadd.f32 v46, v30;
	v62 =	vmul.f32 v63, v37  }
0x304: {  	v26 =	vadd.f32 v38, v53;
	v30 =	vmul.f32 v54, v37;
	v38 =	vld [tilespmem:s25+$0xBCD0];
	v63 =	vadd.f32 v55, v60  }
0x305: {  	[tilespmem:s25+$0x3CA0] =	vst v57;
	v33 =	vmul.f32 v58, v37;
	v37 =	vld [tilespmem:s25+$0xB8F0];
	v39 =	vadd.f32 v42, v61;
	v27 =	vadd.f32 v47, v62  }
0x306: {  	s11 =	simm.s32 $0x100;
	s9 =	sadd.s32 $0x1, s29;
	s7 =	simm.s32 $0x80;
	v29 =	vmul.f32 v50, v12;
	[tilespmem:s25+$0x3880] =	vst v34;
	v34 =	vld [tilespmem:s25+$0xBCB0];
	v41 =	vadd.f32 v51, v63;
	v42 =	vadd.f32 v49, v45  }
.LBB2_16:
0x307: {  	s6 =	smov.u32 s11  }
0x308: {  	v44 =	vmov s9;
	s15 =	sand.u32 $0x3800, s11;
	s17 =	sand.u32 $0x380, s7;
	v19 =	vadd.f32 v19, v40;
	v40 =	vld [tilespmem:s25+$0xB8E0];
	v35 =	vmul.f32 v35, v12;
	s6 =	sadd.s32 $0x100, s11  }
0x309: {  	p1 =	sne.s32 s11, $0x3F00;
	v22 =	vadd.f32 v28, v22;
	s17 =	sor.u32 s17, s15;
	v42 =	vadd.f32 v43, v42;
	v28 =	vmul.f32 v38, v12;
	[tilespmem:s25+$0x38D0] =	vst v41;
	v41 =	vld [tilespmem:s25+$0xBC80]  }
0x30a: {  	v29 =	vadd.f32 v29, v31;
	v23 =	vadd.f32 v32, v23;
	v14 =	vmul.f32 v36, v14;
	v38 =	vld [tilespmem:s17+$0x7CA0];
	[tilespmem:s25+$0x38B0] =	vst v39  }
0x30b: {  	v24 =	vadd.f32 v35, v24;
	v32 =	vmul.f32 v34, v12;
	v22 =	vadd.f32 v28, v22;
	v31 =	vld [tilespmem:s17+$0x3CA0];
	[tilespmem:s25+$0x3C90] =	vst v42  }
0x30c: {  	v16 =	vadd.f32 v18, v16;
	v17 =	vadd.f32 v17, v23;
	v28 =	vld [tilespmem:s17+$0xB8D0];
	[tilespmem:s25+$0x38C0] =	vst v19;
	v19 =	vmul.f32 v37, v12  }
0x30d: {  	v20 =	vadd.f32 v20, v25;
	v15 =	vadd.f32 v15, v30;
	v23 =	vmul.f32 v40, v12;
	v18 =	vld [tilespmem:s17+$0xB8B0];
	[tilespmem:s25+$0x3890] =	vst v29  }
0x30e: {  	v14 =	vadd.f32 v14, v33;
	v16 =	vadd.f32 v32, v16;
	v25 =	vld [tilespmem:s17+$0xB8C0];
	v12 =	vmul.f32 v41, v12;
	[tilespmem:s25+$0x3CD0] =	vst v22  }
0x30f: {  	v13 =	vadd.f32 v13, v26;
	v15 =	vadd.f32 v19, v15;
	v22 =	vld [tilespmem:s17+$0x7C90]  }
0x310: {  	v19 =	vadd.f32 v23, v27;
	v26 =	vld [tilespmem:s17+$0x78F0];
	v12 =	vadd.f32 v12, v14;
	[tilespmem:s25+$0x3CF0] =	vst v17  }
0x311: {  	v14 =	vadd.f32 v21, v20;
	v23 =	vld [tilespmem:s17+$0x78E0];
	[tilespmem:s25+$0x3CE0] =	vst v13  }
0x312: {  	v21 =	vld [tilespmem:s17+$0x78D0];
	[tilespmem:s25+$0x3CC0] =	vst v24  }
0x313: {  	v27 =	vld [tilespmem:s17+$0x38D0];
	[tilespmem:s25+$0x38A0] =	vst v14  }
0x314: {  	v17 =	vld [tilespmem:s17+$0x78C0];
	[tilespmem:s25+$0x38F0] =	vst v15  }
0x315: {  	v20 =	vld [tilespmem:s17+$0x78B0];
	[tilespmem:s25+$0x3C80] =	vst v12  }
0x316: {  	v30 =	vld [tilespmem:s17+$0x38C0];
	[tilespmem:s25+$0x3CB0] =	vst v16  }
0x317: {  	v13 =	vld [tilespmem:s17+$0xBCE0];
	[tilespmem:s25+$0x38E0] =	vst v19;
	s25 =	smov.u32 s17  }
0x318: {  	v15 =	vld [tilespmem:s25+$0xBCF0]  }
0x319: {  	v24 =	vld [tilespmem:s25+$0x78A0]  }
0x31a: {  	v32 =	vld [tilespmem:s25+$0x38A0]  }
0x31b: {  	v29 =	vld [tilespmem:s25+$0x7890]  }
0x31c: {  	v33 =	vld [tilespmem:s25+$0x3890]  }
0x31d: {  	v34 =	vld [tilespmem:s25+$0x7880]  }
0x31e: {  	v35 =	vld [tilespmem:s25+$0x3880]  }
0x31f: {  	v12 =	vld.idx.msk [tilespmem:v44+s24+$0x0], $0xffff  }
0x320: {  	v14 =	vld.idx.msk [tilespmem:v44+s3+$0x0], $0xffff  }
0x321: {  	v36 =	vld [tilespmem:s25+$0xBCA0]  }
0x322: {  	v37 =	vld.idx.msk [tilespmem:v44+s5+$0x0], $0xffff  }
0x323: {  	v16 =	vld [tilespmem:s25+$0x3CB0]  }
0x324: {  	v39 =	vld [tilespmem:s25+$0x7CB0]  }
0x325: {  	v19 =	vmul.f32 v25, v12;
	v13 =	vmul.f32 v13, v12;
	v25 =	vld [tilespmem:s25+$0x3CC0]  }
0x326: {  	v41 =	vmul.f32 v18, v12;
	v40 =	vmul.f32 v17, v14;
	v42 =	vld [tilespmem:s25+$0x7CC0]  }
0x327: {  	v38 =	vmul.f32 v38, v14;
	v17 =	vmul.f32 v15, v12;
	v43 =	vld [tilespmem:s25+$0x3CD0]  }
0x328: {  	v15 =	vmul.f32 v26, v14;
	v16 =	vmul.f32 v16, v37;
	v26 =	vld [tilespmem:s25+$0x7CD0]  }
0x329: {  	v34 =	vmul.f32 v34, v14;
	v44 =	vmul.f32 v20, v14;
	v45 =	vld [tilespmem:s25+$0x3CE0]  }
0x32a: {  	v33 =	vmul.f32 v33, v37;
	v18 =	vmul.f32 v39, v14;
	v39 =	vld [tilespmem:s25+$0x7CE0]  }
0x32b: {  	v46 =	vmul.f32 v23, v14;
	v20 =	vmul.f32 v35, v37;
	v23 =	vld [tilespmem:s25+$0x3CF0]  }
0x32c: {  	v47 =	vmul.f32 v22, v14;
	v25 =	vmul.f32 v25, v37;
	v35 =	vld [tilespmem:s25+$0x7CF0]  }
0x32d: {  	v34 =	vadd.f32 v34, v20;
	v20 =	vmul.f32 v24, v14;
	v22 =	vmul.f32 v43, v37;
	v48 =	vld [tilespmem:s25+$0xB880]  }
0x32e: {  	v49 =	vmul.f32 v28, v12;
	v43 =	vld [tilespmem:s25+$0xB890];
	v45 =	vmul.f32 v45, v37  }
0x32f: {  	v24 =	vmul.f32 v31, v37;
	v31 =	vmul.f32 v42, v14;
	v50 =	vld [tilespmem:s25+$0xB8A0]  }
0x330: {  	v51 =	vmul.f32 v21, v14;
	v42 =	vld [tilespmem:s25+$0x38B0];
	v23 =	vmul.f32 v23, v37  }
0x331: {  	v36 =	vmul.f32 v36, v12;
	v21 =	vadd.f32 v38, v24;
	v28 =	vmul.f32 v26, v14;
	v52 =	vld [tilespmem:s25+$0x38F0]  }
0x332: {  	v24 =	vadd.f32 v31, v25;
	v39 =	vmul.f32 v39, v14;
	v26 =	vmul.f32 v48, v12;
	v38 =	vld [tilespmem:s25+$0x38E0]  }
0x333: {  	v31 =	vmul.f32 v29, v14;
	v36 =	vadd.f32 v36, v21;
	v29 =	vmul.f32 v43, v12;
	v43 =	vld [tilespmem:s25+$0x3C90]  }
0x334: {  	v25 =	vmul.f32 v32, v37;
	v26 =	vadd.f32 v26, v34;
	v21 =	vmul.f32 v50, v12;
	v34 =	vld [tilespmem:s25+$0x3C80]  }
0x335: {  	v31 =	vadd.f32 v31, v33;
	v32 =	vmul.f32 v35, v14;
	v33 =	vmul.f32 v42, v37;
	v48 =	vld [tilespmem:s25+$0xBC90];
	[tilespmem:s25+$0x3CA0] =	vst v36  }
.Ltmp14:
0x336: {  	v27 =	vmul.f32 v27, v37;
	v36 =	vmul.f32 v30, v37;
	[tilespmem:s25+$0x3880] =	vst v26;
	v35 =	vld [tilespmem:s25+$0xBCC0];
	v26 =	vadd.f32 v39, v45;
	(pc) =	sbr.rel @p1 .LBB2_16-.Ltmp14, $4  }
0x337: {  	v30 =	vmul.f32 v52, v37;
	v33 =	vadd.f32 v44, v33;
	v42 =	vmul.f32 v38, v37;
	v38 =	vld [tilespmem:s25+$0xBCD0]  }
0x338: {  	v40 =	vadd.f32 v40, v36;
	v44 =	vadd.f32 v51, v27;
	v36 =	vld [tilespmem:s25+$0x7C80];
	v43 =	vmul.f32 v43, v37  }
0x339: {  	v39 =	vadd.f32 v41, v33;
	v27 =	vadd.f32 v46, v42;
	v33 =	vmul.f32 v34, v37;
	v34 =	vld [tilespmem:s25+$0xBCB0]  }
0x33a: {  	s7 =	sadd.s32 $0x80, s7;
	s9 =	sadd.s32 $0x1, s9;
	s11 =	smov.u32 s6;
	v41 =	vadd.f32 v49, v44;
	v37 =	vld [tilespmem:s25+$0xB8F0];
	v42 =	vadd.f32 v47, v43;
	v43 =	vmul.f32 v48, v12  }
0x33b: {  	v19 =	vadd.f32 v19, v40;
	[tilespmem:s25+$0x38B0] =	vst v39  }
0x33c: {  	v29 =	vadd.f32 v29, v31;
	[tilespmem:s25+$0x38D0] =	vst v41  }
0x33d: {  	v23 =	vadd.f32 v32, v23;
	v13 =	vadd.f32 v13, v26;
	[tilespmem:s25+$0x38C0] =	vst v19  }
0x33e: {  	v57 =	vld [tilespmem:s25+$0xBC80];
	v22 =	vadd.f32 v28, v22;
	v59 =	vmul.f32 v35, v12;
	v56 =	vadd.f32 v43, v42;
	[tilespmem:s25+$0x3890] =	vst v29  }
0x33f: {  	v44 =	vld [tilespmem:s25+$0xB8E0];
	v20 =	vadd.f32 v20, v25;
	v17 =	vadd.f32 v17, v23;
	[tilespmem:s25+$0x3CE0] =	vst v13  }
0x340: {  	v16 =	vadd.f32 v18, v16;
	v58 =	vmul.f32 v38, v12;
	v19 =	vadd.f32 v59, v24;
	[tilespmem:s25+$0x3C90] =	vst v56  }
0x341: {  	v14 =	vmul.f32 v36, v14;
	v20 =	vadd.f32 v21, v20;
	v62 =	vmul.f32 v34, v12;
	[tilespmem:s25+$0x3CF0] =	vst v17  }
0x342: {  	v15 =	vadd.f32 v15, v30;
	v22 =	vadd.f32 v58, v22;
	v60 =	vmul.f32 v37, v12;
	[tilespmem:s25+$0x3CC0] =	vst v19  }
0x343: {  	v14 =	vadd.f32 v14, v33;
	[tilespmem:s25+$0x38A0] =	vst v20;
	v61 =	vmul.f32 v57, v12;
	v13 =	vadd.f32 v62, v16  }
0x344: {  	[tilespmem:s25+$0x3CD0] =	vst v22;
	v63 =	vmul.f32 v44, v12;
	v15 =	vadd.f32 v60, v15  }
0x345: {  	v14 =	vadd.f32 v61, v14;
	[tilespmem:s25+$0x3CB0] =	vst v13  }
0x346: {  	v12 =	vadd.f32 v63, v27;
	[tilespmem:s25+$0x38F0] =	vst v15  }
0x347: {  	[tilespmem:s25+$0x3C80] =	vst v14  }
0x348: {  	[tilespmem:s25+$0x38E0] =	vst v12;
	s25 =	sand.u32 $0x1, s13  }
0x349: {  	p1 =	seq.s32 s25, $0x0  }
.Ltmp15:
0x34a: {  	s6 =	sshll.u32 s13, $0x10;
	s7 =	rddreg [dreg:$0xe];
	(pc) =	sbr.rel @p1 .LBB2_23-.Ltmp15, $4  }
0x34b: {  	s6 =	sadd.s32 s6, s7  }
0x34c: {  	s15 =	rddreg [dreg:$0x5];
	s6 =	sshrl.u32 s6, $0x3  }
0x34d: {  	s17 =	simm.s32 $0x3880;
	s6 =	sadd.s32 s15, s6  }
0x34e: {  	[hbm4b:s6+s8] =	stream.linear.scatter [tilespmem:s17], [sflag:$0x2], $0x4000, $0x38;
	[tilespmem:$0x1F900] =	vst v63  }
.Ltmp16:
0x34f: {  	(pc) =	sbr.rel @p0 .LBB2_20-.Ltmp16, $1  }
0x350: {  	_ =	sdelay $0x3  }
.LBB2_19:
0x351: {  	s6 =	sshll.u32 s20, $0x8  }
0x352: {  	s7 =	sshra.s32 s6, $0x2  }
0x353: {  	v12 =	vld [tilespmem:s7+$0x1000];
	_ =	sdelay $0x4  }
0x354: {  	v13 =	vshll.u32 v12, $0x1  }
0x355: {  	v12 =	vand.u32 $0x7, v12;
	v13 =	vand.u32 $0xFFFFFFF0, v13  }
0x356: {  	v12 =	vor.u32 v12, v13  }
0x357: {  	v13 =	vperm.xlane v12, v8;
	_ =	sdelay $0x1  }
0x358: {  	v12 =	vperm.xlane v12, v10;
	v13 =	vadd.s32 v9, v13;
	_ =	sdelay $0x1  }
0x359: {  	v12 =	vadd.s32 v9, v12;
	_ =	sdelay $0x1  }
0x35a: {  	s11 =	simm.s32 $0x3880  }
0x35b: {  	[tilespmem:s11], [sflag:$0x1] =	stream.indirect_vreg.gather [hbm4b:s0+s8], $0x80, v13, vm0, $0xb8;
	[tilespmem:$0x1F900] =	vst v63  }
0x35c: {  	s15 =	simm.s32 $0x4080  }
0x35d: {  	[tilespmem:s15], [sflag:$0x1] =	stream.indirect_vreg.gather [hbm4b:s0+s8], $0x80, v12, vm0, $0xb8;
	[tilespmem:$0x1F900] =	vst v63  }
0x35e: {  	v12 =	vld [tilespmem:s7+$0x1010];
	_ =	sdelay $0x4  }
0x35f: {  	v53 =	vshll.u32 v12, $0x1  }
0x360: {  	v12 =	vand.u32 $0x7, v12;
	v13 =	vand.u32 $0xFFFFFFF0, v53  }
0x361: {  	v12 =	vor.u32 v12, v13  }
0x362: {  	v13 =	vperm.xlane v12, v8;
	_ =	sdelay $0x1  }
0x363: {  	v12 =	vperm.xlane v12, v10;
	v13 =	vadd.s32 v9, v13;
	_ =	sdelay $0x1  }
0x364: {  	v12 =	vadd.s32 v9, v12;
	_ =	sdelay $0x1  }
0x365: {  	s17 =	simm.s32 $0x4880  }
0x366: {  	[tilespmem:s17], [sflag:$0x1] =	stream.indirect_vreg.gather [hbm4b:s0+s8], $0x80, v13, vm0, $0xb8;
	[tilespmem:$0x1F900] =	vst v63  }
0x367: {  	s25 =	simm.s32 $0x5080  }
0x368: {  	[tilespmem:s25], [sflag:$0x1] =	stream.indirect_vreg.gather [hbm4b:s0+s8], $0x80, v12, vm0, $0xb8;
	[tilespmem:$0x1F900] =	vst v63  }
0x369: {  	v12 =	vld [tilespmem:s7+$0x1020];
	_ =	sdelay $0x4  }
0x36a: {  	v54 =	vshll.u32 v12, $0x1  }
0x36b: {  	v12 =	vand.u32 $0x7, v12;
	v13 =	vand.u32 $0xFFFFFFF0, v54  }
0x36c: {  	v12 =	vor.u32 v12, v13  }
0x36d: {  	v13 =	vperm.xlane v12, v8;
	_ =	sdelay $0x1  }
0x36e: {  	v12 =	vperm.xlane v12, v10;
	v13 =	vadd.s32 v9, v13;
	_ =	sdelay $0x1  }
0x36f: {  	v12 =	vadd.s32 v9, v12;
	_ =	sdelay $0x1  }
0x370: {  	s9 =	simm.s32 $0x5880  }
0x371: {  	[tilespmem:s9], [sflag:$0x1] =	stream.indirect_vreg.gather [hbm4b:s0+s8], $0x80, v13, vm0, $0xb8;
	[tilespmem:$0x1F900] =	vst v63  }
0x372: {  	s11 =	simm.s32 $0x6080  }
0x373: {  	[tilespmem:s11], [sflag:$0x1] =	stream.indirect_vreg.gather [hbm4b:s0+s8], $0x80, v12, vm0, $0xb8;
	[tilespmem:$0x1F900] =	vst v63  }
0x374: {  	v12 =	vld [tilespmem:s7+$0x1030];
	_ =	sdelay $0x4  }
0x375: {  	v55 =	vshll.u32 v12, $0x1  }
0x376: {  	v12 =	vand.u32 $0x7, v12;
	v13 =	vand.u32 $0xFFFFFFF0, v55  }
0x377: {  	v12 =	vor.u32 v12, v13  }
0x378: {  	v13 =	vperm.xlane v12, v8;
	_ =	sdelay $0x1  }
0x379: {  	v12 =	vperm.xlane v12, v10;
	v13 =	vadd.s32 v9, v13;
	_ =	sdelay $0x1  }
0x37a: {  	v12 =	vadd.s32 v9, v12;
	_ =	sdelay $0x1  }
0x37b: {  	s15 =	simm.s32 $0x6880  }
0x37c: {  	[tilespmem:s15], [sflag:$0x1] =	stream.indirect_vreg.gather [hbm4b:s0+s8], $0x80, v13, vm0, $0xb8;
	[tilespmem:$0x1F900] =	vst v63  }
0x37d: {  	s17 =	simm.s32 $0x7080  }
0x37e: {  	[tilespmem:s17], [sflag:$0x1] =	stream.indirect_vreg.gather [hbm4b:s0+s8], $0x80, v12, vm0, $0xb8;
	[tilespmem:$0x1F900] =	vst v63  }
0x37f: {  	v12 =	vld [tilespmem:s7+$0x1000];
	_ =	sdelay $0x4  }
0x380: {  	v56 =	vshll.u32 v12, $0x1  }
0x381: {  	v12 =	vand.u32 $0x7, v12;
	v13 =	vand.u32 $0xFFFFFFF0, v56  }
0x382: {  	v12 =	vor.u32 v12, v13  }
0x383: {  	v13 =	vperm.xlane v12, v8;
	_ =	sdelay $0x1  }
0x384: {  	v12 =	vperm.xlane v12, v10;
	v13 =	vadd.s32 v9, v13;
	_ =	sdelay $0x1  }
0x385: {  	v12 =	vadd.s32 v9, v12;
	_ =	sdelay $0x1  }
0x386: {  	s25 =	simm.s32 $0x7880  }
0x387: {  	[tilespmem:s25], [sflag:$0x1] =	stream.indirect_vreg.gather [hbm4b:s1+s8], $0x80, v13, vm0, $0xb8;
	[tilespmem:$0x1F900] =	vst v63  }
0x388: {  	s9 =	simm.s32 $0x8080  }
0x389: {  	[tilespmem:s9], [sflag:$0x1] =	stream.indirect_vreg.gather [hbm4b:s1+s8], $0x80, v12, vm0, $0xb8;
	[tilespmem:$0x1F900] =	vst v63  }
0x38a: {  	v12 =	vld [tilespmem:s7+$0x1010];
	_ =	sdelay $0x4  }
0x38b: {  	v57 =	vshll.u32 v12, $0x1  }
0x38c: {  	v12 =	vand.u32 $0x7, v12;
	v13 =	vand.u32 $0xFFFFFFF0, v57  }
0x38d: {  	v12 =	vor.u32 v12, v13  }
0x38e: {  	v13 =	vperm.xlane v12, v8;
	_ =	sdelay $0x1  }
0x38f: {  	v12 =	vperm.xlane v12, v10;
	v13 =	vadd.s32 v9, v13;
	_ =	sdelay $0x1  }
0x390: {  	v12 =	vadd.s32 v9, v12;
	_ =	sdelay $0x1  }
0x391: {  	s11 =	simm.s32 $0x8880  }
0x392: {  	[tilespmem:s11], [sflag:$0x1] =	stream.indirect_vreg.gather [hbm4b:s1+s8], $0x80, v13, vm0, $0xb8;
	[tilespmem:$0x1F900] =	vst v63  }
0x393: {  	s15 =	simm.s32 $0x9080  }
0x394: {  	[tilespmem:s15], [sflag:$0x1] =	stream.indirect_vreg.gather [hbm4b:s1+s8], $0x80, v12, vm0, $0xb8;
	[tilespmem:$0x1F900] =	vst v63  }
0x395: {  	v12 =	vld [tilespmem:s7+$0x1020];
	_ =	sdelay $0x4  }
0x396: {  	v58 =	vshll.u32 v12, $0x1  }
0x397: {  	v12 =	vand.u32 $0x7, v12;
	v13 =	vand.u32 $0xFFFFFFF0, v58  }
0x398: {  	v12 =	vor.u32 v12, v13  }
0x399: {  	v13 =	vperm.xlane v12, v8;
	_ =	sdelay $0x1  }
0x39a: {  	v12 =	vperm.xlane v12, v10;
	v13 =	vadd.s32 v9, v13;
	_ =	sdelay $0x1  }
0x39b: {  	v12 =	vadd.s32 v9, v12;
	_ =	sdelay $0x1  }
0x39c: {  	s17 =	simm.s32 $0x9880  }
0x39d: {  	[tilespmem:s17], [sflag:$0x1] =	stream.indirect_vreg.gather [hbm4b:s1+s8], $0x80, v13, vm0, $0xb8;
	[tilespmem:$0x1F900] =	vst v63  }
0x39e: {  	s25 =	simm.s32 $0xA080  }
0x39f: {  	[tilespmem:s25], [sflag:$0x1] =	stream.indirect_vreg.gather [hbm4b:s1+s8], $0x80, v12, vm0, $0xb8;
	[tilespmem:$0x1F900] =	vst v63  }
0x3a0: {  	v12 =	vld [tilespmem:s7+$0x1030];
	_ =	sdelay $0x4  }
0x3a1: {  	v59 =	vshll.u32 v12, $0x1  }
0x3a2: {  	v12 =	vand.u32 $0x7, v12;
	v13 =	vand.u32 $0xFFFFFFF0, v59  }
0x3a3: {  	v12 =	vor.u32 v12, v13  }
0x3a4: {  	v13 =	vperm.xlane v12, v8;
	_ =	sdelay $0x1  }
0x3a5: {  	v12 =	vperm.xlane v12, v10;
	v13 =	vadd.s32 v9, v13;
	_ =	sdelay $0x1  }
0x3a6: {  	v12 =	vadd.s32 v9, v12;
	_ =	sdelay $0x1  }
0x3a7: {  	s9 =	simm.s32 $0xA880  }
0x3a8: {  	[tilespmem:s9], [sflag:$0x1] =	stream.indirect_vreg.gather [hbm4b:s1+s8], $0x80, v13, vm0, $0xb8;
	[tilespmem:$0x1F900] =	vst v63  }
0x3a9: {  	s11 =	simm.s32 $0xB080  }
0x3aa: {  	[tilespmem:s11], [sflag:$0x1] =	stream.indirect_vreg.gather [hbm4b:s1+s8], $0x80, v12, vm0, $0xb8;
	[tilespmem:$0x1F900] =	vst v63  }
0x3ab: {  	v12 =	vld [tilespmem:s7+$0x1000];
	_ =	sdelay $0x4  }
0x3ac: {  	v60 =	vshll.u32 v12, $0x1  }
0x3ad: {  	v12 =	vand.u32 $0x7, v12;
	v13 =	vand.u32 $0xFFFFFFF0, v60  }
0x3ae: {  	v12 =	vor.u32 v12, v13  }
0x3af: {  	v13 =	vperm.xlane v12, v8;
	_ =	sdelay $0x1  }
0x3b0: {  	v12 =	vperm.xlane v12, v10;
	v13 =	vadd.s32 v9, v13;
	_ =	sdelay $0x1  }
0x3b1: {  	v12 =	vadd.s32 v9, v12;
	_ =	sdelay $0x1  }
0x3b2: {  	s15 =	simm.s32 $0xB880  }
0x3b3: {  	[tilespmem:s15], [sflag:$0x1] =	stream.indirect_vreg.gather [hbm4b:s2+s8], $0x80, v13, vm0, $0xb8;
	[tilespmem:$0x1F900] =	vst v63  }
0x3b4: {  	s17 =	simm.s32 $0xC080  }
0x3b5: {  	[tilespmem:s17], [sflag:$0x1] =	stream.indirect_vreg.gather [hbm4b:s2+s8], $0x80, v12, vm0, $0xb8;
	[tilespmem:$0x1F900] =	vst v63  }
0x3b6: {  	v12 =	vld [tilespmem:s7+$0x1010];
	_ =	sdelay $0x4  }
0x3b7: {  	v61 =	vshll.u32 v12, $0x1  }
0x3b8: {  	v12 =	vand.u32 $0x7, v12;
	v13 =	vand.u32 $0xFFFFFFF0, v61  }
0x3b9: {  	v12 =	vor.u32 v12, v13  }
0x3ba: {  	v13 =	vperm.xlane v12, v8;
	_ =	sdelay $0x1  }
0x3bb: {  	v12 =	vperm.xlane v12, v10;
	v13 =	vadd.s32 v9, v13;
	_ =	sdelay $0x1  }
0x3bc: {  	v12 =	vadd.s32 v9, v12;
	_ =	sdelay $0x1  }
0x3bd: {  	s25 =	simm.s32 $0xC880  }
0x3be: {  	[tilespmem:s25], [sflag:$0x1] =	stream.indirect_vreg.gather [hbm4b:s2+s8], $0x80, v13, vm0, $0xb8;
	[tilespmem:$0x1F900] =	vst v63  }
0x3bf: {  	s9 =	simm.s32 $0xD080  }
0x3c0: {  	[tilespmem:s9], [sflag:$0x1] =	stream.indirect_vreg.gather [hbm4b:s2+s8], $0x80, v12, vm0, $0xb8;
	[tilespmem:$0x1F900] =	vst v63  }
0x3c1: {  	v12 =	vld [tilespmem:s7+$0x1020];
	_ =	sdelay $0x4  }
0x3c2: {  	v62 =	vshll.u32 v12, $0x1  }
0x3c3: {  	v12 =	vand.u32 $0x7, v12;
	v13 =	vand.u32 $0xFFFFFFF0, v62  }
0x3c4: {  	v12 =	vor.u32 v12, v13  }
0x3c5: {  	v13 =	vperm.xlane v12, v8;
	_ =	sdelay $0x1  }
0x3c6: {  	v12 =	vperm.xlane v12, v10;
	v13 =	vadd.s32 v9, v13;
	_ =	sdelay $0x1  }
0x3c7: {  	v12 =	vadd.s32 v9, v12;
	_ =	sdelay $0x1  }
0x3c8: {  	s11 =	simm.s32 $0xD880  }
0x3c9: {  	[tilespmem:s11], [sflag:$0x1] =	stream.indirect_vreg.gather [hbm4b:s2+s8], $0x80, v13, vm0, $0xb8;
	[tilespmem:$0x1F900] =	vst v63  }
0x3ca: {  	s15 =	simm.s32 $0xE080  }
0x3cb: {  	[tilespmem:s15], [sflag:$0x1] =	stream.indirect_vreg.gather [hbm4b:s2+s8], $0x80, v12, vm0, $0xb8;
	[tilespmem:$0x1F900] =	vst v63  }
0x3cc: {  	v12 =	vld [tilespmem:s7+$0x1030];
	_ =	sdelay $0x4  }
0x3cd: {  	v63 =	vshll.u32 v12, $0x1  }
0x3ce: {  	v12 =	vand.u32 $0x7, v12;
	v13 =	vand.u32 $0xFFFFFFF0, v63  }
0x3cf: {  	v12 =	vor.u32 v12, v13  }
0x3d0: {  	v13 =	vperm.xlane v12, v8;
	_ =	sdelay $0x1  }
0x3d1: {  	v12 =	vperm.xlane v12, v10;
	v13 =	vadd.s32 v9, v13;
	_ =	sdelay $0x1  }
0x3d2: {  	v12 =	vadd.s32 v9, v12;
	_ =	sdelay $0x1  }
0x3d3: {  	s17 =	simm.s32 $0xE880  }
0x3d4: {  	[tilespmem:s17], [sflag:$0x1] =	stream.indirect_vreg.gather [hbm4b:s2+s8], $0x80, v13, vm0, $0xb8;
	[tilespmem:$0x1F900] =	vst v63  }
0x3d5: {  	s25 =	simm.s32 $0xF080  }
0x3d6: {  	[tilespmem:s25], [sflag:$0x1] =	stream.indirect_vreg.gather [hbm4b:s2+s8], $0x80, v12, vm0, $0xb8;
	[tilespmem:$0x1F900] =	vst v63  }
.LBB2_20:
0x3d7: {  	_ =	swait.ge [sflag:s12], $0x4000  }
0x3d8: {  	[sflag:s12] =	ssyncset.done $0x0  }
0x3d9: {  	[sflag:s12] =	ssyncadd.s32 $0xFFFFC000  }
0x3da: {  	_ =	swait.ge [sflag:s12], $0x4000  }
0x3db: {  	[sflag:s12] =	ssyncset.done $0x0  }
0x3dc: {  	[sflag:s12] =	ssyncadd.s32 $0xFFFFC000  }
0x3dd: {  	s6 =	simm.s32 $0x0;
	_ =	swait.ge [sflag:s12], $0x4000  }
0x3de: {  	s7 =	sand.u32 $0x3800, s6;
	s6 =	sand.u32 $0x380, s6;
	[sflag:s12] =	ssyncset.done $0x0  }
0x3df: {  	s25 =	sor.u32 s6, s7;
	[sflag:s12] =	ssyncadd.s32 $0xFFFFC000  }
0x3e0: {  	v15 =	vld [tilespmem:s25+$0x13CA0]  }
0x3e1: {  	v21 =	vld [tilespmem:s25+$0xFCA0]  }
0x3e2: {  	v23 =	vld [tilespmem:s25+$0x178D0]  }
0x3e3: {  	v16 =	vld [tilespmem:s25+$0x178B0]  }
0x3e4: {  	v13 =	vld [tilespmem:s25+$0x178C0]  }
0x3e5: {  	v20 =	vld [tilespmem:s25+$0x13C90]  }
0x3e6: {  	v18 =	vld [tilespmem:s25+$0x138F0]  }
0x3e7: {  	v22 =	vld [tilespmem:s25+$0x138E0]  }
0x3e8: {  	v24 =	vld [tilespmem:s25+$0x138D0]  }
0x3e9: {  	v26 =	vld [tilespmem:s25+$0xF8D0]  }
0x3ea: {  	v17 =	vld [tilespmem:s25+$0x138C0]  }
0x3eb: {  	v25 =	vld [tilespmem:s25+$0x138B0]  }
0x3ec: {  	v27 =	vld [tilespmem:s25+$0xF8C0]  }
0x3ed: {  	v28 =	vld [tilespmem:s25+$0x17CE0]  }
0x3ee: {  	v29 =	vld [tilespmem:s25+$0x17CF0]  }
0x3ef: {  	v30 =	vld [tilespmem:s25+$0x138A0]  }
0x3f0: {  	v19 =	vmov s29;
	v31 =	vld [tilespmem:s25+$0xF8A0]  }
0x3f1: {  	v32 =	vld [tilespmem:s25+$0x13890]  }
0x3f2: {  	v33 =	vld [tilespmem:s25+$0xF890]  }
0x3f3: {  	v34 =	vld [tilespmem:s25+$0x13880]  }
0x3f4: {  	v35 =	vld [tilespmem:s25+$0xF880]  }
0x3f5: {  	v12 =	vld.idx.msk [tilespmem:v19+s24+$0x0], $0xffff  }
0x3f6: {  	v14 =	vld.idx.msk [tilespmem:v19+s3+$0x0], $0xffff  }
0x3f7: {  	v37 =	vld.idx.msk [tilespmem:v19+s5+$0x0], $0xffff  }
0x3f8: {  	v38 =	vld [tilespmem:s25+$0xFCB0]  }
0x3f9: {  	v36 =	vld [tilespmem:s25+$0x17CA0]  }
0x3fa: {  	v39 =	vld [tilespmem:s25+$0x13CB0];
	v19 =	vmul.f32 v13, v12;
	v13 =	vmul.f32 v28, v12  }
0x3fb: {  	v40 =	vld [tilespmem:s25+$0xFCC0];
	v42 =	vmul.f32 v16, v12;
	v43 =	vmul.f32 v17, v14  }
0x3fc: {  	v41 =	vld [tilespmem:s25+$0x13CC0];
	v45 =	vmul.f32 v15, v14;
	v17 =	vmul.f32 v29, v12  }
0x3fd: {  	v44 =	vld [tilespmem:s25+$0x13CD0];
	v15 =	vmul.f32 v18, v14;
	v16 =	vmul.f32 v38, v37  }
0x3fe: {  	v61 =	vld [tilespmem:s25+$0x13CE0];
	v34 =	vmul.f32 v34, v14;
	v46 =	vmul.f32 v25, v14  }
0x3ff: {  	v48 =	vld [tilespmem:s25+$0x17880];
	v33 =	vmul.f32 v33, v37;
	v18 =	vmul.f32 v39, v14  }
0x400: {  	v56 =	vld [tilespmem:s25+$0xFC90];
	v35 =	vmul.f32 v35, v37;
	v47 =	vmul.f32 v22, v14  }
0x401: {  	v59 =	vld [tilespmem:s25+$0x17C90];
	v49 =	vmul.f32 v20, v14;
	v40 =	vmul.f32 v40, v37  }
0x402: {  	v28 =	vld [tilespmem:s25+$0xFCD0];
	v20 =	vmul.f32 v30, v14;
	v51 =	vmul.f32 v23, v12  }
0x403: {  	v29 =	vld [tilespmem:s25+$0xFCE0];
	v21 =	vmul.f32 v21, v37;
	v41 =	vmul.f32 v41, v14  }
0x404: {  	v25 =	vld [tilespmem:s25+$0xFCF0];
	v55 =	vmul.f32 v24, v14;
	v24 =	vmul.f32 v36, v12  }
0x405: {  	v52 =	vld [tilespmem:s25+$0xF8B0];
	v38 =	vmul.f32 v61, v14;
	v32 =	vmul.f32 v32, v14;
	v21 =	vadd.f32 v45, v21  }
0x406: {  	v30 =	vld [tilespmem:s25+$0x178A0];
	v27 =	vmul.f32 v27, v37;
	v60 =	vmul.f32 v26, v37  }
0x407: {  	v62 =	vld [tilespmem:s25+$0x13CF0];
	v45 =	vmul.f32 v56, v37;
	v57 =	vadd.f32 v24, v21;
	v24 =	vadd.f32 v41, v40  }
0x408: {  	v63 =	vld [tilespmem:s25+$0xF8E0];
	v40 =	vadd.f32 v43, v27;
	v43 =	vmul.f32 v59, v12;
	v22 =	vmul.f32 v28, v37  }
0x409: {  	v54 =	vld [tilespmem:s25+$0xF8F0];
	v53 =	vmul.f32 v29, v37;
	v23 =	vmul.f32 v25, v37  }
0x40a: {  	v58 =	vld [tilespmem:s25+$0xFC80];
	v34 =	vadd.f32 v34, v35;
	v25 =	vmul.f32 v48, v12;
	v28 =	vmul.f32 v44, v14  }
0x40b: {  	v50 =	vld [tilespmem:s25+$0x17890];
	v21 =	vmul.f32 v30, v12;
	v30 =	vmul.f32 v52, v37  }
0x40c: {  	v36 =	vld [tilespmem:s25+$0x13C80];
	v34 =	vadd.f32 v25, v34;
	v25 =	vmul.f32 v31, v37;
	v31 =	vadd.f32 v32, v33  }
0x40d: {  	v35 =	vld [tilespmem:s25+$0x17CC0];
	v32 =	vmul.f32 v62, v14;
	v61 =	vadd.f32 v46, v30;
	v62 =	vmul.f32 v63, v37  }
0x40e: {  	v26 =	vadd.f32 v38, v53;
	v30 =	vmul.f32 v54, v37;
	v38 =	vld [tilespmem:s25+$0x17CD0];
	v63 =	vadd.f32 v55, v60  }
0x40f: {  	[tilespmem:s25+$0xFCA0] =	vst v57;
	v33 =	vmul.f32 v58, v37;
	v37 =	vld [tilespmem:s25+$0x178F0];
	v39 =	vadd.f32 v42, v61;
	v27 =	vadd.f32 v47, v62  }
0x410: {  	s9 =	sadd.s32 $0x1, s29;
	s6 =	simm.s32 $0x100;
	s7 =	simm.s32 $0x80;
	v29 =	vmul.f32 v50, v12;
	[tilespmem:s25+$0xF880] =	vst v34;
	v34 =	vld [tilespmem:s25+$0x17CB0];
	v41 =	vadd.f32 v51, v63;
	v42 =	vadd.f32 v49, v45  }
.LBB2_21:
0x411: {  	s11 =	smov.u32 s6  }
0x412: {  	v44 =	vmov s9;
	s15 =	sand.u32 $0x3800, s6;
	s17 =	sand.u32 $0x380, s7;
	v19 =	vadd.f32 v19, v40;
	v40 =	vld [tilespmem:s25+$0x178E0];
	v35 =	vmul.f32 v35, v12;
	s11 =	sadd.s32 $0x100, s6  }
0x413: {  	p0 =	sne.s32 s6, $0x3F00;
	v22 =	vadd.f32 v28, v22;
	s17 =	sor.u32 s17, s15;
	v42 =	vadd.f32 v43, v42;
	v28 =	vmul.f32 v38, v12;
	[tilespmem:s25+$0xF8D0] =	vst v41;
	v41 =	vld [tilespmem:s25+$0x17C80]  }
0x414: {  	v29 =	vadd.f32 v29, v31;
	v23 =	vadd.f32 v32, v23;
	v14 =	vmul.f32 v36, v14;
	v38 =	vld [tilespmem:s17+$0x13CA0];
	[tilespmem:s25+$0xF8B0] =	vst v39  }
0x415: {  	v24 =	vadd.f32 v35, v24;
	v32 =	vmul.f32 v34, v12;
	v22 =	vadd.f32 v28, v22;
	v31 =	vld [tilespmem:s17+$0xFCA0];
	[tilespmem:s25+$0xFC90] =	vst v42  }
0x416: {  	v16 =	vadd.f32 v18, v16;
	v17 =	vadd.f32 v17, v23;
	v28 =	vld [tilespmem:s17+$0x178D0];
	[tilespmem:s25+$0xF8C0] =	vst v19;
	v19 =	vmul.f32 v37, v12  }
0x417: {  	v20 =	vadd.f32 v20, v25;
	v15 =	vadd.f32 v15, v30;
	v23 =	vmul.f32 v40, v12;
	v18 =	vld [tilespmem:s17+$0x178B0];
	[tilespmem:s25+$0xF890] =	vst v29  }
0x418: {  	v14 =	vadd.f32 v14, v33;
	v16 =	vadd.f32 v32, v16;
	v25 =	vld [tilespmem:s17+$0x178C0];
	v12 =	vmul.f32 v41, v12;
	[tilespmem:s25+$0xFCD0] =	vst v22  }
0x419: {  	v13 =	vadd.f32 v13, v26;
	v15 =	vadd.f32 v19, v15;
	v22 =	vld [tilespmem:s17+$0x13C90]  }
0x41a: {  	v19 =	vadd.f32 v23, v27;
	v26 =	vld [tilespmem:s17+$0x138F0];
	v12 =	vadd.f32 v12, v14;
	[tilespmem:s25+$0xFCF0] =	vst v17  }
0x41b: {  	v14 =	vadd.f32 v21, v20;
	v23 =	vld [tilespmem:s17+$0x138E0];
	[tilespmem:s25+$0xFCE0] =	vst v13  }
0x41c: {  	v21 =	vld [tilespmem:s17+$0x138D0];
	[tilespmem:s25+$0xFCC0] =	vst v24  }
0x41d: {  	v27 =	vld [tilespmem:s17+$0xF8D0];
	[tilespmem:s25+$0xF8A0] =	vst v14  }
0x41e: {  	v17 =	vld [tilespmem:s17+$0x138C0];
	[tilespmem:s25+$0xF8F0] =	vst v15  }
0x41f: {  	v20 =	vld [tilespmem:s17+$0x138B0];
	[tilespmem:s25+$0xFC80] =	vst v12  }
0x420: {  	v30 =	vld [tilespmem:s17+$0xF8C0];
	[tilespmem:s25+$0xFCB0] =	vst v16  }
0x421: {  	v13 =	vld [tilespmem:s17+$0x17CE0];
	[tilespmem:s25+$0xF8E0] =	vst v19;
	s25 =	smov.u32 s17  }
0x422: {  	v15 =	vld [tilespmem:s25+$0x17CF0]  }
0x423: {  	v24 =	vld [tilespmem:s25+$0x138A0]  }
0x424: {  	v32 =	vld [tilespmem:s25+$0xF8A0]  }
0x425: {  	v29 =	vld [tilespmem:s25+$0x13890]  }
0x426: {  	v33 =	vld [tilespmem:s25+$0xF890]  }
0x427: {  	v34 =	vld [tilespmem:s25+$0x13880]  }
0x428: {  	v35 =	vld [tilespmem:s25+$0xF880]  }
0x429: {  	v12 =	vld.idx.msk [tilespmem:v44+s24+$0x0], $0xffff  }
0x42a: {  	v14 =	vld.idx.msk [tilespmem:v44+s3+$0x0], $0xffff  }
0x42b: {  	v36 =	vld [tilespmem:s25+$0x17CA0]  }
0x42c: {  	v37 =	vld.idx.msk [tilespmem:v44+s5+$0x0], $0xffff  }
0x42d: {  	v16 =	vld [tilespmem:s25+$0xFCB0]  }
0x42e: {  	v39 =	vld [tilespmem:s25+$0x13CB0]  }
0x42f: {  	v19 =	vmul.f32 v25, v12;
	v13 =	vmul.f32 v13, v12;
	v25 =	vld [tilespmem:s25+$0xFCC0]  }
0x430: {  	v41 =	vmul.f32 v18, v12;
	v40 =	vmul.f32 v17, v14;
	v42 =	vld [tilespmem:s25+$0x13CC0]  }
0x431: {  	v38 =	vmul.f32 v38, v14;
	v17 =	vmul.f32 v15, v12;
	v43 =	vld [tilespmem:s25+$0xFCD0]  }
0x432: {  	v15 =	vmul.f32 v26, v14;
	v16 =	vmul.f32 v16, v37;
	v26 =	vld [tilespmem:s25+$0x13CD0]  }
0x433: {  	v34 =	vmul.f32 v34, v14;
	v44 =	vmul.f32 v20, v14;
	v45 =	vld [tilespmem:s25+$0xFCE0]  }
0x434: {  	v33 =	vmul.f32 v33, v37;
	v18 =	vmul.f32 v39, v14;
	v39 =	vld [tilespmem:s25+$0x13CE0]  }
0x435: {  	v46 =	vmul.f32 v23, v14;
	v20 =	vmul.f32 v35, v37;
	v23 =	vld [tilespmem:s25+$0xFCF0]  }
0x436: {  	v47 =	vmul.f32 v22, v14;
	v25 =	vmul.f32 v25, v37;
	v35 =	vld [tilespmem:s25+$0x13CF0]  }
0x437: {  	v34 =	vadd.f32 v34, v20;
	v20 =	vmul.f32 v24, v14;
	v22 =	vmul.f32 v43, v37;
	v48 =	vld [tilespmem:s25+$0x17880]  }
0x438: {  	v49 =	vmul.f32 v28, v12;
	v43 =	vld [tilespmem:s25+$0x17890];
	v45 =	vmul.f32 v45, v37  }
0x439: {  	v24 =	vmul.f32 v31, v37;
	v31 =	vmul.f32 v42, v14;
	v50 =	vld [tilespmem:s25+$0x178A0]  }
0x43a: {  	v51 =	vmul.f32 v21, v14;
	v42 =	vld [tilespmem:s25+$0xF8B0];
	v23 =	vmul.f32 v23, v37  }
0x43b: {  	v36 =	vmul.f32 v36, v12;
	v21 =	vadd.f32 v38, v24;
	v28 =	vmul.f32 v26, v14;
	v52 =	vld [tilespmem:s25+$0xF8F0]  }
0x43c: {  	v24 =	vadd.f32 v31, v25;
	v39 =	vmul.f32 v39, v14;
	v26 =	vmul.f32 v48, v12;
	v38 =	vld [tilespmem:s25+$0xF8E0]  }
0x43d: {  	v31 =	vmul.f32 v29, v14;
	v36 =	vadd.f32 v36, v21;
	v29 =	vmul.f32 v43, v12;
	v43 =	vld [tilespmem:s25+$0xFC90]  }
0x43e: {  	v25 =	vmul.f32 v32, v37;
	v26 =	vadd.f32 v26, v34;
	v21 =	vmul.f32 v50, v12;
	v34 =	vld [tilespmem:s25+$0xFC80]  }
0x43f: {  	v31 =	vadd.f32 v31, v33;
	v32 =	vmul.f32 v35, v14;
	v33 =	vmul.f32 v42, v37;
	v48 =	vld [tilespmem:s25+$0x17C90];
	[tilespmem:s25+$0xFCA0] =	vst v36  }
.Ltmp17:
0x440: {  	v27 =	vmul.f32 v27, v37;
	v36 =	vmul.f32 v30, v37;
	[tilespmem:s25+$0xF880] =	vst v26;
	v35 =	vld [tilespmem:s25+$0x17CC0];
	v26 =	vadd.f32 v39, v45;
	(pc) =	sbr.rel @p0 .LBB2_21-.Ltmp17, $4  }
0x441: {  	v30 =	vmul.f32 v52, v37;
	v33 =	vadd.f32 v44, v33;
	v42 =	vmul.f32 v38, v37;
	v38 =	vld [tilespmem:s25+$0x17CD0]  }
0x442: {  	v40 =	vadd.f32 v40, v36;
	v44 =	vadd.f32 v51, v27;
	v36 =	vld [tilespmem:s25+$0x13C80];
	v43 =	vmul.f32 v43, v37  }
0x443: {  	v39 =	vadd.f32 v41, v33;
	v27 =	vadd.f32 v46, v42;
	v33 =	vmul.f32 v34, v37;
	v34 =	vld [tilespmem:s25+$0x17CB0]  }
0x444: {  	s7 =	sadd.s32 $0x80, s7;
	s9 =	sadd.s32 $0x1, s9;
	s6 =	smov.u32 s11;
	v41 =	vadd.f32 v49, v44;
	v37 =	vld [tilespmem:s25+$0x178F0];
	v42 =	vadd.f32 v47, v43;
	v43 =	vmul.f32 v48, v12  }
0x445: {  	v19 =	vadd.f32 v19, v40;
	[tilespmem:s25+$0xF8B0] =	vst v39  }
0x446: {  	v29 =	vadd.f32 v29, v31;
	[tilespmem:s25+$0xF8D0] =	vst v41  }
0x447: {  	v23 =	vadd.f32 v32, v23;
	v13 =	vadd.f32 v13, v26;
	[tilespmem:s25+$0xF8C0] =	vst v19  }
0x448: {  	v57 =	vld [tilespmem:s25+$0x17C80];
	v22 =	vadd.f32 v28, v22;
	v59 =	vmul.f32 v35, v12;
	v56 =	vadd.f32 v43, v42;
	[tilespmem:s25+$0xF890] =	vst v29  }
0x449: {  	v44 =	vld [tilespmem:s25+$0x178E0];
	v20 =	vadd.f32 v20, v25;
	v17 =	vadd.f32 v17, v23;
	[tilespmem:s25+$0xFCE0] =	vst v13  }
0x44a: {  	v16 =	vadd.f32 v18, v16;
	v58 =	vmul.f32 v38, v12;
	v19 =	vadd.f32 v59, v24;
	[tilespmem:s25+$0xFC90] =	vst v56  }
0x44b: {  	v14 =	vmul.f32 v36, v14;
	v20 =	vadd.f32 v21, v20;
	v62 =	vmul.f32 v34, v12;
	[tilespmem:s25+$0xFCF0] =	vst v17  }
0x44c: {  	v15 =	vadd.f32 v15, v30;
	v22 =	vadd.f32 v58, v22;
	v60 =	vmul.f32 v37, v12;
	[tilespmem:s25+$0xFCC0] =	vst v19  }
0x44d: {  	v14 =	vadd.f32 v14, v33;
	[tilespmem:s25+$0xF8A0] =	vst v20;
	v61 =	vmul.f32 v57, v12;
	v13 =	vadd.f32 v62, v16  }
0x44e: {  	[tilespmem:s25+$0xFCD0] =	vst v22;
	v63 =	vmul.f32 v44, v12;
	v15 =	vadd.f32 v60, v15  }
.Ltmp18:
0x44f: {  	s6 =	sshll.u32 s13, $0x10;
	s7 =	rddreg [dreg:$0xe];
	v14 =	vadd.f32 v61, v14;
	[tilespmem:s25+$0xFCB0] =	vst v13;
	(pc) =	sbr.rel .LBB2_23-.Ltmp18, $4  }
0x450: {  	s6 =	sadd.s32 s6, s7;
	v12 =	vadd.f32 v63, v27;
	[tilespmem:s25+$0xF8F0] =	vst v15  }
0x451: {  	s17 =	rddreg [dreg:$0x5];
	s6 =	sshrl.u32 s6, $0x3;
	[tilespmem:s25+$0xFC80] =	vst v14  }
0x452: {  	s6 =	sadd.s32 s17, s6;
	[tilespmem:s25+$0xF8E0] =	vst v12;
	s25 =	simm.s32 $0xF880  }
0x453: {  	[hbm4b:s6+s8] =	stream.linear.scatter [tilespmem:s25], [sflag:$0x2], $0x4000, $0x38;
	[tilespmem:$0x1F900] =	vst v63  }
.LBB2_24:
0x454: {  	p0 =	sgt.u32 s22, $0x1F  }
.Ltmp19:
0x455: {  	s6 =	simm.s32 $0x2;
	(pc) =	sbr.rel @p0 .LBB2_28-.Ltmp19, $4  }
0x456: {  	_ =	swait.ge [sflag:s6], $0x4000  }
0x457: {  	s16 =	rddreg [dreg:$0xa]  }
0x458: {  	[sflag:s6] =	ssyncset.done $0x0;
	s15 =	rddreg [dreg:$0xd]  }
0x459: {  	s17 =	rddreg [dreg:$0x12];
	[sflag:s6] =	ssyncadd.s32 $0xFFFFC000  }
.LBB2_25:
0x45a: {  	s6 =	ssub.s32 $0x20, s18  }
0x45b: {  	p0 =	seq.s32 s6, $0x1  }
.Ltmp20:
0x45c: {  	_ = 	snop;
	(pc) =	sbr.rel @p0 .LBB2_27-.Ltmp20, $3  }
0x45d: {  	_ =	sdelay $0x1  }
0x45e: {  	_ =	swait.ge [sflag:s4], $0x4000  }
0x45f: {  	s6 =	sadd.s32 $0xFFFFFFFF, s6;
	[sflag:s4] =	ssyncset.done $0x0  }
.LBB2_26:
0x460: {  	p0 =	seq.s32 s6, $0x1;
	s6 =	sadd.s32 $0xFFFFFFFF, s6;
	[sflag:s4] =	ssyncadd.s32 $0xFFFFC000  }
.Ltmp21:
0x461: {  	(pc) =	sbr.rel @!p0 .LBB2_26-.Ltmp21, $3  }
0x462: {  	_ =	sdelay $0x1  }
0x463: {  	_ =	swait.ge [sflag:s4], $0x4000  }
0x464: {  	[sflag:s4] =	ssyncset.done $0x0  }
.Ltmp22:
0x465: {  	_ = 	snop;
	(pc) =	sbr.rel .LBB2_27-.Ltmp22, $1  }
0x466: {  	_ =	sdelay $0x3  }
.LBB2_29:
0x467: {  	_ =	sfence.sel $0x180000  }
0x468: {  	[bflag:$0x0] =	sbarrier.arrive $0xFFFF  }
0x469: {  	_ =	strace $0x90000047  }
0x46a: {  	s0 =	stileid.u32;
	[bflag:$0x2] =	sbarrier.arrive $0xFFFF  }
0x46b: {  	p0 =	sne.s32 s0, $0x0;
	s0 =	rddreg [dreg:$0x7]  }
0x46c: {  	s0 =	sadd.s32 @!p0 $0x100000, s0  }
0x46d: {  	[sflag:s0] =	ssyncadd.tile.s32 @!p0 $0x1;
	_ =	shalt  }
.Lfunc_end2:
_tile_overlayer_lowered:
.L_overlay_start_2:
0x46e: {  	(tag) =	ssettag $0x2  }
0x46f: {  	s0 =	rddreg [dreg:$0x0];
	s2 =	stileid.u32  }
0x470: {  	s1 =	rddreg [dreg:$0x1];
	p0 =	sne.s32 s2, $0x0  }
0x471: {  	s3 =	rddreg [dreg:$0x2];
	[bflag:$0x3] =	sbarrier.arrive $0xFFFF;
	s2 =	simm.s32 @!p0 $0x1C05  }
0x472: {  	[timem:s3], [sflag:s2] =	dma.local @!p0 [hbm:s0], s1  }
0x473: {  	s0 =	simm.s32 @!p0 $0x5  }
0x474: {  	_ =	swait.ge @!p0 [sflag:s0], s1  }
0x475: {  	s1 =	ssub.s32 @!p0 $0x0, s1;
	[sflag:s0] =	ssyncset.done @!p0 $0x0  }
0x476: {  	[sflag:s0] =	ssyncadd.s32 @!p0 s1  }
0x477: {  	[bflag:$0x3] =	sbarrier.arrive $0xFFFF  }
0x478: {  	_ =	shalt  }

</sc_bundles>
